<compile_context>
chip_gen: v7x
topology: tpu7x:2x2x1
jax: 0.10.2.dev20260603
libtpu: 0.0.44.dev20260713+nightly
codegen_flags: <defaults>
</compile_context>

<pallas_src>
import math

import jax
import jax.numpy as jnp
from jax import lax
from jax.experimental import pallas as pl
from jax.experimental.pallas import tpu as pltpu
from jax.experimental.pallas import tpu_sc as plsc

VOCAB = 100000
EMB = 128
B = 1024
L = 200
SCALE = math.sqrt(EMB)

_INFO = plsc.get_sparse_core_info()
NC, NS, LANES = _INFO.num_cores, _INFO.num_subcores, _INFO.num_lanes
NW = NC * NS

N_TOK = B * L
PER_W = N_TOK // NW
CHUNK = 128
N_CHUNKS = PER_W // CHUNK
NBUF = 5
PREF = 2


def _body(tokens_hbm, table_hbm, out_hbm, idx_v, bufs, sems_g, sems_s):
    wid = lax.axis_index("s") * NC + lax.axis_index("c")
    base = wid * PER_W
    pltpu.sync_copy(tokens_hbm.at[wid], idx_v)

    def start_gather(s, slot):
        pltpu.async_copy(
            table_hbm.at[idx_v.at[s]], bufs.at[slot], sems_g.at[slot]
        )

    def wait_gather(slot):
        pltpu.make_async_copy(
            table_hbm.at[pl.ds(0, CHUNK)], bufs.at[slot], sems_g.at[slot]
        ).wait()

    def start_scatter(s, slot):
        pltpu.async_copy(
            bufs.at[slot], out_hbm.at[pl.ds(base + s * CHUNK, CHUNK)],
            sems_s.at[slot],
        )

    def wait_scatter(slot):
        pltpu.make_async_copy(
            bufs.at[slot], out_hbm.at[pl.ds(base, CHUNK)], sems_s.at[slot]
        ).wait()

    def scale(slot):
        buf = bufs.at[slot]

        @pl.loop(0, CHUNK, unroll=4)
        def _row(r):
            for j in range(EMB // LANES):
                buf[r, pl.ds(j * LANES, LANES)] = (
                    buf[r, pl.ds(j * LANES, LANES)] * SCALE
                )

    def stage(s, slot):
        nxt = (slot + PREF) % NBUF
        pf = s + PREF < N_CHUNKS

        @pl.when(jnp.logical_and(pf, s + PREF >= NBUF))
        def _():
            wait_scatter(nxt)

        @pl.when(pf)
        def _():
            start_gather(s + PREF, nxt)

        wait_gather(slot)
        scale(slot)
        start_scatter(s, slot)

    for k in range(PREF):
        start_gather(k, k)

    @pl.loop(0, N_CHUNKS, step=NBUF)
    def _block(c):
        for b in range(NBUF):
            stage(c + b, b)

    for b in range(NBUF):
        wait_scatter(b)


@jax.jit
def _embed(tokens_grouped, table):
    kfn = pl.kernel(
        _body,
        out_type=jax.ShapeDtypeStruct((N_TOK, EMB), jnp.float32),
        mesh=plsc.VectorSubcoreMesh(core_axis_name="c", subcore_axis_name="s"),
        scratch_types=[
            pltpu.VMEM((N_CHUNKS, CHUNK), jnp.int32),
            pltpu.VMEM((NBUF, CHUNK, EMB), jnp.float32),
            pltpu.SemaphoreType.DMA((NBUF,)),
            pltpu.SemaphoreType.DMA((NBUF,)),
        ],
    )
    return kfn(tokens_grouped, table)


def kernel(tokens, table):
    tokens_grouped = tokens.reshape(NW, N_CHUNKS, CHUNK).astype(jnp.int32)
    out = _embed(tokens_grouped, table)
    return out.reshape(B, L, EMB)

# --- scband reference (transcript-rebuilt; emitter-appended) ---
"""Pipeline reference for scband-token-embedding-42528766165695 (READ-ONLY COPY).

The authoritative reference and input builder live on the scoring server;
editing this copy changes nothing except your own understanding.
"""

import math
import jax, jax.numpy as jnp
import numpy as np

VOCAB = 100000
EMB = 128
B = 1024
L = 200

def setup_inputs(seed: int = 0) -> dict:
    key = jax.random.key(seed)
    k_tok, k_tab = jax.random.split(key)
    tokens = jax.random.randint(k_tok, (B, L), 0, VOCAB, dtype=jnp.int64 if jax.config.read('jax_enable_x64') else jnp.int32)
    table = jax.random.normal(k_tab, (VOCAB, EMB), dtype=jnp.float32)
    return {"tokens": tokens, "table": table}

def reference(tokens, table):
    # TokenEmbedding.forward: embedding(tokens.long()) * sqrt(emb_size)
    emb = jnp.take(table, tokens.astype(jnp.int32), axis=0)
    return emb * math.sqrt(EMB)

if __name__ == "__main__":
    import jax
    _d = setup_inputs()
    print(jax.jit(kernel)(*tuple(_d.values())))

</pallas_src>

<mosaic_0001>
#map = affine_map<(d0, d1) -> (0, 0, 0)>
#map1 = affine_map<(d0, d1) -> (0, 0)>
module attributes {stable_mosaic.version = 14 : i64} {
  func.func @_body(%arg0: i32, %arg1: i32, %arg2: memref<32x50x128xi32, #tpu.memory_space<hbm>>, %arg3: memref<100000x128xf32, #tpu.memory_space<hbm>>, %arg4: memref<204800x128xf32, #tpu.memory_space<hbm>>, %arg5: memref<50x128xi32, #tpu.memory_space<vmem>>, %arg6: memref<5x128x128xf32, #tpu.memory_space<vmem>>, %arg7: memref<5x!tpu.dma_semaphore, #tpu.memory_space<semaphore_mem>>, %arg8: memref<5x!tpu.dma_semaphore, #tpu.memory_space<semaphore_mem>>) attributes {dimension_semantics = [#tpu.dimension_semantics<core_parallel>, #tpu.dimension_semantics<subcore_parallel>], iteration_bounds = array<i64: 2, 16>, scalar_prefetch = 0 : i64, scratch_operands = 4 : i64, tpu.core_type = #tpu.core_type<sc_vector_subcore>, window_params = [{transform_indices = #map}, {transform_indices = #map1}, {transform_indices = #map1}]} {
    %mul3A = arith.constant 2 : i32
    %mul3A_0 = arith.muli %arg1, %mul3A : i32
    %add3A = arith.addi %mul3A_0, %arg0 : i32
    %mul3A_1 = arith.constant 6400 : i32
    %mul3A_2 = arith.muli %add3A, %mul3A_1 : i32
    "tpu.region"() ({
      %run_scoped3A = tpu.sem_alloc : memref<!tpu.dma_semaphore, #tpu.memory_space<semaphore_mem>>
      %dma_start3A_115 = arith.constant 0 : i32
      %dma_start3A_116 = arith.constant 0 : i32
      %dma_start3A_117 = tpu.memref_slice %arg2[%add3A, %dma_start3A_115, %dma_start3A_116] : memref<32x50x128xi32, #tpu.memory_space<hbm>> -> memref<1x50x128xi32, #tpu.memory_space<hbm>>
      %dma_start3A_118 = tpu.memref_squeeze %dma_start3A_117 : memref<1x50x128xi32, #tpu.memory_space<hbm>> -> memref<50x128xi32, #tpu.memory_space<hbm>>
      %dma_start3A_119 = arith.constant 0 : i32
      %dma_start3A_120 = arith.constant 0 : i32
      %dma_start3A_121 = tpu.memref_slice %arg2[%add3A, %dma_start3A_119, %dma_start3A_120] : memref<32x50x128xi32, #tpu.memory_space<hbm>> -> memref<1x50x128xi32, #tpu.memory_space<hbm>>
      %dma_start3A_122 = tpu.memref_squeeze %dma_start3A_121 : memref<1x50x128xi32, #tpu.memory_space<hbm>> -> memref<50x128xi32, #tpu.memory_space<hbm>>
      tpu.enqueue_dma source(%dma_start3A_122 : memref<50x128xi32, #tpu.memory_space<hbm>>) target(%arg5 : memref<50x128xi32, #tpu.memory_space<vmem>>) target_semaphore(%run_scoped3A : memref<!tpu.dma_semaphore, #tpu.memory_space<semaphore_mem>>)
      %dma_wait3A_123 = arith.constant 0 : i32
      %dma_wait3A_124 = arith.constant 0 : i32
      %dma_wait3A_125 = tpu.memref_slice %arg2[%add3A, %dma_wait3A_123, %dma_wait3A_124] : memref<32x50x128xi32, #tpu.memory_space<hbm>> -> memref<1x50x128xi32, #tpu.memory_space<hbm>>
      %dma_wait3A_126 = tpu.memref_squeeze %dma_wait3A_125 : memref<1x50x128xi32, #tpu.memory_space<hbm>> -> memref<50x128xi32, #tpu.memory_space<hbm>>
      %dma_wait3A_127 = arith.constant 0 : i32
      %dma_wait3A_128 = arith.constant 0 : i32
      %dma_wait3A_129 = tpu.memref_slice %arg2[%add3A, %dma_wait3A_127, %dma_wait3A_128] : memref<32x50x128xi32, #tpu.memory_space<hbm>> -> memref<1x50x128xi32, #tpu.memory_space<hbm>>
      %dma_wait3A_130 = tpu.memref_squeeze %dma_wait3A_129 : memref<1x50x128xi32, #tpu.memory_space<hbm>> -> memref<50x128xi32, #tpu.memory_space<hbm>>
      tpu.wait_dma2 semaphore(%run_scoped3A : memref<!tpu.dma_semaphore, #tpu.memory_space<semaphore_mem>>) src(%dma_wait3A_130 : memref<50x128xi32, #tpu.memory_space<hbm>>) dst(%arg5 : memref<50x128xi32, #tpu.memory_space<vmem>>)
      tpu.yield
    }) : () -> ()
    %dma_start3A = arith.constant 0 : i32
    %dma_start3A_3 = arith.constant 0 : i32
    %dma_start3A_4 = arith.constant 0 : i32
    %dma_start3A_5 = arith.constant 0 : i32
    %dma_start3A_6 = arith.constant 0 : i32
    %dma_start3A_7 = tpu.memref_slice %arg6[%dma_start3A_3, %dma_start3A_5, %dma_start3A_6] : memref<5x128x128xf32, #tpu.memory_space<vmem>> -> memref<1x128x128xf32, #tpu.memory_space<vmem>>
    %dma_start3A_8 = tpu.memref_squeeze %dma_start3A_7 : memref<1x128x128xf32, #tpu.memory_space<vmem>> -> memref<128x128xf32, #tpu.memory_space<vmem>>
    %dma_start3A_9 = arith.constant 0 : i32
    %dma_start3A_10 = tpu.memref_slice %arg5[%dma_start3A, %dma_start3A_9] : memref<50x128xi32, #tpu.memory_space<vmem>> -> memref<1x128xi32, #tpu.memory_space<vmem>>
    %dma_start3A_11 = tpu.memref_squeeze %dma_start3A_10 : memref<1x128xi32, #tpu.memory_space<vmem>> -> memref<128xi32, #tpu.memory_space<vmem>>
    %dma_start3A_12 = arith.constant 0 : i32
    %dma_start3A_13 = arith.constant 0 : i32
    %dma_start3A_14 = tpu.memref_slice %arg3[%dma_start3A_12, %dma_start3A_13] : memref<100000x128xf32, #tpu.memory_space<hbm>> -> memref<100000x128xf32, #tpu.memory_space<hbm>>
    %dma_start3A_15 = tpu.memref_slice %arg7[%dma_start3A_4] : memref<5x!tpu.dma_semaphore, #tpu.memory_space<semaphore_mem>> -> memref<1x!tpu.dma_semaphore, #tpu.memory_space<semaphore_mem>>
    %dma_start3A_16 = tpu.memref_squeeze %dma_start3A_15 : memref<1x!tpu.dma_semaphore, #tpu.memory_space<semaphore_mem>> -> memref<!tpu.dma_semaphore, #tpu.memory_space<semaphore_mem>>
    tpu.enqueue_indirect_dma source(%dma_start3A_14 : memref<100000x128xf32, #tpu.memory_space<hbm>>) target(%dma_start3A_8 : memref<128x128xf32, #tpu.memory_space<vmem>>) offsets(%dma_start3A_11 : memref<128xi32, #tpu.memory_space<vmem>>) semaphore(%dma_start3A_16 : memref<!tpu.dma_semaphore, #tpu.memory_space<semaphore_mem>>)
    %dma_start3A_17 = arith.constant 1 : i32
    %dma_start3A_18 = arith.constant 1 : i32
    %dma_start3A_19 = arith.constant 1 : i32
    %dma_start3A_20 = arith.constant 0 : i32
    %dma_start3A_21 = arith.constant 0 : i32
    %dma_start3A_22 = tpu.memref_slice %arg6[%dma_start3A_18, %dma_start3A_20, %dma_start3A_21] : memref<5x128x128xf32, #tpu.memory_space<vmem>> -> memref<1x128x128xf32, #tpu.memory_space<vmem>>
    %dma_start3A_23 = tpu.memref_squeeze %dma_start3A_22 : memref<1x128x128xf32, #tpu.memory_space<vmem>> -> memref<128x128xf32, #tpu.memory_space<vmem>>
    %dma_start3A_24 = arith.constant 0 : i32
    %dma_start3A_25 = tpu.memref_slice %arg5[%dma_start3A_17, %dma_start3A_24] : memref<50x128xi32, #tpu.memory_space<vmem>> -> memref<1x128xi32, #tpu.memory_space<vmem>>
    %dma_start3A_26 = tpu.memref_squeeze %dma_start3A_25 : memref<1x128xi32, #tpu.memory_space<vmem>> -> memref<128xi32, #tpu.memory_space<vmem>>
    %dma_start3A_27 = arith.constant 0 : i32
    %dma_start3A_28 = arith.constant 0 : i32
    %dma_start3A_29 = tpu.memref_slice %arg3[%dma_start3A_27, %dma_start3A_28] : memref<100000x128xf32, #tpu.memory_space<hbm>> -> memref<100000x128xf32, #tpu.memory_space<hbm>>
    %dma_start3A_30 = tpu.memref_slice %arg7[%dma_start3A_19] : memref<5x!tpu.dma_semaphore, #tpu.memory_space<semaphore_mem>> -> memref<1x!tpu.dma_semaphore, #tpu.memory_space<semaphore_mem>>
    %dma_start3A_31 = tpu.memref_squeeze %dma_start3A_30 : memref<1x!tpu.dma_semaphore, #tpu.memory_space<semaphore_mem>> -> memref<!tpu.dma_semaphore, #tpu.memory_space<semaphore_mem>>
    tpu.enqueue_indirect_dma source(%dma_start3A_29 : memref<100000x128xf32, #tpu.memory_space<hbm>>) target(%dma_start3A_23 : memref<128x128xf32, #tpu.memory_space<vmem>>) offsets(%dma_start3A_26 : memref<128xi32, #tpu.memory_space<vmem>>) semaphore(%dma_start3A_31 : memref<!tpu.dma_semaphore, #tpu.memory_space<semaphore_mem>>)
    %scan3A = arith.constant 0 : i32
    %scan3A_32 = arith.constant 10 : i32
    %scan3A_33 = arith.addi %scan3A, %scan3A_32 : i32
    %scan3A_34 = arith.constant 1 : i32
    scf.for %scan3A_115 = %scan3A to %scan3A_33 step %scan3A_34  : i32 {
      %mul3A_116 = arith.constant 5 : i32
      %mul3A_117 = arith.muli %scan3A_115, %mul3A_116 : i32
      %add3A_118 = arith.constant 0 : i32
      %add3A_119 = arith.addi %add3A_118, %mul3A_117 : i32
      %add3A_120 = arith.constant 0 : i32
      %add3A_121 = arith.addi %add3A_119, %add3A_120 : i32
      %add3A_122 = arith.constant 2 : i32
      %add3A_123 = arith.addi %add3A_121, %add3A_122 : i32
      %lt3A = arith.constant 50 : i32
      %lt3A_124 = arith.cmpi slt, %add3A_123, %lt3A : i32
      %add3A_125 = arith.constant 2 : i32
      %add3A_126 = arith.addi %add3A_121, %add3A_125 : i32
      %ge3A = arith.constant 5 : i32
      %ge3A_127 = arith.cmpi sge, %add3A_126, %ge3A : i32
      %and3A = arith.andi %lt3A_124, %ge3A_127 : i1
      %convert_element_type3A = arith.extui %and3A : i1 to i32
      %cond3A = arith.constant 0 : i32
      %cond3A_128 = arith.cmpi ne, %convert_element_type3A, %cond3A : i32
      scf.if %cond3A_128 {
        %dma_wait3A_415 = arith.constant 2 : i32
        %dma_wait3A_416 = arith.constant 2 : i32
        %dma_wait3A_417 = arith.constant 0 : i32
        %dma_wait3A_418 = arith.constant 0 : i32
        %dma_wait3A_419 = tpu.memref_slice %arg6[%dma_wait3A_415, %dma_wait3A_417, %dma_wait3A_418] : memref<5x128x128xf32, #tpu.memory_space<vmem>> -> memref<1x128x128xf32, #tpu.memory_space<vmem>>
        %dma_wait3A_420 = tpu.memref_squeeze %dma_wait3A_419 : memref<1x128x128xf32, #tpu.memory_space<vmem>> -> memref<128x128xf32, #tpu.memory_space<vmem>>
        %dma_wait3A_421 = arith.constant 0 : i32
        %dma_wait3A_422 = tpu.memref_slice %arg4[%mul3A_2, %dma_wait3A_421] : memref<204800x128xf32, #tpu.memory_space<hbm>> -> memref<128x128xf32, #tpu.memory_space<hbm>>
        %dma_wait3A_423 = tpu.memref_slice %arg8[%dma_wait3A_416] : memref<5x!tpu.dma_semaphore, #tpu.memory_space<semaphore_mem>> -> memref<1x!tpu.dma_semaphore, #tpu.memory_space<semaphore_mem>>
        %dma_wait3A_424 = tpu.memref_squeeze %dma_wait3A_423 : memref<1x!tpu.dma_semaphore, #tpu.memory_space<semaphore_mem>> -> memref<!tpu.dma_semaphore, #tpu.memory_space<semaphore_mem>>
        %dma_wait3A_425 = arith.constant 0 : i32
        %dma_wait3A_426 = tpu.memref_slice %arg4[%mul3A_2, %dma_wait3A_425] : memref<204800x128xf32, #tpu.memory_space<hbm>> -> memref<128x128xf32, #tpu.memory_space<hbm>>
        %dma_wait3A_427 = arith.constant 0 : i32
        %dma_wait3A_428 = arith.constant 0 : i32
        %dma_wait3A_429 = tpu.memref_slice %arg6[%dma_wait3A_415, %dma_wait3A_427, %dma_wait3A_428] : memref<5x128x128xf32, #tpu.memory_space<vmem>> -> memref<1x128x128xf32, #tpu.memory_space<vmem>>
        %dma_wait3A_430 = tpu.memref_squeeze %dma_wait3A_429 : memref<1x128x128xf32, #tpu.memory_space<vmem>> -> memref<128x128xf32, #tpu.memory_space<vmem>>
        tpu.wait_dma2 semaphore(%dma_wait3A_424 : memref<!tpu.dma_semaphore, #tpu.memory_space<semaphore_mem>>) src(%dma_wait3A_430 : memref<128x128xf32, #tpu.memory_space<vmem>>) dst(%dma_wait3A_426 : memref<128x128xf32, #tpu.memory_space<hbm>>)
      } else {
      }
      %convert_element_type3A_129 = arith.extui %lt3A_124 : i1 to i32
      %cond3A_130 = arith.constant 0 : i32
      %cond3A_131 = arith.cmpi ne, %convert_element_type3A_129, %cond3A_130 : i32
      scf.if %cond3A_131 {
        %add3A_415 = arith.constant 2 : i32
        %add3A_416 = arith.addi %add3A_121, %add3A_415 : i32
        %dma_start3A_417 = arith.constant 2 : i32
        %dma_start3A_418 = arith.constant 2 : i32
        %dma_start3A_419 = arith.constant 0 : i32
        %dma_start3A_420 = arith.constant 0 : i32
        %dma_start3A_421 = tpu.memref_slice %arg6[%dma_start3A_417, %dma_start3A_419, %dma_start3A_420] : memref<5x128x128xf32, #tpu.memory_space<vmem>> -> memref<1x128x128xf32, #tpu.memory_space<vmem>>
        %dma_start3A_422 = tpu.memref_squeeze %dma_start3A_421 : memref<1x128x128xf32, #tpu.memory_space<vmem>> -> memref<128x128xf32, #tpu.memory_space<vmem>>
        %dma_start3A_423 = arith.constant 0 : i32
        %dma_start3A_424 = tpu.memref_slice %arg5[%add3A_416, %dma_start3A_423] : memref<50x128xi32, #tpu.memory_space<vmem>> -> memref<1x128xi32, #tpu.memory_space<vmem>>
        %dma_start3A_425 = tpu.memref_squeeze %dma_start3A_424 : memref<1x128xi32, #tpu.memory_space<vmem>> -> memref<128xi32, #tpu.memory_space<vmem>>
        %dma_start3A_426 = arith.constant 0 : i32
        %dma_start3A_427 = arith.constant 0 : i32
        %dma_start3A_428 = tpu.memref_slice %arg3[%dma_start3A_426, %dma_start3A_427] : memref<100000x128xf32, #tpu.memory_space<hbm>> -> memref<100000x128xf32, #tpu.memory_space<hbm>>
        %dma_start3A_429 = tpu.memref_slice %arg7[%dma_start3A_418] : memref<5x!tpu.dma_semaphore, #tpu.memory_space<semaphore_mem>> -> memref<1x!tpu.dma_semaphore, #tpu.memory_space<semaphore_mem>>
        %dma_start3A_430 = tpu.memref_squeeze %dma_start3A_429 : memref<1x!tpu.dma_semaphore, #tpu.memory_space<semaphore_mem>> -> memref<!tpu.dma_semaphore, #tpu.memory_space<semaphore_mem>>
        tpu.enqueue_indirect_dma source(%dma_start3A_428 : memref<100000x128xf32, #tpu.memory_space<hbm>>) target(%dma_start3A_422 : memref<128x128xf32, #tpu.memory_space<vmem>>) offsets(%dma_start3A_425 : memref<128xi32, #tpu.memory_space<vmem>>) semaphore(%dma_start3A_430 : memref<!tpu.dma_semaphore, #tpu.memory_space<semaphore_mem>>)
      } else {
      }
      %dma_wait3A_132 = arith.constant 0 : i32
      %dma_wait3A_133 = arith.constant 0 : i32
      %dma_wait3A_134 = arith.constant 0 : i32
      %dma_wait3A_135 = arith.constant 0 : i32
      %dma_wait3A_136 = tpu.memref_slice %arg6[%dma_wait3A_132, %dma_wait3A_134, %dma_wait3A_135] : memref<5x128x128xf32, #tpu.memory_space<vmem>> -> memref<1x128x128xf32, #tpu.memory_space<vmem>>
      %dma_wait3A_137 = tpu.memref_squeeze %dma_wait3A_136 : memref<1x128x128xf32, #tpu.memory_space<vmem>> -> memref<128x128xf32, #tpu.memory_space<vmem>>
      %dma_wait3A_138 = arith.constant 0 : i32
      %dma_wait3A_139 = arith.constant 0 : i32
      %dma_wait3A_140 = tpu.memref_slice %arg3[%dma_wait3A_138, %dma_wait3A_139] : memref<100000x128xf32, #tpu.memory_space<hbm>> -> memref<128x128xf32, #tpu.memory_space<hbm>>
      %dma_wait3A_141 = tpu.memref_slice %arg7[%dma_wait3A_133] : memref<5x!tpu.dma_semaphore, #tpu.memory_space<semaphore_mem>> -> memref<1x!tpu.dma_semaphore, #tpu.memory_space<semaphore_mem>>
      %dma_wait3A_142 = tpu.memref_squeeze %dma_wait3A_141 : memref<1x!tpu.dma_semaphore, #tpu.memory_space<semaphore_mem>> -> memref<!tpu.dma_semaphore, #tpu.memory_space<semaphore_mem>>
      %dma_wait3A_143 = arith.constant 0 : i32
      %dma_wait3A_144 = arith.constant 0 : i32
      %dma_wait3A_145 = tpu.memref_slice %arg6[%dma_wait3A_132, %dma_wait3A_143, %dma_wait3A_144] : memref<5x128x128xf32, #tpu.memory_space<vmem>> -> memref<1x128x128xf32, #tpu.memory_space<vmem>>
      %dma_wait3A_146 = tpu.memref_squeeze %dma_wait3A_145 : memref<1x128x128xf32, #tpu.memory_space<vmem>> -> memref<128x128xf32, #tpu.memory_space<vmem>>
      %dma_wait3A_147 = arith.constant 0 : i32
      %dma_wait3A_148 = arith.constant 0 : i32
      %dma_wait3A_149 = tpu.memref_slice %arg3[%dma_wait3A_147, %dma_wait3A_148] : memref<100000x128xf32, #tpu.memory_space<hbm>> -> memref<128x128xf32, #tpu.memory_space<hbm>>
      tpu.wait_dma2 semaphore(%dma_wait3A_142 : memref<!tpu.dma_semaphore, #tpu.memory_space<semaphore_mem>>) src(%dma_wait3A_149 : memref<128x128xf32, #tpu.memory_space<hbm>>) dst(%dma_wait3A_146 : memref<128x128xf32, #tpu.memory_space<vmem>>)
      %scan3A_150 = arith.constant 0 : i32
      %scan3A_151 = arith.constant 0 : i32
      %scan3A_152 = arith.constant 128 : i32
      %scan3A_153 = arith.addi %scan3A_151, %scan3A_152 : i32
      %scan3A_154 = arith.constant 4 : i32
      scf.for %scan3A_415 = %scan3A_151 to %scan3A_153 step %scan3A_154  : i32 {
        %mul3A_416 = arith.constant 1 : i32
        %mul3A_417 = arith.muli %scan3A_415, %mul3A_416 : i32
        %add3A_418 = arith.constant 0 : i32
        %add3A_419 = arith.addi %add3A_418, %mul3A_417 : i32
        %get3A = arith.constant 0 : i32
        %get3A_420 = arith.constant 0 : i32
        %get3A_421 = tpu.memref_slice %arg6[%scan3A_150, %get3A, %get3A_420] : memref<5x128x128xf32, #tpu.memory_space<vmem>> -> memref<1x128x128xf32, #tpu.memory_space<vmem>>
        %get3A_422 = tpu.memref_squeeze %get3A_421 : memref<1x128x128xf32, #tpu.memory_space<vmem>> -> memref<128x128xf32, #tpu.memory_space<vmem>>
        %get3A_423 = arith.index_cast %add3A_419 : i32 to index
        %get3A_424 = arith.constant 0 : index
        %get3A_425 = tpu.vector_load %get3A_422[%get3A_423, %get3A_424] {strides = array<i32>} : memref<128x128xf32, #tpu.memory_space<vmem>>, vector<1x16xf32>,
        %get3A_426 = vector.shape_cast %get3A_425 : vector<1x16xf32> to vector<16xf32>
        %mul3A_427 = arith.constant 11.3137083 : f32
        %mul3A_428 = vector.broadcast %mul3A_427 : f32 to vector<16xf32>
        %mul3A_429 = arith.mulf %get3A_426, %mul3A_428 : vector<16xf32>
        %swap3A = arith.constant 0 : i32
        %swap3A_430 = arith.constant 0 : i32
        %swap3A_431 = tpu.memref_slice %arg6[%scan3A_150, %swap3A, %swap3A_430] : memref<5x128x128xf32, #tpu.memory_space<vmem>> -> memref<1x128x128xf32, #tpu.memory_space<vmem>>
        %swap3A_432 = tpu.memref_squeeze %swap3A_431 : memref<1x128x128xf32, #tpu.memory_space<vmem>> -> memref<128x128xf32, #tpu.memory_space<vmem>>
        %swap3A_433 = arith.index_cast %add3A_419 : i32 to index
        %swap3A_434 = arith.constant 0 : index
        %swap3A_435 = tpu.vector_load %swap3A_432[%swap3A_433, %swap3A_434] {strides = array<i32>} : memref<128x128xf32, #tpu.memory_space<vmem>>, vector<1x16xf32>,
        %swap3A_436 = vector.shape_cast %swap3A_435 : vector<1x16xf32> to vector<16xf32>
        %swap3A_437 = vector.shape_cast %mul3A_429 : vector<16xf32> to vector<1x16xf32>
        tpu.vector_store %swap3A_432[%swap3A_433, %swap3A_434], %swap3A_437 {strides = array<i32>} : memref<128x128xf32, #tpu.memory_space<vmem>>, vector<1x16xf32>,
        %get3A_438 = arith.constant 0 : i32
        %get3A_439 = arith.constant 0 : i32
        %get3A_440 = tpu.memref_slice %arg6[%scan3A_150, %get3A_438, %get3A_439] : memref<5x128x128xf32, #tpu.memory_space<vmem>> -> memref<1x128x128xf32, #tpu.memory_space<vmem>>
        %get3A_441 = tpu.memref_squeeze %get3A_440 : memref<1x128x128xf32, #tpu.memory_space<vmem>> -> memref<128x128xf32, #tpu.memory_space<vmem>>
        %get3A_442 = arith.index_cast %add3A_419 : i32 to index
        %get3A_443 = arith.constant 16 : index
        %get3A_444 = tpu.vector_load %get3A_441[%get3A_442, %get3A_443] {strides = array<i32>} : memref<128x128xf32, #tpu.memory_space<vmem>>, vector<1x16xf32>,
        %get3A_445 = vector.shape_cast %get3A_444 : vector<1x16xf32> to vector<16xf32>
        %mul3A_446 = arith.constant 11.3137083 : f32
        %mul3A_447 = vector.broadcast %mul3A_446 : f32 to vector<16xf32>
        %mul3A_448 = arith.mulf %get3A_445, %mul3A_447 : vector<16xf32>
        %swap3A_449 = arith.constant 0 : i32
        %swap3A_450 = arith.constant 0 : i32
        %swap3A_451 = tpu.memref_slice %arg6[%scan3A_150, %swap3A_449, %swap3A_450] : memref<5x128x128xf32, #tpu.memory_space<vmem>> -> memref<1x128x128xf32, #tpu.memory_space<vmem>>
        %swap3A_452 = tpu.memref_squeeze %swap3A_451 : memref<1x128x128xf32, #tpu.memory_space<vmem>> -> memref<128x128xf32, #tpu.memory_space<vmem>>
        %swap3A_453 = arith.index_cast %add3A_419 : i32 to index
        %swap3A_454 = arith.constant 16 : index
        %swap3A_455 = tpu.vector_load %swap3A_452[%swap3A_453, %swap3A_454] {strides = array<i32>} : memref<128x128xf32, #tpu.memory_space<vmem>>, vector<1x16xf32>,
        %swap3A_456 = vector.shape_cast %swap3A_455 : vector<1x16xf32> to vector<16xf32>
        %swap3A_457 = vector.shape_cast %mul3A_448 : vector<16xf32> to vector<1x16xf32>
        tpu.vector_store %swap3A_452[%swap3A_453, %swap3A_454], %swap3A_457 {strides = array<i32>} : memref<128x128xf32, #tpu.memory_space<vmem>>, vector<1x16xf32>,
        %get3A_458 = arith.constant 0 : i32
        %get3A_459 = arith.constant 0 : i32
        %get3A_460 = tpu.memref_slice %arg6[%scan3A_150, %get3A_458, %get3A_459] : memref<5x128x128xf32, #tpu.memory_space<vmem>> -> memref<1x128x128xf32, #tpu.memory_space<vmem>>
        %get3A_461 = tpu.memref_squeeze %get3A_460 : memref<1x128x128xf32, #tpu.memory_space<vmem>> -> memref<128x128xf32, #tpu.memory_space<vmem>>
        %get3A_462 = arith.index_cast %add3A_419 : i32 to index
        %get3A_463 = arith.constant 32 : index
        %get3A_464 = tpu.vector_load %get3A_461[%get3A_462, %get3A_463] {strides = array<i32>} : memref<128x128xf32, #tpu.memory_space<vmem>>, vector<1x16xf32>,
        %get3A_465 = vector.shape_cast %get3A_464 : vector<1x16xf32> to vector<16xf32>
        %mul3A_466 = arith.constant 11.3137083 : f32
        %mul3A_467 = vector.broadcast %mul3A_466 : f32 to vector<16xf32>
        %mul3A_468 = arith.mulf %get3A_465, %mul3A_467 : vector<16xf32>
        %swap3A_469 = arith.constant 0 : i32
        %swap3A_470 = arith.constant 0 : i32
        %swap3A_471 = tpu.memref_slice %arg6[%scan3A_150, %swap3A_469, %swap3A_470] : memref<5x128x128xf32, #tpu.memory_space<vmem>> -> memref<1x128x128xf32, #tpu.memory_space<vmem>>
        %swap3A_472 = tpu.memref_squeeze %swap3A_471 : memref<1x128x128xf32, #tpu.memory_space<vmem>> -> memref<128x128xf32, #tpu.memory_space<vmem>>
        %swap3A_473 = arith.index_cast %add3A_419 : i32 to index
        %swap3A_474 = arith.constant 32 : index
        %swap3A_475 = tpu.vector_load %swap3A_472[%swap3A_473, %swap3A_474] {strides = array<i32>} : memref<128x128xf32, #tpu.memory_space<vmem>>, vector<1x16xf32>,
        %swap3A_476 = vector.shape_cast %swap3A_475 : vector<1x16xf32> to vector<16xf32>
        %swap3A_477 = vector.shape_cast %mul3A_468 : vector<16xf32> to vector<1x16xf32>
        tpu.vector_store %swap3A_472[%swap3A_473, %swap3A_474], %swap3A_477 {strides = array<i32>} : memref<128x128xf32, #tpu.memory_space<vmem>>, vector<1x16xf32>,
        %get3A_478 = arith.constant 0 : i32
        %get3A_479 = arith.constant 0 : i32
        %get3A_480 = tpu.memref_slice %arg6[%scan3A_150, %get3A_478, %get3A_479] : memref<5x128x128xf32, #tpu.memory_space<vmem>> -> memref<1x128x128xf32, #tpu.memory_space<vmem>>
        %get3A_481 = tpu.memref_squeeze %get3A_480 : memref<1x128x128xf32, #tpu.memory_space<vmem>> -> memref<128x128xf32, #tpu.memory_space<vmem>>
        %get3A_482 = arith.index_cast %add3A_419 : i32 to index
        %get3A_483 = arith.constant 48 : index
        %get3A_484 = tpu.vector_load %get3A_481[%get3A_482, %get3A_483] {strides = array<i32>} : memref<128x128xf32, #tpu.memory_space<vmem>>, vector<1x16xf32>,
        %get3A_485 = vector.shape_cast %get3A_484 : vector<1x16xf32> to vector<16xf32>
        %mul3A_486 = arith.constant 11.3137083 : f32
        %mul3A_487 = vector.broadcast %mul3A_486 : f32 to vector<16xf32>
        %mul3A_488 = arith.mulf %get3A_485, %mul3A_487 : vector<16xf32>
        %swap3A_489 = arith.constant 0 : i32
        %swap3A_490 = arith.constant 0 : i32
        %swap3A_491 = tpu.memref_slice %arg6[%scan3A_150, %swap3A_489, %swap3A_490] : memref<5x128x128xf32, #tpu.memory_space<vmem>> -> memref<1x128x128xf32, #tpu.memory_space<vmem>>
        %swap3A_492 = tpu.memref_squeeze %swap3A_491 : memref<1x128x128xf32, #tpu.memory_space<vmem>> -> memref<128x128xf32, #tpu.memory_space<vmem>>
        %swap3A_493 = arith.index_cast %add3A_419 : i32 to index
        %swap3A_494 = arith.constant 48 : index
        %swap3A_495 = tpu.vector_load %swap3A_492[%swap3A_493, %swap3A_494] {strides = array<i32>} : memref<128x128xf32, #tpu.memory_space<vmem>>, vector<1x16xf32>,
        %swap3A_496 = vector.shape_cast %swap3A_495 : vector<1x16xf32> to vector<16xf32>
        %swap3A_497 = vector.shape_cast %mul3A_488 : vector<16xf32> to vector<1x16xf32>
        tpu.vector_store %swap3A_492[%swap3A_493, %swap3A_494], %swap3A_497 {strides = array<i32>} : memref<128x128xf32, #tpu.memory_space<vmem>>, vector<1x16xf32>,
        %get3A_498 = arith.constant 0 : i32
        %get3A_499 = arith.constant 0 : i32
        %get3A_500 = tpu.memref_slice %arg6[%scan3A_150, %get3A_498, %get3A_499] : memref<5x128x128xf32, #tpu.memory_space<vmem>> -> memref<1x128x128xf32, #tpu.memory_space<vmem>>
        %get3A_501 = tpu.memref_squeeze %get3A_500 : memref<1x128x128xf32, #tpu.memory_space<vmem>> -> memref<128x128xf32, #tpu.memory_space<vmem>>
        %get3A_502 = arith.index_cast %add3A_419 : i32 to index
        %get3A_503 = arith.constant 64 : index
        %get3A_504 = tpu.vector_load %get3A_501[%get3A_502, %get3A_503] {strides = array<i32>} : memref<128x128xf32, #tpu.memory_space<vmem>>, vector<1x16xf32>,
        %get3A_505 = vector.shape_cast %get3A_504 : vector<1x16xf32> to vector<16xf32>
        %mul3A_506 = arith.constant 11.3137083 : f32
        %mul3A_507 = vector.broadcast %mul3A_506 : f32 to vector<16xf32>
        %mul3A_508 = arith.mulf %get3A_505, %mul3A_507 : vector<16xf32>
        %swap3A_509 = arith.constant 0 : i32
        %swap3A_510 = arith.constant 0 : i32
        %swap3A_511 = tpu.memref_slice %arg6[%scan3A_150, %swap3A_509, %swap3A_510] : memref<5x128x128xf32, #tpu.memory_space<vmem>> -> memref<1x128x128xf32, #tpu.memory_space<vmem>>
        %swap3A_512 = tpu.memref_squeeze %swap3A_511 : memref<1x128x128xf32, #tpu.memory_space<vmem>> -> memref<128x128xf32, #tpu.memory_space<vmem>>
        %swap3A_513 = arith.index_cast %add3A_419 : i32 to index
        %swap3A_514 = arith.constant 64 : index
        %swap3A_515 = tpu.vector_load %swap3A_512[%swap3A_513, %swap3A_514] {strides = array<i32>} : memref<128x128xf32, #tpu.memory_space<vmem>>, vector<1x16xf32>,
        %swap3A_516 = vector.shape_cast %swap3A_515 : vector<1x16xf32> to vector<16xf32>
        %swap3A_517 = vector.shape_cast %mul3A_508 : vector<16xf32> to vector<1x16xf32>
        tpu.vector_store %swap3A_512[%swap3A_513, %swap3A_514], %swap3A_517 {strides = array<i32>} : memref<128x128xf32, #tpu.memory_space<vmem>>, vector<1x16xf32>,
        %get3A_518 = arith.constant 0 : i32
        %get3A_519 = arith.constant 0 : i32
        %get3A_520 = tpu.memref_slice %arg6[%scan3A_150, %get3A_518, %get3A_519] : memref<5x128x128xf32, #tpu.memory_space<vmem>> -> memref<1x128x128xf32, #tpu.memory_space<vmem>>
        %get3A_521 = tpu.memref_squeeze %get3A_520 : memref<1x128x128xf32, #tpu.memory_space<vmem>> -> memref<128x128xf32, #tpu.memory_space<vmem>>
        %get3A_522 = arith.index_cast %add3A_419 : i32 to index
        %get3A_523 = arith.constant 80 : index
        %get3A_524 = tpu.vector_load %get3A_521[%get3A_522, %get3A_523] {strides = array<i32>} : memref<128x128xf32, #tpu.memory_space<vmem>>, vector<1x16xf32>,
        %get3A_525 = vector.shape_cast %get3A_524 : vector<1x16xf32> to vector<16xf32>
        %mul3A_526 = arith.constant 11.3137083 : f32
        %mul3A_527 = vector.broadcast %mul3A_526 : f32 to vector<16xf32>
        %mul3A_528 = arith.mulf %get3A_525, %mul3A_527 : vector<16xf32>
        %swap3A_529 = arith.constant 0 : i32
        %swap3A_530 = arith.constant 0 : i32
        %swap3A_531 = tpu.memref_slice %arg6[%scan3A_150, %swap3A_529, %swap3A_530] : memref<5x128x128xf32, #tpu.memory_space<vmem>> -> memref<1x128x128xf32, #tpu.memory_space<vmem>>
        %swap3A_532 = tpu.memref_squeeze %swap3A_531 : memref<1x128x128xf32, #tpu.memory_space<vmem>> -> memref<128x128xf32, #tpu.memory_space<vmem>>
        %swap3A_533 = arith.index_cast %add3A_419 : i32 to index
        %swap3A_534 = arith.constant 80 : index
        %swap3A_535 = tpu.vector_load %swap3A_532[%swap3A_533, %swap3A_534] {strides = array<i32>} : memref<128x128xf32, #tpu.memory_space<vmem>>, vector<1x16xf32>,
        %swap3A_536 = vector.shape_cast %swap3A_535 : vector<1x16xf32> to vector<16xf32>
        %swap3A_537 = vector.shape_cast %mul3A_528 : vector<16xf32> to vector<1x16xf32>
        tpu.vector_store %swap3A_532[%swap3A_533, %swap3A_534], %swap3A_537 {strides = array<i32>} : memref<128x128xf32, #tpu.memory_space<vmem>>, vector<1x16xf32>,
        %get3A_538 = arith.constant 0 : i32
        %get3A_539 = arith.constant 0 : i32
        %get3A_540 = tpu.memref_slice %arg6[%scan3A_150, %get3A_538, %get3A_539] : memref<5x128x128xf32, #tpu.memory_space<vmem>> -> memref<1x128x128xf32, #tpu.memory_space<vmem>>
        %get3A_541 = tpu.memref_squeeze %get3A_540 : memref<1x128x128xf32, #tpu.memory_space<vmem>> -> memref<128x128xf32, #tpu.memory_space<vmem>>
        %get3A_542 = arith.index_cast %add3A_419 : i32 to index
        %get3A_543 = arith.constant 96 : index
        %get3A_544 = tpu.vector_load %get3A_541[%get3A_542, %get3A_543] {strides = array<i32>} : memref<128x128xf32, #tpu.memory_space<vmem>>, vector<1x16xf32>,
        %get3A_545 = vector.shape_cast %get3A_544 : vector<1x16xf32> to vector<16xf32>
        %mul3A_546 = arith.constant 11.3137083 : f32
        %mul3A_547 = vector.broadcast %mul3A_546 : f32 to vector<16xf32>
        %mul3A_548 = arith.mulf %get3A_545, %mul3A_547 : vector<16xf32>
        %swap3A_549 = arith.constant 0 : i32
        %swap3A_550 = arith.constant 0 : i32
        %swap3A_551 = tpu.memref_slice %arg6[%scan3A_150, %swap3A_549, %swap3A_550] : memref<5x128x128xf32, #tpu.memory_space<vmem>> -> memref<1x128x128xf32, #tpu.memory_space<vmem>>
        %swap3A_552 = tpu.memref_squeeze %swap3A_551 : memref<1x128x128xf32, #tpu.memory_space<vmem>> -> memref<128x128xf32, #tpu.memory_space<vmem>>
        %swap3A_553 = arith.index_cast %add3A_419 : i32 to index
        %swap3A_554 = arith.constant 96 : index
        %swap3A_555 = tpu.vector_load %swap3A_552[%swap3A_553, %swap3A_554] {strides = array<i32>} : memref<128x128xf32, #tpu.memory_space<vmem>>, vector<1x16xf32>,
        %swap3A_556 = vector.shape_cast %swap3A_555 : vector<1x16xf32> to vector<16xf32>
        %swap3A_557 = vector.shape_cast %mul3A_548 : vector<16xf32> to vector<1x16xf32>
        tpu.vector_store %swap3A_552[%swap3A_553, %swap3A_554], %swap3A_557 {strides = array<i32>} : memref<128x128xf32, #tpu.memory_space<vmem>>, vector<1x16xf32>,
        %get3A_558 = arith.constant 0 : i32
        %get3A_559 = arith.constant 0 : i32
        %get3A_560 = tpu.memref_slice %arg6[%scan3A_150, %get3A_558, %get3A_559] : memref<5x128x128xf32, #tpu.memory_space<vmem>> -> memref<1x128x128xf32, #tpu.memory_space<vmem>>
        %get3A_561 = tpu.memref_squeeze %get3A_560 : memref<1x128x128xf32, #tpu.memory_space<vmem>> -> memref<128x128xf32, #tpu.memory_space<vmem>>
        %get3A_562 = arith.index_cast %add3A_419 : i32 to index
        %get3A_563 = arith.constant 112 : index
        %get3A_564 = tpu.vector_load %get3A_561[%get3A_562, %get3A_563] {strides = array<i32>} : memref<128x128xf32, #tpu.memory_space<vmem>>, vector<1x16xf32>,
        %get3A_565 = vector.shape_cast %get3A_564 : vector<1x16xf32> to vector<16xf32>
        %mul3A_566 = arith.constant 11.3137083 : f32
        %mul3A_567 = vector.broadcast %mul3A_566 : f32 to vector<16xf32>
        %mul3A_568 = arith.mulf %get3A_565, %mul3A_567 : vector<16xf32>
        %swap3A_569 = arith.constant 0 : i32
        %swap3A_570 = arith.constant 0 : i32
        %swap3A_571 = tpu.memref_slice %arg6[%scan3A_150, %swap3A_569, %swap3A_570] : memref<5x128x128xf32, #tpu.memory_space<vmem>> -> memref<1x128x128xf32, #tpu.memory_space<vmem>>
        %swap3A_572 = tpu.memref_squeeze %swap3A_571 : memref<1x128x128xf32, #tpu.memory_space<vmem>> -> memref<128x128xf32, #tpu.memory_space<vmem>>
        %swap3A_573 = arith.index_cast %add3A_419 : i32 to index
        %swap3A_574 = arith.constant 112 : index
        %swap3A_575 = tpu.vector_load %swap3A_572[%swap3A_573, %swap3A_574] {strides = array<i32>} : memref<128x128xf32, #tpu.memory_space<vmem>>, vector<1x16xf32>,
        %swap3A_576 = vector.shape_cast %swap3A_575 : vector<1x16xf32> to vector<16xf32>
        %swap3A_577 = vector.shape_cast %mul3A_568 : vector<16xf32> to vector<1x16xf32>
        tpu.vector_store %swap3A_572[%swap3A_573, %swap3A_574], %swap3A_577 {strides = array<i32>} : memref<128x128xf32, #tpu.memory_space<vmem>>, vector<1x16xf32>,
        %scan3A_578 = arith.constant 1 : i32
        %scan3A_579 = arith.addi %scan3A_415, %scan3A_578 : i32
        %mul3A_580 = arith.constant 1 : i32
        %mul3A_581 = arith.muli %scan3A_579, %mul3A_580 : i32
        %add3A_582 = arith.constant 0 : i32
        %add3A_583 = arith.addi %add3A_582, %mul3A_581 : i32
        %get3A_584 = arith.constant 0 : i32
        %get3A_585 = arith.constant 0 : i32
        %get3A_586 = tpu.memref_slice %arg6[%scan3A_150, %get3A_584, %get3A_585] : memref<5x128x128xf32, #tpu.memory_space<vmem>> -> memref<1x128x128xf32, #tpu.memory_space<vmem>>
        %get3A_587 = tpu.memref_squeeze %get3A_586 : memref<1x128x128xf32, #tpu.memory_space<vmem>> -> memref<128x128xf32, #tpu.memory_space<vmem>>
        %get3A_588 = arith.index_cast %add3A_583 : i32 to index
        %get3A_589 = arith.constant 0 : index
        %get3A_590 = tpu.vector_load %get3A_587[%get3A_588, %get3A_589] {strides = array<i32>} : memref<128x128xf32, #tpu.memory_space<vmem>>, vector<1x16xf32>,
        %get3A_591 = vector.shape_cast %get3A_590 : vector<1x16xf32> to vector<16xf32>
        %mul3A_592 = arith.constant 11.3137083 : f32
        %mul3A_593 = vector.broadcast %mul3A_592 : f32 to vector<16xf32>
        %mul3A_594 = arith.mulf %get3A_591, %mul3A_593 : vector<16xf32>
        %swap3A_595 = arith.constant 0 : i32
        %swap3A_596 = arith.constant 0 : i32
        %swap3A_597 = tpu.memref_slice %arg6[%scan3A_150, %swap3A_595, %swap3A_596] : memref<5x128x128xf32, #tpu.memory_space<vmem>> -> memref<1x128x128xf32, #tpu.memory_space<vmem>>
        %swap3A_598 = tpu.memref_squeeze %swap3A_597 : memref<1x128x128xf32, #tpu.memory_space<vmem>> -> memref<128x128xf32, #tpu.memory_space<vmem>>
        %swap3A_599 = arith.index_cast %add3A_583 : i32 to index
        %swap3A_600 = arith.constant 0 : index
        %swap3A_601 = tpu.vector_load %swap3A_598[%swap3A_599, %swap3A_600] {strides = array<i32>} : memref<128x128xf32, #tpu.memory_space<vmem>>, vector<1x16xf32>,
        %swap3A_602 = vector.shape_cast %swap3A_601 : vector<1x16xf32> to vector<16xf32>
        %swap3A_603 = vector.shape_cast %mul3A_594 : vector<16xf32> to vector<1x16xf32>
        tpu.vector_store %swap3A_598[%swap3A_599, %swap3A_600], %swap3A_603 {strides = array<i32>} : memref<128x128xf32, #tpu.memory_space<vmem>>, vector<1x16xf32>,
        %get3A_604 = arith.constant 0 : i32
        %get3A_605 = arith.constant 0 : i32
        %get3A_606 = tpu.memref_slice %arg6[%scan3A_150, %get3A_604, %get3A_605] : memref<5x128x128xf32, #tpu.memory_space<vmem>> -> memref<1x128x128xf32, #tpu.memory_space<vmem>>
        %get3A_607 = tpu.memref_squeeze %get3A_606 : memref<1x128x128xf32, #tpu.memory_space<vmem>> -> memref<128x128xf32, #tpu.memory_space<vmem>>
        %get3A_608 = arith.index_cast %add3A_583 : i32 to index
        %get3A_609 = arith.constant 16 : index
        %get3A_610 = tpu.vector_load %get3A_607[%get3A_608, %get3A_609] {strides = array<i32>} : memref<128x128xf32, #tpu.memory_space<vmem>>, vector<1x16xf32>,
        %get3A_611 = vector.shape_cast %get3A_610 : vector<1x16xf32> to vector<16xf32>
        %mul3A_612 = arith.constant 11.3137083 : f32
        %mul3A_613 = vector.broadcast %mul3A_612 : f32 to vector<16xf32>
        %mul3A_614 = arith.mulf %get3A_611, %mul3A_613 : vector<16xf32>
        %swap3A_615 = arith.constant 0 : i32
        %swap3A_616 = arith.constant 0 : i32
        %swap3A_617 = tpu.memref_slice %arg6[%scan3A_150, %swap3A_615, %swap3A_616] : memref<5x128x128xf32, #tpu.memory_space<vmem>> -> memref<1x128x128xf32, #tpu.memory_space<vmem>>
        %swap3A_618 = tpu.memref_squeeze %swap3A_617 : memref<1x128x128xf32, #tpu.memory_space<vmem>> -> memref<128x128xf32, #tpu.memory_space<vmem>>
        %swap3A_619 = arith.index_cast %add3A_583 : i32 to index
        %swap3A_620 = arith.constant 16 : index
        %swap3A_621 = tpu.vector_load %swap3A_618[%swap3A_619, %swap3A_620] {strides = array<i32>} : memref<128x128xf32, #tpu.memory_space<vmem>>, vector<1x16xf32>,
        %swap3A_622 = vector.shape_cast %swap3A_621 : vector<1x16xf32> to vector<16xf32>
        %swap3A_623 = vector.shape_cast %mul3A_614 : vector<16xf32> to vector<1x16xf32>
        tpu.vector_store %swap3A_618[%swap3A_619, %swap3A_620], %swap3A_623 {strides = array<i32>} : memref<128x128xf32, #tpu.memory_space<vmem>>, vector<1x16xf32>,
        %get3A_624 = arith.constant 0 : i32
        %get3A_625 = arith.constant 0 : i32
        %get3A_626 = tpu.memref_slice %arg6[%scan3A_150, %get3A_624, %get3A_625] : memref<5x128x128xf32, #tpu.memory_space<vmem>> -> memref<1x128x128xf32, #tpu.memory_space<vmem>>
        %get3A_627 = tpu.memref_squeeze %get3A_626 : memref<1x128x128xf32, #tpu.memory_space<vmem>> -> memref<128x128xf32, #tpu.memory_space<vmem>>
        %get3A_628 = arith.index_cast %add3A_583 : i32 to index
        %get3A_629 = arith.constant 32 : index
        %get3A_630 = tpu.vector_load %get3A_627[%get3A_628, %get3A_629] {strides = array<i32>} : memref<128x128xf32, #tpu.memory_space<vmem>>, vector<1x16xf32>,
        %get3A_631 = vector.shape_cast %get3A_630 : vector<1x16xf32> to vector<16xf32>
        %mul3A_632 = arith.constant 11.3137083 : f32
        %mul3A_633 = vector.broadcast %mul3A_632 : f32 to vector<16xf32>
        %mul3A_634 = arith.mulf %get3A_631, %mul3A_633 : vector<16xf32>
        %swap3A_635 = arith.constant 0 : i32
        %swap3A_636 = arith.constant 0 : i32
        %swap3A_637 = tpu.memref_slice %arg6[%scan3A_150, %swap3A_635, %swap3A_636] : memref<5x128x128xf32, #tpu.memory_space<vmem>> -> memref<1x128x128xf32, #tpu.memory_space<vmem>>
        %swap3A_638 = tpu.memref_squeeze %swap3A_637 : memref<1x128x128xf32, #tpu.memory_space<vmem>> -> memref<128x128xf32, #tpu.memory_space<vmem>>
        %swap3A_639 = arith.index_cast %add3A_583 : i32 to index
        %swap3A_640 = arith.constant 32 : index
        %swap3A_641 = tpu.vector_load %swap3A_638[%swap3A_639, %swap3A_640] {strides = array<i32>} : memref<128x128xf32, #tpu.memory_space<vmem>>, vector<1x16xf32>,
        %swap3A_642 = vector.shape_cast %swap3A_641 : vector<1x16xf32> to vector<16xf32>
        %swap3A_643 = vector.shape_cast %mul3A_634 : vector<16xf32> to vector<1x16xf32>
        tpu.vector_store %swap3A_638[%swap3A_639, %swap3A_640], %swap3A_643 {strides = array<i32>} : memref<128x128xf32, #tpu.memory_space<vmem>>, vector<1x16xf32>,
        %get3A_644 = arith.constant 0 : i32
        %get3A_645 = arith.constant 0 : i32
        %get3A_646 = tpu.memref_slice %arg6[%scan3A_150, %get3A_644, %get3A_645] : memref<5x128x128xf32, #tpu.memory_space<vmem>> -> memref<1x128x128xf32, #tpu.memory_space<vmem>>
        %get3A_647 = tpu.memref_squeeze %get3A_646 : memref<1x128x128xf32, #tpu.memory_space<vmem>> -> memref<128x128xf32, #tpu.memory_space<vmem>>
        %get3A_648 = arith.index_cast %add3A_583 : i32 to index
        %get3A_649 = arith.constant 48 : index
        %get3A_650 = tpu.vector_load %get3A_647[%get3A_648, %get3A_649] {strides = array<i32>} : memref<128x128xf32, #tpu.memory_space<vmem>>, vector<1x16xf32>,
        %get3A_651 = vector.shape_cast %get3A_650 : vector<1x16xf32> to vector<16xf32>
        %mul3A_652 = arith.constant 11.3137083 : f32
        %mul3A_653 = vector.broadcast %mul3A_652 : f32 to vector<16xf32>
        %mul3A_654 = arith.mulf %get3A_651, %mul3A_653 : vector<16xf32>
        %swap3A_655 = arith.constant 0 : i32
        %swap3A_656 = arith.constant 0 : i32
        %swap3A_657 = tpu.memref_slice %arg6[%scan3A_150, %swap3A_655, %swap3A_656] : memref<5x128x128xf32, #tpu.memory_space<vmem>> -> memref<1x128x128xf32, #tpu.memory_space<vmem>>
        %swap3A_658 = tpu.memref_squeeze %swap3A_657 : memref<1x128x128xf32, #tpu.memory_space<vmem>> -> memref<128x128xf32, #tpu.memory_space<vmem>>
        %swap3A_659 = arith.index_cast %add3A_583 : i32 to index
        %swap3A_660 = arith.constant 48 : index
        %swap3A_661 = tpu.vector_load %swap3A_658[%swap3A_659, %swap3A_660] {strides = array<i32>} : memref<128x128xf32, #tpu.memory_space<vmem>>, vector<1x16xf32>,
        %swap3A_662 = vector.shape_cast %swap3A_661 : vector<1x16xf32> to vector<16xf32>
        %swap3A_663 = vector.shape_cast %mul3A_654 : vector<16xf32> to vector<1x16xf32>
        tpu.vector_store %swap3A_658[%swap3A_659, %swap3A_660], %swap3A_663 {strides = array<i32>} : memref<128x128xf32, #tpu.memory_space<vmem>>, vector<1x16xf32>,
        %get3A_664 = arith.constant 0 : i32
        %get3A_665 = arith.constant 0 : i32
        %get3A_666 = tpu.memref_slice %arg6[%scan3A_150, %get3A_664, %get3A_665] : memref<5x128x128xf32, #tpu.memory_space<vmem>> -> memref<1x128x128xf32, #tpu.memory_space<vmem>>
        %get3A_667 = tpu.memref_squeeze %get3A_666 : memref<1x128x128xf32, #tpu.memory_space<vmem>> -> memref<128x128xf32, #tpu.memory_space<vmem>>
        %get3A_668 = arith.index_cast %add3A_583 : i32 to index
        %get3A_669 = arith.constant 64 : index
        %get3A_670 = tpu.vector_load %get3A_667[%get3A_668, %get3A_669] {strides = array<i32>} : memref<128x128xf32, #tpu.memory_space<vmem>>, vector<1x16xf32>,
        %get3A_671 = vector.shape_cast %get3A_670 : vector<1x16xf32> to vector<16xf32>
        %mul3A_672 = arith.constant 11.3137083 : f32
        %mul3A_673 = vector.broadcast %mul3A_672 : f32 to vector<16xf32>
        %mul3A_674 = arith.mulf %get3A_671, %mul3A_673 : vector<16xf32>
        %swap3A_675 = arith.constant 0 : i32
        %swap3A_676 = arith.constant 0 : i32
        %swap3A_677 = tpu.memref_slice %arg6[%scan3A_150, %swap3A_675, %swap3A_676] : memref<5x128x128xf32, #tpu.memory_space<vmem>> -> memref<1x128x128xf32, #tpu.memory_space<vmem>>
        %swap3A_678 = tpu.memref_squeeze %swap3A_677 : memref<1x128x128xf32, #tpu.memory_space<vmem>> -> memref<128x128xf32, #tpu.memory_space<vmem>>
        %swap3A_679 = arith.index_cast %add3A_583 : i32 to index
        %swap3A_680 = arith.constant 64 : index
        %swap3A_681 = tpu.vector_load %swap3A_678[%swap3A_679, %swap3A_680] {strides = array<i32>} : memref<128x128xf32, #tpu.memory_space<vmem>>, vector<1x16xf32>,
        %swap3A_682 = vector.shape_cast %swap3A_681 : vector<1x16xf32> to vector<16xf32>
        %swap3A_683 = vector.shape_cast %mul3A_674 : vector<16xf32> to vector<1x16xf32>
        tpu.vector_store %swap3A_678[%swap3A_679, %swap3A_680], %swap3A_683 {strides = array<i32>} : memref<128x128xf32, #tpu.memory_space<vmem>>, vector<1x16xf32>,
        %get3A_684 = arith.constant 0 : i32
        %get3A_685 = arith.constant 0 : i32
        %get3A_686 = tpu.memref_slice %arg6[%scan3A_150, %get3A_684, %get3A_685] : memref<5x128x128xf32, #tpu.memory_space<vmem>> -> memref<1x128x128xf32, #tpu.memory_space<vmem>>
        %get3A_687 = tpu.memref_squeeze %get3A_686 : memref<1x128x128xf32, #tpu.memory_space<vmem>> -> memref<128x128xf32, #tpu.memory_space<vmem>>
        %get3A_688 = arith.index_cast %add3A_583 : i32 to index
        %get3A_689 = arith.constant 80 : index
        %get3A_690 = tpu.vector_load %get3A_687[%get3A_688, %get3A_689] {strides = array<i32>} : memref<128x128xf32, #tpu.memory_space<vmem>>, vector<1x16xf32>,
        %get3A_691 = vector.shape_cast %get3A_690 : vector<1x16xf32> to vector<16xf32>
        %mul3A_692 = arith.constant 11.3137083 : f32
        %mul3A_693 = vector.broadcast %mul3A_692 : f32 to vector<16xf32>
        %mul3A_694 = arith.mulf %get3A_691, %mul3A_693 : vector<16xf32>
        %swap3A_695 = arith.constant 0 : i32
        %swap3A_696 = arith.constant 0 : i32
        %swap3A_697 = tpu.memref_slice %arg6[%scan3A_150, %swap3A_695, %swap3A_696] : memref<5x128x128xf32, #tpu.memory_space<vmem>> -> memref<1x128x128xf32, #tpu.memory_space<vmem>>
        %swap3A_698 = tpu.memref_squeeze %swap3A_697 : memref<1x128x128xf32, #tpu.memory_space<vmem>> -> memref<128x128xf32, #tpu.memory_space<vmem>>
        %swap3A_699 = arith.index_cast %add3A_583 : i32 to index
        %swap3A_700 = arith.constant 80 : index
        %swap3A_701 = tpu.vector_load %swap3A_698[%swap3A_699, %swap3A_700] {strides = array<i32>} : memref<128x128xf32, #tpu.memory_space<vmem>>, vector<1x16xf32>,
        %swap3A_702 = vector.shape_cast %swap3A_701 : vector<1x16xf32> to vector<16xf32>
        %swap3A_703 = vector.shape_cast %mul3A_694 : vector<16xf32> to vector<1x16xf32>
        tpu.vector_store %swap3A_698[%swap3A_699, %swap3A_700], %swap3A_703 {strides = array<i32>} : memref<128x128xf32, #tpu.memory_space<vmem>>, vector<1x16xf32>,
        %get3A_704 = arith.constant 0 : i32
        %get3A_705 = arith.constant 0 : i32
        %get3A_706 = tpu.memref_slice %arg6[%scan3A_150, %get3A_704, %get3A_705] : memref<5x128x128xf32, #tpu.memory_space<vmem>> -> memref<1x128x128xf32, #tpu.memory_space<vmem>>
        %get3A_707 = tpu.memref_squeeze %get3A_706 : memref<1x128x128xf32, #tpu.memory_space<vmem>> -> memref<128x128xf32, #tpu.memory_space<vmem>>
        %get3A_708 = arith.index_cast %add3A_583 : i32 to index
        %get3A_709 = arith.constant 96 : index
        %get3A_710 = tpu.vector_load %get3A_707[%get3A_708, %get3A_709] {strides = array<i32>} : memref<128x128xf32, #tpu.memory_space<vmem>>, vector<1x16xf32>,
        %get3A_711 = vector.shape_cast %get3A_710 : vector<1x16xf32> to vector<16xf32>
        %mul3A_712 = arith.constant 11.3137083 : f32
        %mul3A_713 = vector.broadcast %mul3A_712 : f32 to vector<16xf32>
        %mul3A_714 = arith.mulf %get3A_711, %mul3A_713 : vector<16xf32>
        %swap3A_715 = arith.constant 0 : i32
        %swap3A_716 = arith.constant 0 : i32
        %swap3A_717 = tpu.memref_slice %arg6[%scan3A_150, %swap3A_715, %swap3A_716] : memref<5x128x128xf32, #tpu.memory_space<vmem>> -> memref<1x128x128xf32, #tpu.memory_space<vmem>>
        %swap3A_718 = tpu.memref_squeeze %swap3A_717 : memref<1x128x128xf32, #tpu.memory_space<vmem>> -> memref<128x128xf32, #tpu.memory_space<vmem>>
        %swap3A_719 = arith.index_cast %add3A_583 : i32 to index
        %swap3A_720 = arith.constant 96 : index
        %swap3A_721 = tpu.vector_load %swap3A_718[%swap3A_719, %swap3A_720] {strides = array<i32>} : memref<128x128xf32, #tpu.memory_space<vmem>>, vector<1x16xf32>,
        %swap3A_722 = vector.shape_cast %swap3A_721 : vector<1x16xf32> to vector<16xf32>
        %swap3A_723 = vector.shape_cast %mul3A_714 : vector<16xf32> to vector<1x16xf32>
        tpu.vector_store %swap3A_718[%swap3A_719, %swap3A_720], %swap3A_723 {strides = array<i32>} : memref<128x128xf32, #tpu.memory_space<vmem>>, vector<1x16xf32>,
        %get3A_724 = arith.constant 0 : i32
        %get3A_725 = arith.constant 0 : i32
        %get3A_726 = tpu.memref_slice %arg6[%scan3A_150, %get3A_724, %get3A_725] : memref<5x128x128xf32, #tpu.memory_space<vmem>> -> memref<1x128x128xf32, #tpu.memory_space<vmem>>
        %get3A_727 = tpu.memref_squeeze %get3A_726 : memref<1x128x128xf32, #tpu.memory_space<vmem>> -> memref<128x128xf32, #tpu.memory_space<vmem>>
        %get3A_728 = arith.index_cast %add3A_583 : i32 to index
        %get3A_729 = arith.constant 112 : index
        %get3A_730 = tpu.vector_load %get3A_727[%get3A_728, %get3A_729] {strides = array<i32>} : memref<128x128xf32, #tpu.memory_space<vmem>>, vector<1x16xf32>,
        %get3A_731 = vector.shape_cast %get3A_730 : vector<1x16xf32> to vector<16xf32>
        %mul3A_732 = arith.constant 11.3137083 : f32
        %mul3A_733 = vector.broadcast %mul3A_732 : f32 to vector<16xf32>
        %mul3A_734 = arith.mulf %get3A_731, %mul3A_733 : vector<16xf32>
        %swap3A_735 = arith.constant 0 : i32
        %swap3A_736 = arith.constant 0 : i32
        %swap3A_737 = tpu.memref_slice %arg6[%scan3A_150, %swap3A_735, %swap3A_736] : memref<5x128x128xf32, #tpu.memory_space<vmem>> -> memref<1x128x128xf32, #tpu.memory_space<vmem>>
        %swap3A_738 = tpu.memref_squeeze %swap3A_737 : memref<1x128x128xf32, #tpu.memory_space<vmem>> -> memref<128x128xf32, #tpu.memory_space<vmem>>
        %swap3A_739 = arith.index_cast %add3A_583 : i32 to index
        %swap3A_740 = arith.constant 112 : index
        %swap3A_741 = tpu.vector_load %swap3A_738[%swap3A_739, %swap3A_740] {strides = array<i32>} : memref<128x128xf32, #tpu.memory_space<vmem>>, vector<1x16xf32>,
        %swap3A_742 = vector.shape_cast %swap3A_741 : vector<1x16xf32> to vector<16xf32>
        %swap3A_743 = vector.shape_cast %mul3A_734 : vector<16xf32> to vector<1x16xf32>
        tpu.vector_store %swap3A_738[%swap3A_739, %swap3A_740], %swap3A_743 {strides = array<i32>} : memref<128x128xf32, #tpu.memory_space<vmem>>, vector<1x16xf32>,
        %scan3A_744 = arith.constant 2 : i32
        %scan3A_745 = arith.addi %scan3A_415, %scan3A_744 : i32
        %mul3A_746 = arith.constant 1 : i32
        %mul3A_747 = arith.muli %scan3A_745, %mul3A_746 : i32
        %add3A_748 = arith.constant 0 : i32
        %add3A_749 = arith.addi %add3A_748, %mul3A_747 : i32
        %get3A_750 = arith.constant 0 : i32
        %get3A_751 = arith.constant 0 : i32
        %get3A_752 = tpu.memref_slice %arg6[%scan3A_150, %get3A_750, %get3A_751] : memref<5x128x128xf32, #tpu.memory_space<vmem>> -> memref<1x128x128xf32, #tpu.memory_space<vmem>>
        %get3A_753 = tpu.memref_squeeze %get3A_752 : memref<1x128x128xf32, #tpu.memory_space<vmem>> -> memref<128x128xf32, #tpu.memory_space<vmem>>
        %get3A_754 = arith.index_cast %add3A_749 : i32 to index
        %get3A_755 = arith.constant 0 : index
        %get3A_756 = tpu.vector_load %get3A_753[%get3A_754, %get3A_755] {strides = array<i32>} : memref<128x128xf32, #tpu.memory_space<vmem>>, vector<1x16xf32>,
        %get3A_757 = vector.shape_cast %get3A_756 : vector<1x16xf32> to vector<16xf32>
        %mul3A_758 = arith.constant 11.3137083 : f32
        %mul3A_759 = vector.broadcast %mul3A_758 : f32 to vector<16xf32>
        %mul3A_760 = arith.mulf %get3A_757, %mul3A_759 : vector<16xf32>
        %swap3A_761 = arith.constant 0 : i32
        %swap3A_762 = arith.constant 0 : i32
        %swap3A_763 = tpu.memref_slice %arg6[%scan3A_150, %swap3A_761, %swap3A_762] : memref<5x128x128xf32, #tpu.memory_space<vmem>> -> memref<1x128x128xf32, #tpu.memory_space<vmem>>
        %swap3A_764 = tpu.memref_squeeze %swap3A_763 : memref<1x128x128xf32, #tpu.memory_space<vmem>> -> memref<128x128xf32, #tpu.memory_space<vmem>>
        %swap3A_765 = arith.index_cast %add3A_749 : i32 to index
        %swap3A_766 = arith.constant 0 : index
        %swap3A_767 = tpu.vector_load %swap3A_764[%swap3A_765, %swap3A_766] {strides = array<i32>} : memref<128x128xf32, #tpu.memory_space<vmem>>, vector<1x16xf32>,
        %swap3A_768 = vector.shape_cast %swap3A_767 : vector<1x16xf32> to vector<16xf32>
        %swap3A_769 = vector.shape_cast %mul3A_760 : vector<16xf32> to vector<1x16xf32>
        tpu.vector_store %swap3A_764[%swap3A_765, %swap3A_766], %swap3A_769 {strides = array<i32>} : memref<128x128xf32, #tpu.memory_space<vmem>>, vector<1x16xf32>,
        %get3A_770 = arith.constant 0 : i32
        %get3A_771 = arith.constant 0 : i32
        %get3A_772 = tpu.memref_slice %arg6[%scan3A_150, %get3A_770, %get3A_771] : memref<5x128x128xf32, #tpu.memory_space<vmem>> -> memref<1x128x128xf32, #tpu.memory_space<vmem>>
        %get3A_773 = tpu.memref_squeeze %get3A_772 : memref<1x128x128xf32, #tpu.memory_space<vmem>> -> memref<128x128xf32, #tpu.memory_space<vmem>>
        %get3A_774 = arith.index_cast %add3A_749 : i32 to index
        %get3A_775 = arith.constant 16 : index
        %get3A_776 = tpu.vector_load %get3A_773[%get3A_774, %get3A_775] {strides = array<i32>} : memref<128x128xf32, #tpu.memory_space<vmem>>, vector<1x16xf32>,
        %get3A_777 = vector.shape_cast %get3A_776 : vector<1x16xf32> to vector<16xf32>
        %mul3A_778 = arith.constant 11.3137083 : f32
        %mul3A_779 = vector.broadcast %mul3A_778 : f32 to vector<16xf32>
        %mul3A_780 = arith.mulf %get3A_777, %mul3A_779 : vector<16xf32>
        %swap3A_781 = arith.constant 0 : i32
        %swap3A_782 = arith.constant 0 : i32
        %swap3A_783 = tpu.memref_slice %arg6[%scan3A_150, %swap3A_781, %swap3A_782] : memref<5x128x128xf32, #tpu.memory_space<vmem>> -> memref<1x128x128xf32, #tpu.memory_space<vmem>>
        %swap3A_784 = tpu.memref_squeeze %swap3A_783 : memref<1x128x128xf32, #tpu.memory_space<vmem>> -> memref<128x128xf32, #tpu.memory_space<vmem>>
        %swap3A_785 = arith.index_cast %add3A_749 : i32 to index
        %swap3A_786 = arith.constant 16 : index
        %swap3A_787 = tpu.vector_load %swap3A_784[%swap3A_785, %swap3A_786] {strides = array<i32>} : memref<128x128xf32, #tpu.memory_space<vmem>>, vector<1x16xf32>,
        %swap3A_788 = vector.shape_cast %swap3A_787 : vector<1x16xf32> to vector<16xf32>
        %swap3A_789 = vector.shape_cast %mul3A_780 : vector<16xf32> to vector<1x16xf32>
        tpu.vector_store %swap3A_784[%swap3A_785, %swap3A_786], %swap3A_789 {strides = array<i32>} : memref<128x128xf32, #tpu.memory_space<vmem>>, vector<1x16xf32>,
        %get3A_790 = arith.constant 0 : i32
        %get3A_791 = arith.constant 0 : i32
        %get3A_792 = tpu.memref_slice %arg6[%scan3A_150, %get3A_790, %get3A_791] : memref<5x128x128xf32, #tpu.memory_space<vmem>> -> memref<1x128x128xf32, #tpu.memory_space<vmem>>
        %get3A_793 = tpu.memref_squeeze %get3A_792 : memref<1x128x128xf32, #tpu.memory_space<vmem>> -> memref<128x128xf32, #tpu.memory_space<vmem>>
        %get3A_794 = arith.index_cast %add3A_749 : i32 to index
        %get3A_795 = arith.constant 32 : index
        %get3A_796 = tpu.vector_load %get3A_793[%get3A_794, %get3A_795] {strides = array<i32>} : memref<128x128xf32, #tpu.memory_space<vmem>>, vector<1x16xf32>,
        %get3A_797 = vector.shape_cast %get3A_796 : vector<1x16xf32> to vector<16xf32>
        %mul3A_798 = arith.constant 11.3137083 : f32
        %mul3A_799 = vector.broadcast %mul3A_798 : f32 to vector<16xf32>
        %mul3A_800 = arith.mulf %get3A_797, %mul3A_799 : vector<16xf32>
        %swap3A_801 = arith.constant 0 : i32
        %swap3A_802 = arith.constant 0 : i32
        %swap3A_803 = tpu.memref_slice %arg6[%scan3A_150, %swap3A_801, %swap3A_802] : memref<5x128x128xf32, #tpu.memory_space<vmem>> -> memref<1x128x128xf32, #tpu.memory_space<vmem>>
        %swap3A_804 = tpu.memref_squeeze %swap3A_803 : memref<1x128x128xf32, #tpu.memory_space<vmem>> -> memref<128x128xf32, #tpu.memory_space<vmem>>
        %swap3A_805 = arith.index_cast %add3A_749 : i32 to index
        %swap3A_806 = arith.constant 32 : index
        %swap3A_807 = tpu.vector_load %swap3A_804[%swap3A_805, %swap3A_806] {strides = array<i32>} : memref<128x128xf32, #tpu.memory_space<vmem>>, vector<1x16xf32>,
        %swap3A_808 = vector.shape_cast %swap3A_807 : vector<1x16xf32> to vector<16xf32>
        %swap3A_809 = vector.shape_cast %mul3A_800 : vector<16xf32> to vector<1x16xf32>
        tpu.vector_store %swap3A_804[%swap3A_805, %swap3A_806], %swap3A_809 {strides = array<i32>} : memref<128x128xf32, #tpu.memory_space<vmem>>, vector<1x16xf32>,
        %get3A_810 = arith.constant 0 : i32
        %get3A_811 = arith.constant 0 : i32
        %get3A_812 = tpu.memref_slice %arg6[%scan3A_150, %get3A_810, %get3A_811] : memref<5x128x128xf32, #tpu.memory_space<vmem>> -> memref<1x128x128xf32, #tpu.memory_space<vmem>>
        %get3A_813 = tpu.memref_squeeze %get3A_812 : memref<1x128x128xf32, #tpu.memory_space<vmem>> -> memref<128x128xf32, #tpu.memory_space<vmem>>
        %get3A_814 = arith.index_cast %add3A_749 : i32 to index
        %get3A_815 = arith.constant 48 : index
        %get3A_816 = tpu.vector_load %get3A_813[%get3A_814, %get3A_815] {strides = array<i32>} : memref<128x128xf32, #tpu.memory_space<vmem>>, vector<1x16xf32>,
        %get3A_817 = vector.shape_cast %get3A_816 : vector<1x16xf32> to vector<16xf32>
        %mul3A_818 = arith.constant 11.3137083 : f32
        %mul3A_819 = vector.broadcast %mul3A_818 : f32 to vector<16xf32>
        %mul3A_820 = arith.mulf %get3A_817, %mul3A_819 : vector<16xf32>
        %swap3A_821 = arith.constant 0 : i32
        %swap3A_822 = arith.constant 0 : i32
        %swap3A_823 = tpu.memref_slice %arg6[%scan3A_150, %swap3A_821, %swap3A_822] : memref<5x128x128xf32, #tpu.memory_space<vmem>> -> memref<1x128x128xf32, #tpu.memory_space<vmem>>
        %swap3A_824 = tpu.memref_squeeze %swap3A_823 : memref<1x128x128xf32, #tpu.memory_space<vmem>> -> memref<128x128xf32, #tpu.memory_space<vmem>>
        %swap3A_825 = arith.index_cast %add3A_749 : i32 to index
        %swap3A_826 = arith.constant 48 : index
        %swap3A_827 = tpu.vector_load %swap3A_824[%swap3A_825, %swap3A_826] {strides = array<i32>} : memref<128x128xf32, #tpu.memory_space<vmem>>, vector<1x16xf32>,
        %swap3A_828 = vector.shape_cast %swap3A_827 : vector<1x16xf32> to vector<16xf32>
        %swap3A_829 = vector.shape_cast %mul3A_820 : vector<16xf32> to vector<1x16xf32>
        tpu.vector_store %swap3A_824[%swap3A_825, %swap3A_826], %swap3A_829 {strides = array<i32>} : memref<128x128xf32, #tpu.memory_space<vmem>>, vector<1x16xf32>,
        %get3A_830 = arith.constant 0 : i32
        %get3A_831 = arith.constant 0 : i32
        %get3A_832 = tpu.memref_slice %arg6[%scan3A_150, %get3A_830, %get3A_831] : memref<5x128x128xf32, #tpu.memory_space<vmem>> -> memref<1x128x128xf32, #tpu.memory_space<vmem>>
        %get3A_833 = tpu.memref_squeeze %get3A_832 : memref<1x128x128xf32, #tpu.memory_space<vmem>> -> memref<128x128xf32, #tpu.memory_space<vmem>>
        %get3A_834 = arith.index_cast %add3A_749 : i32 to index
        %get3A_835 = arith.constant 64 : index
        %get3A_836 = tpu.vector_load %get3A_833[%get3A_834, %get3A_835] {strides = array<i32>} : memref<128x128xf32, #tpu.memory_space<vmem>>, vector<1x16xf32>,
        %get3A_837 = vector.shape_cast %get3A_836 : vector<1x16xf32> to vector<16xf32>
        %mul3A_838 = arith.constant 11.3137083 : f32
        %mul3A_839 = vector.broadcast %mul3A_838 : f32 to vector<16xf32>
        %mul3A_840 = arith.mulf %get3A_837, %mul3A_839 : vector<16xf32>
        %swap3A_841 = arith.constant 0 : i32
        %swap3A_842 = arith.constant 0 : i32
        %swap3A_843 = tpu.memref_slice %arg6[%scan3A_150, %swap3A_841, %swap3A_842] : memref<5x128x128xf32, #tpu.memory_space<vmem>> -> memref<1x128x128xf32, #tpu.memory_space<vmem>>
        %swap3A_844 = tpu.memref_squeeze %swap3A_843 : memref<1x128x128xf32, #tpu.memory_space<vmem>> -> memref<128x128xf32, #tpu.memory_space<vmem>>
        %swap3A_845 = arith.index_cast %add3A_749 : i32 to index
        %swap3A_846 = arith.constant 64 : index
        %swap3A_847 = tpu.vector_load %swap3A_844[%swap3A_845, %swap3A_846] {strides = array<i32>} : memref<128x128xf32, #tpu.memory_space<vmem>>, vector<1x16xf32>,
        %swap3A_848 = vector.shape_cast %swap3A_847 : vector<1x16xf32> to vector<16xf32>
        %swap3A_849 = vector.shape_cast %mul3A_840 : vector<16xf32> to vector<1x16xf32>
        tpu.vector_store %swap3A_844[%swap3A_845, %swap3A_846], %swap3A_849 {strides = array<i32>} : memref<128x128xf32, #tpu.memory_space<vmem>>, vector<1x16xf32>,
        %get3A_850 = arith.constant 0 : i32
        %get3A_851 = arith.constant 0 : i32
        %get3A_852 = tpu.memref_slice %arg6[%scan3A_150, %get3A_850, %get3A_851] : memref<5x128x128xf32, #tpu.memory_space<vmem>> -> memref<1x128x128xf32, #tpu.memory_space<vmem>>
        %get3A_853 = tpu.memref_squeeze %get3A_852 : memref<1x128x128xf32, #tpu.memory_space<vmem>> -> memref<128x128xf32, #tpu.memory_space<vmem>>
        %get3A_854 = arith.index_cast %add3A_749 : i32 to index
        %get3A_855 = arith.constant 80 : index
        %get3A_856 = tpu.vector_load %get3A_853[%get3A_854, %get3A_855] {strides = array<i32>} : memref<128x128xf32, #tpu.memory_space<vmem>>, vector<1x16xf32>,
        %get3A_857 = vector.shape_cast %get3A_856 : vector<1x16xf32> to vector<16xf32>
        %mul3A_858 = arith.constant 11.3137083 : f32
        %mul3A_859 = vector.broadcast %mul3A_858 : f32 to vector<16xf32>
        %mul3A_860 = arith.mulf %get3A_857, %mul3A_859 : vector<16xf32>
        %swap3A_861 = arith.constant 0 : i32
        %swap3A_862 = arith.constant 0 : i32
        %swap3A_863 = tpu.memref_slice %arg6[%scan3A_150, %swap3A_861, %swap3A_862] : memref<5x128x128xf32, #tpu.memory_space<vmem>> -> memref<1x128x128xf32, #tpu.memory_space<vmem>>
        %swap3A_864 = tpu.memref_squeeze %swap3A_863 : memref<1x128x128xf32, #tpu.memory_space<vmem>> -> memref<128x128xf32, #tpu.memory_space<vmem>>
        %swap3A_865 = arith.index_cast %add3A_749 : i32 to index
        %swap3A_866 = arith.constant 80 : index
        %swap3A_867 = tpu.vector_load %swap3A_864[%swap3A_865, %swap3A_866] {strides = array<i32>} : memref<128x128xf32, #tpu.memory_space<vmem>>, vector<1x16xf32>,
        %swap3A_868 = vector.shape_cast %swap3A_867 : vector<1x16xf32> to vector<16xf32>
        %swap3A_869 = vector.shape_cast %mul3A_860 : vector<16xf32> to vector<1x16xf32>
        tpu.vector_store %swap3A_864[%swap3A_865, %swap3A_866], %swap3A_869 {strides = array<i32>} : memref<128x128xf32, #tpu.memory_space<vmem>>, vector<1x16xf32>,
        %get3A_870 = arith.constant 0 : i32
        %get3A_871 = arith.constant 0 : i32
        %get3A_872 = tpu.memref_slice %arg6[%scan3A_150, %get3A_870, %get3A_871] : memref<5x128x128xf32, #tpu.memory_space<vmem>> -> memref<1x128x128xf32, #tpu.memory_space<vmem>>
        %get3A_873 = tpu.memref_squeeze %get3A_872 : memref<1x128x128xf32, #tpu.memory_space<vmem>> -> memref<128x128xf32, #tpu.memory_space<vmem>>
        %get3A_874 = arith.index_cast %add3A_749 : i32 to index
        %get3A_875 = arith.constant 96 : index
        %get3A_876 = tpu.vector_load %get3A_873[%get3A_874, %get3A_875] {strides = array<i32>} : memref<128x128xf32, #tpu.memory_space<vmem>>, vector<1x16xf32>,
        %get3A_877 = vector.shape_cast %get3A_876 : vector<1x16xf32> to vector<16xf32>
        %mul3A_878 = arith.constant 11.3137083 : f32
        %mul3A_879 = vector.broadcast %mul3A_878 : f32 to vector<16xf32>
        %mul3A_880 = arith.mulf %get3A_877, %mul3A_879 : vector<16xf32>
        %swap3A_881 = arith.constant 0 : i32
        %swap3A_882 = arith.constant 0 : i32
        %swap3A_883 = tpu.memref_slice %arg6[%scan3A_150, %swap3A_881, %swap3A_882] : memref<5x128x128xf32, #tpu.memory_space<vmem>> -> memref<1x128x128xf32, #tpu.memory_space<vmem>>
        %swap3A_884 = tpu.memref_squeeze %swap3A_883 : memref<1x128x128xf32, #tpu.memory_space<vmem>> -> memref<128x128xf32, #tpu.memory_space<vmem>>
        %swap3A_885 = arith.index_cast %add3A_749 : i32 to index
        %swap3A_886 = arith.constant 96 : index
        %swap3A_887 = tpu.vector_load %swap3A_884[%swap3A_885, %swap3A_886] {strides = array<i32>} : memref<128x128xf32, #tpu.memory_space<vmem>>, vector<1x16xf32>,
        %swap3A_888 = vector.shape_cast %swap3A_887 : vector<1x16xf32> to vector<16xf32>
        %swap3A_889 = vector.shape_cast %mul3A_880 : vector<16xf32> to vector<1x16xf32>
        tpu.vector_store %swap3A_884[%swap3A_885, %swap3A_886], %swap3A_889 {strides = array<i32>} : memref<128x128xf32, #tpu.memory_space<vmem>>, vector<1x16xf32>,
        %get3A_890 = arith.constant 0 : i32
        %get3A_891 = arith.constant 0 : i32
        %get3A_892 = tpu.memref_slice %arg6[%scan3A_150, %get3A_890, %get3A_891] : memref<5x128x128xf32, #tpu.memory_space<vmem>> -> memref<1x128x128xf32, #tpu.memory_space<vmem>>
        %get3A_893 = tpu.memref_squeeze %get3A_892 : memref<1x128x128xf32, #tpu.memory_space<vmem>> -> memref<128x128xf32, #tpu.memory_space<vmem>>
        %get3A_894 = arith.index_cast %add3A_749 : i32 to index
        %get3A_895 = arith.constant 112 : index
        %get3A_896 = tpu.vector_load %get3A_893[%get3A_894, %get3A_895] {strides = array<i32>} : memref<128x128xf32, #tpu.memory_space<vmem>>, vector<1x16xf32>,
        %get3A_897 = vector.shape_cast %get3A_896 : vector<1x16xf32> to vector<16xf32>
        %mul3A_898 = arith.constant 11.3137083 : f32
        %mul3A_899 = vector.broadcast %mul3A_898 : f32 to vector<16xf32>
        %mul3A_900 = arith.mulf %get3A_897, %mul3A_899 : vector<16xf32>
        %swap3A_901 = arith.constant 0 : i32
        %swap3A_902 = arith.constant 0 : i32
        %swap3A_903 = tpu.memref_slice %arg6[%scan3A_150, %swap3A_901, %swap3A_902] : memref<5x128x128xf32, #tpu.memory_space<vmem>> -> memref<1x128x128xf32, #tpu.memory_space<vmem>>
        %swap3A_904 = tpu.memref_squeeze %swap3A_903 : memref<1x128x128xf32, #tpu.memory_space<vmem>> -> memref<128x128xf32, #tpu.memory_space<vmem>>
        %swap3A_905 = arith.index_cast %add3A_749 : i32 to index
        %swap3A_906 = arith.constant 112 : index
        %swap3A_907 = tpu.vector_load %swap3A_904[%swap3A_905, %swap3A_906] {strides = array<i32>} : memref<128x128xf32, #tpu.memory_space<vmem>>, vector<1x16xf32>,
        %swap3A_908 = vector.shape_cast %swap3A_907 : vector<1x16xf32> to vector<16xf32>
        %swap3A_909 = vector.shape_cast %mul3A_900 : vector<16xf32> to vector<1x16xf32>
        tpu.vector_store %swap3A_904[%swap3A_905, %swap3A_906], %swap3A_909 {strides = array<i32>} : memref<128x128xf32, #tpu.memory_space<vmem>>, vector<1x16xf32>,
        %scan3A_910 = arith.constant 3 : i32
        %scan3A_911 = arith.addi %scan3A_415, %scan3A_910 : i32
        %mul3A_912 = arith.constant 1 : i32
        %mul3A_913 = arith.muli %scan3A_911, %mul3A_912 : i32
        %add3A_914 = arith.constant 0 : i32
        %add3A_915 = arith.addi %add3A_914, %mul3A_913 : i32
        %get3A_916 = arith.constant 0 : i32
        %get3A_917 = arith.constant 0 : i32
        %get3A_918 = tpu.memref_slice %arg6[%scan3A_150, %get3A_916, %get3A_917] : memref<5x128x128xf32, #tpu.memory_space<vmem>> -> memref<1x128x128xf32, #tpu.memory_space<vmem>>
        %get3A_919 = tpu.memref_squeeze %get3A_918 : memref<1x128x128xf32, #tpu.memory_space<vmem>> -> memref<128x128xf32, #tpu.memory_space<vmem>>
        %get3A_920 = arith.index_cast %add3A_915 : i32 to index
        %get3A_921 = arith.constant 0 : index
        %get3A_922 = tpu.vector_load %get3A_919[%get3A_920, %get3A_921] {strides = array<i32>} : memref<128x128xf32, #tpu.memory_space<vmem>>, vector<1x16xf32>,
        %get3A_923 = vector.shape_cast %get3A_922 : vector<1x16xf32> to vector<16xf32>
        %mul3A_924 = arith.constant 11.3137083 : f32
        %mul3A_925 = vector.broadcast %mul3A_924 : f32 to vector<16xf32>
        %mul3A_926 = arith.mulf %get3A_923, %mul3A_925 : vector<16xf32>
        %swap3A_927 = arith.constant 0 : i32
        %swap3A_928 = arith.constant 0 : i32
        %swap3A_929 = tpu.memref_slice %arg6[%scan3A_150, %swap3A_927, %swap3A_928] : memref<5x128x128xf32, #tpu.memory_space<vmem>> -> memref<1x128x128xf32, #tpu.memory_space<vmem>>
        %swap3A_930 = tpu.memref_squeeze %swap3A_929 : memref<1x128x128xf32, #tpu.memory_space<vmem>> -> memref<128x128xf32, #tpu.memory_space<vmem>>
        %swap3A_931 = arith.index_cast %add3A_915 : i32 to index
        %swap3A_932 = arith.constant 0 : index
        %swap3A_933 = tpu.vector_load %swap3A_930[%swap3A_931, %swap3A_932] {strides = array<i32>} : memref<128x128xf32, #tpu.memory_space<vmem>>, vector<1x16xf32>,
        %swap3A_934 = vector.shape_cast %swap3A_933 : vector<1x16xf32> to vector<16xf32>
        %swap3A_935 = vector.shape_cast %mul3A_926 : vector<16xf32> to vector<1x16xf32>
        tpu.vector_store %swap3A_930[%swap3A_931, %swap3A_932], %swap3A_935 {strides = array<i32>} : memref<128x128xf32, #tpu.memory_space<vmem>>, vector<1x16xf32>,
        %get3A_936 = arith.constant 0 : i32
        %get3A_937 = arith.constant 0 : i32
        %get3A_938 = tpu.memref_slice %arg6[%scan3A_150, %get3A_936, %get3A_937] : memref<5x128x128xf32, #tpu.memory_space<vmem>> -> memref<1x128x128xf32, #tpu.memory_space<vmem>>
        %get3A_939 = tpu.memref_squeeze %get3A_938 : memref<1x128x128xf32, #tpu.memory_space<vmem>> -> memref<128x128xf32, #tpu.memory_space<vmem>>
        %get3A_940 = arith.index_cast %add3A_915 : i32 to index
        %get3A_941 = arith.constant 16 : index
        %get3A_942 = tpu.vector_load %get3A_939[%get3A_940, %get3A_941] {strides = array<i32>} : memref<128x128xf32, #tpu.memory_space<vmem>>, vector<1x16xf32>,
        %get3A_943 = vector.shape_cast %get3A_942 : vector<1x16xf32> to vector<16xf32>
        %mul3A_944 = arith.constant 11.3137083 : f32
        %mul3A_945 = vector.broadcast %mul3A_944 : f32 to vector<16xf32>
        %mul3A_946 = arith.mulf %get3A_943, %mul3A_945 : vector<16xf32>
        %swap3A_947 = arith.constant 0 : i32
        %swap3A_948 = arith.constant 0 : i32
        %swap3A_949 = tpu.memref_slice %arg6[%scan3A_150, %swap3A_947, %swap3A_948] : memref<5x128x128xf32, #tpu.memory_space<vmem>> -> memref<1x128x128xf32, #tpu.memory_space<vmem>>
        %swap3A_950 = tpu.memref_squeeze %swap3A_949 : memref<1x128x128xf32, #tpu.memory_space<vmem>> -> memref<128x128xf32, #tpu.memory_space<vmem>>
        %swap3A_951 = arith.index_cast %add3A_915 : i32 to index
        %swap3A_952 = arith.constant 16 : index
        %swap3A_953 = tpu.vector_load %swap3A_950[%swap3A_951, %swap3A_952] {strides = array<i32>} : memref<128x128xf32, #tpu.memory_space<vmem>>, vector<1x16xf32>,
        %swap3A_954 = vector.shape_cast %swap3A_953 : vector<1x16xf32> to vector<16xf32>
        %swap3A_955 = vector.shape_cast %mul3A_946 : vector<16xf32> to vector<1x16xf32>
        tpu.vector_store %swap3A_950[%swap3A_951, %swap3A_952], %swap3A_955 {strides = array<i32>} : memref<128x128xf32, #tpu.memory_space<vmem>>, vector<1x16xf32>,
        %get3A_956 = arith.constant 0 : i32
        %get3A_957 = arith.constant 0 : i32
        %get3A_958 = tpu.memref_slice %arg6[%scan3A_150, %get3A_956, %get3A_957] : memref<5x128x128xf32, #tpu.memory_space<vmem>> -> memref<1x128x128xf32, #tpu.memory_space<vmem>>
        %get3A_959 = tpu.memref_squeeze %get3A_958 : memref<1x128x128xf32, #tpu.memory_space<vmem>> -> memref<128x128xf32, #tpu.memory_space<vmem>>
        %get3A_960 = arith.index_cast %add3A_915 : i32 to index
        %get3A_961 = arith.constant 32 : index
        %get3A_962 = tpu.vector_load %get3A_959[%get3A_960, %get3A_961] {strides = array<i32>} : memref<128x128xf32, #tpu.memory_space<vmem>>, vector<1x16xf32>,
        %get3A_963 = vector.shape_cast %get3A_962 : vector<1x16xf32> to vector<16xf32>
        %mul3A_964 = arith.constant 11.3137083 : f32
        %mul3A_965 = vector.broadcast %mul3A_964 : f32 to vector<16xf32>
        %mul3A_966 = arith.mulf %get3A_963, %mul3A_965 : vector<16xf32>
        %swap3A_967 = arith.constant 0 : i32
        %swap3A_968 = arith.constant 0 : i32
        %swap3A_969 = tpu.memref_slice %arg6[%scan3A_150, %swap3A_967, %swap3A_968] : memref<5x128x128xf32, #tpu.memory_space<vmem>> -> memref<1x128x128xf32, #tpu.memory_space<vmem>>
        %swap3A_970 = tpu.memref_squeeze %swap3A_969 : memref<1x128x128xf32, #tpu.memory_space<vmem>> -> memref<128x128xf32, #tpu.memory_space<vmem>>
        %swap3A_971 = arith.index_cast %add3A_915 : i32 to index
        %swap3A_972 = arith.constant 32 : index
        %swap3A_973 = tpu.vector_load %swap3A_970[%swap3A_971, %swap3A_972] {strides = array<i32>} : memref<128x128xf32, #tpu.memory_space<vmem>>, vector<1x16xf32>,
        %swap3A_974 = vector.shape_cast %swap3A_973 : vector<1x16xf32> to vector<16xf32>
        %swap3A_975 = vector.shape_cast %mul3A_966 : vector<16xf32> to vector<1x16xf32>
        tpu.vector_store %swap3A_970[%swap3A_971, %swap3A_972], %swap3A_975 {strides = array<i32>} : memref<128x128xf32, #tpu.memory_space<vmem>>, vector<1x16xf32>,
        %get3A_976 = arith.constant 0 : i32
        %get3A_977 = arith.constant 0 : i32
        %get3A_978 = tpu.memref_slice %arg6[%scan3A_150, %get3A_976, %get3A_977] : memref<5x128x128xf32, #tpu.memory_space<vmem>> -> memref<1x128x128xf32, #tpu.memory_space<vmem>>
        %get3A_979 = tpu.memref_squeeze %get3A_978 : memref<1x128x128xf32, #tpu.memory_space<vmem>> -> memref<128x128xf32, #tpu.memory_space<vmem>>
        %get3A_980 = arith.index_cast %add3A_915 : i32 to index
        %get3A_981 = arith.constant 48 : index
        %get3A_982 = tpu.vector_load %get3A_979[%get3A_980, %get3A_981] {strides = array<i32>} : memref<128x128xf32, #tpu.memory_space<vmem>>, vector<1x16xf32>,
        %get3A_983 = vector.shape_cast %get3A_982 : vector<1x16xf32> to vector<16xf32>
        %mul3A_984 = arith.constant 11.3137083 : f32
        %mul3A_985 = vector.broadcast %mul3A_984 : f32 to vector<16xf32>
        %mul3A_986 = arith.mulf %get3A_983, %mul3A_985 : vector<16xf32>
        %swap3A_987 = arith.constant 0 : i32
        %swap3A_988 = arith.constant 0 : i32
        %swap3A_989 = tpu.memref_slice %arg6[%scan3A_150, %swap3A_987, %swap3A_988] : memref<5x128x128xf32, #tpu.memory_space<vmem>> -> memref<1x128x128xf32, #tpu.memory_space<vmem>>
        %swap3A_990 = tpu.memref_squeeze %swap3A_989 : memref<1x128x128xf32, #tpu.memory_space<vmem>> -> memref<128x128xf32, #tpu.memory_space<vmem>>
        %swap3A_991 = arith.index_cast %add3A_915 : i32 to index
        %swap3A_992 = arith.constant 48 : index
        %swap3A_993 = tpu.vector_load %swap3A_990[%swap3A_991, %swap3A_992] {strides = array<i32>} : memref<128x128xf32, #tpu.memory_space<vmem>>, vector<1x16xf32>,
        %swap3A_994 = vector.shape_cast %swap3A_993 : vector<1x16xf32> to vector<16xf32>
        %swap3A_995 = vector.shape_cast %mul3A_986 : vector<16xf32> to vector<1x16xf32>
        tpu.vector_store %swap3A_990[%swap3A_991, %swap3A_992], %swap3A_995 {strides = array<i32>} : memref<128x128xf32, #tpu.memory_space<vmem>>, vector<1x16xf32>,
        %get3A_996 = arith.constant 0 : i32
        %get3A_997 = arith.constant 0 : i32
        %get3A_998 = tpu.memref_slice %arg6[%scan3A_150, %get3A_996, %get3A_997] : memref<5x128x128xf32, #tpu.memory_space<vmem>> -> memref<1x128x128xf32, #tpu.memory_space<vmem>>
        %get3A_999 = tpu.memref_squeeze %get3A_998 : memref<1x128x128xf32, #tpu.memory_space<vmem>> -> memref<128x128xf32, #tpu.memory_space<vmem>>
        %get3A_1000 = arith.index_cast %add3A_915 : i32 to index
        %get3A_1001 = arith.constant 64 : index
        %get3A_1002 = tpu.vector_load %get3A_999[%get3A_1000, %get3A_1001] {strides = array<i32>} : memref<128x128xf32, #tpu.memory_space<vmem>>, vector<1x16xf32>,
        %get3A_1003 = vector.shape_cast %get3A_1002 : vector<1x16xf32> to vector<16xf32>
        %mul3A_1004 = arith.constant 11.3137083 : f32
        %mul3A_1005 = vector.broadcast %mul3A_1004 : f32 to vector<16xf32>
        %mul3A_1006 = arith.mulf %get3A_1003, %mul3A_1005 : vector<16xf32>
        %swap3A_1007 = arith.constant 0 : i32
        %swap3A_1008 = arith.constant 0 : i32
        %swap3A_1009 = tpu.memref_slice %arg6[%scan3A_150, %swap3A_1007, %swap3A_1008] : memref<5x128x128xf32, #tpu.memory_space<vmem>> -> memref<1x128x128xf32, #tpu.memory_space<vmem>>
        %swap3A_1010 = tpu.memref_squeeze %swap3A_1009 : memref<1x128x128xf32, #tpu.memory_space<vmem>> -> memref<128x128xf32, #tpu.memory_space<vmem>>
        %swap3A_1011 = arith.index_cast %add3A_915 : i32 to index
        %swap3A_1012 = arith.constant 64 : index
        %swap3A_1013 = tpu.vector_load %swap3A_1010[%swap3A_1011, %swap3A_1012] {strides = array<i32>} : memref<128x128xf32, #tpu.memory_space<vmem>>, vector<1x16xf32>,
        %swap3A_1014 = vector.shape_cast %swap3A_1013 : vector<1x16xf32> to vector<16xf32>
        %swap3A_1015 = vector.shape_cast %mul3A_1006 : vector<16xf32> to vector<1x16xf32>
        tpu.vector_store %swap3A_1010[%swap3A_1011, %swap3A_1012], %swap3A_1015 {strides = array<i32>} : memref<128x128xf32, #tpu.memory_space<vmem>>, vector<1x16xf32>,
        %get3A_1016 = arith.constant 0 : i32
        %get3A_1017 = arith.constant 0 : i32
        %get3A_1018 = tpu.memref_slice %arg6[%scan3A_150, %get3A_1016, %get3A_1017] : memref<5x128x128xf32, #tpu.memory_space<vmem>> -> memref<1x128x128xf32, #tpu.memory_space<vmem>>
        %get3A_1019 = tpu.memref_squeeze %get3A_1018 : memref<1x128x128xf32, #tpu.memory_space<vmem>> -> memref<128x128xf32, #tpu.memory_space<vmem>>
        %get3A_1020 = arith.index_cast %add3A_915 : i32 to index
        %get3A_1021 = arith.constant 80 : index
        %get3A_1022 = tpu.vector_load %get3A_1019[%get3A_1020, %get3A_1021] {strides = array<i32>} : memref<128x128xf32, #tpu.memory_space<vmem>>, vector<1x16xf32>,
        %get3A_1023 = vector.shape_cast %get3A_1022 : vector<1x16xf32> to vector<16xf32>
        %mul3A_1024 = arith.constant 11.3137083 : f32
        %mul3A_1025 = vector.broadcast %mul3A_1024 : f32 to vector<16xf32>
        %mul3A_1026 = arith.mulf %get3A_1023, %mul3A_1025 : vector<16xf32>
        %swap3A_1027 = arith.constant 0 : i32
        %swap3A_1028 = arith.constant 0 : i32
        %swap3A_1029 = tpu.memref_slice %arg6[%scan3A_150, %swap3A_1027, %swap3A_1028] : memref<5x128x128xf32, #tpu.memory_space<vmem>> -> memref<1x128x128xf32, #tpu.memory_space<vmem>>
        %swap3A_1030 = tpu.memref_squeeze %swap3A_1029 : memref<1x128x128xf32, #tpu.memory_space<vmem>> -> memref<128x128xf32, #tpu.memory_space<vmem>>
        %swap3A_1031 = arith.index_cast %add3A_915 : i32 to index
        %swap3A_1032 = arith.constant 80 : index
        %swap3A_1033 = tpu.vector_load %swap3A_1030[%swap3A_1031, %swap3A_1032] {strides = array<i32>} : memref<128x128xf32, #tpu.memory_space<vmem>>, vector<1x16xf32>,
        %swap3A_1034 = vector.shape_cast %swap3A_1033 : vector<1x16xf32> to vector<16xf32>
        %swap3A_1035 = vector.shape_cast %mul3A_1026 : vector<16xf32> to vector<1x16xf32>
        tpu.vector_store %swap3A_1030[%swap3A_1031, %swap3A_1032], %swap3A_1035 {strides = array<i32>} : memref<128x128xf32, #tpu.memory_space<vmem>>, vector<1x16xf32>,
        %get3A_1036 = arith.constant 0 : i32
        %get3A_1037 = arith.constant 0 : i32
        %get3A_1038 = tpu.memref_slice %arg6[%scan3A_150, %get3A_1036, %get3A_1037] : memref<5x128x128xf32, #tpu.memory_space<vmem>> -> memref<1x128x128xf32, #tpu.memory_space<vmem>>
        %get3A_1039 = tpu.memref_squeeze %get3A_1038 : memref<1x128x128xf32, #tpu.memory_space<vmem>> -> memref<128x128xf32, #tpu.memory_space<vmem>>
        %get3A_1040 = arith.index_cast %add3A_915 : i32 to index
        %get3A_1041 = arith.constant 96 : index
        %get3A_1042 = tpu.vector_load %get3A_1039[%get3A_1040, %get3A_1041] {strides = array<i32>} : memref<128x128xf32, #tpu.memory_space<vmem>>, vector<1x16xf32>,
        %get3A_1043 = vector.shape_cast %get3A_1042 : vector<1x16xf32> to vector<16xf32>
        %mul3A_1044 = arith.constant 11.3137083 : f32
        %mul3A_1045 = vector.broadcast %mul3A_1044 : f32 to vector<16xf32>
        %mul3A_1046 = arith.mulf %get3A_1043, %mul3A_1045 : vector<16xf32>
        %swap3A_1047 = arith.constant 0 : i32
        %swap3A_1048 = arith.constant 0 : i32
        %swap3A_1049 = tpu.memref_slice %arg6[%scan3A_150, %swap3A_1047, %swap3A_1048] : memref<5x128x128xf32, #tpu.memory_space<vmem>> -> memref<1x128x128xf32, #tpu.memory_space<vmem>>
        %swap3A_1050 = tpu.memref_squeeze %swap3A_1049 : memref<1x128x128xf32, #tpu.memory_space<vmem>> -> memref<128x128xf32, #tpu.memory_space<vmem>>
        %swap3A_1051 = arith.index_cast %add3A_915 : i32 to index
        %swap3A_1052 = arith.constant 96 : index
        %swap3A_1053 = tpu.vector_load %swap3A_1050[%swap3A_1051, %swap3A_1052] {strides = array<i32>} : memref<128x128xf32, #tpu.memory_space<vmem>>, vector<1x16xf32>,
        %swap3A_1054 = vector.shape_cast %swap3A_1053 : vector<1x16xf32> to vector<16xf32>
        %swap3A_1055 = vector.shape_cast %mul3A_1046 : vector<16xf32> to vector<1x16xf32>
        tpu.vector_store %swap3A_1050[%swap3A_1051, %swap3A_1052], %swap3A_1055 {strides = array<i32>} : memref<128x128xf32, #tpu.memory_space<vmem>>, vector<1x16xf32>,
        %get3A_1056 = arith.constant 0 : i32
        %get3A_1057 = arith.constant 0 : i32
        %get3A_1058 = tpu.memref_slice %arg6[%scan3A_150, %get3A_1056, %get3A_1057] : memref<5x128x128xf32, #tpu.memory_space<vmem>> -> memref<1x128x128xf32, #tpu.memory_space<vmem>>
        %get3A_1059 = tpu.memref_squeeze %get3A_1058 : memref<1x128x128xf32, #tpu.memory_space<vmem>> -> memref<128x128xf32, #tpu.memory_space<vmem>>
        %get3A_1060 = arith.index_cast %add3A_915 : i32 to index
        %get3A_1061 = arith.constant 112 : index
        %get3A_1062 = tpu.vector_load %get3A_1059[%get3A_1060, %get3A_1061] {strides = array<i32>} : memref<128x128xf32, #tpu.memory_space<vmem>>, vector<1x16xf32>,
        %get3A_1063 = vector.shape_cast %get3A_1062 : vector<1x16xf32> to vector<16xf32>
        %mul3A_1064 = arith.constant 11.3137083 : f32
        %mul3A_1065 = vector.broadcast %mul3A_1064 : f32 to vector<16xf32>
        %mul3A_1066 = arith.mulf %get3A_1063, %mul3A_1065 : vector<16xf32>
        %swap3A_1067 = arith.constant 0 : i32
        %swap3A_1068 = arith.constant 0 : i32
        %swap3A_1069 = tpu.memref_slice %arg6[%scan3A_150, %swap3A_1067, %swap3A_1068] : memref<5x128x128xf32, #tpu.memory_space<vmem>> -> memref<1x128x128xf32, #tpu.memory_space<vmem>>
        %swap3A_1070 = tpu.memref_squeeze %swap3A_1069 : memref<1x128x128xf32, #tpu.memory_space<vmem>> -> memref<128x128xf32, #tpu.memory_space<vmem>>
        %swap3A_1071 = arith.index_cast %add3A_915 : i32 to index
        %swap3A_1072 = arith.constant 112 : index
        %swap3A_1073 = tpu.vector_load %swap3A_1070[%swap3A_1071, %swap3A_1072] {strides = array<i32>} : memref<128x128xf32, #tpu.memory_space<vmem>>, vector<1x16xf32>,
        %swap3A_1074 = vector.shape_cast %swap3A_1073 : vector<1x16xf32> to vector<16xf32>
        %swap3A_1075 = vector.shape_cast %mul3A_1066 : vector<16xf32> to vector<1x16xf32>
        tpu.vector_store %swap3A_1070[%swap3A_1071, %swap3A_1072], %swap3A_1075 {strides = array<i32>} : memref<128x128xf32, #tpu.memory_space<vmem>>, vector<1x16xf32>,
      }
      %scan3A_155 = arith.constant 128 : i32
      %mul3A_156 = arith.constant 128 : i32
      %mul3A_157 = arith.muli %add3A_121, %mul3A_156 : i32
      %add3A_158 = arith.addi %mul3A_2, %mul3A_157 : i32
      %dma_start3A_159 = arith.constant 0 : i32
      %dma_start3A_160 = arith.constant 0 : i32
      %dma_start3A_161 = arith.constant 0 : i32
      %dma_start3A_162 = arith.constant 0 : i32
      %dma_start3A_163 = tpu.memref_slice %arg6[%dma_start3A_159, %dma_start3A_161, %dma_start3A_162] : memref<5x128x128xf32, #tpu.memory_space<vmem>> -> memref<1x128x128xf32, #tpu.memory_space<vmem>>
      %dma_start3A_164 = tpu.memref_squeeze %dma_start3A_163 : memref<1x128x128xf32, #tpu.memory_space<vmem>> -> memref<128x128xf32, #tpu.memory_space<vmem>>
      %dma_start3A_165 = arith.constant 0 : i32
      %dma_start3A_166 = tpu.memref_slice %arg4[%add3A_158, %dma_start3A_165] : memref<204800x128xf32, #tpu.memory_space<hbm>> -> memref<128x128xf32, #tpu.memory_space<hbm>>
      %dma_start3A_167 = tpu.memref_slice %arg8[%dma_start3A_160] : memref<5x!tpu.dma_semaphore, #tpu.memory_space<semaphore_mem>> -> memref<1x!tpu.dma_semaphore, #tpu.memory_space<semaphore_mem>>
      %dma_start3A_168 = tpu.memref_squeeze %dma_start3A_167 : memref<1x!tpu.dma_semaphore, #tpu.memory_space<semaphore_mem>> -> memref<!tpu.dma_semaphore, #tpu.memory_space<semaphore_mem>>
      %dma_start3A_169 = arith.constant 0 : i32
      %dma_start3A_170 = tpu.memref_slice %arg4[%add3A_158, %dma_start3A_169] : memref<204800x128xf32, #tpu.memory_space<hbm>> -> memref<128x128xf32, #tpu.memory_space<hbm>>
      %dma_start3A_171 = arith.constant 0 : i32
      %dma_start3A_172 = arith.constant 0 : i32
      %dma_start3A_173 = tpu.memref_slice %arg6[%dma_start3A_159, %dma_start3A_171, %dma_start3A_172] : memref<5x128x128xf32, #tpu.memory_space<vmem>> -> memref<1x128x128xf32, #tpu.memory_space<vmem>>
      %dma_start3A_174 = tpu.memref_squeeze %dma_start3A_173 : memref<1x128x128xf32, #tpu.memory_space<vmem>> -> memref<128x128xf32, #tpu.memory_space<vmem>>
      tpu.enqueue_dma source(%dma_start3A_174 : memref<128x128xf32, #tpu.memory_space<vmem>>) target(%dma_start3A_170 : memref<128x128xf32, #tpu.memory_space<hbm>>) target_semaphore(%dma_start3A_168 : memref<!tpu.dma_semaphore, #tpu.memory_space<semaphore_mem>>)
      %add3A_175 = arith.constant 1 : i32
      %add3A_176 = arith.addi %add3A_119, %add3A_175 : i32
      %add3A_177 = arith.constant 2 : i32
      %add3A_178 = arith.addi %add3A_176, %add3A_177 : i32
      %lt3A_179 = arith.constant 50 : i32
      %lt3A_180 = arith.cmpi slt, %add3A_178, %lt3A_179 : i32
      %add3A_181 = arith.constant 2 : i32
      %add3A_182 = arith.addi %add3A_176, %add3A_181 : i32
      %ge3A_183 = arith.constant 5 : i32
      %ge3A_184 = arith.cmpi sge, %add3A_182, %ge3A_183 : i32
      %and3A_185 = arith.andi %lt3A_180, %ge3A_184 : i1
      %convert_element_type3A_186 = arith.extui %and3A_185 : i1 to i32
      %cond3A_187 = arith.constant 0 : i32
      %cond3A_188 = arith.cmpi ne, %convert_element_type3A_186, %cond3A_187 : i32
      scf.if %cond3A_188 {
        %dma_wait3A_415 = arith.constant 3 : i32
        %dma_wait3A_416 = arith.constant 3 : i32
        %dma_wait3A_417 = arith.constant 0 : i32
        %dma_wait3A_418 = arith.constant 0 : i32
        %dma_wait3A_419 = tpu.memref_slice %arg6[%dma_wait3A_415, %dma_wait3A_417, %dma_wait3A_418] : memref<5x128x128xf32, #tpu.memory_space<vmem>> -> memref<1x128x128xf32, #tpu.memory_space<vmem>>
        %dma_wait3A_420 = tpu.memref_squeeze %dma_wait3A_419 : memref<1x128x128xf32, #tpu.memory_space<vmem>> -> memref<128x128xf32, #tpu.memory_space<vmem>>
        %dma_wait3A_421 = arith.constant 0 : i32
        %dma_wait3A_422 = tpu.memref_slice %arg4[%mul3A_2, %dma_wait3A_421] : memref<204800x128xf32, #tpu.memory_space<hbm>> -> memref<128x128xf32, #tpu.memory_space<hbm>>
        %dma_wait3A_423 = tpu.memref_slice %arg8[%dma_wait3A_416] : memref<5x!tpu.dma_semaphore, #tpu.memory_space<semaphore_mem>> -> memref<1x!tpu.dma_semaphore, #tpu.memory_space<semaphore_mem>>
        %dma_wait3A_424 = tpu.memref_squeeze %dma_wait3A_423 : memref<1x!tpu.dma_semaphore, #tpu.memory_space<semaphore_mem>> -> memref<!tpu.dma_semaphore, #tpu.memory_space<semaphore_mem>>
        %dma_wait3A_425 = arith.constant 0 : i32
        %dma_wait3A_426 = tpu.memref_slice %arg4[%mul3A_2, %dma_wait3A_425] : memref<204800x128xf32, #tpu.memory_space<hbm>> -> memref<128x128xf32, #tpu.memory_space<hbm>>
        %dma_wait3A_427 = arith.constant 0 : i32
        %dma_wait3A_428 = arith.constant 0 : i32
        %dma_wait3A_429 = tpu.memref_slice %arg6[%dma_wait3A_415, %dma_wait3A_427, %dma_wait3A_428] : memref<5x128x128xf32, #tpu.memory_space<vmem>> -> memref<1x128x128xf32, #tpu.memory_space<vmem>>
        %dma_wait3A_430 = tpu.memref_squeeze %dma_wait3A_429 : memref<1x128x128xf32, #tpu.memory_space<vmem>> -> memref<128x128xf32, #tpu.memory_space<vmem>>
        tpu.wait_dma2 semaphore(%dma_wait3A_424 : memref<!tpu.dma_semaphore, #tpu.memory_space<semaphore_mem>>) src(%dma_wait3A_430 : memref<128x128xf32, #tpu.memory_space<vmem>>) dst(%dma_wait3A_426 : memref<128x128xf32, #tpu.memory_space<hbm>>)
      } else {
      }
      %convert_element_type3A_189 = arith.extui %lt3A_180 : i1 to i32
      %cond3A_190 = arith.constant 0 : i32
      %cond3A_191 = arith.cmpi ne, %convert_element_type3A_189, %cond3A_190 : i32
      scf.if %cond3A_191 {
        %add3A_415 = arith.constant 2 : i32
        %add3A_416 = arith.addi %add3A_176, %add3A_415 : i32
        %dma_start3A_417 = arith.constant 3 : i32
        %dma_start3A_418 = arith.constant 3 : i32
        %dma_start3A_419 = arith.constant 0 : i32
        %dma_start3A_420 = arith.constant 0 : i32
        %dma_start3A_421 = tpu.memref_slice %arg6[%dma_start3A_417, %dma_start3A_419, %dma_start3A_420] : memref<5x128x128xf32, #tpu.memory_space<vmem>> -> memref<1x128x128xf32, #tpu.memory_space<vmem>>
        %dma_start3A_422 = tpu.memref_squeeze %dma_start3A_421 : memref<1x128x128xf32, #tpu.memory_space<vmem>> -> memref<128x128xf32, #tpu.memory_space<vmem>>
        %dma_start3A_423 = arith.constant 0 : i32
        %dma_start3A_424 = tpu.memref_slice %arg5[%add3A_416, %dma_start3A_423] : memref<50x128xi32, #tpu.memory_space<vmem>> -> memref<1x128xi32, #tpu.memory_space<vmem>>
        %dma_start3A_425 = tpu.memref_squeeze %dma_start3A_424 : memref<1x128xi32, #tpu.memory_space<vmem>> -> memref<128xi32, #tpu.memory_space<vmem>>
        %dma_start3A_426 = arith.constant 0 : i32
        %dma_start3A_427 = arith.constant 0 : i32
        %dma_start3A_428 = tpu.memref_slice %arg3[%dma_start3A_426, %dma_start3A_427] : memref<100000x128xf32, #tpu.memory_space<hbm>> -> memref<100000x128xf32, #tpu.memory_space<hbm>>
        %dma_start3A_429 = tpu.memref_slice %arg7[%dma_start3A_418] : memref<5x!tpu.dma_semaphore, #tpu.memory_space<semaphore_mem>> -> memref<1x!tpu.dma_semaphore, #tpu.memory_space<semaphore_mem>>
        %dma_start3A_430 = tpu.memref_squeeze %dma_start3A_429 : memref<1x!tpu.dma_semaphore, #tpu.memory_space<semaphore_mem>> -> memref<!tpu.dma_semaphore, #tpu.memory_space<semaphore_mem>>
        tpu.enqueue_indirect_dma source(%dma_start3A_428 : memref<100000x128xf32, #tpu.memory_space<hbm>>) target(%dma_start3A_422 : memref<128x128xf32, #tpu.memory_space<vmem>>) offsets(%dma_start3A_425 : memref<128xi32, #tpu.memory_space<vmem>>) semaphore(%dma_start3A_430 : memref<!tpu.dma_semaphore, #tpu.memory_space<semaphore_mem>>)
      } else {
      }
      %dma_wait3A_192 = arith.constant 1 : i32
      %dma_wait3A_193 = arith.constant 1 : i32
      %dma_wait3A_194 = arith.constant 0 : i32
      %dma_wait3A_195 = arith.constant 0 : i32
      %dma_wait3A_196 = tpu.memref_slice %arg6[%dma_wait3A_192, %dma_wait3A_194, %dma_wait3A_195] : memref<5x128x128xf32, #tpu.memory_space<vmem>> -> memref<1x128x128xf32, #tpu.memory_space<vmem>>
      %dma_wait3A_197 = tpu.memref_squeeze %dma_wait3A_196 : memref<1x128x128xf32, #tpu.memory_space<vmem>> -> memref<128x128xf32, #tpu.memory_space<vmem>>
      %dma_wait3A_198 = arith.constant 0 : i32
      %dma_wait3A_199 = arith.constant 0 : i32
      %dma_wait3A_200 = tpu.memref_slice %arg3[%dma_wait3A_198, %dma_wait3A_199] : memref<100000x128xf32, #tpu.memory_space<hbm>> -> memref<128x128xf32, #tpu.memory_space<hbm>>
      %dma_wait3A_201 = tpu.memref_slice %arg7[%dma_wait3A_193] : memref<5x!tpu.dma_semaphore, #tpu.memory_space<semaphore_mem>> -> memref<1x!tpu.dma_semaphore, #tpu.memory_space<semaphore_mem>>
      %dma_wait3A_202 = tpu.memref_squeeze %dma_wait3A_201 : memref<1x!tpu.dma_semaphore, #tpu.memory_space<semaphore_mem>> -> memref<!tpu.dma_semaphore, #tpu.memory_space<semaphore_mem>>
      %dma_wait3A_203 = arith.constant 0 : i32
      %dma_wait3A_204 = arith.constant 0 : i32
      %dma_wait3A_205 = tpu.memref_slice %arg6[%dma_wait3A_192, %dma_wait3A_203, %dma_wait3A_204] : memref<5x128x128xf32, #tpu.memory_space<vmem>> -> memref<1x128x128xf32, #tpu.memory_space<vmem>>
      %dma_wait3A_206 = tpu.memref_squeeze %dma_wait3A_205 : memref<1x128x128xf32, #tpu.memory_space<vmem>> -> memref<128x128xf32, #tpu.memory_space<vmem>>
      %dma_wait3A_207 = arith.constant 0 : i32
      %dma_wait3A_208 = arith.constant 0 : i32
      %dma_wait3A_209 = tpu.memref_slice %arg3[%dma_wait3A_207, %dma_wait3A_208] : memref<100000x128xf32, #tpu.memory_space<hbm>> -> memref<128x128xf32, #tpu.memory_space<hbm>>
      tpu.wait_dma2 semaphore(%dma_wait3A_202 : memref<!tpu.dma_semaphore, #tpu.memory_space<semaphore_mem>>) src(%dma_wait3A_209 : memref<128x128xf32, #tpu.memory_space<hbm>>) dst(%dma_wait3A_206 : memref<128x128xf32, #tpu.memory_space<vmem>>)
      %scan3A_210 = arith.constant 1 : i32
      %scan3A_211 = arith.constant 0 : i32
      %scan3A_212 = arith.constant 128 : i32
      %scan3A_213 = arith.addi %scan3A_211, %scan3A_212 : i32
      %scan3A_214 = arith.constant 4 : i32
      scf.for %scan3A_415 = %scan3A_211 to %scan3A_213 step %scan3A_214  : i32 {
        %mul3A_416 = arith.constant 1 : i32
        %mul3A_417 = arith.muli %scan3A_415, %mul3A_416 : i32
        %add3A_418 = arith.constant 0 : i32
        %add3A_419 = arith.addi %add3A_418, %mul3A_417 : i32
        %get3A = arith.constant 0 : i32
        %get3A_420 = arith.constant 0 : i32
        %get3A_421 = tpu.memref_slice %arg6[%scan3A_210, %get3A, %get3A_420] : memref<5x128x128xf32, #tpu.memory_space<vmem>> -> memref<1x128x128xf32, #tpu.memory_space<vmem>>
        %get3A_422 = tpu.memref_squeeze %get3A_421 : memref<1x128x128xf32, #tpu.memory_space<vmem>> -> memref<128x128xf32, #tpu.memory_space<vmem>>
        %get3A_423 = arith.index_cast %add3A_419 : i32 to index
        %get3A_424 = arith.constant 0 : index
        %get3A_425 = tpu.vector_load %get3A_422[%get3A_423, %get3A_424] {strides = array<i32>} : memref<128x128xf32, #tpu.memory_space<vmem>>, vector<1x16xf32>,
        %get3A_426 = vector.shape_cast %get3A_425 : vector<1x16xf32> to vector<16xf32>
        %mul3A_427 = arith.constant 11.3137083 : f32
        %mul3A_428 = vector.broadcast %mul3A_427 : f32 to vector<16xf32>
        %mul3A_429 = arith.mulf %get3A_426, %mul3A_428 : vector<16xf32>
        %swap3A = arith.constant 0 : i32
        %swap3A_430 = arith.constant 0 : i32
        %swap3A_431 = tpu.memref_slice %arg6[%scan3A_210, %swap3A, %swap3A_430] : memref<5x128x128xf32, #tpu.memory_space<vmem>> -> memref<1x128x128xf32, #tpu.memory_space<vmem>>
        %swap3A_432 = tpu.memref_squeeze %swap3A_431 : memref<1x128x128xf32, #tpu.memory_space<vmem>> -> memref<128x128xf32, #tpu.memory_space<vmem>>
        %swap3A_433 = arith.index_cast %add3A_419 : i32 to index
        %swap3A_434 = arith.constant 0 : index
        %swap3A_435 = tpu.vector_load %swap3A_432[%swap3A_433, %swap3A_434] {strides = array<i32>} : memref<128x128xf32, #tpu.memory_space<vmem>>, vector<1x16xf32>,
        %swap3A_436 = vector.shape_cast %swap3A_435 : vector<1x16xf32> to vector<16xf32>
        %swap3A_437 = vector.shape_cast %mul3A_429 : vector<16xf32> to vector<1x16xf32>
        tpu.vector_store %swap3A_432[%swap3A_433, %swap3A_434], %swap3A_437 {strides = array<i32>} : memref<128x128xf32, #tpu.memory_space<vmem>>, vector<1x16xf32>,
        %get3A_438 = arith.constant 0 : i32
        %get3A_439 = arith.constant 0 : i32
        %get3A_440 = tpu.memref_slice %arg6[%scan3A_210, %get3A_438, %get3A_439] : memref<5x128x128xf32, #tpu.memory_space<vmem>> -> memref<1x128x128xf32, #tpu.memory_space<vmem>>
        %get3A_441 = tpu.memref_squeeze %get3A_440 : memref<1x128x128xf32, #tpu.memory_space<vmem>> -> memref<128x128xf32, #tpu.memory_space<vmem>>
        %get3A_442 = arith.index_cast %add3A_419 : i32 to index
        %get3A_443 = arith.constant 16 : index
        %get3A_444 = tpu.vector_load %get3A_441[%get3A_442, %get3A_443] {strides = array<i32>} : memref<128x128xf32, #tpu.memory_space<vmem>>, vector<1x16xf32>,
        %get3A_445 = vector.shape_cast %get3A_444 : vector<1x16xf32> to vector<16xf32>
        %mul3A_446 = arith.constant 11.3137083 : f32
        %mul3A_447 = vector.broadcast %mul3A_446 : f32 to vector<16xf32>
        %mul3A_448 = arith.mulf %get3A_445, %mul3A_447 : vector<16xf32>
        %swap3A_449 = arith.constant 0 : i32
        %swap3A_450 = arith.constant 0 : i32
        %swap3A_451 = tpu.memref_slice %arg6[%scan3A_210, %swap3A_449, %swap3A_450] : memref<5x128x128xf32, #tpu.memory_space<vmem>> -> memref<1x128x128xf32, #tpu.memory_space<vmem>>
        %swap3A_452 = tpu.memref_squeeze %swap3A_451 : memref<1x128x128xf32, #tpu.memory_space<vmem>> -> memref<128x128xf32, #tpu.memory_space<vmem>>
        %swap3A_453 = arith.index_cast %add3A_419 : i32 to index
        %swap3A_454 = arith.constant 16 : index
        %swap3A_455 = tpu.vector_load %swap3A_452[%swap3A_453, %swap3A_454] {strides = array<i32>} : memref<128x128xf32, #tpu.memory_space<vmem>>, vector<1x16xf32>,
        %swap3A_456 = vector.shape_cast %swap3A_455 : vector<1x16xf32> to vector<16xf32>
        %swap3A_457 = vector.shape_cast %mul3A_448 : vector<16xf32> to vector<1x16xf32>
        tpu.vector_store %swap3A_452[%swap3A_453, %swap3A_454], %swap3A_457 {strides = array<i32>} : memref<128x128xf32, #tpu.memory_space<vmem>>, vector<1x16xf32>,
        %get3A_458 = arith.constant 0 : i32
        %get3A_459 = arith.constant 0 : i32
        %get3A_460 = tpu.memref_slice %arg6[%scan3A_210, %get3A_458, %get3A_459] : memref<5x128x128xf32, #tpu.memory_space<vmem>> -> memref<1x128x128xf32, #tpu.memory_space<vmem>>
        %get3A_461 = tpu.memref_squeeze %get3A_460 : memref<1x128x128xf32, #tpu.memory_space<vmem>> -> memref<128x128xf32, #tpu.memory_space<vmem>>
        %get3A_462 = arith.index_cast %add3A_419 : i32 to index
        %get3A_463 = arith.constant 32 : index
        %get3A_464 = tpu.vector_load %get3A_461[%get3A_462, %get3A_463] {strides = array<i32>} : memref<128x128xf32, #tpu.memory_space<vmem>>, vector<1x16xf32>,
        %get3A_465 = vector.shape_cast %get3A_464 : vector<1x16xf32> to vector<16xf32>
        %mul3A_466 = arith.constant 11.3137083 : f32
        %mul3A_467 = vector.broadcast %mul3A_466 : f32 to vector<16xf32>
        %mul3A_468 = arith.mulf %get3A_465, %mul3A_467 : vector<16xf32>
        %swap3A_469 = arith.constant 0 : i32
        %swap3A_470 = arith.constant 0 : i32
        %swap3A_471 = tpu.memref_slice %arg6[%scan3A_210, %swap3A_469, %swap3A_470] : memref<5x128x128xf32, #tpu.memory_space<vmem>> -> memref<1x128x128xf32, #tpu.memory_space<vmem>>
        %swap3A_472 = tpu.memref_squeeze %swap3A_471 : memref<1x128x128xf32, #tpu.memory_space<vmem>> -> memref<128x128xf32, #tpu.memory_space<vmem>>
        %swap3A_473 = arith.index_cast %add3A_419 : i32 to index
        %swap3A_474 = arith.constant 32 : index
        %swap3A_475 = tpu.vector_load %swap3A_472[%swap3A_473, %swap3A_474] {strides = array<i32>} : memref<128x128xf32, #tpu.memory_space<vmem>>, vector<1x16xf32>,
        %swap3A_476 = vector.shape_cast %swap3A_475 : vector<1x16xf32> to vector<16xf32>
        %swap3A_477 = vector.shape_cast %mul3A_468 : vector<16xf32> to vector<1x16xf32>
        tpu.vector_store %swap3A_472[%swap3A_473, %swap3A_474], %swap3A_477 {strides = array<i32>} : memref<128x128xf32, #tpu.memory_space<vmem>>, vector<1x16xf32>,
        %get3A_478 = arith.constant 0 : i32
        %get3A_479 = arith.constant 0 : i32
        %get3A_480 = tpu.memref_slice %arg6[%scan3A_210, %get3A_478, %get3A_479] : memref<5x128x128xf32, #tpu.memory_space<vmem>> -> memref<1x128x128xf32, #tpu.memory_space<vmem>>
        %get3A_481 = tpu.memref_squeeze %get3A_480 : memref<1x128x128xf32, #tpu.memory_space<vmem>> -> memref<128x128xf32, #tpu.memory_space<vmem>>
        %get3A_482 = arith.index_cast %add3A_419 : i32 to index
        %get3A_483 = arith.constant 48 : index
        %get3A_484 = tpu.vector_load %get3A_481[%get3A_482, %get3A_483] {strides = array<i32>} : memref<128x128xf32, #tpu.memory_space<vmem>>, vector<1x16xf32>,
        %get3A_485 = vector.shape_cast %get3A_484 : vector<1x16xf32> to vector<16xf32>
        %mul3A_486 = arith.constant 11.3137083 : f32
        %mul3A_487 = vector.broadcast %mul3A_486 : f32 to vector<16xf32>
        %mul3A_488 = arith.mulf %get3A_485, %mul3A_487 : vector<16xf32>
        %swap3A_489 = arith.constant 0 : i32
        %swap3A_490 = arith.constant 0 : i32
        %swap3A_491 = tpu.memref_slice %arg6[%scan3A_210, %swap3A_489, %swap3A_490] : memref<5x128x128xf32, #tpu.memory_space<vmem>> -> memref<1x128x128xf32, #tpu.memory_space<vmem>>
        %swap3A_492 = tpu.memref_squeeze %swap3A_491 : memref<1x128x128xf32, #tpu.memory_space<vmem>> -> memref<128x128xf32, #tpu.memory_space<vmem>>
        %swap3A_493 = arith.index_cast %add3A_419 : i32 to index
        %swap3A_494 = arith.constant 48 : index
        %swap3A_495 = tpu.vector_load %swap3A_492[%swap3A_493, %swap3A_494] {strides = array<i32>} : memref<128x128xf32, #tpu.memory_space<vmem>>, vector<1x16xf32>,
        %swap3A_496 = vector.shape_cast %swap3A_495 : vector<1x16xf32> to vector<16xf32>
        %swap3A_497 = vector.shape_cast %mul3A_488 : vector<16xf32> to vector<1x16xf32>
        tpu.vector_store %swap3A_492[%swap3A_493, %swap3A_494], %swap3A_497 {strides = array<i32>} : memref<128x128xf32, #tpu.memory_space<vmem>>, vector<1x16xf32>,
        %get3A_498 = arith.constant 0 : i32
        %get3A_499 = arith.constant 0 : i32
        %get3A_500 = tpu.memref_slice %arg6[%scan3A_210, %get3A_498, %get3A_499] : memref<5x128x128xf32, #tpu.memory_space<vmem>> -> memref<1x128x128xf32, #tpu.memory_space<vmem>>
        %get3A_501 = tpu.memref_squeeze %get3A_500 : memref<1x128x128xf32, #tpu.memory_space<vmem>> -> memref<128x128xf32, #tpu.memory_space<vmem>>
        %get3A_502 = arith.index_cast %add3A_419 : i32 to index
        %get3A_503 = arith.constant 64 : index
        %get3A_504 = tpu.vector_load %get3A_501[%get3A_502, %get3A_503] {strides = array<i32>} : memref<128x128xf32, #tpu.memory_space<vmem>>, vector<1x16xf32>,
        %get3A_505 = vector.shape_cast %get3A_504 : vector<1x16xf32> to vector<16xf32>
        %mul3A_506 = arith.constant 11.3137083 : f32
        %mul3A_507 = vector.broadcast %mul3A_506 : f32 to vector<16xf32>
        %mul3A_508 = arith.mulf %get3A_505, %mul3A_507 : vector<16xf32>
        %swap3A_509 = arith.constant 0 : i32
        %swap3A_510 = arith.constant 0 : i32
        %swap3A_511 = tpu.memref_slice %arg6[%scan3A_210, %swap3A_509, %swap3A_510] : memref<5x128x128xf32, #tpu.memory_space<vmem>> -> memref<1x128x128xf32, #tpu.memory_space<vmem>>
        %swap3A_512 = tpu.memref_squeeze %swap3A_511 : memref<1x128x128xf32, #tpu.memory_space<vmem>> -> memref<128x128xf32, #tpu.memory_space<vmem>>
        %swap3A_513 = arith.index_cast %add3A_419 : i32 to index
        %swap3A_514 = arith.constant 64 : index
        %swap3A_515 = tpu.vector_load %swap3A_512[%swap3A_513, %swap3A_514] {strides = array<i32>} : memref<128x128xf32, #tpu.memory_space<vmem>>, vector<1x16xf32>,
        %swap3A_516 = vector.shape_cast %swap3A_515 : vector<1x16xf32> to vector<16xf32>
        %swap3A_517 = vector.shape_cast %mul3A_508 : vector<16xf32> to vector<1x16xf32>
        tpu.vector_store %swap3A_512[%swap3A_513, %swap3A_514], %swap3A_517 {strides = array<i32>} : memref<128x128xf32, #tpu.memory_space<vmem>>, vector<1x16xf32>,
        %get3A_518 = arith.constant 0 : i32
        %get3A_519 = arith.constant 0 : i32
        %get3A_520 = tpu.memref_slice %arg6[%scan3A_210, %get3A_518, %get3A_519] : memref<5x128x128xf32, #tpu.memory_space<vmem>> -> memref<1x128x128xf32, #tpu.memory_space<vmem>>
        %get3A_521 = tpu.memref_squeeze %get3A_520 : memref<1x128x128xf32, #tpu.memory_space<vmem>> -> memref<128x128xf32, #tpu.memory_space<vmem>>
        %get3A_522 = arith.index_cast %add3A_419 : i32 to index
        %get3A_523 = arith.constant 80 : index
        %get3A_524 = tpu.vector_load %get3A_521[%get3A_522, %get3A_523] {strides = array<i32>} : memref<128x128xf32, #tpu.memory_space<vmem>>, vector<1x16xf32>,
        %get3A_525 = vector.shape_cast %get3A_524 : vector<1x16xf32> to vector<16xf32>
        %mul3A_526 = arith.constant 11.3137083 : f32
        %mul3A_527 = vector.broadcast %mul3A_526 : f32 to vector<16xf32>
        %mul3A_528 = arith.mulf %get3A_525, %mul3A_527 : vector<16xf32>
        %swap3A_529 = arith.constant 0 : i32
        %swap3A_530 = arith.constant 0 : i32
        %swap3A_531 = tpu.memref_slice %arg6[%scan3A_210, %swap3A_529, %swap3A_530] : memref<5x128x128xf32, #tpu.memory_space<vmem>> -> memref<1x128x128xf32, #tpu.memory_space<vmem>>
        %swap3A_532 = tpu.memref_squeeze %swap3A_531 : memref<1x128x128xf32, #tpu.memory_space<vmem>> -> memref<128x128xf32, #tpu.memory_space<vmem>>
        %swap3A_533 = arith.index_cast %add3A_419 : i32 to index
        %swap3A_534 = arith.constant 80 : index
        %swap3A_535 = tpu.vector_load %swap3A_532[%swap3A_533, %swap3A_534] {strides = array<i32>} : memref<128x128xf32, #tpu.memory_space<vmem>>, vector<1x16xf32>,
        %swap3A_536 = vector.shape_cast %swap3A_535 : vector<1x16xf32> to vector<16xf32>
        %swap3A_537 = vector.shape_cast %mul3A_528 : vector<16xf32> to vector<1x16xf32>
        tpu.vector_store %swap3A_532[%swap3A_533, %swap3A_534], %swap3A_537 {strides = array<i32>} : memref<128x128xf32, #tpu.memory_space<vmem>>, vector<1x16xf32>,
        %get3A_538 = arith.constant 0 : i32
        %get3A_539 = arith.constant 0 : i32
        %get3A_540 = tpu.memref_slice %arg6[%scan3A_210, %get3A_538, %get3A_539] : memref<5x128x128xf32, #tpu.memory_space<vmem>> -> memref<1x128x128xf32, #tpu.memory_space<vmem>>
        %get3A_541 = tpu.memref_squeeze %get3A_540 : memref<1x128x128xf32, #tpu.memory_space<vmem>> -> memref<128x128xf32, #tpu.memory_space<vmem>>
        %get3A_542 = arith.index_cast %add3A_419 : i32 to index
        %get3A_543 = arith.constant 96 : index
        %get3A_544 = tpu.vector_load %get3A_541[%get3A_542, %get3A_543] {strides = array<i32>} : memref<128x128xf32, #tpu.memory_space<vmem>>, vector<1x16xf32>,
        %get3A_545 = vector.shape_cast %get3A_544 : vector<1x16xf32> to vector<16xf32>
        %mul3A_546 = arith.constant 11.3137083 : f32
        %mul3A_547 = vector.broadcast %mul3A_546 : f32 to vector<16xf32>
        %mul3A_548 = arith.mulf %get3A_545, %mul3A_547 : vector<16xf32>
        %swap3A_549 = arith.constant 0 : i32
        %swap3A_550 = arith.constant 0 : i32
        %swap3A_551 = tpu.memref_slice %arg6[%scan3A_210, %swap3A_549, %swap3A_550] : memref<5x128x128xf32, #tpu.memory_space<vmem>> -> memref<1x128x128xf32, #tpu.memory_space<vmem>>
        %swap3A_552 = tpu.memref_squeeze %swap3A_551 : memref<1x128x128xf32, #tpu.memory_space<vmem>> -> memref<128x128xf32, #tpu.memory_space<vmem>>
        %swap3A_553 = arith.index_cast %add3A_419 : i32 to index
        %swap3A_554 = arith.constant 96 : index
        %swap3A_555 = tpu.vector_load %swap3A_552[%swap3A_553, %swap3A_554] {strides = array<i32>} : memref<128x128xf32, #tpu.memory_space<vmem>>, vector<1x16xf32>,
        %swap3A_556 = vector.shape_cast %swap3A_555 : vector<1x16xf32> to vector<16xf32>
        %swap3A_557 = vector.shape_cast %mul3A_548 : vector<16xf32> to vector<1x16xf32>
        tpu.vector_store %swap3A_552[%swap3A_553, %swap3A_554], %swap3A_557 {strides = array<i32>} : memref<128x128xf32, #tpu.memory_space<vmem>>, vector<1x16xf32>,
        %get3A_558 = arith.constant 0 : i32
        %get3A_559 = arith.constant 0 : i32
        %get3A_560 = tpu.memref_slice %arg6[%scan3A_210, %get3A_558, %get3A_559] : memref<5x128x128xf32, #tpu.memory_space<vmem>> -> memref<1x128x128xf32, #tpu.memory_space<vmem>>
        %get3A_561 = tpu.memref_squeeze %get3A_560 : memref<1x128x128xf32, #tpu.memory_space<vmem>> -> memref<128x128xf32, #tpu.memory_space<vmem>>
        %get3A_562 = arith.index_cast %add3A_419 : i32 to index
        %get3A_563 = arith.constant 112 : index
        %get3A_564 = tpu.vector_load %get3A_561[%get3A_562, %get3A_563] {strides = array<i32>} : memref<128x128xf32, #tpu.memory_space<vmem>>, vector<1x16xf32>,
        %get3A_565 = vector.shape_cast %get3A_564 : vector<1x16xf32> to vector<16xf32>
        %mul3A_566 = arith.constant 11.3137083 : f32
        %mul3A_567 = vector.broadcast %mul3A_566 : f32 to vector<16xf32>
        %mul3A_568 = arith.mulf %get3A_565, %mul3A_567 : vector<16xf32>
        %swap3A_569 = arith.constant 0 : i32
        %swap3A_570 = arith.constant 0 : i32
        %swap3A_571 = tpu.memref_slice %arg6[%scan3A_210, %swap3A_569, %swap3A_570] : memref<5x128x128xf32, #tpu.memory_space<vmem>> -> memref<1x128x128xf32, #tpu.memory_space<vmem>>
        %swap3A_572 = tpu.memref_squeeze %swap3A_571 : memref<1x128x128xf32, #tpu.memory_space<vmem>> -> memref<128x128xf32, #tpu.memory_space<vmem>>
        %swap3A_573 = arith.index_cast %add3A_419 : i32 to index
        %swap3A_574 = arith.constant 112 : index
        %swap3A_575 = tpu.vector_load %swap3A_572[%swap3A_573, %swap3A_574] {strides = array<i32>} : memref<128x128xf32, #tpu.memory_space<vmem>>, vector<1x16xf32>,
        %swap3A_576 = vector.shape_cast %swap3A_575 : vector<1x16xf32> to vector<16xf32>
        %swap3A_577 = vector.shape_cast %mul3A_568 : vector<16xf32> to vector<1x16xf32>
        tpu.vector_store %swap3A_572[%swap3A_573, %swap3A_574], %swap3A_577 {strides = array<i32>} : memref<128x128xf32, #tpu.memory_space<vmem>>, vector<1x16xf32>,
        %scan3A_578 = arith.constant 1 : i32
        %scan3A_579 = arith.addi %scan3A_415, %scan3A_578 : i32
        %mul3A_580 = arith.constant 1 : i32
        %mul3A_581 = arith.muli %scan3A_579, %mul3A_580 : i32
        %add3A_582 = arith.constant 0 : i32
        %add3A_583 = arith.addi %add3A_582, %mul3A_581 : i32
        %get3A_584 = arith.constant 0 : i32
        %get3A_585 = arith.constant 0 : i32
        %get3A_586 = tpu.memref_slice %arg6[%scan3A_210, %get3A_584, %get3A_585] : memref<5x128x128xf32, #tpu.memory_space<vmem>> -> memref<1x128x128xf32, #tpu.memory_space<vmem>>
        %get3A_587 = tpu.memref_squeeze %get3A_586 : memref<1x128x128xf32, #tpu.memory_space<vmem>> -> memref<128x128xf32, #tpu.memory_space<vmem>>
        %get3A_588 = arith.index_cast %add3A_583 : i32 to index
        %get3A_589 = arith.constant 0 : index
        %get3A_590 = tpu.vector_load %get3A_587[%get3A_588, %get3A_589] {strides = array<i32>} : memref<128x128xf32, #tpu.memory_space<vmem>>, vector<1x16xf32>,
        %get3A_591 = vector.shape_cast %get3A_590 : vector<1x16xf32> to vector<16xf32>
        %mul3A_592 = arith.constant 11.3137083 : f32
        %mul3A_593 = vector.broadcast %mul3A_592 : f32 to vector<16xf32>
        %mul3A_594 = arith.mulf %get3A_591, %mul3A_593 : vector<16xf32>
        %swap3A_595 = arith.constant 0 : i32
        %swap3A_596 = arith.constant 0 : i32
        %swap3A_597 = tpu.memref_slice %arg6[%scan3A_210, %swap3A_595, %swap3A_596] : memref<5x128x128xf32, #tpu.memory_space<vmem>> -> memref<1x128x128xf32, #tpu.memory_space<vmem>>
        %swap3A_598 = tpu.memref_squeeze %swap3A_597 : memref<1x128x128xf32, #tpu.memory_space<vmem>> -> memref<128x128xf32, #tpu.memory_space<vmem>>
        %swap3A_599 = arith.index_cast %add3A_583 : i32 to index
        %swap3A_600 = arith.constant 0 : index
        %swap3A_601 = tpu.vector_load %swap3A_598[%swap3A_599, %swap3A_600] {strides = array<i32>} : memref<128x128xf32, #tpu.memory_space<vmem>>, vector<1x16xf32>,
        %swap3A_602 = vector.shape_cast %swap3A_601 : vector<1x16xf32> to vector<16xf32>
        %swap3A_603 = vector.shape_cast %mul3A_594 : vector<16xf32> to vector<1x16xf32>
        tpu.vector_store %swap3A_598[%swap3A_599, %swap3A_600], %swap3A_603 {strides = array<i32>} : memref<128x128xf32, #tpu.memory_space<vmem>>, vector<1x16xf32>,
        %get3A_604 = arith.constant 0 : i32
        %get3A_605 = arith.constant 0 : i32
        %get3A_606 = tpu.memref_slice %arg6[%scan3A_210, %get3A_604, %get3A_605] : memref<5x128x128xf32, #tpu.memory_space<vmem>> -> memref<1x128x128xf32, #tpu.memory_space<vmem>>
        %get3A_607 = tpu.memref_squeeze %get3A_606 : memref<1x128x128xf32, #tpu.memory_space<vmem>> -> memref<128x128xf32, #tpu.memory_space<vmem>>
        %get3A_608 = arith.index_cast %add3A_583 : i32 to index
        %get3A_609 = arith.constant 16 : index
        %get3A_610 = tpu.vector_load %get3A_607[%get3A_608, %get3A_609] {strides = array<i32>} : memref<128x128xf32, #tpu.memory_space<vmem>>, vector<1x16xf32>,
        %get3A_611 = vector.shape_cast %get3A_610 : vector<1x16xf32> to vector<16xf32>
        %mul3A_612 = arith.constant 11.3137083 : f32
        %mul3A_613 = vector.broadcast %mul3A_612 : f32 to vector<16xf32>
        %mul3A_614 = arith.mulf %get3A_611, %mul3A_613 : vector<16xf32>
        %swap3A_615 = arith.constant 0 : i32
        %swap3A_616 = arith.constant 0 : i32
        %swap3A_617 = tpu.memref_slice %arg6[%scan3A_210, %swap3A_615, %swap3A_616] : memref<5x128x128xf32, #tpu.memory_space<vmem>> -> memref<1x128x128xf32, #tpu.memory_space<vmem>>
        %swap3A_618 = tpu.memref_squeeze %swap3A_617 : memref<1x128x128xf32, #tpu.memory_space<vmem>> -> memref<128x128xf32, #tpu.memory_space<vmem>>
        %swap3A_619 = arith.index_cast %add3A_583 : i32 to index
        %swap3A_620 = arith.constant 16 : index
        %swap3A_621 = tpu.vector_load %swap3A_618[%swap3A_619, %swap3A_620] {strides = array<i32>} : memref<128x128xf32, #tpu.memory_space<vmem>>, vector<1x16xf32>,
        %swap3A_622 = vector.shape_cast %swap3A_621 : vector<1x16xf32> to vector<16xf32>
        %swap3A_623 = vector.shape_cast %mul3A_614 : vector<16xf32> to vector<1x16xf32>
        tpu.vector_store %swap3A_618[%swap3A_619, %swap3A_620], %swap3A_623 {strides = array<i32>} : memref<128x128xf32, #tpu.memory_space<vmem>>, vector<1x16xf32>,
        %get3A_624 = arith.constant 0 : i32
        %get3A_625 = arith.constant 0 : i32
        %get3A_626 = tpu.memref_slice %arg6[%scan3A_210, %get3A_624, %get3A_625] : memref<5x128x128xf32, #tpu.memory_space<vmem>> -> memref<1x128x128xf32, #tpu.memory_space<vmem>>
        %get3A_627 = tpu.memref_squeeze %get3A_626 : memref<1x128x128xf32, #tpu.memory_space<vmem>> -> memref<128x128xf32, #tpu.memory_space<vmem>>
        %get3A_628 = arith.index_cast %add3A_583 : i32 to index
        %get3A_629 = arith.constant 32 : index
        %get3A_630 = tpu.vector_load %get3A_627[%get3A_628, %get3A_629] {strides = array<i32>} : memref<128x128xf32, #tpu.memory_space<vmem>>, vector<1x16xf32>,
        %get3A_631 = vector.shape_cast %get3A_630 : vector<1x16xf32> to vector<16xf32>
        %mul3A_632 = arith.constant 11.3137083 : f32
        %mul3A_633 = vector.broadcast %mul3A_632 : f32 to vector<16xf32>
        %mul3A_634 = arith.mulf %get3A_631, %mul3A_633 : vector<16xf32>
        %swap3A_635 = arith.constant 0 : i32
        %swap3A_636 = arith.constant 0 : i32
        %swap3A_637 = tpu.memref_slice %arg6[%scan3A_210, %swap3A_635, %swap3A_636] : memref<5x128x128xf32, #tpu.memory_space<vmem>> -> memref<1x128x128xf32, #tpu.memory_space<vmem>>
        %swap3A_638 = tpu.memref_squeeze %swap3A_637 : memref<1x128x128xf32, #tpu.memory_space<vmem>> -> memref<128x128xf32, #tpu.memory_space<vmem>>
        %swap3A_639 = arith.index_cast %add3A_583 : i32 to index
        %swap3A_640 = arith.constant 32 : index
        %swap3A_641 = tpu.vector_load %swap3A_638[%swap3A_639, %swap3A_640] {strides = array<i32>} : memref<128x128xf32, #tpu.memory_space<vmem>>, vector<1x16xf32>,
        %swap3A_642 = vector.shape_cast %swap3A_641 : vector<1x16xf32> to vector<16xf32>
        %swap3A_643 = vector.shape_cast %mul3A_634 : vector<16xf32> to vector<1x16xf32>
        tpu.vector_store %swap3A_638[%swap3A_639, %swap3A_640], %swap3A_643 {strides = array<i32>} : memref<128x128xf32, #tpu.memory_space<vmem>>, vector<1x16xf32>,
        %get3A_644 = arith.constant 0 : i32
        %get3A_645 = arith.constant 0 : i32
        %get3A_646 = tpu.memref_slice %arg6[%scan3A_210, %get3A_644, %get3A_645] : memref<5x128x128xf32, #tpu.memory_space<vmem>> -> memref<1x128x128xf32, #tpu.memory_space<vmem>>
        %get3A_647 = tpu.memref_squeeze %get3A_646 : memref<1x128x128xf32, #tpu.memory_space<vmem>> -> memref<128x128xf32, #tpu.memory_space<vmem>>
        %get3A_648 = arith.index_cast %add3A_583 : i32 to index
        %get3A_649 = arith.constant 48 : index
        %get3A_650 = tpu.vector_load %get3A_647[%get3A_648, %get3A_649] {strides = array<i32>} : memref<128x128xf32, #tpu.memory_space<vmem>>, vector<1x16xf32>,
        %get3A_651 = vector.shape_cast %get3A_650 : vector<1x16xf32> to vector<16xf32>
        %mul3A_652 = arith.constant 11.3137083 : f32
        %mul3A_653 = vector.broadcast %mul3A_652 : f32 to vector<16xf32>
        %mul3A_654 = arith.mulf %get3A_651, %mul3A_653 : vector<16xf32>
        %swap3A_655 = arith.constant 0 : i32
        %swap3A_656 = arith.constant 0 : i32
        %swap3A_657 = tpu.memref_slice %arg6[%scan3A_210, %swap3A_655, %swap3A_656] : memref<5x128x128xf32, #tpu.memory_space<vmem>> -> memref<1x128x128xf32, #tpu.memory_space<vmem>>
        %swap3A_658 = tpu.memref_squeeze %swap3A_657 : memref<1x128x128xf32, #tpu.memory_space<vmem>> -> memref<128x128xf32, #tpu.memory_space<vmem>>
        %swap3A_659 = arith.index_cast %add3A_583 : i32 to index
        %swap3A_660 = arith.constant 48 : index
        %swap3A_661 = tpu.vector_load %swap3A_658[%swap3A_659, %swap3A_660] {strides = array<i32>} : memref<128x128xf32, #tpu.memory_space<vmem>>, vector<1x16xf32>,
        %swap3A_662 = vector.shape_cast %swap3A_661 : vector<1x16xf32> to vector<16xf32>
        %swap3A_663 = vector.shape_cast %mul3A_654 : vector<16xf32> to vector<1x16xf32>
        tpu.vector_store %swap3A_658[%swap3A_659, %swap3A_660], %swap3A_663 {strides = array<i32>} : memref<128x128xf32, #tpu.memory_space<vmem>>, vector<1x16xf32>,
        %get3A_664 = arith.constant 0 : i32
        %get3A_665 = arith.constant 0 : i32
        %get3A_666 = tpu.memref_slice %arg6[%scan3A_210, %get3A_664, %get3A_665] : memref<5x128x128xf32, #tpu.memory_space<vmem>> -> memref<1x128x128xf32, #tpu.memory_space<vmem>>
        %get3A_667 = tpu.memref_squeeze %get3A_666 : memref<1x128x128xf32, #tpu.memory_space<vmem>> -> memref<128x128xf32, #tpu.memory_space<vmem>>
        %get3A_668 = arith.index_cast %add3A_583 : i32 to index
        %get3A_669 = arith.constant 64 : index
        %get3A_670 = tpu.vector_load %get3A_667[%get3A_668, %get3A_669] {strides = array<i32>} : memref<128x128xf32, #tpu.memory_space<vmem>>, vector<1x16xf32>,
        %get3A_671 = vector.shape_cast %get3A_670 : vector<1x16xf32> to vector<16xf32>
        %mul3A_672 = arith.constant 11.3137083 : f32
        %mul3A_673 = vector.broadcast %mul3A_672 : f32 to vector<16xf32>
        %mul3A_674 = arith.mulf %get3A_671, %mul3A_673 : vector<16xf32>
        %swap3A_675 = arith.constant 0 : i32
        %swap3A_676 = arith.constant 0 : i32
        %swap3A_677 = tpu.memref_slice %arg6[%scan3A_210, %swap3A_675, %swap3A_676] : memref<5x128x128xf32, #tpu.memory_space<vmem>> -> memref<1x128x128xf32, #tpu.memory_space<vmem>>
        %swap3A_678 = tpu.memref_squeeze %swap3A_677 : memref<1x128x128xf32, #tpu.memory_space<vmem>> -> memref<128x128xf32, #tpu.memory_space<vmem>>
        %swap3A_679 = arith.index_cast %add3A_583 : i32 to index
        %swap3A_680 = arith.constant 64 : index
        %swap3A_681 = tpu.vector_load %swap3A_678[%swap3A_679, %swap3A_680] {strides = array<i32>} : memref<128x128xf32, #tpu.memory_space<vmem>>, vector<1x16xf32>,
        %swap3A_682 = vector.shape_cast %swap3A_681 : vector<1x16xf32> to vector<16xf32>
        %swap3A_683 = vector.shape_cast %mul3A_674 : vector<16xf32> to vector<1x16xf32>
        tpu.vector_store %swap3A_678[%swap3A_679, %swap3A_680], %swap3A_683 {strides = array<i32>} : memref<128x128xf32, #tpu.memory_space<vmem>>, vector<1x16xf32>,
        %get3A_684 = arith.constant 0 : i32
        %get3A_685 = arith.constant 0 : i32
        %get3A_686 = tpu.memref_slice %arg6[%scan3A_210, %get3A_684, %get3A_685] : memref<5x128x128xf32, #tpu.memory_space<vmem>> -> memref<1x128x128xf32, #tpu.memory_space<vmem>>
        %get3A_687 = tpu.memref_squeeze %get3A_686 : memref<1x128x128xf32, #tpu.memory_space<vmem>> -> memref<128x128xf32, #tpu.memory_space<vmem>>
        %get3A_688 = arith.index_cast %add3A_583 : i32 to index
        %get3A_689 = arith.constant 80 : index
        %get3A_690 = tpu.vector_load %get3A_687[%get3A_688, %get3A_689] {strides = array<i32>} : memref<128x128xf32, #tpu.memory_space<vmem>>, vector<1x16xf32>,
        %get3A_691 = vector.shape_cast %get3A_690 : vector<1x16xf32> to vector<16xf32>
        %mul3A_692 = arith.constant 11.3137083 : f32
        %mul3A_693 = vector.broadcast %mul3A_692 : f32 to vector<16xf32>
        %mul3A_694 = arith.mulf %get3A_691, %mul3A_693 : vector<16xf32>
        %swap3A_695 = arith.constant 0 : i32
        %swap3A_696 = arith.constant 0 : i32
        %swap3A_697 = tpu.memref_slice %arg6[%scan3A_210, %swap3A_695, %swap3A_696] : memref<5x128x128xf32, #tpu.memory_space<vmem>> -> memref<1x128x128xf32, #tpu.memory_space<vmem>>
        %swap3A_698 = tpu.memref_squeeze %swap3A_697 : memref<1x128x128xf32, #tpu.memory_space<vmem>> -> memref<128x128xf32, #tpu.memory_space<vmem>>
        %swap3A_699 = arith.index_cast %add3A_583 : i32 to index
        %swap3A_700 = arith.constant 80 : index
        %swap3A_701 = tpu.vector_load %swap3A_698[%swap3A_699, %swap3A_700] {strides = array<i32>} : memref<128x128xf32, #tpu.memory_space<vmem>>, vector<1x16xf32>,
        %swap3A_702 = vector.shape_cast %swap3A_701 : vector<1x16xf32> to vector<16xf32>
        %swap3A_703 = vector.shape_cast %mul3A_694 : vector<16xf32> to vector<1x16xf32>
        tpu.vector_store %swap3A_698[%swap3A_699, %swap3A_700], %swap3A_703 {strides = array<i32>} : memref<128x128xf32, #tpu.memory_space<vmem>>, vector<1x16xf32>,
        %get3A_704 = arith.constant 0 : i32
        %get3A_705 = arith.constant 0 : i32
        %get3A_706 = tpu.memref_slice %arg6[%scan3A_210, %get3A_704, %get3A_705] : memref<5x128x128xf32, #tpu.memory_space<vmem>> -> memref<1x128x128xf32, #tpu.memory_space<vmem>>
        %get3A_707 = tpu.memref_squeeze %get3A_706 : memref<1x128x128xf32, #tpu.memory_space<vmem>> -> memref<128x128xf32, #tpu.memory_space<vmem>>
        %get3A_708 = arith.index_cast %add3A_583 : i32 to index
        %get3A_709 = arith.constant 96 : index
        %get3A_710 = tpu.vector_load %get3A_707[%get3A_708, %get3A_709] {strides = array<i32>} : memref<128x128xf32, #tpu.memory_space<vmem>>, vector<1x16xf32>,
        %get3A_711 = vector.shape_cast %get3A_710 : vector<1x16xf32> to vector<16xf32>
        %mul3A_712 = arith.constant 11.3137083 : f32
        %mul3A_713 = vector.broadcast %mul3A_712 : f32 to vector<16xf32>
        %mul3A_714 = arith.mulf %get3A_711, %mul3A_713 : vector<16xf32>
        %swap3A_715 = arith.constant 0 : i32
        %swap3A_716 = arith.constant 0 : i32
        %swap3A_717 = tpu.memref_slice %arg6[%scan3A_210, %swap3A_715, %swap3A_716] : memref<5x128x128xf32, #tpu.memory_space<vmem>> -> memref<1x128x128xf32, #tpu.memory_space<vmem>>
        %swap3A_718 = tpu.memref_squeeze %swap3A_717 : memref<1x128x128xf32, #tpu.memory_space<vmem>> -> memref<128x128xf32, #tpu.memory_space<vmem>>
        %swap3A_719 = arith.index_cast %add3A_583 : i32 to index
        %swap3A_720 = arith.constant 96 : index
        %swap3A_721 = tpu.vector_load %swap3A_718[%swap3A_719, %swap3A_720] {strides = array<i32>} : memref<128x128xf32, #tpu.memory_space<vmem>>, vector<1x16xf32>,
        %swap3A_722 = vector.shape_cast %swap3A_721 : vector<1x16xf32> to vector<16xf32>
        %swap3A_723 = vector.shape_cast %mul3A_714 : vector<16xf32> to vector<1x16xf32>
        tpu.vector_store %swap3A_718[%swap3A_719, %swap3A_720], %swap3A_723 {strides = array<i32>} : memref<128x128xf32, #tpu.memory_space<vmem>>, vector<1x16xf32>,
        %get3A_724 = arith.constant 0 : i32
        %get3A_725 = arith.constant 0 : i32
        %get3A_726 = tpu.memref_slice %arg6[%scan3A_210, %get3A_724, %get3A_725] : memref<5x128x128xf32, #tpu.memory_space<vmem>> -> memref<1x128x128xf32, #tpu.memory_space<vmem>>
        %get3A_727 = tpu.memref_squeeze %get3A_726 : memref<1x128x128xf32, #tpu.memory_space<vmem>> -> memref<128x128xf32, #tpu.memory_space<vmem>>
        %get3A_728 = arith.index_cast %add3A_583 : i32 to index
        %get3A_729 = arith.constant 112 : index
        %get3A_730 = tpu.vector_load %get3A_727[%get3A_728, %get3A_729] {strides = array<i32>} : memref<128x128xf32, #tpu.memory_space<vmem>>, vector<1x16xf32>,
        %get3A_731 = vector.shape_cast %get3A_730 : vector<1x16xf32> to vector<16xf32>
        %mul3A_732 = arith.constant 11.3137083 : f32
        %mul3A_733 = vector.broadcast %mul3A_732 : f32 to vector<16xf32>
        %mul3A_734 = arith.mulf %get3A_731, %mul3A_733 : vector<16xf32>
        %swap3A_735 = arith.constant 0 : i32
        %swap3A_736 = arith.constant 0 : i32
        %swap3A_737 = tpu.memref_slice %arg6[%scan3A_210, %swap3A_735, %swap3A_736] : memref<5x128x128xf32, #tpu.memory_space<vmem>> -> memref<1x128x128xf32, #tpu.memory_space<vmem>>
        %swap3A_738 = tpu.memref_squeeze %swap3A_737 : memref<1x128x128xf32, #tpu.memory_space<vmem>> -> memref<128x128xf32, #tpu.memory_space<vmem>>
        %swap3A_739 = arith.index_cast %add3A_583 : i32 to index
        %swap3A_740 = arith.constant 112 : index
        %swap3A_741 = tpu.vector_load %swap3A_738[%swap3A_739, %swap3A_740] {strides = array<i32>} : memref<128x128xf32, #tpu.memory_space<vmem>>, vector<1x16xf32>,
        %swap3A_742 = vector.shape_cast %swap3A_741 : vector<1x16xf32> to vector<16xf32>
        %swap3A_743 = vector.shape_cast %mul3A_734 : vector<16xf32> to vector<1x16xf32>
        tpu.vector_store %swap3A_738[%swap3A_739, %swap3A_740], %swap3A_743 {strides = array<i32>} : memref<128x128xf32, #tpu.memory_space<vmem>>, vector<1x16xf32>,
        %scan3A_744 = arith.constant 2 : i32
        %scan3A_745 = arith.addi %scan3A_415, %scan3A_744 : i32
        %mul3A_746 = arith.constant 1 : i32
        %mul3A_747 = arith.muli %scan3A_745, %mul3A_746 : i32
        %add3A_748 = arith.constant 0 : i32
        %add3A_749 = arith.addi %add3A_748, %mul3A_747 : i32
        %get3A_750 = arith.constant 0 : i32
        %get3A_751 = arith.constant 0 : i32
        %get3A_752 = tpu.memref_slice %arg6[%scan3A_210, %get3A_750, %get3A_751] : memref<5x128x128xf32, #tpu.memory_space<vmem>> -> memref<1x128x128xf32, #tpu.memory_space<vmem>>
        %get3A_753 = tpu.memref_squeeze %get3A_752 : memref<1x128x128xf32, #tpu.memory_space<vmem>> -> memref<128x128xf32, #tpu.memory_space<vmem>>
        %get3A_754 = arith.index_cast %add3A_749 : i32 to index
        %get3A_755 = arith.constant 0 : index
        %get3A_756 = tpu.vector_load %get3A_753[%get3A_754, %get3A_755] {strides = array<i32>} : memref<128x128xf32, #tpu.memory_space<vmem>>, vector<1x16xf32>,
        %get3A_757 = vector.shape_cast %get3A_756 : vector<1x16xf32> to vector<16xf32>
        %mul3A_758 = arith.constant 11.3137083 : f32
        %mul3A_759 = vector.broadcast %mul3A_758 : f32 to vector<16xf32>
        %mul3A_760 = arith.mulf %get3A_757, %mul3A_759 : vector<16xf32>
        %swap3A_761 = arith.constant 0 : i32
        %swap3A_762 = arith.constant 0 : i32
        %swap3A_763 = tpu.memref_slice %arg6[%scan3A_210, %swap3A_761, %swap3A_762] : memref<5x128x128xf32, #tpu.memory_space<vmem>> -> memref<1x128x128xf32, #tpu.memory_space<vmem>>
        %swap3A_764 = tpu.memref_squeeze %swap3A_763 : memref<1x128x128xf32, #tpu.memory_space<vmem>> -> memref<128x128xf32, #tpu.memory_space<vmem>>
        %swap3A_765 = arith.index_cast %add3A_749 : i32 to index
        %swap3A_766 = arith.constant 0 : index
        %swap3A_767 = tpu.vector_load %swap3A_764[%swap3A_765, %swap3A_766] {strides = array<i32>} : memref<128x128xf32, #tpu.memory_space<vmem>>, vector<1x16xf32>,
        %swap3A_768 = vector.shape_cast %swap3A_767 : vector<1x16xf32> to vector<16xf32>
        %swap3A_769 = vector.shape_cast %mul3A_760 : vector<16xf32> to vector<1x16xf32>
        tpu.vector_store %swap3A_764[%swap3A_765, %swap3A_766], %swap3A_769 {strides = array<i32>} : memref<128x128xf32, #tpu.memory_space<vmem>>, vector<1x16xf32>,
        %get3A_770 = arith.constant 0 : i32
        %get3A_771 = arith.constant 0 : i32
        %get3A_772 = tpu.memref_slice %arg6[%scan3A_210, %get3A_770, %get3A_771] : memref<5x128x128xf32, #tpu.memory_space<vmem>> -> memref<1x128x128xf32, #tpu.memory_space<vmem>>
        %get3A_773 = tpu.memref_squeeze %get3A_772 : memref<1x128x128xf32, #tpu.memory_space<vmem>> -> memref<128x128xf32, #tpu.memory_space<vmem>>
        %get3A_774 = arith.index_cast %add3A_749 : i32 to index
        %get3A_775 = arith.constant 16 : index
        %get3A_776 = tpu.vector_load %get3A_773[%get3A_774, %get3A_775] {strides = array<i32>} : memref<128x128xf32, #tpu.memory_space<vmem>>, vector<1x16xf32>,
        %get3A_777 = vector.shape_cast %get3A_776 : vector<1x16xf32> to vector<16xf32>
        %mul3A_778 = arith.constant 11.3137083 : f32
        %mul3A_779 = vector.broadcast %mul3A_778 : f32 to vector<16xf32>
        %mul3A_780 = arith.mulf %get3A_777, %mul3A_779 : vector<16xf32>
        %swap3A_781 = arith.constant 0 : i32
        %swap3A_782 = arith.constant 0 : i32
        %swap3A_783 = tpu.memref_slice %arg6[%scan3A_210, %swap3A_781, %swap3A_782] : memref<5x128x128xf32, #tpu.memory_space<vmem>> -> memref<1x128x128xf32, #tpu.memory_space<vmem>>
        %swap3A_784 = tpu.memref_squeeze %swap3A_783 : memref<1x128x128xf32, #tpu.memory_space<vmem>> -> memref<128x128xf32, #tpu.memory_space<vmem>>
        %swap3A_785 = arith.index_cast %add3A_749 : i32 to index
        %swap3A_786 = arith.constant 16 : index
        %swap3A_787 = tpu.vector_load %swap3A_784[%swap3A_785, %swap3A_786] {strides = array<i32>} : memref<128x128xf32, #tpu.memory_space<vmem>>, vector<1x16xf32>,
        %swap3A_788 = vector.shape_cast %swap3A_787 : vector<1x16xf32> to vector<16xf32>
        %swap3A_789 = vector.shape_cast %mul3A_780 : vector<16xf32> to vector<1x16xf32>
        tpu.vector_store %swap3A_784[%swap3A_785, %swap3A_786], %swap3A_789 {strides = array<i32>} : memref<128x128xf32, #tpu.memory_space<vmem>>, vector<1x16xf32>,
        %get3A_790 = arith.constant 0 : i32
        %get3A_791 = arith.constant 0 : i32
        %get3A_792 = tpu.memref_slice %arg6[%scan3A_210, %get3A_790, %get3A_791] : memref<5x128x128xf32, #tpu.memory_space<vmem>> -> memref<1x128x128xf32, #tpu.memory_space<vmem>>
        %get3A_793 = tpu.memref_squeeze %get3A_792 : memref<1x128x128xf32, #tpu.memory_space<vmem>> -> memref<128x128xf32, #tpu.memory_space<vmem>>
        %get3A_794 = arith.index_cast %add3A_749 : i32 to index
        %get3A_795 = arith.constant 32 : index
        %get3A_796 = tpu.vector_load %get3A_793[%get3A_794, %get3A_795] {strides = array<i32>} : memref<128x128xf32, #tpu.memory_space<vmem>>, vector<1x16xf32>,
        %get3A_797 = vector.shape_cast %get3A_796 : vector<1x16xf32> to vector<16xf32>
        %mul3A_798 = arith.constant 11.3137083 : f32
        %mul3A_799 = vector.broadcast %mul3A_798 : f32 to vector<16xf32>
        %mul3A_800 = arith.mulf %get3A_797, %mul3A_799 : vector<16xf32>
        %swap3A_801 = arith.constant 0 : i32
        %swap3A_802 = arith.constant 0 : i32
        %swap3A_803 = tpu.memref_slice %arg6[%scan3A_210, %swap3A_801, %swap3A_802] : memref<5x128x128xf32, #tpu.memory_space<vmem>> -> memref<1x128x128xf32, #tpu.memory_space<vmem>>
        %swap3A_804 = tpu.memref_squeeze %swap3A_803 : memref<1x128x128xf32, #tpu.memory_space<vmem>> -> memref<128x128xf32, #tpu.memory_space<vmem>>
        %swap3A_805 = arith.index_cast %add3A_749 : i32 to index
        %swap3A_806 = arith.constant 32 : index
        %swap3A_807 = tpu.vector_load %swap3A_804[%swap3A_805, %swap3A_806] {strides = array<i32>} : memref<128x128xf32, #tpu.memory_space<vmem>>, vector<1x16xf32>,
        %swap3A_808 = vector.shape_cast %swap3A_807 : vector<1x16xf32> to vector<16xf32>
        %swap3A_809 = vector.shape_cast %mul3A_800 : vector<16xf32> to vector<1x16xf32>
        tpu.vector_store %swap3A_804[%swap3A_805, %swap3A_806], %swap3A_809 {strides = array<i32>} : memref<128x128xf32, #tpu.memory_space<vmem>>, vector<1x16xf32>,
        %get3A_810 = arith.constant 0 : i32
        %get3A_811 = arith.constant 0 : i32
        %get3A_812 = tpu.memref_slice %arg6[%scan3A_210, %get3A_810, %get3A_811] : memref<5x128x128xf32, #tpu.memory_space<vmem>> -> memref<1x128x128xf32, #tpu.memory_space<vmem>>
        %get3A_813 = tpu.memref_squeeze %get3A_812 : memref<1x128x128xf32, #tpu.memory_space<vmem>> -> memref<128x128xf32, #tpu.memory_space<vmem>>
        %get3A_814 = arith.index_cast %add3A_749 : i32 to index
        %get3A_815 = arith.constant 48 : index
        %get3A_816 = tpu.vector_load %get3A_813[%get3A_814, %get3A_815] {strides = array<i32>} : memref<128x128xf32, #tpu.memory_space<vmem>>, vector<1x16xf32>,
        %get3A_817 = vector.shape_cast %get3A_816 : vector<1x16xf32> to vector<16xf32>
        %mul3A_818 = arith.constant 11.3137083 : f32
        %mul3A_819 = vector.broadcast %mul3A_818 : f32 to vector<16xf32>
        %mul3A_820 = arith.mulf %get3A_817, %mul3A_819 : vector<16xf32>
        %swap3A_821 = arith.constant 0 : i32
        %swap3A_822 = arith.constant 0 : i32
        %swap3A_823 = tpu.memref_slice %arg6[%scan3A_210, %swap3A_821, %swap3A_822] : memref<5x128x128xf32, #tpu.memory_space<vmem>> -> memref<1x128x128xf32, #tpu.memory_space<vmem>>
        %swap3A_824 = tpu.memref_squeeze %swap3A_823 : memref<1x128x128xf32, #tpu.memory_space<vmem>> -> memref<128x128xf32, #tpu.memory_space<vmem>>
        %swap3A_825 = arith.index_cast %add3A_749 : i32 to index
        %swap3A_826 = arith.constant 48 : index
        %swap3A_827 = tpu.vector_load %swap3A_824[%swap3A_825, %swap3A_826] {strides = array<i32>} : memref<128x128xf32, #tpu.memory_space<vmem>>, vector<1x16xf32>,
        %swap3A_828 = vector.shape_cast %swap3A_827 : vector<1x16xf32> to vector<16xf32>
        %swap3A_829 = vector.shape_cast %mul3A_820 : vector<16xf32> to vector<1x16xf32>
        tpu.vector_store %swap3A_824[%swap3A_825, %swap3A_826], %swap3A_829 {strides = array<i32>} : memref<128x128xf32, #tpu.memory_space<vmem>>, vector<1x16xf32>,
        %get3A_830 = arith.constant 0 : i32
        %get3A_831 = arith.constant 0 : i32
        %get3A_832 = tpu.memref_slice %arg6[%scan3A_210, %get3A_830, %get3A_831] : memref<5x128x128xf32, #tpu.memory_space<vmem>> -> memref<1x128x128xf32, #tpu.memory_space<vmem>>
        %get3A_833 = tpu.memref_squeeze %get3A_832 : memref<1x128x128xf32, #tpu.memory_space<vmem>> -> memref<128x128xf32, #tpu.memory_space<vmem>>
        %get3A_834 = arith.index_cast %add3A_749 : i32 to index
        %get3A_835 = arith.constant 64 : index
        %get3A_836 = tpu.vector_load %get3A_833[%get3A_834, %get3A_835] {strides = array<i32>} : memref<128x128xf32, #tpu.memory_space<vmem>>, vector<1x16xf32>,
        %get3A_837 = vector.shape_cast %get3A_836 : vector<1x16xf32> to vector<16xf32>
        %mul3A_838 = arith.constant 11.3137083 : f32
        %mul3A_839 = vector.broadcast %mul3A_838 : f32 to vector<16xf32>
        %mul3A_840 = arith.mulf %get3A_837, %mul3A_839 : vector<16xf32>
        %swap3A_841 = arith.constant 0 : i32
        %swap3A_842 = arith.constant 0 : i32
        %swap3A_843 = tpu.memref_slice %arg6[%scan3A_210, %swap3A_841, %swap3A_842] : memref<5x128x128xf32, #tpu.memory_space<vmem>> -> memref<1x128x128xf32, #tpu.memory_space<vmem>>
        %swap3A_844 = tpu.memref_squeeze %swap3A_843 : memref<1x128x128xf32, #tpu.memory_space<vmem>> -> memref<128x128xf32, #tpu.memory_space<vmem>>
        %swap3A_845 = arith.index_cast %add3A_749 : i32 to index
        %swap3A_846 = arith.constant 64 : index
        %swap3A_847 = tpu.vector_load %swap3A_844[%swap3A_845, %swap3A_846] {strides = array<i32>} : memref<128x128xf32, #tpu.memory_space<vmem>>, vector<1x16xf32>,
        %swap3A_848 = vector.shape_cast %swap3A_847 : vector<1x16xf32> to vector<16xf32>
        %swap3A_849 = vector.shape_cast %mul3A_840 : vector<16xf32> to vector<1x16xf32>
        tpu.vector_store %swap3A_844[%swap3A_845, %swap3A_846], %swap3A_849 {strides = array<i32>} : memref<128x128xf32, #tpu.memory_space<vmem>>, vector<1x16xf32>,
        %get3A_850 = arith.constant 0 : i32
        %get3A_851 = arith.constant 0 : i32
        %get3A_852 = tpu.memref_slice %arg6[%scan3A_210, %get3A_850, %get3A_851] : memref<5x128x128xf32, #tpu.memory_space<vmem>> -> memref<1x128x128xf32, #tpu.memory_space<vmem>>
        %get3A_853 = tpu.memref_squeeze %get3A_852 : memref<1x128x128xf32, #tpu.memory_space<vmem>> -> memref<128x128xf32, #tpu.memory_space<vmem>>
        %get3A_854 = arith.index_cast %add3A_749 : i32 to index
        %get3A_855 = arith.constant 80 : index
        %get3A_856 = tpu.vector_load %get3A_853[%get3A_854, %get3A_855] {strides = array<i32>} : memref<128x128xf32, #tpu.memory_space<vmem>>, vector<1x16xf32>,
        %get3A_857 = vector.shape_cast %get3A_856 : vector<1x16xf32> to vector<16xf32>
        %mul3A_858 = arith.constant 11.3137083 : f32
        %mul3A_859 = vector.broadcast %mul3A_858 : f32 to vector<16xf32>
        %mul3A_860 = arith.mulf %get3A_857, %mul3A_859 : vector<16xf32>
        %swap3A_861 = arith.constant 0 : i32
        %swap3A_862 = arith.constant 0 : i32
        %swap3A_863 = tpu.memref_slice %arg6[%scan3A_210, %swap3A_861, %swap3A_862] : memref<5x128x128xf32, #tpu.memory_space<vmem>> -> memref<1x128x128xf32, #tpu.memory_space<vmem>>
        %swap3A_864 = tpu.memref_squeeze %swap3A_863 : memref<1x128x128xf32, #tpu.memory_space<vmem>> -> memref<128x128xf32, #tpu.memory_space<vmem>>
        %swap3A_865 = arith.index_cast %add3A_749 : i32 to index
        %swap3A_866 = arith.constant 80 : index
        %swap3A_867 = tpu.vector_load %swap3A_864[%swap3A_865, %swap3A_866] {strides = array<i32>} : memref<128x128xf32, #tpu.memory_space<vmem>>, vector<1x16xf32>,
        %swap3A_868 = vector.shape_cast %swap3A_867 : vector<1x16xf32> to vector<16xf32>
        %swap3A_869 = vector.shape_cast %mul3A_860 : vector<16xf32> to vector<1x16xf32>
        tpu.vector_store %swap3A_864[%swap3A_865, %swap3A_866], %swap3A_869 {strides = array<i32>} : memref<128x128xf32, #tpu.memory_space<vmem>>, vector<1x16xf32>,
        %get3A_870 = arith.constant 0 : i32
        %get3A_871 = arith.constant 0 : i32
        %get3A_872 = tpu.memref_slice %arg6[%scan3A_210, %get3A_870, %get3A_871] : memref<5x128x128xf32, #tpu.memory_space<vmem>> -> memref<1x128x128xf32, #tpu.memory_space<vmem>>
        %get3A_873 = tpu.memref_squeeze %get3A_872 : memref<1x128x128xf32, #tpu.memory_space<vmem>> -> memref<128x128xf32, #tpu.memory_space<vmem>>
        %get3A_874 = arith.index_cast %add3A_749 : i32 to index
        %get3A_875 = arith.constant 96 : index
        %get3A_876 = tpu.vector_load %get3A_873[%get3A_874, %get3A_875] {strides = array<i32>} : memref<128x128xf32, #tpu.memory_space<vmem>>, vector<1x16xf32>,
        %get3A_877 = vector.shape_cast %get3A_876 : vector<1x16xf32> to vector<16xf32>
        %mul3A_878 = arith.constant 11.3137083 : f32
        %mul3A_879 = vector.broadcast %mul3A_878 : f32 to vector<16xf32>
        %mul3A_880 = arith.mulf %get3A_877, %mul3A_879 : vector<16xf32>
        %swap3A_881 = arith.constant 0 : i32
        %swap3A_882 = arith.constant 0 : i32
        %swap3A_883 = tpu.memref_slice %arg6[%scan3A_210, %swap3A_881, %swap3A_882] : memref<5x128x128xf32, #tpu.memory_space<vmem>> -> memref<1x128x128xf32, #tpu.memory_space<vmem>>
        %swap3A_884 = tpu.memref_squeeze %swap3A_883 : memref<1x128x128xf32, #tpu.memory_space<vmem>> -> memref<128x128xf32, #tpu.memory_space<vmem>>
        %swap3A_885 = arith.index_cast %add3A_749 : i32 to index
        %swap3A_886 = arith.constant 96 : index
        %swap3A_887 = tpu.vector_load %swap3A_884[%swap3A_885, %swap3A_886] {strides = array<i32>} : memref<128x128xf32, #tpu.memory_space<vmem>>, vector<1x16xf32>,
        %swap3A_888 = vector.shape_cast %swap3A_887 : vector<1x16xf32> to vector<16xf32>
        %swap3A_889 = vector.shape_cast %mul3A_880 : vector<16xf32> to vector<1x16xf32>
        tpu.vector_store %swap3A_884[%swap3A_885, %swap3A_886], %swap3A_889 {strides = array<i32>} : memref<128x128xf32, #tpu.memory_space<vmem>>, vector<1x16xf32>,
        %get3A_890 = arith.constant 0 : i32
        %get3A_891 = arith.constant 0 : i32
        %get3A_892 = tpu.memref_slice %arg6[%scan3A_210, %get3A_890, %get3A_891] : memref<5x128x128xf32, #tpu.memory_space<vmem>> -> memref<1x128x128xf32, #tpu.memory_space<vmem>>
        %get3A_893 = tpu.memref_squeeze %get3A_892 : memref<1x128x128xf32, #tpu.memory_space<vmem>> -> memref<128x128xf32, #tpu.memory_space<vmem>>
        %get3A_894 = arith.index_cast %add3A_749 : i32 to index
        %get3A_895 = arith.constant 112 : index
        %get3A_896 = tpu.vector_load %get3A_893[%get3A_894, %get3A_895] {strides = array<i32>} : memref<128x128xf32, #tpu.memory_space<vmem>>, vector<1x16xf32>,
        %get3A_897 = vector.shape_cast %get3A_896 : vector<1x16xf32> to vector<16xf32>
        %mul3A_898 = arith.constant 11.3137083 : f32
        %mul3A_899 = vector.broadcast %mul3A_898 : f32 to vector<16xf32>
        %mul3A_900 = arith.mulf %get3A_897, %mul3A_899 : vector<16xf32>
        %swap3A_901 = arith.constant 0 : i32
        %swap3A_902 = arith.constant 0 : i32
        %swap3A_903 = tpu.memref_slice %arg6[%scan3A_210, %swap3A_901, %swap3A_902] : memref<5x128x128xf32, #tpu.memory_space<vmem>> -> memref<1x128x128xf32, #tpu.memory_space<vmem>>
        %swap3A_904 = tpu.memref_squeeze %swap3A_903 : memref<1x128x128xf32, #tpu.memory_space<vmem>> -> memref<128x128xf32, #tpu.memory_space<vmem>>
        %swap3A_905 = arith.index_cast %add3A_749 : i32 to index
        %swap3A_906 = arith.constant 112 : index
        %swap3A_907 = tpu.vector_load %swap3A_904[%swap3A_905, %swap3A_906] {strides = array<i32>} : memref<128x128xf32, #tpu.memory_space<vmem>>, vector<1x16xf32>,
        %swap3A_908 = vector.shape_cast %swap3A_907 : vector<1x16xf32> to vector<16xf32>
        %swap3A_909 = vector.shape_cast %mul3A_900 : vector<16xf32> to vector<1x16xf32>
        tpu.vector_store %swap3A_904[%swap3A_905, %swap3A_906], %swap3A_909 {strides = array<i32>} : memref<128x128xf32, #tpu.memory_space<vmem>>, vector<1x16xf32>,
        %scan3A_910 = arith.constant 3 : i32
        %scan3A_911 = arith.addi %scan3A_415, %scan3A_910 : i32
        %mul3A_912 = arith.constant 1 : i32
        %mul3A_913 = arith.muli %scan3A_911, %mul3A_912 : i32
        %add3A_914 = arith.constant 0 : i32
        %add3A_915 = arith.addi %add3A_914, %mul3A_913 : i32
        %get3A_916 = arith.constant 0 : i32
        %get3A_917 = arith.constant 0 : i32
        %get3A_918 = tpu.memref_slice %arg6[%scan3A_210, %get3A_916, %get3A_917] : memref<5x128x128xf32, #tpu.memory_space<vmem>> -> memref<1x128x128xf32, #tpu.memory_space<vmem>>
        %get3A_919 = tpu.memref_squeeze %get3A_918 : memref<1x128x128xf32, #tpu.memory_space<vmem>> -> memref<128x128xf32, #tpu.memory_space<vmem>>
        %get3A_920 = arith.index_cast %add3A_915 : i32 to index
        %get3A_921 = arith.constant 0 : index
        %get3A_922 = tpu.vector_load %get3A_919[%get3A_920, %get3A_921] {strides = array<i32>} : memref<128x128xf32, #tpu.memory_space<vmem>>, vector<1x16xf32>,
        %get3A_923 = vector.shape_cast %get3A_922 : vector<1x16xf32> to vector<16xf32>
        %mul3A_924 = arith.constant 11.3137083 : f32
        %mul3A_925 = vector.broadcast %mul3A_924 : f32 to vector<16xf32>
        %mul3A_926 = arith.mulf %get3A_923, %mul3A_925 : vector<16xf32>
        %swap3A_927 = arith.constant 0 : i32
        %swap3A_928 = arith.constant 0 : i32
        %swap3A_929 = tpu.memref_slice %arg6[%scan3A_210, %swap3A_927, %swap3A_928] : memref<5x128x128xf32, #tpu.memory_space<vmem>> -> memref<1x128x128xf32, #tpu.memory_space<vmem>>
        %swap3A_930 = tpu.memref_squeeze %swap3A_929 : memref<1x128x128xf32, #tpu.memory_space<vmem>> -> memref<128x128xf32, #tpu.memory_space<vmem>>
        %swap3A_931 = arith.index_cast %add3A_915 : i32 to index
        %swap3A_932 = arith.constant 0 : index
        %swap3A_933 = tpu.vector_load %swap3A_930[%swap3A_931, %swap3A_932] {strides = array<i32>} : memref<128x128xf32, #tpu.memory_space<vmem>>, vector<1x16xf32>,
        %swap3A_934 = vector.shape_cast %swap3A_933 : vector<1x16xf32> to vector<16xf32>
        %swap3A_935 = vector.shape_cast %mul3A_926 : vector<16xf32> to vector<1x16xf32>
        tpu.vector_store %swap3A_930[%swap3A_931, %swap3A_932], %swap3A_935 {strides = array<i32>} : memref<128x128xf32, #tpu.memory_space<vmem>>, vector<1x16xf32>,
        %get3A_936 = arith.constant 0 : i32
        %get3A_937 = arith.constant 0 : i32
        %get3A_938 = tpu.memref_slice %arg6[%scan3A_210, %get3A_936, %get3A_937] : memref<5x128x128xf32, #tpu.memory_space<vmem>> -> memref<1x128x128xf32, #tpu.memory_space<vmem>>
        %get3A_939 = tpu.memref_squeeze %get3A_938 : memref<1x128x128xf32, #tpu.memory_space<vmem>> -> memref<128x128xf32, #tpu.memory_space<vmem>>
        %get3A_940 = arith.index_cast %add3A_915 : i32 to index
        %get3A_941 = arith.constant 16 : index
        %get3A_942 = tpu.vector_load %get3A_939[%get3A_940, %get3A_941] {strides = array<i32>} : memref<128x128xf32, #tpu.memory_space<vmem>>, vector<1x16xf32>,
        %get3A_943 = vector.shape_cast %get3A_942 : vector<1x16xf32> to vector<16xf32>
        %mul3A_944 = arith.constant 11.3137083 : f32
        %mul3A_945 = vector.broadcast %mul3A_944 : f32 to vector<16xf32>
        %mul3A_946 = arith.mulf %get3A_943, %mul3A_945 : vector<16xf32>
        %swap3A_947 = arith.constant 0 : i32
        %swap3A_948 = arith.constant 0 : i32
        %swap3A_949 = tpu.memref_slice %arg6[%scan3A_210, %swap3A_947, %swap3A_948] : memref<5x128x128xf32, #tpu.memory_space<vmem>> -> memref<1x128x128xf32, #tpu.memory_space<vmem>>
        %swap3A_950 = tpu.memref_squeeze %swap3A_949 : memref<1x128x128xf32, #tpu.memory_space<vmem>> -> memref<128x128xf32, #tpu.memory_space<vmem>>
        %swap3A_951 = arith.index_cast %add3A_915 : i32 to index
        %swap3A_952 = arith.constant 16 : index
        %swap3A_953 = tpu.vector_load %swap3A_950[%swap3A_951, %swap3A_952] {strides = array<i32>} : memref<128x128xf32, #tpu.memory_space<vmem>>, vector<1x16xf32>,
        %swap3A_954 = vector.shape_cast %swap3A_953 : vector<1x16xf32> to vector<16xf32>
        %swap3A_955 = vector.shape_cast %mul3A_946 : vector<16xf32> to vector<1x16xf32>
        tpu.vector_store %swap3A_950[%swap3A_951, %swap3A_952], %swap3A_955 {strides = array<i32>} : memref<128x128xf32, #tpu.memory_space<vmem>>, vector<1x16xf32>,
        %get3A_956 = arith.constant 0 : i32
        %get3A_957 = arith.constant 0 : i32
        %get3A_958 = tpu.memref_slice %arg6[%scan3A_210, %get3A_956, %get3A_957] : memref<5x128x128xf32, #tpu.memory_space<vmem>> -> memref<1x128x128xf32, #tpu.memory_space<vmem>>
        %get3A_959 = tpu.memref_squeeze %get3A_958 : memref<1x128x128xf32, #tpu.memory_space<vmem>> -> memref<128x128xf32, #tpu.memory_space<vmem>>
        %get3A_960 = arith.index_cast %add3A_915 : i32 to index
        %get3A_961 = arith.constant 32 : index
        %get3A_962 = tpu.vector_load %get3A_959[%get3A_960, %get3A_961] {strides = array<i32>} : memref<128x128xf32, #tpu.memory_space<vmem>>, vector<1x16xf32>,
        %get3A_963 = vector.shape_cast %get3A_962 : vector<1x16xf32> to vector<16xf32>
        %mul3A_964 = arith.constant 11.3137083 : f32
        %mul3A_965 = vector.broadcast %mul3A_964 : f32 to vector<16xf32>
        %mul3A_966 = arith.mulf %get3A_963, %mul3A_965 : vector<16xf32>
        %swap3A_967 = arith.constant 0 : i32
        %swap3A_968 = arith.constant 0 : i32
        %swap3A_969 = tpu.memref_slice %arg6[%scan3A_210, %swap3A_967, %swap3A_968] : memref<5x128x128xf32, #tpu.memory_space<vmem>> -> memref<1x128x128xf32, #tpu.memory_space<vmem>>
        %swap3A_970 = tpu.memref_squeeze %swap3A_969 : memref<1x128x128xf32, #tpu.memory_space<vmem>> -> memref<128x128xf32, #tpu.memory_space<vmem>>
        %swap3A_971 = arith.index_cast %add3A_915 : i32 to index
        %swap3A_972 = arith.constant 32 : index
        %swap3A_973 = tpu.vector_load %swap3A_970[%swap3A_971, %swap3A_972] {strides = array<i32>} : memref<128x128xf32, #tpu.memory_space<vmem>>, vector<1x16xf32>,
        %swap3A_974 = vector.shape_cast %swap3A_973 : vector<1x16xf32> to vector<16xf32>
        %swap3A_975 = vector.shape_cast %mul3A_966 : vector<16xf32> to vector<1x16xf32>
        tpu.vector_store %swap3A_970[%swap3A_971, %swap3A_972], %swap3A_975 {strides = array<i32>} : memref<128x128xf32, #tpu.memory_space<vmem>>, vector<1x16xf32>,
        %get3A_976 = arith.constant 0 : i32
        %get3A_977 = arith.constant 0 : i32
        %get3A_978 = tpu.memref_slice %arg6[%scan3A_210, %get3A_976, %get3A_977] : memref<5x128x128xf32, #tpu.memory_space<vmem>> -> memref<1x128x128xf32, #tpu.memory_space<vmem>>
        %get3A_979 = tpu.memref_squeeze %get3A_978 : memref<1x128x128xf32, #tpu.memory_space<vmem>> -> memref<128x128xf32, #tpu.memory_space<vmem>>
        %get3A_980 = arith.index_cast %add3A_915 : i32 to index
        %get3A_981 = arith.constant 48 : index
        %get3A_982 = tpu.vector_load %get3A_979[%get3A_980, %get3A_981] {strides = array<i32>} : memref<128x128xf32, #tpu.memory_space<vmem>>, vector<1x16xf32>,
        %get3A_983 = vector.shape_cast %get3A_982 : vector<1x16xf32> to vector<16xf32>
        %mul3A_984 = arith.constant 11.3137083 : f32
        %mul3A_985 = vector.broadcast %mul3A_984 : f32 to vector<16xf32>
        %mul3A_986 = arith.mulf %get3A_983, %mul3A_985 : vector<16xf32>
        %swap3A_987 = arith.constant 0 : i32
        %swap3A_988 = arith.constant 0 : i32
        %swap3A_989 = tpu.memref_slice %arg6[%scan3A_210, %swap3A_987, %swap3A_988] : memref<5x128x128xf32, #tpu.memory_space<vmem>> -> memref<1x128x128xf32, #tpu.memory_space<vmem>>
        %swap3A_990 = tpu.memref_squeeze %swap3A_989 : memref<1x128x128xf32, #tpu.memory_space<vmem>> -> memref<128x128xf32, #tpu.memory_space<vmem>>
        %swap3A_991 = arith.index_cast %add3A_915 : i32 to index
        %swap3A_992 = arith.constant 48 : index
        %swap3A_993 = tpu.vector_load %swap3A_990[%swap3A_991, %swap3A_992] {strides = array<i32>} : memref<128x128xf32, #tpu.memory_space<vmem>>, vector<1x16xf32>,
        %swap3A_994 = vector.shape_cast %swap3A_993 : vector<1x16xf32> to vector<16xf32>
        %swap3A_995 = vector.shape_cast %mul3A_986 : vector<16xf32> to vector<1x16xf32>
        tpu.vector_store %swap3A_990[%swap3A_991, %swap3A_992], %swap3A_995 {strides = array<i32>} : memref<128x128xf32, #tpu.memory_space<vmem>>, vector<1x16xf32>,
        %get3A_996 = arith.constant 0 : i32
        %get3A_997 = arith.constant 0 : i32
        %get3A_998 = tpu.memref_slice %arg6[%scan3A_210, %get3A_996, %get3A_997] : memref<5x128x128xf32, #tpu.memory_space<vmem>> -> memref<1x128x128xf32, #tpu.memory_space<vmem>>
        %get3A_999 = tpu.memref_squeeze %get3A_998 : memref<1x128x128xf32, #tpu.memory_space<vmem>> -> memref<128x128xf32, #tpu.memory_space<vmem>>
        %get3A_1000 = arith.index_cast %add3A_915 : i32 to index
        %get3A_1001 = arith.constant 64 : index
        %get3A_1002 = tpu.vector_load %get3A_999[%get3A_1000, %get3A_1001] {strides = array<i32>} : memref<128x128xf32, #tpu.memory_space<vmem>>, vector<1x16xf32>,
        %get3A_1003 = vector.shape_cast %get3A_1002 : vector<1x16xf32> to vector<16xf32>
        %mul3A_1004 = arith.constant 11.3137083 : f32
        %mul3A_1005 = vector.broadcast %mul3A_1004 : f32 to vector<16xf32>
        %mul3A_1006 = arith.mulf %get3A_1003, %mul3A_1005 : vector<16xf32>
        %swap3A_1007 = arith.constant 0 : i32
        %swap3A_1008 = arith.constant 0 : i32
        %swap3A_1009 = tpu.memref_slice %arg6[%scan3A_210, %swap3A_1007, %swap3A_1008] : memref<5x128x128xf32, #tpu.memory_space<vmem>> -> memref<1x128x128xf32, #tpu.memory_space<vmem>>
        %swap3A_1010 = tpu.memref_squeeze %swap3A_1009 : memref<1x128x128xf32, #tpu.memory_space<vmem>> -> memref<128x128xf32, #tpu.memory_space<vmem>>
        %swap3A_1011 = arith.index_cast %add3A_915 : i32 to index
        %swap3A_1012 = arith.constant 64 : index
        %swap3A_1013 = tpu.vector_load %swap3A_1010[%swap3A_1011, %swap3A_1012] {strides = array<i32>} : memref<128x128xf32, #tpu.memory_space<vmem>>, vector<1x16xf32>,
        %swap3A_1014 = vector.shape_cast %swap3A_1013 : vector<1x16xf32> to vector<16xf32>
        %swap3A_1015 = vector.shape_cast %mul3A_1006 : vector<16xf32> to vector<1x16xf32>
        tpu.vector_store %swap3A_1010[%swap3A_1011, %swap3A_1012], %swap3A_1015 {strides = array<i32>} : memref<128x128xf32, #tpu.memory_space<vmem>>, vector<1x16xf32>,
        %get3A_1016 = arith.constant 0 : i32
        %get3A_1017 = arith.constant 0 : i32
        %get3A_1018 = tpu.memref_slice %arg6[%scan3A_210, %get3A_1016, %get3A_1017] : memref<5x128x128xf32, #tpu.memory_space<vmem>> -> memref<1x128x128xf32, #tpu.memory_space<vmem>>
        %get3A_1019 = tpu.memref_squeeze %get3A_1018 : memref<1x128x128xf32, #tpu.memory_space<vmem>> -> memref<128x128xf32, #tpu.memory_space<vmem>>
        %get3A_1020 = arith.index_cast %add3A_915 : i32 to index
        %get3A_1021 = arith.constant 80 : index
        %get3A_1022 = tpu.vector_load %get3A_1019[%get3A_1020, %get3A_1021] {strides = array<i32>} : memref<128x128xf32, #tpu.memory_space<vmem>>, vector<1x16xf32>,
        %get3A_1023 = vector.shape_cast %get3A_1022 : vector<1x16xf32> to vector<16xf32>
        %mul3A_1024 = arith.constant 11.3137083 : f32
        %mul3A_1025 = vector.broadcast %mul3A_1024 : f32 to vector<16xf32>
        %mul3A_1026 = arith.mulf %get3A_1023, %mul3A_1025 : vector<16xf32>
        %swap3A_1027 = arith.constant 0 : i32
        %swap3A_1028 = arith.constant 0 : i32
        %swap3A_1029 = tpu.memref_slice %arg6[%scan3A_210, %swap3A_1027, %swap3A_1028] : memref<5x128x128xf32, #tpu.memory_space<vmem>> -> memref<1x128x128xf32, #tpu.memory_space<vmem>>
        %swap3A_1030 = tpu.memref_squeeze %swap3A_1029 : memref<1x128x128xf32, #tpu.memory_space<vmem>> -> memref<128x128xf32, #tpu.memory_space<vmem>>
        %swap3A_1031 = arith.index_cast %add3A_915 : i32 to index
        %swap3A_1032 = arith.constant 80 : index
        %swap3A_1033 = tpu.vector_load %swap3A_1030[%swap3A_1031, %swap3A_1032] {strides = array<i32>} : memref<128x128xf32, #tpu.memory_space<vmem>>, vector<1x16xf32>,
        %swap3A_1034 = vector.shape_cast %swap3A_1033 : vector<1x16xf32> to vector<16xf32>
        %swap3A_1035 = vector.shape_cast %mul3A_1026 : vector<16xf32> to vector<1x16xf32>
        tpu.vector_store %swap3A_1030[%swap3A_1031, %swap3A_1032], %swap3A_1035 {strides = array<i32>} : memref<128x128xf32, #tpu.memory_space<vmem>>, vector<1x16xf32>,
        %get3A_1036 = arith.constant 0 : i32
        %get3A_1037 = arith.constant 0 : i32
        %get3A_1038 = tpu.memref_slice %arg6[%scan3A_210, %get3A_1036, %get3A_1037] : memref<5x128x128xf32, #tpu.memory_space<vmem>> -> memref<1x128x128xf32, #tpu.memory_space<vmem>>
        %get3A_1039 = tpu.memref_squeeze %get3A_1038 : memref<1x128x128xf32, #tpu.memory_space<vmem>> -> memref<128x128xf32, #tpu.memory_space<vmem>>
        %get3A_1040 = arith.index_cast %add3A_915 : i32 to index
        %get3A_1041 = arith.constant 96 : index
        %get3A_1042 = tpu.vector_load %get3A_1039[%get3A_1040, %get3A_1041] {strides = array<i32>} : memref<128x128xf32, #tpu.memory_space<vmem>>, vector<1x16xf32>,
        %get3A_1043 = vector.shape_cast %get3A_1042 : vector<1x16xf32> to vector<16xf32>
        %mul3A_1044 = arith.constant 11.3137083 : f32
        %mul3A_1045 = vector.broadcast %mul3A_1044 : f32 to vector<16xf32>
        %mul3A_1046 = arith.mulf %get3A_1043, %mul3A_1045 : vector<16xf32>
        %swap3A_1047 = arith.constant 0 : i32
        %swap3A_1048 = arith.constant 0 : i32
        %swap3A_1049 = tpu.memref_slice %arg6[%scan3A_210, %swap3A_1047, %swap3A_1048] : memref<5x128x128xf32, #tpu.memory_space<vmem>> -> memref<1x128x128xf32, #tpu.memory_space<vmem>>
        %swap3A_1050 = tpu.memref_squeeze %swap3A_1049 : memref<1x128x128xf32, #tpu.memory_space<vmem>> -> memref<128x128xf32, #tpu.memory_space<vmem>>
        %swap3A_1051 = arith.index_cast %add3A_915 : i32 to index
        %swap3A_1052 = arith.constant 96 : index
        %swap3A_1053 = tpu.vector_load %swap3A_1050[%swap3A_1051, %swap3A_1052] {strides = array<i32>} : memref<128x128xf32, #tpu.memory_space<vmem>>, vector<1x16xf32>,
        %swap3A_1054 = vector.shape_cast %swap3A_1053 : vector<1x16xf32> to vector<16xf32>
        %swap3A_1055 = vector.shape_cast %mul3A_1046 : vector<16xf32> to vector<1x16xf32>
        tpu.vector_store %swap3A_1050[%swap3A_1051, %swap3A_1052], %swap3A_1055 {strides = array<i32>} : memref<128x128xf32, #tpu.memory_space<vmem>>, vector<1x16xf32>,
        %get3A_1056 = arith.constant 0 : i32
        %get3A_1057 = arith.constant 0 : i32
        %get3A_1058 = tpu.memref_slice %arg6[%scan3A_210, %get3A_1056, %get3A_1057] : memref<5x128x128xf32, #tpu.memory_space<vmem>> -> memref<1x128x128xf32, #tpu.memory_space<vmem>>
        %get3A_1059 = tpu.memref_squeeze %get3A_1058 : memref<1x128x128xf32, #tpu.memory_space<vmem>> -> memref<128x128xf32, #tpu.memory_space<vmem>>
        %get3A_1060 = arith.index_cast %add3A_915 : i32 to index
        %get3A_1061 = arith.constant 112 : index
        %get3A_1062 = tpu.vector_load %get3A_1059[%get3A_1060, %get3A_1061] {strides = array<i32>} : memref<128x128xf32, #tpu.memory_space<vmem>>, vector<1x16xf32>,
        %get3A_1063 = vector.shape_cast %get3A_1062 : vector<1x16xf32> to vector<16xf32>
        %mul3A_1064 = arith.constant 11.3137083 : f32
        %mul3A_1065 = vector.broadcast %mul3A_1064 : f32 to vector<16xf32>
        %mul3A_1066 = arith.mulf %get3A_1063, %mul3A_1065 : vector<16xf32>
        %swap3A_1067 = arith.constant 0 : i32
        %swap3A_1068 = arith.constant 0 : i32
        %swap3A_1069 = tpu.memref_slice %arg6[%scan3A_210, %swap3A_1067, %swap3A_1068] : memref<5x128x128xf32, #tpu.memory_space<vmem>> -> memref<1x128x128xf32, #tpu.memory_space<vmem>>
        %swap3A_1070 = tpu.memref_squeeze %swap3A_1069 : memref<1x128x128xf32, #tpu.memory_space<vmem>> -> memref<128x128xf32, #tpu.memory_space<vmem>>
        %swap3A_1071 = arith.index_cast %add3A_915 : i32 to index
        %swap3A_1072 = arith.constant 112 : index
        %swap3A_1073 = tpu.vector_load %swap3A_1070[%swap3A_1071, %swap3A_1072] {strides = array<i32>} : memref<128x128xf32, #tpu.memory_space<vmem>>, vector<1x16xf32>,
        %swap3A_1074 = vector.shape_cast %swap3A_1073 : vector<1x16xf32> to vector<16xf32>
        %swap3A_1075 = vector.shape_cast %mul3A_1066 : vector<16xf32> to vector<1x16xf32>
        tpu.vector_store %swap3A_1070[%swap3A_1071, %swap3A_1072], %swap3A_1075 {strides = array<i32>} : memref<128x128xf32, #tpu.memory_space<vmem>>, vector<1x16xf32>,
      }
      %scan3A_215 = arith.constant 128 : i32
      %mul3A_216 = arith.constant 128 : i32
      %mul3A_217 = arith.muli %add3A_176, %mul3A_216 : i32
      %add3A_218 = arith.addi %mul3A_2, %mul3A_217 : i32
      %dma_start3A_219 = arith.constant 1 : i32
      %dma_start3A_220 = arith.constant 1 : i32
      %dma_start3A_221 = arith.constant 0 : i32
      %dma_start3A_222 = arith.constant 0 : i32
      %dma_start3A_223 = tpu.memref_slice %arg6[%dma_start3A_219, %dma_start3A_221, %dma_start3A_222] : memref<5x128x128xf32, #tpu.memory_space<vmem>> -> memref<1x128x128xf32, #tpu.memory_space<vmem>>
      %dma_start3A_224 = tpu.memref_squeeze %dma_start3A_223 : memref<1x128x128xf32, #tpu.memory_space<vmem>> -> memref<128x128xf32, #tpu.memory_space<vmem>>
      %dma_start3A_225 = arith.constant 0 : i32
      %dma_start3A_226 = tpu.memref_slice %arg4[%add3A_218, %dma_start3A_225] : memref<204800x128xf32, #tpu.memory_space<hbm>> -> memref<128x128xf32, #tpu.memory_space<hbm>>
      %dma_start3A_227 = tpu.memref_slice %arg8[%dma_start3A_220] : memref<5x!tpu.dma_semaphore, #tpu.memory_space<semaphore_mem>> -> memref<1x!tpu.dma_semaphore, #tpu.memory_space<semaphore_mem>>
      %dma_start3A_228 = tpu.memref_squeeze %dma_start3A_227 : memref<1x!tpu.dma_semaphore, #tpu.memory_space<semaphore_mem>> -> memref<!tpu.dma_semaphore, #tpu.memory_space<semaphore_mem>>
      %dma_start3A_229 = arith.constant 0 : i32
      %dma_start3A_230 = tpu.memref_slice %arg4[%add3A_218, %dma_start3A_229] : memref<204800x128xf32, #tpu.memory_space<hbm>> -> memref<128x128xf32, #tpu.memory_space<hbm>>
      %dma_start3A_231 = arith.constant 0 : i32
      %dma_start3A_232 = arith.constant 0 : i32
      %dma_start3A_233 = tpu.memref_slice %arg6[%dma_start3A_219, %dma_start3A_231, %dma_start3A_232] : memref<5x128x128xf32, #tpu.memory_space<vmem>> -> memref<1x128x128xf32, #tpu.memory_space<vmem>>
      %dma_start3A_234 = tpu.memref_squeeze %dma_start3A_233 : memref<1x128x128xf32, #tpu.memory_space<vmem>> -> memref<128x128xf32, #tpu.memory_space<vmem>>
      tpu.enqueue_dma source(%dma_start3A_234 : memref<128x128xf32, #tpu.memory_space<vmem>>) target(%dma_start3A_230 : memref<128x128xf32, #tpu.memory_space<hbm>>) target_semaphore(%dma_start3A_228 : memref<!tpu.dma_semaphore, #tpu.memory_space<semaphore_mem>>)
      %add3A_235 = arith.constant 2 : i32
      %add3A_236 = arith.addi %add3A_119, %add3A_235 : i32
      %add3A_237 = arith.constant 2 : i32
      %add3A_238 = arith.addi %add3A_236, %add3A_237 : i32
      %lt3A_239 = arith.constant 50 : i32
      %lt3A_240 = arith.cmpi slt, %add3A_238, %lt3A_239 : i32
      %add3A_241 = arith.constant 2 : i32
      %add3A_242 = arith.addi %add3A_236, %add3A_241 : i32
      %ge3A_243 = arith.constant 5 : i32
      %ge3A_244 = arith.cmpi sge, %add3A_242, %ge3A_243 : i32
      %and3A_245 = arith.andi %lt3A_240, %ge3A_244 : i1
      %convert_element_type3A_246 = arith.extui %and3A_245 : i1 to i32
      %cond3A_247 = arith.constant 0 : i32
      %cond3A_248 = arith.cmpi ne, %convert_element_type3A_246, %cond3A_247 : i32
      scf.if %cond3A_248 {
        %dma_wait3A_415 = arith.constant 4 : i32
        %dma_wait3A_416 = arith.constant 4 : i32
        %dma_wait3A_417 = arith.constant 0 : i32
        %dma_wait3A_418 = arith.constant 0 : i32
        %dma_wait3A_419 = tpu.memref_slice %arg6[%dma_wait3A_415, %dma_wait3A_417, %dma_wait3A_418] : memref<5x128x128xf32, #tpu.memory_space<vmem>> -> memref<1x128x128xf32, #tpu.memory_space<vmem>>
        %dma_wait3A_420 = tpu.memref_squeeze %dma_wait3A_419 : memref<1x128x128xf32, #tpu.memory_space<vmem>> -> memref<128x128xf32, #tpu.memory_space<vmem>>
        %dma_wait3A_421 = arith.constant 0 : i32
        %dma_wait3A_422 = tpu.memref_slice %arg4[%mul3A_2, %dma_wait3A_421] : memref<204800x128xf32, #tpu.memory_space<hbm>> -> memref<128x128xf32, #tpu.memory_space<hbm>>
        %dma_wait3A_423 = tpu.memref_slice %arg8[%dma_wait3A_416] : memref<5x!tpu.dma_semaphore, #tpu.memory_space<semaphore_mem>> -> memref<1x!tpu.dma_semaphore, #tpu.memory_space<semaphore_mem>>
        %dma_wait3A_424 = tpu.memref_squeeze %dma_wait3A_423 : memref<1x!tpu.dma_semaphore, #tpu.memory_space<semaphore_mem>> -> memref<!tpu.dma_semaphore, #tpu.memory_space<semaphore_mem>>
        %dma_wait3A_425 = arith.constant 0 : i32
        %dma_wait3A_426 = tpu.memref_slice %arg4[%mul3A_2, %dma_wait3A_425] : memref<204800x128xf32, #tpu.memory_space<hbm>> -> memref<128x128xf32, #tpu.memory_space<hbm>>
        %dma_wait3A_427 = arith.constant 0 : i32
        %dma_wait3A_428 = arith.constant 0 : i32
        %dma_wait3A_429 = tpu.memref_slice %arg6[%dma_wait3A_415, %dma_wait3A_427, %dma_wait3A_428] : memref<5x128x128xf32, #tpu.memory_space<vmem>> -> memref<1x128x128xf32, #tpu.memory_space<vmem>>
        %dma_wait3A_430 = tpu.memref_squeeze %dma_wait3A_429 : memref<1x128x128xf32, #tpu.memory_space<vmem>> -> memref<128x128xf32, #tpu.memory_space<vmem>>
        tpu.wait_dma2 semaphore(%dma_wait3A_424 : memref<!tpu.dma_semaphore, #tpu.memory_space<semaphore_mem>>) src(%dma_wait3A_430 : memref<128x128xf32, #tpu.memory_space<vmem>>) dst(%dma_wait3A_426 : memref<128x128xf32, #tpu.memory_space<hbm>>)
      } else {
      }
      %convert_element_type3A_249 = arith.extui %lt3A_240 : i1 to i32
      %cond3A_250 = arith.constant 0 : i32
      %cond3A_251 = arith.cmpi ne, %convert_element_type3A_249, %cond3A_250 : i32
      scf.if %cond3A_251 {
        %add3A_415 = arith.constant 2 : i32
        %add3A_416 = arith.addi %add3A_236, %add3A_415 : i32
        %dma_start3A_417 = arith.constant 4 : i32
        %dma_start3A_418 = arith.constant 4 : i32
        %dma_start3A_419 = arith.constant 0 : i32
        %dma_start3A_420 = arith.constant 0 : i32
        %dma_start3A_421 = tpu.memref_slice %arg6[%dma_start3A_417, %dma_start3A_419, %dma_start3A_420] : memref<5x128x128xf32, #tpu.memory_space<vmem>> -> memref<1x128x128xf32, #tpu.memory_space<vmem>>
        %dma_start3A_422 = tpu.memref_squeeze %dma_start3A_421 : memref<1x128x128xf32, #tpu.memory_space<vmem>> -> memref<128x128xf32, #tpu.memory_space<vmem>>
        %dma_start3A_423 = arith.constant 0 : i32
        %dma_start3A_424 = tpu.memref_slice %arg5[%add3A_416, %dma_start3A_423] : memref<50x128xi32, #tpu.memory_space<vmem>> -> memref<1x128xi32, #tpu.memory_space<vmem>>
        %dma_start3A_425 = tpu.memref_squeeze %dma_start3A_424 : memref<1x128xi32, #tpu.memory_space<vmem>> -> memref<128xi32, #tpu.memory_space<vmem>>
        %dma_start3A_426 = arith.constant 0 : i32
        %dma_start3A_427 = arith.constant 0 : i32
        %dma_start3A_428 = tpu.memref_slice %arg3[%dma_start3A_426, %dma_start3A_427] : memref<100000x128xf32, #tpu.memory_space<hbm>> -> memref<100000x128xf32, #tpu.memory_space<hbm>>
        %dma_start3A_429 = tpu.memref_slice %arg7[%dma_start3A_418] : memref<5x!tpu.dma_semaphore, #tpu.memory_space<semaphore_mem>> -> memref<1x!tpu.dma_semaphore, #tpu.memory_space<semaphore_mem>>
        %dma_start3A_430 = tpu.memref_squeeze %dma_start3A_429 : memref<1x!tpu.dma_semaphore, #tpu.memory_space<semaphore_mem>> -> memref<!tpu.dma_semaphore, #tpu.memory_space<semaphore_mem>>
        tpu.enqueue_indirect_dma source(%dma_start3A_428 : memref<100000x128xf32, #tpu.memory_space<hbm>>) target(%dma_start3A_422 : memref<128x128xf32, #tpu.memory_space<vmem>>) offsets(%dma_start3A_425 : memref<128xi32, #tpu.memory_space<vmem>>) semaphore(%dma_start3A_430 : memref<!tpu.dma_semaphore, #tpu.memory_space<semaphore_mem>>)
      } else {
      }
      %dma_wait3A_252 = arith.constant 2 : i32
      %dma_wait3A_253 = arith.constant 2 : i32
      %dma_wait3A_254 = arith.constant 0 : i32
      %dma_wait3A_255 = arith.constant 0 : i32
      %dma_wait3A_256 = tpu.memref_slice %arg6[%dma_wait3A_252, %dma_wait3A_254, %dma_wait3A_255] : memref<5x128x128xf32, #tpu.memory_space<vmem>> -> memref<1x128x128xf32, #tpu.memory_space<vmem>>
      %dma_wait3A_257 = tpu.memref_squeeze %dma_wait3A_256 : memref<1x128x128xf32, #tpu.memory_space<vmem>> -> memref<128x128xf32, #tpu.memory_space<vmem>>
      %dma_wait3A_258 = arith.constant 0 : i32
      %dma_wait3A_259 = arith.constant 0 : i32
      %dma_wait3A_260 = tpu.memref_slice %arg3[%dma_wait3A_258, %dma_wait3A_259] : memref<100000x128xf32, #tpu.memory_space<hbm>> -> memref<128x128xf32, #tpu.memory_space<hbm>>
      %dma_wait3A_261 = tpu.memref_slice %arg7[%dma_wait3A_253] : memref<5x!tpu.dma_semaphore, #tpu.memory_space<semaphore_mem>> -> memref<1x!tpu.dma_semaphore, #tpu.memory_space<semaphore_mem>>
      %dma_wait3A_262 = tpu.memref_squeeze %dma_wait3A_261 : memref<1x!tpu.dma_semaphore, #tpu.memory_space<semaphore_mem>> -> memref<!tpu.dma_semaphore, #tpu.memory_space<semaphore_mem>>
      %dma_wait3A_263 = arith.constant 0 : i32
      %dma_wait3A_264 = arith.constant 0 : i32
      %dma_wait3A_265 = tpu.memref_slice %arg6[%dma_wait3A_252, %dma_wait3A_263, %dma_wait3A_264] : memref<5x128x128xf32, #tpu.memory_space<vmem>> -> memref<1x128x128xf32, #tpu.memory_space<vmem>>
      %dma_wait3A_266 = tpu.memref_squeeze %dma_wait3A_265 : memref<1x128x128xf32, #tpu.memory_space<vmem>> -> memref<128x128xf32, #tpu.memory_space<vmem>>
      %dma_wait3A_267 = arith.constant 0 : i32
      %dma_wait3A_268 = arith.constant 0 : i32
      %dma_wait3A_269 = tpu.memref_slice %arg3[%dma_wait3A_267, %dma_wait3A_268] : memref<100000x128xf32, #tpu.memory_space<hbm>> -> memref<128x128xf32, #tpu.memory_space<hbm>>
      tpu.wait_dma2 semaphore(%dma_wait3A_262 : memref<!tpu.dma_semaphore, #tpu.memory_space<semaphore_mem>>) src(%dma_wait3A_269 : memref<128x128xf32, #tpu.memory_space<hbm>>) dst(%dma_wait3A_266 : memref<128x128xf32, #tpu.memory_space<vmem>>)
      %scan3A_270 = arith.constant 2 : i32
      %scan3A_271 = arith.constant 0 : i32
      %scan3A_272 = arith.constant 128 : i32
      %scan3A_273 = arith.addi %scan3A_271, %scan3A_272 : i32
      %scan3A_274 = arith.constant 4 : i32
      scf.for %scan3A_415 = %scan3A_271 to %scan3A_273 step %scan3A_274  : i32 {
        %mul3A_416 = arith.constant 1 : i32
        %mul3A_417 = arith.muli %scan3A_415, %mul3A_416 : i32
        %add3A_418 = arith.constant 0 : i32
        %add3A_419 = arith.addi %add3A_418, %mul3A_417 : i32
        %get3A = arith.constant 0 : i32
        %get3A_420 = arith.constant 0 : i32
        %get3A_421 = tpu.memref_slice %arg6[%scan3A_270, %get3A, %get3A_420] : memref<5x128x128xf32, #tpu.memory_space<vmem>> -> memref<1x128x128xf32, #tpu.memory_space<vmem>>
        %get3A_422 = tpu.memref_squeeze %get3A_421 : memref<1x128x128xf32, #tpu.memory_space<vmem>> -> memref<128x128xf32, #tpu.memory_space<vmem>>
        %get3A_423 = arith.index_cast %add3A_419 : i32 to index
        %get3A_424 = arith.constant 0 : index
        %get3A_425 = tpu.vector_load %get3A_422[%get3A_423, %get3A_424] {strides = array<i32>} : memref<128x128xf32, #tpu.memory_space<vmem>>, vector<1x16xf32>,
        %get3A_426 = vector.shape_cast %get3A_425 : vector<1x16xf32> to vector<16xf32>
        %mul3A_427 = arith.constant 11.3137083 : f32
        %mul3A_428 = vector.broadcast %mul3A_427 : f32 to vector<16xf32>
        %mul3A_429 = arith.mulf %get3A_426, %mul3A_428 : vector<16xf32>
        %swap3A = arith.constant 0 : i32
        %swap3A_430 = arith.constant 0 : i32
        %swap3A_431 = tpu.memref_slice %arg6[%scan3A_270, %swap3A, %swap3A_430] : memref<5x128x128xf32, #tpu.memory_space<vmem>> -> memref<1x128x128xf32, #tpu.memory_space<vmem>>
        %swap3A_432 = tpu.memref_squeeze %swap3A_431 : memref<1x128x128xf32, #tpu.memory_space<vmem>> -> memref<128x128xf32, #tpu.memory_space<vmem>>
        %swap3A_433 = arith.index_cast %add3A_419 : i32 to index
        %swap3A_434 = arith.constant 0 : index
        %swap3A_435 = tpu.vector_load %swap3A_432[%swap3A_433, %swap3A_434] {strides = array<i32>} : memref<128x128xf32, #tpu.memory_space<vmem>>, vector<1x16xf32>,
        %swap3A_436 = vector.shape_cast %swap3A_435 : vector<1x16xf32> to vector<16xf32>
        %swap3A_437 = vector.shape_cast %mul3A_429 : vector<16xf32> to vector<1x16xf32>
        tpu.vector_store %swap3A_432[%swap3A_433, %swap3A_434], %swap3A_437 {strides = array<i32>} : memref<128x128xf32, #tpu.memory_space<vmem>>, vector<1x16xf32>,
        %get3A_438 = arith.constant 0 : i32
        %get3A_439 = arith.constant 0 : i32
        %get3A_440 = tpu.memref_slice %arg6[%scan3A_270, %get3A_438, %get3A_439] : memref<5x128x128xf32, #tpu.memory_space<vmem>> -> memref<1x128x128xf32, #tpu.memory_space<vmem>>
        %get3A_441 = tpu.memref_squeeze %get3A_440 : memref<1x128x128xf32, #tpu.memory_space<vmem>> -> memref<128x128xf32, #tpu.memory_space<vmem>>
        %get3A_442 = arith.index_cast %add3A_419 : i32 to index
        %get3A_443 = arith.constant 16 : index
        %get3A_444 = tpu.vector_load %get3A_441[%get3A_442, %get3A_443] {strides = array<i32>} : memref<128x128xf32, #tpu.memory_space<vmem>>, vector<1x16xf32>,
        %get3A_445 = vector.shape_cast %get3A_444 : vector<1x16xf32> to vector<16xf32>
        %mul3A_446 = arith.constant 11.3137083 : f32
        %mul3A_447 = vector.broadcast %mul3A_446 : f32 to vector<16xf32>
        %mul3A_448 = arith.mulf %get3A_445, %mul3A_447 : vector<16xf32>
        %swap3A_449 = arith.constant 0 : i32
        %swap3A_450 = arith.constant 0 : i32
        %swap3A_451 = tpu.memref_slice %arg6[%scan3A_270, %swap3A_449, %swap3A_450] : memref<5x128x128xf32, #tpu.memory_space<vmem>> -> memref<1x128x128xf32, #tpu.memory_space<vmem>>
        %swap3A_452 = tpu.memref_squeeze %swap3A_451 : memref<1x128x128xf32, #tpu.memory_space<vmem>> -> memref<128x128xf32, #tpu.memory_space<vmem>>
        %swap3A_453 = arith.index_cast %add3A_419 : i32 to index
        %swap3A_454 = arith.constant 16 : index
        %swap3A_455 = tpu.vector_load %swap3A_452[%swap3A_453, %swap3A_454] {strides = array<i32>} : memref<128x128xf32, #tpu.memory_space<vmem>>, vector<1x16xf32>,
        %swap3A_456 = vector.shape_cast %swap3A_455 : vector<1x16xf32> to vector<16xf32>
        %swap3A_457 = vector.shape_cast %mul3A_448 : vector<16xf32> to vector<1x16xf32>
        tpu.vector_store %swap3A_452[%swap3A_453, %swap3A_454], %swap3A_457 {strides = array<i32>} : memref<128x128xf32, #tpu.memory_space<vmem>>, vector<1x16xf32>,
        %get3A_458 = arith.constant 0 : i32
        %get3A_459 = arith.constant 0 : i32
        %get3A_460 = tpu.memref_slice %arg6[%scan3A_270, %get3A_458, %get3A_459] : memref<5x128x128xf32, #tpu.memory_space<vmem>> -> memref<1x128x128xf32, #tpu.memory_space<vmem>>
        %get3A_461 = tpu.memref_squeeze %get3A_460 : memref<1x128x128xf32, #tpu.memory_space<vmem>> -> memref<128x128xf32, #tpu.memory_space<vmem>>
        %get3A_462 = arith.index_cast %add3A_419 : i32 to index
        %get3A_463 = arith.constant 32 : index
        %get3A_464 = tpu.vector_load %get3A_461[%get3A_462, %get3A_463] {strides = array<i32>} : memref<128x128xf32, #tpu.memory_space<vmem>>, vector<1x16xf32>,
        %get3A_465 = vector.shape_cast %get3A_464 : vector<1x16xf32> to vector<16xf32>
        %mul3A_466 = arith.constant 11.3137083 : f32
        %mul3A_467 = vector.broadcast %mul3A_466 : f32 to vector<16xf32>
        %mul3A_468 = arith.mulf %get3A_465, %mul3A_467 : vector<16xf32>
        %swap3A_469 = arith.constant 0 : i32
        %swap3A_470 = arith.constant 0 : i32
        %swap3A_471 = tpu.memref_slice %arg6[%scan3A_270, %swap3A_469, %swap3A_470] : memref<5x128x128xf32, #tpu.memory_space<vmem>> -> memref<1x128x128xf32, #tpu.memory_space<vmem>>
        %swap3A_472 = tpu.memref_squeeze %swap3A_471 : memref<1x128x128xf32, #tpu.memory_space<vmem>> -> memref<128x128xf32, #tpu.memory_space<vmem>>
        %swap3A_473 = arith.index_cast %add3A_419 : i32 to index
        %swap3A_474 = arith.constant 32 : index
        %swap3A_475 = tpu.vector_load %swap3A_472[%swap3A_473, %swap3A_474] {strides = array<i32>} : memref<128x128xf32, #tpu.memory_space<vmem>>, vector<1x16xf32>,
        %swap3A_476 = vector.shape_cast %swap3A_475 : vector<1x16xf32> to vector<16xf32>
        %swap3A_477 = vector.shape_cast %mul3A_468 : vector<16xf32> to vector<1x16xf32>
        tpu.vector_store %swap3A_472[%swap3A_473, %swap3A_474], %swap3A_477 {strides = array<i32>} : memref<128x128xf32, #tpu.memory_space<vmem>>, vector<1x16xf32>,
        %get3A_478 = arith.constant 0 : i32
        %get3A_479 = arith.constant 0 : i32
        %get3A_480 = tpu.memref_slice %arg6[%scan3A_270, %get3A_478, %get3A_479] : memref<5x128x128xf32, #tpu.memory_space<vmem>> -> memref<1x128x128xf32, #tpu.memory_space<vmem>>
        %get3A_481 = tpu.memref_squeeze %get3A_480 : memref<1x128x128xf32, #tpu.memory_space<vmem>> -> memref<128x128xf32, #tpu.memory_space<vmem>>
        %get3A_482 = arith.index_cast %add3A_419 : i32 to index
        %get3A_483 = arith.constant 48 : index
        %get3A_484 = tpu.vector_load %get3A_481[%get3A_482, %get3A_483] {strides = array<i32>} : memref<128x128xf32, #tpu.memory_space<vmem>>, vector<1x16xf32>,
        %get3A_485 = vector.shape_cast %get3A_484 : vector<1x16xf32> to vector<16xf32>
        %mul3A_486 = arith.constant 11.3137083 : f32
        %mul3A_487 = vector.broadcast %mul3A_486 : f32 to vector<16xf32>
        %mul3A_488 = arith.mulf %get3A_485, %mul3A_487 : vector<16xf32>
        %swap3A_489 = arith.constant 0 : i32
        %swap3A_490 = arith.constant 0 : i32
        %swap3A_491 = tpu.memref_slice %arg6[%scan3A_270, %swap3A_489, %swap3A_490] : memref<5x128x128xf32, #tpu.memory_space<vmem>> -> memref<1x128x128xf32, #tpu.memory_space<vmem>>
        %swap3A_492 = tpu.memref_squeeze %swap3A_491 : memref<1x128x128xf32, #tpu.memory_space<vmem>> -> memref<128x128xf32, #tpu.memory_space<vmem>>
        %swap3A_493 = arith.index_cast %add3A_419 : i32 to index
        %swap3A_494 = arith.constant 48 : index
        %swap3A_495 = tpu.vector_load %swap3A_492[%swap3A_493, %swap3A_494] {strides = array<i32>} : memref<128x128xf32, #tpu.memory_space<vmem>>, vector<1x16xf32>,
        %swap3A_496 = vector.shape_cast %swap3A_495 : vector<1x16xf32> to vector<16xf32>
        %swap3A_497 = vector.shape_cast %mul3A_488 : vector<16xf32> to vector<1x16xf32>
        tpu.vector_store %swap3A_492[%swap3A_493, %swap3A_494], %swap3A_497 {strides = array<i32>} : memref<128x128xf32, #tpu.memory_space<vmem>>, vector<1x16xf32>,
        %get3A_498 = arith.constant 0 : i32
        %get3A_499 = arith.constant 0 : i32
        %get3A_500 = tpu.memref_slice %arg6[%scan3A_270, %get3A_498, %get3A_499] : memref<5x128x128xf32, #tpu.memory_space<vmem>> -> memref<1x128x128xf32, #tpu.memory_space<vmem>>
        %get3A_501 = tpu.memref_squeeze %get3A_500 : memref<1x128x128xf32, #tpu.memory_space<vmem>> -> memref<128x128xf32, #tpu.memory_space<vmem>>
        %get3A_502 = arith.index_cast %add3A_419 : i32 to index
        %get3A_503 = arith.constant 64 : index
        %get3A_504 = tpu.vector_load %get3A_501[%get3A_502, %get3A_503] {strides = array<i32>} : memref<128x128xf32, #tpu.memory_space<vmem>>, vector<1x16xf32>,
        %get3A_505 = vector.shape_cast %get3A_504 : vector<1x16xf32> to vector<16xf32>
        %mul3A_506 = arith.constant 11.3137083 : f32
        %mul3A_507 = vector.broadcast %mul3A_506 : f32 to vector<16xf32>
        %mul3A_508 = arith.mulf %get3A_505, %mul3A_507 : vector<16xf32>
        %swap3A_509 = arith.constant 0 : i32
        %swap3A_510 = arith.constant 0 : i32
        %swap3A_511 = tpu.memref_slice %arg6[%scan3A_270, %swap3A_509, %swap3A_510] : memref<5x128x128xf32, #tpu.memory_space<vmem>> -> memref<1x128x128xf32, #tpu.memory_space<vmem>>
        %swap3A_512 = tpu.memref_squeeze %swap3A_511 : memref<1x128x128xf32, #tpu.memory_space<vmem>> -> memref<128x128xf32, #tpu.memory_space<vmem>>
        %swap3A_513 = arith.index_cast %add3A_419 : i32 to index
        %swap3A_514 = arith.constant 64 : index
        %swap3A_515 = tpu.vector_load %swap3A_512[%swap3A_513, %swap3A_514] {strides = array<i32>} : memref<128x128xf32, #tpu.memory_space<vmem>>, vector<1x16xf32>,
        %swap3A_516 = vector.shape_cast %swap3A_515 : vector<1x16xf32> to vector<16xf32>
        %swap3A_517 = vector.shape_cast %mul3A_508 : vector<16xf32> to vector<1x16xf32>
        tpu.vector_store %swap3A_512[%swap3A_513, %swap3A_514], %swap3A_517 {strides = array<i32>} : memref<128x128xf32, #tpu.memory_space<vmem>>, vector<1x16xf32>,
        %get3A_518 = arith.constant 0 : i32
        %get3A_519 = arith.constant 0 : i32
        %get3A_520 = tpu.memref_slice %arg6[%scan3A_270, %get3A_518, %get3A_519] : memref<5x128x128xf32, #tpu.memory_space<vmem>> -> memref<1x128x128xf32, #tpu.memory_space<vmem>>
        %get3A_521 = tpu.memref_squeeze %get3A_520 : memref<1x128x128xf32, #tpu.memory_space<vmem>> -> memref<128x128xf32, #tpu.memory_space<vmem>>
        %get3A_522 = arith.index_cast %add3A_419 : i32 to index
        %get3A_523 = arith.constant 80 : index
        %get3A_524 = tpu.vector_load %get3A_521[%get3A_522, %get3A_523] {strides = array<i32>} : memref<128x128xf32, #tpu.memory_space<vmem>>, vector<1x16xf32>,
        %get3A_525 = vector.shape_cast %get3A_524 : vector<1x16xf32> to vector<16xf32>
        %mul3A_526 = arith.constant 11.3137083 : f32
        %mul3A_527 = vector.broadcast %mul3A_526 : f32 to vector<16xf32>
        %mul3A_528 = arith.mulf %get3A_525, %mul3A_527 : vector<16xf32>
        %swap3A_529 = arith.constant 0 : i32
        %swap3A_530 = arith.constant 0 : i32
        %swap3A_531 = tpu.memref_slice %arg6[%scan3A_270, %swap3A_529, %swap3A_530] : memref<5x128x128xf32, #tpu.memory_space<vmem>> -> memref<1x128x128xf32, #tpu.memory_space<vmem>>
        %swap3A_532 = tpu.memref_squeeze %swap3A_531 : memref<1x128x128xf32, #tpu.memory_space<vmem>> -> memref<128x128xf32, #tpu.memory_space<vmem>>
        %swap3A_533 = arith.index_cast %add3A_419 : i32 to index
        %swap3A_534 = arith.constant 80 : index
        %swap3A_535 = tpu.vector_load %swap3A_532[%swap3A_533, %swap3A_534] {strides = array<i32>} : memref<128x128xf32, #tpu.memory_space<vmem>>, vector<1x16xf32>,
        %swap3A_536 = vector.shape_cast %swap3A_535 : vector<1x16xf32> to vector<16xf32>
        %swap3A_537 = vector.shape_cast %mul3A_528 : vector<16xf32> to vector<1x16xf32>
        tpu.vector_store %swap3A_532[%swap3A_533, %swap3A_534], %swap3A_537 {strides = array<i32>} : memref<128x128xf32, #tpu.memory_space<vmem>>, vector<1x16xf32>,
        %get3A_538 = arith.constant 0 : i32
        %get3A_539 = arith.constant 0 : i32
        %get3A_540 = tpu.memref_slice %arg6[%scan3A_270, %get3A_538, %get3A_539] : memref<5x128x128xf32, #tpu.memory_space<vmem>> -> memref<1x128x128xf32, #tpu.memory_space<vmem>>
        %get3A_541 = tpu.memref_squeeze %get3A_540 : memref<1x128x128xf32, #tpu.memory_space<vmem>> -> memref<128x128xf32, #tpu.memory_space<vmem>>
        %get3A_542 = arith.index_cast %add3A_419 : i32 to index
        %get3A_543 = arith.constant 96 : index
        %get3A_544 = tpu.vector_load %get3A_541[%get3A_542, %get3A_543] {strides = array<i32>} : memref<128x128xf32, #tpu.memory_space<vmem>>, vector<1x16xf32>,
        %get3A_545 = vector.shape_cast %get3A_544 : vector<1x16xf32> to vector<16xf32>
        %mul3A_546 = arith.constant 11.3137083 : f32
        %mul3A_547 = vector.broadcast %mul3A_546 : f32 to vector<16xf32>
        %mul3A_548 = arith.mulf %get3A_545, %mul3A_547 : vector<16xf32>
        %swap3A_549 = arith.constant 0 : i32
        %swap3A_550 = arith.constant 0 : i32
        %swap3A_551 = tpu.memref_slice %arg6[%scan3A_270, %swap3A_549, %swap3A_550] : memref<5x128x128xf32, #tpu.memory_space<vmem>> -> memref<1x128x128xf32, #tpu.memory_space<vmem>>
        %swap3A_552 = tpu.memref_squeeze %swap3A_551 : memref<1x128x128xf32, #tpu.memory_space<vmem>> -> memref<128x128xf32, #tpu.memory_space<vmem>>
        %swap3A_553 = arith.index_cast %add3A_419 : i32 to index
        %swap3A_554 = arith.constant 96 : index
        %swap3A_555 = tpu.vector_load %swap3A_552[%swap3A_553, %swap3A_554] {strides = array<i32>} : memref<128x128xf32, #tpu.memory_space<vmem>>, vector<1x16xf32>,
        %swap3A_556 = vector.shape_cast %swap3A_555 : vector<1x16xf32> to vector<16xf32>
        %swap3A_557 = vector.shape_cast %mul3A_548 : vector<16xf32> to vector<1x16xf32>
        tpu.vector_store %swap3A_552[%swap3A_553, %swap3A_554], %swap3A_557 {strides = array<i32>} : memref<128x128xf32, #tpu.memory_space<vmem>>, vector<1x16xf32>,
        %get3A_558 = arith.constant 0 : i32
        %get3A_559 = arith.constant 0 : i32
        %get3A_560 = tpu.memref_slice %arg6[%scan3A_270, %get3A_558, %get3A_559] : memref<5x128x128xf32, #tpu.memory_space<vmem>> -> memref<1x128x128xf32, #tpu.memory_space<vmem>>
        %get3A_561 = tpu.memref_squeeze %get3A_560 : memref<1x128x128xf32, #tpu.memory_space<vmem>> -> memref<128x128xf32, #tpu.memory_space<vmem>>
        %get3A_562 = arith.index_cast %add3A_419 : i32 to index
        %get3A_563 = arith.constant 112 : index
        %get3A_564 = tpu.vector_load %get3A_561[%get3A_562, %get3A_563] {strides = array<i32>} : memref<128x128xf32, #tpu.memory_space<vmem>>, vector<1x16xf32>,
        %get3A_565 = vector.shape_cast %get3A_564 : vector<1x16xf32> to vector<16xf32>
        %mul3A_566 = arith.constant 11.3137083 : f32
        %mul3A_567 = vector.broadcast %mul3A_566 : f32 to vector<16xf32>
        %mul3A_568 = arith.mulf %get3A_565, %mul3A_567 : vector<16xf32>
        %swap3A_569 = arith.constant 0 : i32
        %swap3A_570 = arith.constant 0 : i32
        %swap3A_571 = tpu.memref_slice %arg6[%scan3A_270, %swap3A_569, %swap3A_570] : memref<5x128x128xf32, #tpu.memory_space<vmem>> -> memref<1x128x128xf32, #tpu.memory_space<vmem>>
        %swap3A_572 = tpu.memref_squeeze %swap3A_571 : memref<1x128x128xf32, #tpu.memory_space<vmem>> -> memref<128x128xf32, #tpu.memory_space<vmem>>
        %swap3A_573 = arith.index_cast %add3A_419 : i32 to index
        %swap3A_574 = arith.constant 112 : index
        %swap3A_575 = tpu.vector_load %swap3A_572[%swap3A_573, %swap3A_574] {strides = array<i32>} : memref<128x128xf32, #tpu.memory_space<vmem>>, vector<1x16xf32>,
        %swap3A_576 = vector.shape_cast %swap3A_575 : vector<1x16xf32> to vector<16xf32>
        %swap3A_577 = vector.shape_cast %mul3A_568 : vector<16xf32> to vector<1x16xf32>
        tpu.vector_store %swap3A_572[%swap3A_573, %swap3A_574], %swap3A_577 {strides = array<i32>} : memref<128x128xf32, #tpu.memory_space<vmem>>, vector<1x16xf32>,
        %scan3A_578 = arith.constant 1 : i32
        %scan3A_579 = arith.addi %scan3A_415, %scan3A_578 : i32
        %mul3A_580 = arith.constant 1 : i32
        %mul3A_581 = arith.muli %scan3A_579, %mul3A_580 : i32
        %add3A_582 = arith.constant 0 : i32
        %add3A_583 = arith.addi %add3A_582, %mul3A_581 : i32
        %get3A_584 = arith.constant 0 : i32
        %get3A_585 = arith.constant 0 : i32
        %get3A_586 = tpu.memref_slice %arg6[%scan3A_270, %get3A_584, %get3A_585] : memref<5x128x128xf32, #tpu.memory_space<vmem>> -> memref<1x128x128xf32, #tpu.memory_space<vmem>>
        %get3A_587 = tpu.memref_squeeze %get3A_586 : memref<1x128x128xf32, #tpu.memory_space<vmem>> -> memref<128x128xf32, #tpu.memory_space<vmem>>
        %get3A_588 = arith.index_cast %add3A_583 : i32 to index
        %get3A_589 = arith.constant 0 : index
        %get3A_590 = tpu.vector_load %get3A_587[%get3A_588, %get3A_589] {strides = array<i32>} : memref<128x128xf32, #tpu.memory_space<vmem>>, vector<1x16xf32>,
        %get3A_591 = vector.shape_cast %get3A_590 : vector<1x16xf32> to vector<16xf32>
        %mul3A_592 = arith.constant 11.3137083 : f32
        %mul3A_593 = vector.broadcast %mul3A_592 : f32 to vector<16xf32>
        %mul3A_594 = arith.mulf %get3A_591, %mul3A_593 : vector<16xf32>
        %swap3A_595 = arith.constant 0 : i32
        %swap3A_596 = arith.constant 0 : i32
        %swap3A_597 = tpu.memref_slice %arg6[%scan3A_270, %swap3A_595, %swap3A_596] : memref<5x128x128xf32, #tpu.memory_space<vmem>> -> memref<1x128x128xf32, #tpu.memory_space<vmem>>
        %swap3A_598 = tpu.memref_squeeze %swap3A_597 : memref<1x128x128xf32, #tpu.memory_space<vmem>> -> memref<128x128xf32, #tpu.memory_space<vmem>>
        %swap3A_599 = arith.index_cast %add3A_583 : i32 to index
        %swap3A_600 = arith.constant 0 : index
        %swap3A_601 = tpu.vector_load %swap3A_598[%swap3A_599, %swap3A_600] {strides = array<i32>} : memref<128x128xf32, #tpu.memory_space<vmem>>, vector<1x16xf32>,
        %swap3A_602 = vector.shape_cast %swap3A_601 : vector<1x16xf32> to vector<16xf32>
        %swap3A_603 = vector.shape_cast %mul3A_594 : vector<16xf32> to vector<1x16xf32>
        tpu.vector_store %swap3A_598[%swap3A_599, %swap3A_600], %swap3A_603 {strides = array<i32>} : memref<128x128xf32, #tpu.memory_space<vmem>>, vector<1x16xf32>,
        %get3A_604 = arith.constant 0 : i32
        %get3A_605 = arith.constant 0 : i32
        %get3A_606 = tpu.memref_slice %arg6[%scan3A_270, %get3A_604, %get3A_605] : memref<5x128x128xf32, #tpu.memory_space<vmem>> -> memref<1x128x128xf32, #tpu.memory_space<vmem>>
        %get3A_607 = tpu.memref_squeeze %get3A_606 : memref<1x128x128xf32, #tpu.memory_space<vmem>> -> memref<128x128xf32, #tpu.memory_space<vmem>>
        %get3A_608 = arith.index_cast %add3A_583 : i32 to index
        %get3A_609 = arith.constant 16 : index
        %get3A_610 = tpu.vector_load %get3A_607[%get3A_608, %get3A_609] {strides = array<i32>} : memref<128x128xf32, #tpu.memory_space<vmem>>, vector<1x16xf32>,
        %get3A_611 = vector.shape_cast %get3A_610 : vector<1x16xf32> to vector<16xf32>
        %mul3A_612 = arith.constant 11.3137083 : f32
        %mul3A_613 = vector.broadcast %mul3A_612 : f32 to vector<16xf32>
        %mul3A_614 = arith.mulf %get3A_611, %mul3A_613 : vector<16xf32>
        %swap3A_615 = arith.constant 0 : i32
        %swap3A_616 = arith.constant 0 : i32
        %swap3A_617 = tpu.memref_slice %arg6[%scan3A_270, %swap3A_615, %swap3A_616] : memref<5x128x128xf32, #tpu.memory_space<vmem>> -> memref<1x128x128xf32, #tpu.memory_space<vmem>>
        %swap3A_618 = tpu.memref_squeeze %swap3A_617 : memref<1x128x128xf32, #tpu.memory_space<vmem>> -> memref<128x128xf32, #tpu.memory_space<vmem>>
        %swap3A_619 = arith.index_cast %add3A_583 : i32 to index
        %swap3A_620 = arith.constant 16 : index
        %swap3A_621 = tpu.vector_load %swap3A_618[%swap3A_619, %swap3A_620] {strides = array<i32>} : memref<128x128xf32, #tpu.memory_space<vmem>>, vector<1x16xf32>,
        %swap3A_622 = vector.shape_cast %swap3A_621 : vector<1x16xf32> to vector<16xf32>
        %swap3A_623 = vector.shape_cast %mul3A_614 : vector<16xf32> to vector<1x16xf32>
        tpu.vector_store %swap3A_618[%swap3A_619, %swap3A_620], %swap3A_623 {strides = array<i32>} : memref<128x128xf32, #tpu.memory_space<vmem>>, vector<1x16xf32>,
        %get3A_624 = arith.constant 0 : i32
        %get3A_625 = arith.constant 0 : i32
        %get3A_626 = tpu.memref_slice %arg6[%scan3A_270, %get3A_624, %get3A_625] : memref<5x128x128xf32, #tpu.memory_space<vmem>> -> memref<1x128x128xf32, #tpu.memory_space<vmem>>
        %get3A_627 = tpu.memref_squeeze %get3A_626 : memref<1x128x128xf32, #tpu.memory_space<vmem>> -> memref<128x128xf32, #tpu.memory_space<vmem>>
        %get3A_628 = arith.index_cast %add3A_583 : i32 to index
        %get3A_629 = arith.constant 32 : index
        %get3A_630 = tpu.vector_load %get3A_627[%get3A_628, %get3A_629] {strides = array<i32>} : memref<128x128xf32, #tpu.memory_space<vmem>>, vector<1x16xf32>,
        %get3A_631 = vector.shape_cast %get3A_630 : vector<1x16xf32> to vector<16xf32>
        %mul3A_632 = arith.constant 11.3137083 : f32
        %mul3A_633 = vector.broadcast %mul3A_632 : f32 to vector<16xf32>
        %mul3A_634 = arith.mulf %get3A_631, %mul3A_633 : vector<16xf32>
        %swap3A_635 = arith.constant 0 : i32
        %swap3A_636 = arith.constant 0 : i32
        %swap3A_637 = tpu.memref_slice %arg6[%scan3A_270, %swap3A_635, %swap3A_636] : memref<5x128x128xf32, #tpu.memory_space<vmem>> -> memref<1x128x128xf32, #tpu.memory_space<vmem>>
        %swap3A_638 = tpu.memref_squeeze %swap3A_637 : memref<1x128x128xf32, #tpu.memory_space<vmem>> -> memref<128x128xf32, #tpu.memory_space<vmem>>
        %swap3A_639 = arith.index_cast %add3A_583 : i32 to index
        %swap3A_640 = arith.constant 32 : index
        %swap3A_641 = tpu.vector_load %swap3A_638[%swap3A_639, %swap3A_640] {strides = array<i32>} : memref<128x128xf32, #tpu.memory_space<vmem>>, vector<1x16xf32>,
        %swap3A_642 = vector.shape_cast %swap3A_641 : vector<1x16xf32> to vector<16xf32>
        %swap3A_643 = vector.shape_cast %mul3A_634 : vector<16xf32> to vector<1x16xf32>
        tpu.vector_store %swap3A_638[%swap3A_639, %swap3A_640], %swap3A_643 {strides = array<i32>} : memref<128x128xf32, #tpu.memory_space<vmem>>, vector<1x16xf32>,
        %get3A_644 = arith.constant 0 : i32
        %get3A_645 = arith.constant 0 : i32
        %get3A_646 = tpu.memref_slice %arg6[%scan3A_270, %get3A_644, %get3A_645] : memref<5x128x128xf32, #tpu.memory_space<vmem>> -> memref<1x128x128xf32, #tpu.memory_space<vmem>>
        %get3A_647 = tpu.memref_squeeze %get3A_646 : memref<1x128x128xf32, #tpu.memory_space<vmem>> -> memref<128x128xf32, #tpu.memory_space<vmem>>
        %get3A_648 = arith.index_cast %add3A_583 : i32 to index
        %get3A_649 = arith.constant 48 : index
        %get3A_650 = tpu.vector_load %get3A_647[%get3A_648, %get3A_649] {strides = array<i32>} : memref<128x128xf32, #tpu.memory_space<vmem>>, vector<1x16xf32>,
        %get3A_651 = vector.shape_cast %get3A_650 : vector<1x16xf32> to vector<16xf32>
        %mul3A_652 = arith.constant 11.3137083 : f32
        %mul3A_653 = vector.broadcast %mul3A_652 : f32 to vector<16xf32>
        %mul3A_654 = arith.mulf %get3A_651, %mul3A_653 : vector<16xf32>
        %swap3A_655 = arith.constant 0 : i32
        %swap3A_656 = arith.constant 0 : i32
        %swap3A_657 = tpu.memref_slice %arg6[%scan3A_270, %swap3A_655, %swap3A_656] : memref<5x128x128xf32, #tpu.memory_space<vmem>> -> memref<1x128x128xf32, #tpu.memory_space<vmem>>
        %swap3A_658 = tpu.memref_squeeze %swap3A_657 : memref<1x128x128xf32, #tpu.memory_space<vmem>> -> memref<128x128xf32, #tpu.memory_space<vmem>>
        %swap3A_659 = arith.index_cast %add3A_583 : i32 to index
        %swap3A_660 = arith.constant 48 : index
        %swap3A_661 = tpu.vector_load %swap3A_658[%swap3A_659, %swap3A_660] {strides = array<i32>} : memref<128x128xf32, #tpu.memory_space<vmem>>, vector<1x16xf32>,
        %swap3A_662 = vector.shape_cast %swap3A_661 : vector<1x16xf32> to vector<16xf32>
        %swap3A_663 = vector.shape_cast %mul3A_654 : vector<16xf32> to vector<1x16xf32>
        tpu.vector_store %swap3A_658[%swap3A_659, %swap3A_660], %swap3A_663 {strides = array<i32>} : memref<128x128xf32, #tpu.memory_space<vmem>>, vector<1x16xf32>,
        %get3A_664 = arith.constant 0 : i32
        %get3A_665 = arith.constant 0 : i32
        %get3A_666 = tpu.memref_slice %arg6[%scan3A_270, %get3A_664, %get3A_665] : memref<5x128x128xf32, #tpu.memory_space<vmem>> -> memref<1x128x128xf32, #tpu.memory_space<vmem>>
        %get3A_667 = tpu.memref_squeeze %get3A_666 : memref<1x128x128xf32, #tpu.memory_space<vmem>> -> memref<128x128xf32, #tpu.memory_space<vmem>>
        %get3A_668 = arith.index_cast %add3A_583 : i32 to index
        %get3A_669 = arith.constant 64 : index
        %get3A_670 = tpu.vector_load %get3A_667[%get3A_668, %get3A_669] {strides = array<i32>} : memref<128x128xf32, #tpu.memory_space<vmem>>, vector<1x16xf32>,
        %get3A_671 = vector.shape_cast %get3A_670 : vector<1x16xf32> to vector<16xf32>
        %mul3A_672 = arith.constant 11.3137083 : f32
        %mul3A_673 = vector.broadcast %mul3A_672 : f32 to vector<16xf32>
        %mul3A_674 = arith.mulf %get3A_671, %mul3A_673 : vector<16xf32>
        %swap3A_675 = arith.constant 0 : i32
        %swap3A_676 = arith.constant 0 : i32
        %swap3A_677 = tpu.memref_slice %arg6[%scan3A_270, %swap3A_675, %swap3A_676] : memref<5x128x128xf32, #tpu.memory_space<vmem>> -> memref<1x128x128xf32, #tpu.memory_space<vmem>>
        %swap3A_678 = tpu.memref_squeeze %swap3A_677 : memref<1x128x128xf32, #tpu.memory_space<vmem>> -> memref<128x128xf32, #tpu.memory_space<vmem>>
        %swap3A_679 = arith.index_cast %add3A_583 : i32 to index
        %swap3A_680 = arith.constant 64 : index
        %swap3A_681 = tpu.vector_load %swap3A_678[%swap3A_679, %swap3A_680] {strides = array<i32>} : memref<128x128xf32, #tpu.memory_space<vmem>>, vector<1x16xf32>,
        %swap3A_682 = vector.shape_cast %swap3A_681 : vector<1x16xf32> to vector<16xf32>
        %swap3A_683 = vector.shape_cast %mul3A_674 : vector<16xf32> to vector<1x16xf32>
        tpu.vector_store %swap3A_678[%swap3A_679, %swap3A_680], %swap3A_683 {strides = array<i32>} : memref<128x128xf32, #tpu.memory_space<vmem>>, vector<1x16xf32>,
        %get3A_684 = arith.constant 0 : i32
        %get3A_685 = arith.constant 0 : i32
        %get3A_686 = tpu.memref_slice %arg6[%scan3A_270, %get3A_684, %get3A_685] : memref<5x128x128xf32, #tpu.memory_space<vmem>> -> memref<1x128x128xf32, #tpu.memory_space<vmem>>
        %get3A_687 = tpu.memref_squeeze %get3A_686 : memref<1x128x128xf32, #tpu.memory_space<vmem>> -> memref<128x128xf32, #tpu.memory_space<vmem>>
        %get3A_688 = arith.index_cast %add3A_583 : i32 to index
        %get3A_689 = arith.constant 80 : index
        %get3A_690 = tpu.vector_load %get3A_687[%get3A_688, %get3A_689] {strides = array<i32>} : memref<128x128xf32, #tpu.memory_space<vmem>>, vector<1x16xf32>,
        %get3A_691 = vector.shape_cast %get3A_690 : vector<1x16xf32> to vector<16xf32>
        %mul3A_692 = arith.constant 11.3137083 : f32
        %mul3A_693 = vector.broadcast %mul3A_692 : f32 to vector<16xf32>
        %mul3A_694 = arith.mulf %get3A_691, %mul3A_693 : vector<16xf32>
        %swap3A_695 = arith.constant 0 : i32
        %swap3A_696 = arith.constant 0 : i32
        %swap3A_697 = tpu.memref_slice %arg6[%scan3A_270, %swap3A_695, %swap3A_696] : memref<5x128x128xf32, #tpu.memory_space<vmem>> -> memref<1x128x128xf32, #tpu.memory_space<vmem>>
        %swap3A_698 = tpu.memref_squeeze %swap3A_697 : memref<1x128x128xf32, #tpu.memory_space<vmem>> -> memref<128x128xf32, #tpu.memory_space<vmem>>
        %swap3A_699 = arith.index_cast %add3A_583 : i32 to index
        %swap3A_700 = arith.constant 80 : index
        %swap3A_701 = tpu.vector_load %swap3A_698[%swap3A_699, %swap3A_700] {strides = array<i32>} : memref<128x128xf32, #tpu.memory_space<vmem>>, vector<1x16xf32>,
        %swap3A_702 = vector.shape_cast %swap3A_701 : vector<1x16xf32> to vector<16xf32>
        %swap3A_703 = vector.shape_cast %mul3A_694 : vector<16xf32> to vector<1x16xf32>
        tpu.vector_store %swap3A_698[%swap3A_699, %swap3A_700], %swap3A_703 {strides = array<i32>} : memref<128x128xf32, #tpu.memory_space<vmem>>, vector<1x16xf32>,
        %get3A_704 = arith.constant 0 : i32
        %get3A_705 = arith.constant 0 : i32
        %get3A_706 = tpu.memref_slice %arg6[%scan3A_270, %get3A_704, %get3A_705] : memref<5x128x128xf32, #tpu.memory_space<vmem>> -> memref<1x128x128xf32, #tpu.memory_space<vmem>>
        %get3A_707 = tpu.memref_squeeze %get3A_706 : memref<1x128x128xf32, #tpu.memory_space<vmem>> -> memref<128x128xf32, #tpu.memory_space<vmem>>
        %get3A_708 = arith.index_cast %add3A_583 : i32 to index
        %get3A_709 = arith.constant 96 : index
        %get3A_710 = tpu.vector_load %get3A_707[%get3A_708, %get3A_709] {strides = array<i32>} : memref<128x128xf32, #tpu.memory_space<vmem>>, vector<1x16xf32>,
        %get3A_711 = vector.shape_cast %get3A_710 : vector<1x16xf32> to vector<16xf32>
        %mul3A_712 = arith.constant 11.3137083 : f32
        %mul3A_713 = vector.broadcast %mul3A_712 : f32 to vector<16xf32>
        %mul3A_714 = arith.mulf %get3A_711, %mul3A_713 : vector<16xf32>
        %swap3A_715 = arith.constant 0 : i32
        %swap3A_716 = arith.constant 0 : i32
        %swap3A_717 = tpu.memref_slice %arg6[%scan3A_270, %swap3A_715, %swap3A_716] : memref<5x128x128xf32, #tpu.memory_space<vmem>> -> memref<1x128x128xf32, #tpu.memory_space<vmem>>
        %swap3A_718 = tpu.memref_squeeze %swap3A_717 : memref<1x128x128xf32, #tpu.memory_space<vmem>> -> memref<128x128xf32, #tpu.memory_space<vmem>>
        %swap3A_719 = arith.index_cast %add3A_583 : i32 to index
        %swap3A_720 = arith.constant 96 : index
        %swap3A_721 = tpu.vector_load %swap3A_718[%swap3A_719, %swap3A_720] {strides = array<i32>} : memref<128x128xf32, #tpu.memory_space<vmem>>, vector<1x16xf32>,
        %swap3A_722 = vector.shape_cast %swap3A_721 : vector<1x16xf32> to vector<16xf32>
        %swap3A_723 = vector.shape_cast %mul3A_714 : vector<16xf32> to vector<1x16xf32>
        tpu.vector_store %swap3A_718[%swap3A_719, %swap3A_720], %swap3A_723 {strides = array<i32>} : memref<128x128xf32, #tpu.memory_space<vmem>>, vector<1x16xf32>,
        %get3A_724 = arith.constant 0 : i32
        %get3A_725 = arith.constant 0 : i32
        %get3A_726 = tpu.memref_slice %arg6[%scan3A_270, %get3A_724, %get3A_725] : memref<5x128x128xf32, #tpu.memory_space<vmem>> -> memref<1x128x128xf32, #tpu.memory_space<vmem>>
        %get3A_727 = tpu.memref_squeeze %get3A_726 : memref<1x128x128xf32, #tpu.memory_space<vmem>> -> memref<128x128xf32, #tpu.memory_space<vmem>>
        %get3A_728 = arith.index_cast %add3A_583 : i32 to index
        %get3A_729 = arith.constant 112 : index
        %get3A_730 = tpu.vector_load %get3A_727[%get3A_728, %get3A_729] {strides = array<i32>} : memref<128x128xf32, #tpu.memory_space<vmem>>, vector<1x16xf32>,
        %get3A_731 = vector.shape_cast %get3A_730 : vector<1x16xf32> to vector<16xf32>
        %mul3A_732 = arith.constant 11.3137083 : f32
        %mul3A_733 = vector.broadcast %mul3A_732 : f32 to vector<16xf32>
        %mul3A_734 = arith.mulf %get3A_731, %mul3A_733 : vector<16xf32>
        %swap3A_735 = arith.constant 0 : i32
        %swap3A_736 = arith.constant 0 : i32
        %swap3A_737 = tpu.memref_slice %arg6[%scan3A_270, %swap3A_735, %swap3A_736] : memref<5x128x128xf32, #tpu.memory_space<vmem>> -> memref<1x128x128xf32, #tpu.memory_space<vmem>>
        %swap3A_738 = tpu.memref_squeeze %swap3A_737 : memref<1x128x128xf32, #tpu.memory_space<vmem>> -> memref<128x128xf32, #tpu.memory_space<vmem>>
        %swap3A_739 = arith.index_cast %add3A_583 : i32 to index
        %swap3A_740 = arith.constant 112 : index
        %swap3A_741 = tpu.vector_load %swap3A_738[%swap3A_739, %swap3A_740] {strides = array<i32>} : memref<128x128xf32, #tpu.memory_space<vmem>>, vector<1x16xf32>,
        %swap3A_742 = vector.shape_cast %swap3A_741 : vector<1x16xf32> to vector<16xf32>
        %swap3A_743 = vector.shape_cast %mul3A_734 : vector<16xf32> to vector<1x16xf32>
        tpu.vector_store %swap3A_738[%swap3A_739, %swap3A_740], %swap3A_743 {strides = array<i32>} : memref<128x128xf32, #tpu.memory_space<vmem>>, vector<1x16xf32>,
        %scan3A_744 = arith.constant 2 : i32
        %scan3A_745 = arith.addi %scan3A_415, %scan3A_744 : i32
        %mul3A_746 = arith.constant 1 : i32
        %mul3A_747 = arith.muli %scan3A_745, %mul3A_746 : i32
        %add3A_748 = arith.constant 0 : i32
        %add3A_749 = arith.addi %add3A_748, %mul3A_747 : i32
        %get3A_750 = arith.constant 0 : i32
        %get3A_751 = arith.constant 0 : i32
        %get3A_752 = tpu.memref_slice %arg6[%scan3A_270, %get3A_750, %get3A_751] : memref<5x128x128xf32, #tpu.memory_space<vmem>> -> memref<1x128x128xf32, #tpu.memory_space<vmem>>
        %get3A_753 = tpu.memref_squeeze %get3A_752 : memref<1x128x128xf32, #tpu.memory_space<vmem>> -> memref<128x128xf32, #tpu.memory_space<vmem>>
        %get3A_754 = arith.index_cast %add3A_749 : i32 to index
        %get3A_755 = arith.constant 0 : index
        %get3A_756 = tpu.vector_load %get3A_753[%get3A_754, %get3A_755] {strides = array<i32>} : memref<128x128xf32, #tpu.memory_space<vmem>>, vector<1x16xf32>,
        %get3A_757 = vector.shape_cast %get3A_756 : vector<1x16xf32> to vector<16xf32>
        %mul3A_758 = arith.constant 11.3137083 : f32
        %mul3A_759 = vector.broadcast %mul3A_758 : f32 to vector<16xf32>
        %mul3A_760 = arith.mulf %get3A_757, %mul3A_759 : vector<16xf32>
        %swap3A_761 = arith.constant 0 : i32
        %swap3A_762 = arith.constant 0 : i32
        %swap3A_763 = tpu.memref_slice %arg6[%scan3A_270, %swap3A_761, %swap3A_762] : memref<5x128x128xf32, #tpu.memory_space<vmem>> -> memref<1x128x128xf32, #tpu.memory_space<vmem>>
        %swap3A_764 = tpu.memref_squeeze %swap3A_763 : memref<1x128x128xf32, #tpu.memory_space<vmem>> -> memref<128x128xf32, #tpu.memory_space<vmem>>
        %swap3A_765 = arith.index_cast %add3A_749 : i32 to index
        %swap3A_766 = arith.constant 0 : index
        %swap3A_767 = tpu.vector_load %swap3A_764[%swap3A_765, %swap3A_766] {strides = array<i32>} : memref<128x128xf32, #tpu.memory_space<vmem>>, vector<1x16xf32>,
        %swap3A_768 = vector.shape_cast %swap3A_767 : vector<1x16xf32> to vector<16xf32>
        %swap3A_769 = vector.shape_cast %mul3A_760 : vector<16xf32> to vector<1x16xf32>
        tpu.vector_store %swap3A_764[%swap3A_765, %swap3A_766], %swap3A_769 {strides = array<i32>} : memref<128x128xf32, #tpu.memory_space<vmem>>, vector<1x16xf32>,
        %get3A_770 = arith.constant 0 : i32
        %get3A_771 = arith.constant 0 : i32
        %get3A_772 = tpu.memref_slice %arg6[%scan3A_270, %get3A_770, %get3A_771] : memref<5x128x128xf32, #tpu.memory_space<vmem>> -> memref<1x128x128xf32, #tpu.memory_space<vmem>>
        %get3A_773 = tpu.memref_squeeze %get3A_772 : memref<1x128x128xf32, #tpu.memory_space<vmem>> -> memref<128x128xf32, #tpu.memory_space<vmem>>
        %get3A_774 = arith.index_cast %add3A_749 : i32 to index
        %get3A_775 = arith.constant 16 : index
        %get3A_776 = tpu.vector_load %get3A_773[%get3A_774, %get3A_775] {strides = array<i32>} : memref<128x128xf32, #tpu.memory_space<vmem>>, vector<1x16xf32>,
        %get3A_777 = vector.shape_cast %get3A_776 : vector<1x16xf32> to vector<16xf32>
        %mul3A_778 = arith.constant 11.3137083 : f32
        %mul3A_779 = vector.broadcast %mul3A_778 : f32 to vector<16xf32>
        %mul3A_780 = arith.mulf %get3A_777, %mul3A_779 : vector<16xf32>
        %swap3A_781 = arith.constant 0 : i32
        %swap3A_782 = arith.constant 0 : i32
        %swap3A_783 = tpu.memref_slice %arg6[%scan3A_270, %swap3A_781, %swap3A_782] : memref<5x128x128xf32, #tpu.memory_space<vmem>> -> memref<1x128x128xf32, #tpu.memory_space<vmem>>
        %swap3A_784 = tpu.memref_squeeze %swap3A_783 : memref<1x128x128xf32, #tpu.memory_space<vmem>> -> memref<128x128xf32, #tpu.memory_space<vmem>>
        %swap3A_785 = arith.index_cast %add3A_749 : i32 to index
        %swap3A_786 = arith.constant 16 : index
        %swap3A_787 = tpu.vector_load %swap3A_784[%swap3A_785, %swap3A_786] {strides = array<i32>} : memref<128x128xf32, #tpu.memory_space<vmem>>, vector<1x16xf32>,
        %swap3A_788 = vector.shape_cast %swap3A_787 : vector<1x16xf32> to vector<16xf32>
        %swap3A_789 = vector.shape_cast %mul3A_780 : vector<16xf32> to vector<1x16xf32>
        tpu.vector_store %swap3A_784[%swap3A_785, %swap3A_786], %swap3A_789 {strides = array<i32>} : memref<128x128xf32, #tpu.memory_space<vmem>>, vector<1x16xf32>,
        %get3A_790 = arith.constant 0 : i32
        %get3A_791 = arith.constant 0 : i32
        %get3A_792 = tpu.memref_slice %arg6[%scan3A_270, %get3A_790, %get3A_791] : memref<5x128x128xf32, #tpu.memory_space<vmem>> -> memref<1x128x128xf32, #tpu.memory_space<vmem>>
        %get3A_793 = tpu.memref_squeeze %get3A_792 : memref<1x128x128xf32, #tpu.memory_space<vmem>> -> memref<128x128xf32, #tpu.memory_space<vmem>>
        %get3A_794 = arith.index_cast %add3A_749 : i32 to index
        %get3A_795 = arith.constant 32 : index
        %get3A_796 = tpu.vector_load %get3A_793[%get3A_794, %get3A_795] {strides = array<i32>} : memref<128x128xf32, #tpu.memory_space<vmem>>, vector<1x16xf32>,
        %get3A_797 = vector.shape_cast %get3A_796 : vector<1x16xf32> to vector<16xf32>
        %mul3A_798 = arith.constant 11.3137083 : f32
        %mul3A_799 = vector.broadcast %mul3A_798 : f32 to vector<16xf32>
        %mul3A_800 = arith.mulf %get3A_797, %mul3A_799 : vector<16xf32>
        %swap3A_801 = arith.constant 0 : i32
        %swap3A_802 = arith.constant 0 : i32
        %swap3A_803 = tpu.memref_slice %arg6[%scan3A_270, %swap3A_801, %swap3A_802] : memref<5x128x128xf32, #tpu.memory_space<vmem>> -> memref<1x128x128xf32, #tpu.memory_space<vmem>>
        %swap3A_804 = tpu.memref_squeeze %swap3A_803 : memref<1x128x128xf32, #tpu.memory_space<vmem>> -> memref<128x128xf32, #tpu.memory_space<vmem>>
        %swap3A_805 = arith.index_cast %add3A_749 : i32 to index
        %swap3A_806 = arith.constant 32 : index
        %swap3A_807 = tpu.vector_load %swap3A_804[%swap3A_805, %swap3A_806] {strides = array<i32>} : memref<128x128xf32, #tpu.memory_space<vmem>>, vector<1x16xf32>,
        %swap3A_808 = vector.shape_cast %swap3A_807 : vector<1x16xf32> to vector<16xf32>
        %swap3A_809 = vector.shape_cast %mul3A_800 : vector<16xf32> to vector<1x16xf32>
        tpu.vector_store %swap3A_804[%swap3A_805, %swap3A_806], %swap3A_809 {strides = array<i32>} : memref<128x128xf32, #tpu.memory_space<vmem>>, vector<1x16xf32>,
        %get3A_810 = arith.constant 0 : i32
        %get3A_811 = arith.constant 0 : i32
        %get3A_812 = tpu.memref_slice %arg6[%scan3A_270, %get3A_810, %get3A_811] : memref<5x128x128xf32, #tpu.memory_space<vmem>> -> memref<1x128x128xf32, #tpu.memory_space<vmem>>
        %get3A_813 = tpu.memref_squeeze %get3A_812 : memref<1x128x128xf32, #tpu.memory_space<vmem>> -> memref<128x128xf32, #tpu.memory_space<vmem>>
        %get3A_814 = arith.index_cast %add3A_749 : i32 to index
        %get3A_815 = arith.constant 48 : index
        %get3A_816 = tpu.vector_load %get3A_813[%get3A_814, %get3A_815] {strides = array<i32>} : memref<128x128xf32, #tpu.memory_space<vmem>>, vector<1x16xf32>,
        %get3A_817 = vector.shape_cast %get3A_816 : vector<1x16xf32> to vector<16xf32>
        %mul3A_818 = arith.constant 11.3137083 : f32
        %mul3A_819 = vector.broadcast %mul3A_818 : f32 to vector<16xf32>
        %mul3A_820 = arith.mulf %get3A_817, %mul3A_819 : vector<16xf32>
        %swap3A_821 = arith.constant 0 : i32
        %swap3A_822 = arith.constant 0 : i32
        %swap3A_823 = tpu.memref_slice %arg6[%scan3A_270, %swap3A_821, %swap3A_822] : memref<5x128x128xf32, #tpu.memory_space<vmem>> -> memref<1x128x128xf32, #tpu.memory_space<vmem>>
        %swap3A_824 = tpu.memref_squeeze %swap3A_823 : memref<1x128x128xf32, #tpu.memory_space<vmem>> -> memref<128x128xf32, #tpu.memory_space<vmem>>
        %swap3A_825 = arith.index_cast %add3A_749 : i32 to index
        %swap3A_826 = arith.constant 48 : index
        %swap3A_827 = tpu.vector_load %swap3A_824[%swap3A_825, %swap3A_826] {strides = array<i32>} : memref<128x128xf32, #tpu.memory_space<vmem>>, vector<1x16xf32>,
        %swap3A_828 = vector.shape_cast %swap3A_827 : vector<1x16xf32> to vector<16xf32>
        %swap3A_829 = vector.shape_cast %mul3A_820 : vector<16xf32> to vector<1x16xf32>
        tpu.vector_store %swap3A_824[%swap3A_825, %swap3A_826], %swap3A_829 {strides = array<i32>} : memref<128x128xf32, #tpu.memory_space<vmem>>, vector<1x16xf32>,
        %get3A_830 = arith.constant 0 : i32
        %get3A_831 = arith.constant 0 : i32
        %get3A_832 = tpu.memref_slice %arg6[%scan3A_270, %get3A_830, %get3A_831] : memref<5x128x128xf32, #tpu.memory_space<vmem>> -> memref<1x128x128xf32, #tpu.memory_space<vmem>>
        %get3A_833 = tpu.memref_squeeze %get3A_832 : memref<1x128x128xf32, #tpu.memory_space<vmem>> -> memref<128x128xf32, #tpu.memory_space<vmem>>
        %get3A_834 = arith.index_cast %add3A_749 : i32 to index
        %get3A_835 = arith.constant 64 : index
        %get3A_836 = tpu.vector_load %get3A_833[%get3A_834, %get3A_835] {strides = array<i32>} : memref<128x128xf32, #tpu.memory_space<vmem>>, vector<1x16xf32>,
        %get3A_837 = vector.shape_cast %get3A_836 : vector<1x16xf32> to vector<16xf32>
        %mul3A_838 = arith.constant 11.3137083 : f32
        %mul3A_839 = vector.broadcast %mul3A_838 : f32 to vector<16xf32>
        %mul3A_840 = arith.mulf %get3A_837, %mul3A_839 : vector<16xf32>
        %swap3A_841 = arith.constant 0 : i32
        %swap3A_842 = arith.constant 0 : i32
        %swap3A_843 = tpu.memref_slice %arg6[%scan3A_270, %swap3A_841, %swap3A_842] : memref<5x128x128xf32, #tpu.memory_space<vmem>> -> memref<1x128x128xf32, #tpu.memory_space<vmem>>
        %swap3A_844 = tpu.memref_squeeze %swap3A_843 : memref<1x128x128xf32, #tpu.memory_space<vmem>> -> memref<128x128xf32, #tpu.memory_space<vmem>>
        %swap3A_845 = arith.index_cast %add3A_749 : i32 to index
        %swap3A_846 = arith.constant 64 : index
        %swap3A_847 = tpu.vector_load %swap3A_844[%swap3A_845, %swap3A_846] {strides = array<i32>} : memref<128x128xf32, #tpu.memory_space<vmem>>, vector<1x16xf32>,
        %swap3A_848 = vector.shape_cast %swap3A_847 : vector<1x16xf32> to vector<16xf32>
        %swap3A_849 = vector.shape_cast %mul3A_840 : vector<16xf32> to vector<1x16xf32>
        tpu.vector_store %swap3A_844[%swap3A_845, %swap3A_846], %swap3A_849 {strides = array<i32>} : memref<128x128xf32, #tpu.memory_space<vmem>>, vector<1x16xf32>,
        %get3A_850 = arith.constant 0 : i32
        %get3A_851 = arith.constant 0 : i32
        %get3A_852 = tpu.memref_slice %arg6[%scan3A_270, %get3A_850, %get3A_851] : memref<5x128x128xf32, #tpu.memory_space<vmem>> -> memref<1x128x128xf32, #tpu.memory_space<vmem>>
        %get3A_853 = tpu.memref_squeeze %get3A_852 : memref<1x128x128xf32, #tpu.memory_space<vmem>> -> memref<128x128xf32, #tpu.memory_space<vmem>>
        %get3A_854 = arith.index_cast %add3A_749 : i32 to index
        %get3A_855 = arith.constant 80 : index
        %get3A_856 = tpu.vector_load %get3A_853[%get3A_854, %get3A_855] {strides = array<i32>} : memref<128x128xf32, #tpu.memory_space<vmem>>, vector<1x16xf32>,
        %get3A_857 = vector.shape_cast %get3A_856 : vector<1x16xf32> to vector<16xf32>
        %mul3A_858 = arith.constant 11.3137083 : f32
        %mul3A_859 = vector.broadcast %mul3A_858 : f32 to vector<16xf32>
        %mul3A_860 = arith.mulf %get3A_857, %mul3A_859 : vector<16xf32>
        %swap3A_861 = arith.constant 0 : i32
        %swap3A_862 = arith.constant 0 : i32
        %swap3A_863 = tpu.memref_slice %arg6[%scan3A_270, %swap3A_861, %swap3A_862] : memref<5x128x128xf32, #tpu.memory_space<vmem>> -> memref<1x128x128xf32, #tpu.memory_space<vmem>>
        %swap3A_864 = tpu.memref_squeeze %swap3A_863 : memref<1x128x128xf32, #tpu.memory_space<vmem>> -> memref<128x128xf32, #tpu.memory_space<vmem>>
        %swap3A_865 = arith.index_cast %add3A_749 : i32 to index
        %swap3A_866 = arith.constant 80 : index
        %swap3A_867 = tpu.vector_load %swap3A_864[%swap3A_865, %swap3A_866] {strides = array<i32>} : memref<128x128xf32, #tpu.memory_space<vmem>>, vector<1x16xf32>,
        %swap3A_868 = vector.shape_cast %swap3A_867 : vector<1x16xf32> to vector<16xf32>
        %swap3A_869 = vector.shape_cast %mul3A_860 : vector<16xf32> to vector<1x16xf32>
        tpu.vector_store %swap3A_864[%swap3A_865, %swap3A_866], %swap3A_869 {strides = array<i32>} : memref<128x128xf32, #tpu.memory_space<vmem>>, vector<1x16xf32>,
        %get3A_870 = arith.constant 0 : i32
        %get3A_871 = arith.constant 0 : i32
        %get3A_872 = tpu.memref_slice %arg6[%scan3A_270, %get3A_870, %get3A_871] : memref<5x128x128xf32, #tpu.memory_space<vmem>> -> memref<1x128x128xf32, #tpu.memory_space<vmem>>
        %get3A_873 = tpu.memref_squeeze %get3A_872 : memref<1x128x128xf32, #tpu.memory_space<vmem>> -> memref<128x128xf32, #tpu.memory_space<vmem>>
        %get3A_874 = arith.index_cast %add3A_749 : i32 to index
        %get3A_875 = arith.constant 96 : index
        %get3A_876 = tpu.vector_load %get3A_873[%get3A_874, %get3A_875] {strides = array<i32>} : memref<128x128xf32, #tpu.memory_space<vmem>>, vector<1x16xf32>,
        %get3A_877 = vector.shape_cast %get3A_876 : vector<1x16xf32> to vector<16xf32>
        %mul3A_878 = arith.constant 11.3137083 : f32
        %mul3A_879 = vector.broadcast %mul3A_878 : f32 to vector<16xf32>
        %mul3A_880 = arith.mulf %get3A_877, %mul3A_879 : vector<16xf32>
        %swap3A_881 = arith.constant 0 : i32
        %swap3A_882 = arith.constant 0 : i32
        %swap3A_883 = tpu.memref_slice %arg6[%scan3A_270, %swap3A_881, %swap3A_882] : memref<5x128x128xf32, #tpu.memory_space<vmem>> -> memref<1x128x128xf32, #tpu.memory_space<vmem>>
        %swap3A_884 = tpu.memref_squeeze %swap3A_883 : memref<1x128x128xf32, #tpu.memory_space<vmem>> -> memref<128x128xf32, #tpu.memory_space<vmem>>
        %swap3A_885 = arith.index_cast %add3A_749 : i32 to index
        %swap3A_886 = arith.constant 96 : index
        %swap3A_887 = tpu.vector_load %swap3A_884[%swap3A_885, %swap3A_886] {strides = array<i32>} : memref<128x128xf32, #tpu.memory_space<vmem>>, vector<1x16xf32>,
        %swap3A_888 = vector.shape_cast %swap3A_887 : vector<1x16xf32> to vector<16xf32>
        %swap3A_889 = vector.shape_cast %mul3A_880 : vector<16xf32> to vector<1x16xf32>
        tpu.vector_store %swap3A_884[%swap3A_885, %swap3A_886], %swap3A_889 {strides = array<i32>} : memref<128x128xf32, #tpu.memory_space<vmem>>, vector<1x16xf32>,
        %get3A_890 = arith.constant 0 : i32
        %get3A_891 = arith.constant 0 : i32
        %get3A_892 = tpu.memref_slice %arg6[%scan3A_270, %get3A_890, %get3A_891] : memref<5x128x128xf32, #tpu.memory_space<vmem>> -> memref<1x128x128xf32, #tpu.memory_space<vmem>>
        %get3A_893 = tpu.memref_squeeze %get3A_892 : memref<1x128x128xf32, #tpu.memory_space<vmem>> -> memref<128x128xf32, #tpu.memory_space<vmem>>
        %get3A_894 = arith.index_cast %add3A_749 : i32 to index
        %get3A_895 = arith.constant 112 : index
        %get3A_896 = tpu.vector_load %get3A_893[%get3A_894, %get3A_895] {strides = array<i32>} : memref<128x128xf32, #tpu.memory_space<vmem>>, vector<1x16xf32>,
        %get3A_897 = vector.shape_cast %get3A_896 : vector<1x16xf32> to vector<16xf32>
        %mul3A_898 = arith.constant 11.3137083 : f32
        %mul3A_899 = vector.broadcast %mul3A_898 : f32 to vector<16xf32>
        %mul3A_900 = arith.mulf %get3A_897, %mul3A_899 : vector<16xf32>
        %swap3A_901 = arith.constant 0 : i32
        %swap3A_902 = arith.constant 0 : i32
        %swap3A_903 = tpu.memref_slice %arg6[%scan3A_270, %swap3A_901, %swap3A_902] : memref<5x128x128xf32, #tpu.memory_space<vmem>> -> memref<1x128x128xf32, #tpu.memory_space<vmem>>
        %swap3A_904 = tpu.memref_squeeze %swap3A_903 : memref<1x128x128xf32, #tpu.memory_space<vmem>> -> memref<128x128xf32, #tpu.memory_space<vmem>>
        %swap3A_905 = arith.index_cast %add3A_749 : i32 to index
        %swap3A_906 = arith.constant 112 : index
        %swap3A_907 = tpu.vector_load %swap3A_904[%swap3A_905, %swap3A_906] {strides = array<i32>} : memref<128x128xf32, #tpu.memory_space<vmem>>, vector<1x16xf32>,
        %swap3A_908 = vector.shape_cast %swap3A_907 : vector<1x16xf32> to vector<16xf32>
        %swap3A_909 = vector.shape_cast %mul3A_900 : vector<16xf32> to vector<1x16xf32>
        tpu.vector_store %swap3A_904[%swap3A_905, %swap3A_906], %swap3A_909 {strides = array<i32>} : memref<128x128xf32, #tpu.memory_space<vmem>>, vector<1x16xf32>,
        %scan3A_910 = arith.constant 3 : i32
        %scan3A_911 = arith.addi %scan3A_415, %scan3A_910 : i32
        %mul3A_912 = arith.constant 1 : i32
        %mul3A_913 = arith.muli %scan3A_911, %mul3A_912 : i32
        %add3A_914 = arith.constant 0 : i32
        %add3A_915 = arith.addi %add3A_914, %mul3A_913 : i32
        %get3A_916 = arith.constant 0 : i32
        %get3A_917 = arith.constant 0 : i32
        %get3A_918 = tpu.memref_slice %arg6[%scan3A_270, %get3A_916, %get3A_917] : memref<5x128x128xf32, #tpu.memory_space<vmem>> -> memref<1x128x128xf32, #tpu.memory_space<vmem>>
        %get3A_919 = tpu.memref_squeeze %get3A_918 : memref<1x128x128xf32, #tpu.memory_space<vmem>> -> memref<128x128xf32, #tpu.memory_space<vmem>>
        %get3A_920 = arith.index_cast %add3A_915 : i32 to index
        %get3A_921 = arith.constant 0 : index
        %get3A_922 = tpu.vector_load %get3A_919[%get3A_920, %get3A_921] {strides = array<i32>} : memref<128x128xf32, #tpu.memory_space<vmem>>, vector<1x16xf32>,
        %get3A_923 = vector.shape_cast %get3A_922 : vector<1x16xf32> to vector<16xf32>
        %mul3A_924 = arith.constant 11.3137083 : f32
        %mul3A_925 = vector.broadcast %mul3A_924 : f32 to vector<16xf32>
        %mul3A_926 = arith.mulf %get3A_923, %mul3A_925 : vector<16xf32>
        %swap3A_927 = arith.constant 0 : i32
        %swap3A_928 = arith.constant 0 : i32
        %swap3A_929 = tpu.memref_slice %arg6[%scan3A_270, %swap3A_927, %swap3A_928] : memref<5x128x128xf32, #tpu.memory_space<vmem>> -> memref<1x128x128xf32, #tpu.memory_space<vmem>>
        %swap3A_930 = tpu.memref_squeeze %swap3A_929 : memref<1x128x128xf32, #tpu.memory_space<vmem>> -> memref<128x128xf32, #tpu.memory_space<vmem>>
        %swap3A_931 = arith.index_cast %add3A_915 : i32 to index
        %swap3A_932 = arith.constant 0 : index
        %swap3A_933 = tpu.vector_load %swap3A_930[%swap3A_931, %swap3A_932] {strides = array<i32>} : memref<128x128xf32, #tpu.memory_space<vmem>>, vector<1x16xf32>,
        %swap3A_934 = vector.shape_cast %swap3A_933 : vector<1x16xf32> to vector<16xf32>
        %swap3A_935 = vector.shape_cast %mul3A_926 : vector<16xf32> to vector<1x16xf32>
        tpu.vector_store %swap3A_930[%swap3A_931, %swap3A_932], %swap3A_935 {strides = array<i32>} : memref<128x128xf32, #tpu.memory_space<vmem>>, vector<1x16xf32>,
        %get3A_936 = arith.constant 0 : i32
        %get3A_937 = arith.constant 0 : i32
        %get3A_938 = tpu.memref_slice %arg6[%scan3A_270, %get3A_936, %get3A_937] : memref<5x128x128xf32, #tpu.memory_space<vmem>> -> memref<1x128x128xf32, #tpu.memory_space<vmem>>
        %get3A_939 = tpu.memref_squeeze %get3A_938 : memref<1x128x128xf32, #tpu.memory_space<vmem>> -> memref<128x128xf32, #tpu.memory_space<vmem>>
        %get3A_940 = arith.index_cast %add3A_915 : i32 to index
        %get3A_941 = arith.constant 16 : index
        %get3A_942 = tpu.vector_load %get3A_939[%get3A_940, %get3A_941] {strides = array<i32>} : memref<128x128xf32, #tpu.memory_space<vmem>>, vector<1x16xf32>,
        %get3A_943 = vector.shape_cast %get3A_942 : vector<1x16xf32> to vector<16xf32>
        %mul3A_944 = arith.constant 11.3137083 : f32
        %mul3A_945 = vector.broadcast %mul3A_944 : f32 to vector<16xf32>
        %mul3A_946 = arith.mulf %get3A_943, %mul3A_945 : vector<16xf32>
        %swap3A_947 = arith.constant 0 : i32
        %swap3A_948 = arith.constant 0 : i32
        %swap3A_949 = tpu.memref_slice %arg6[%scan3A_270, %swap3A_947, %swap3A_948] : memref<5x128x128xf32, #tpu.memory_space<vmem>> -> memref<1x128x128xf32, #tpu.memory_space<vmem>>
        %swap3A_950 = tpu.memref_squeeze %swap3A_949 : memref<1x128x128xf32, #tpu.memory_space<vmem>> -> memref<128x128xf32, #tpu.memory_space<vmem>>
        %swap3A_951 = arith.index_cast %add3A_915 : i32 to index
        %swap3A_952 = arith.constant 16 : index
        %swap3A_953 = tpu.vector_load %swap3A_950[%swap3A_951, %swap3A_952] {strides = array<i32>} : memref<128x128xf32, #tpu.memory_space<vmem>>, vector<1x16xf32>,
        %swap3A_954 = vector.shape_cast %swap3A_953 : vector<1x16xf32> to vector<16xf32>
        %swap3A_955 = vector.shape_cast %mul3A_946 : vector<16xf32> to vector<1x16xf32>
        tpu.vector_store %swap3A_950[%swap3A_951, %swap3A_952], %swap3A_955 {strides = array<i32>} : memref<128x128xf32, #tpu.memory_space<vmem>>, vector<1x16xf32>,
        %get3A_956 = arith.constant 0 : i32
        %get3A_957 = arith.constant 0 : i32
        %get3A_958 = tpu.memref_slice %arg6[%scan3A_270, %get3A_956, %get3A_957] : memref<5x128x128xf32, #tpu.memory_space<vmem>> -> memref<1x128x128xf32, #tpu.memory_space<vmem>>
        %get3A_959 = tpu.memref_squeeze %get3A_958 : memref<1x128x128xf32, #tpu.memory_space<vmem>> -> memref<128x128xf32, #tpu.memory_space<vmem>>
        %get3A_960 = arith.index_cast %add3A_915 : i32 to index
        %get3A_961 = arith.constant 32 : index
        %get3A_962 = tpu.vector_load %get3A_959[%get3A_960, %get3A_961] {strides = array<i32>} : memref<128x128xf32, #tpu.memory_space<vmem>>, vector<1x16xf32>,
        %get3A_963 = vector.shape_cast %get3A_962 : vector<1x16xf32> to vector<16xf32>
        %mul3A_964 = arith.constant 11.3137083 : f32
        %mul3A_965 = vector.broadcast %mul3A_964 : f32 to vector<16xf32>
        %mul3A_966 = arith.mulf %get3A_963, %mul3A_965 : vector<16xf32>
        %swap3A_967 = arith.constant 0 : i32
        %swap3A_968 = arith.constant 0 : i32
        %swap3A_969 = tpu.memref_slice %arg6[%scan3A_270, %swap3A_967, %swap3A_968] : memref<5x128x128xf32, #tpu.memory_space<vmem>> -> memref<1x128x128xf32, #tpu.memory_space<vmem>>
        %swap3A_970 = tpu.memref_squeeze %swap3A_969 : memref<1x128x128xf32, #tpu.memory_space<vmem>> -> memref<128x128xf32, #tpu.memory_space<vmem>>
        %swap3A_971 = arith.index_cast %add3A_915 : i32 to index
        %swap3A_972 = arith.constant 32 : index
        %swap3A_973 = tpu.vector_load %swap3A_970[%swap3A_971, %swap3A_972] {strides = array<i32>} : memref<128x128xf32, #tpu.memory_space<vmem>>, vector<1x16xf32>,
        %swap3A_974 = vector.shape_cast %swap3A_973 : vector<1x16xf32> to vector<16xf32>
        %swap3A_975 = vector.shape_cast %mul3A_966 : vector<16xf32> to vector<1x16xf32>
        tpu.vector_store %swap3A_970[%swap3A_971, %swap3A_972], %swap3A_975 {strides = array<i32>} : memref<128x128xf32, #tpu.memory_space<vmem>>, vector<1x16xf32>,
        %get3A_976 = arith.constant 0 : i32
        %get3A_977 = arith.constant 0 : i32
        %get3A_978 = tpu.memref_slice %arg6[%scan3A_270, %get3A_976, %get3A_977] : memref<5x128x128xf32, #tpu.memory_space<vmem>> -> memref<1x128x128xf32, #tpu.memory_space<vmem>>
        %get3A_979 = tpu.memref_squeeze %get3A_978 : memref<1x128x128xf32, #tpu.memory_space<vmem>> -> memref<128x128xf32, #tpu.memory_space<vmem>>
        %get3A_980 = arith.index_cast %add3A_915 : i32 to index
        %get3A_981 = arith.constant 48 : index
        %get3A_982 = tpu.vector_load %get3A_979[%get3A_980, %get3A_981] {strides = array<i32>} : memref<128x128xf32, #tpu.memory_space<vmem>>, vector<1x16xf32>,
        %get3A_983 = vector.shape_cast %get3A_982 : vector<1x16xf32> to vector<16xf32>
        %mul3A_984 = arith.constant 11.3137083 : f32
        %mul3A_985 = vector.broadcast %mul3A_984 : f32 to vector<16xf32>
        %mul3A_986 = arith.mulf %get3A_983, %mul3A_985 : vector<16xf32>
        %swap3A_987 = arith.constant 0 : i32
        %swap3A_988 = arith.constant 0 : i32
        %swap3A_989 = tpu.memref_slice %arg6[%scan3A_270, %swap3A_987, %swap3A_988] : memref<5x128x128xf32, #tpu.memory_space<vmem>> -> memref<1x128x128xf32, #tpu.memory_space<vmem>>
        %swap3A_990 = tpu.memref_squeeze %swap3A_989 : memref<1x128x128xf32, #tpu.memory_space<vmem>> -> memref<128x128xf32, #tpu.memory_space<vmem>>
        %swap3A_991 = arith.index_cast %add3A_915 : i32 to index
        %swap3A_992 = arith.constant 48 : index
        %swap3A_993 = tpu.vector_load %swap3A_990[%swap3A_991, %swap3A_992] {strides = array<i32>} : memref<128x128xf32, #tpu.memory_space<vmem>>, vector<1x16xf32>,
        %swap3A_994 = vector.shape_cast %swap3A_993 : vector<1x16xf32> to vector<16xf32>
        %swap3A_995 = vector.shape_cast %mul3A_986 : vector<16xf32> to vector<1x16xf32>
        tpu.vector_store %swap3A_990[%swap3A_991, %swap3A_992], %swap3A_995 {strides = array<i32>} : memref<128x128xf32, #tpu.memory_space<vmem>>, vector<1x16xf32>,
        %get3A_996 = arith.constant 0 : i32
        %get3A_997 = arith.constant 0 : i32
        %get3A_998 = tpu.memref_slice %arg6[%scan3A_270, %get3A_996, %get3A_997] : memref<5x128x128xf32, #tpu.memory_space<vmem>> -> memref<1x128x128xf32, #tpu.memory_space<vmem>>
        %get3A_999 = tpu.memref_squeeze %get3A_998 : memref<1x128x128xf32, #tpu.memory_space<vmem>> -> memref<128x128xf32, #tpu.memory_space<vmem>>
        %get3A_1000 = arith.index_cast %add3A_915 : i32 to index
        %get3A_1001 = arith.constant 64 : index
        %get3A_1002 = tpu.vector_load %get3A_999[%get3A_1000, %get3A_1001] {strides = array<i32>} : memref<128x128xf32, #tpu.memory_space<vmem>>, vector<1x16xf32>,
        %get3A_1003 = vector.shape_cast %get3A_1002 : vector<1x16xf32> to vector<16xf32>
        %mul3A_1004 = arith.constant 11.3137083 : f32
        %mul3A_1005 = vector.broadcast %mul3A_1004 : f32 to vector<16xf32>
        %mul3A_1006 = arith.mulf %get3A_1003, %mul3A_1005 : vector<16xf32>
        %swap3A_1007 = arith.constant 0 : i32
        %swap3A_1008 = arith.constant 0 : i32
        %swap3A_1009 = tpu.memref_slice %arg6[%scan3A_270, %swap3A_1007, %swap3A_1008] : memref<5x128x128xf32, #tpu.memory_space<vmem>> -> memref<1x128x128xf32, #tpu.memory_space<vmem>>
        %swap3A_1010 = tpu.memref_squeeze %swap3A_1009 : memref<1x128x128xf32, #tpu.memory_space<vmem>> -> memref<128x128xf32, #tpu.memory_space<vmem>>
        %swap3A_1011 = arith.index_cast %add3A_915 : i32 to index
        %swap3A_1012 = arith.constant 64 : index
        %swap3A_1013 = tpu.vector_load %swap3A_1010[%swap3A_1011, %swap3A_1012] {strides = array<i32>} : memref<128x128xf32, #tpu.memory_space<vmem>>, vector<1x16xf32>,
        %swap3A_1014 = vector.shape_cast %swap3A_1013 : vector<1x16xf32> to vector<16xf32>
        %swap3A_1015 = vector.shape_cast %mul3A_1006 : vector<16xf32> to vector<1x16xf32>
        tpu.vector_store %swap3A_1010[%swap3A_1011, %swap3A_1012], %swap3A_1015 {strides = array<i32>} : memref<128x128xf32, #tpu.memory_space<vmem>>, vector<1x16xf32>,
        %get3A_1016 = arith.constant 0 : i32
        %get3A_1017 = arith.constant 0 : i32
        %get3A_1018 = tpu.memref_slice %arg6[%scan3A_270, %get3A_1016, %get3A_1017] : memref<5x128x128xf32, #tpu.memory_space<vmem>> -> memref<1x128x128xf32, #tpu.memory_space<vmem>>
        %get3A_1019 = tpu.memref_squeeze %get3A_1018 : memref<1x128x128xf32, #tpu.memory_space<vmem>> -> memref<128x128xf32, #tpu.memory_space<vmem>>
        %get3A_1020 = arith.index_cast %add3A_915 : i32 to index
        %get3A_1021 = arith.constant 80 : index
        %get3A_1022 = tpu.vector_load %get3A_1019[%get3A_1020, %get3A_1021] {strides = array<i32>} : memref<128x128xf32, #tpu.memory_space<vmem>>, vector<1x16xf32>,
        %get3A_1023 = vector.shape_cast %get3A_1022 : vector<1x16xf32> to vector<16xf32>
        %mul3A_1024 = arith.constant 11.3137083 : f32
        %mul3A_1025 = vector.broadcast %mul3A_1024 : f32 to vector<16xf32>
        %mul3A_1026 = arith.mulf %get3A_1023, %mul3A_1025 : vector<16xf32>
        %swap3A_1027 = arith.constant 0 : i32
        %swap3A_1028 = arith.constant 0 : i32
        %swap3A_1029 = tpu.memref_slice %arg6[%scan3A_270, %swap3A_1027, %swap3A_1028] : memref<5x128x128xf32, #tpu.memory_space<vmem>> -> memref<1x128x128xf32, #tpu.memory_space<vmem>>
        %swap3A_1030 = tpu.memref_squeeze %swap3A_1029 : memref<1x128x128xf32, #tpu.memory_space<vmem>> -> memref<128x128xf32, #tpu.memory_space<vmem>>
        %swap3A_1031 = arith.index_cast %add3A_915 : i32 to index
        %swap3A_1032 = arith.constant 80 : index
        %swap3A_1033 = tpu.vector_load %swap3A_1030[%swap3A_1031, %swap3A_1032] {strides = array<i32>} : memref<128x128xf32, #tpu.memory_space<vmem>>, vector<1x16xf32>,
        %swap3A_1034 = vector.shape_cast %swap3A_1033 : vector<1x16xf32> to vector<16xf32>
        %swap3A_1035 = vector.shape_cast %mul3A_1026 : vector<16xf32> to vector<1x16xf32>
        tpu.vector_store %swap3A_1030[%swap3A_1031, %swap3A_1032], %swap3A_1035 {strides = array<i32>} : memref<128x128xf32, #tpu.memory_space<vmem>>, vector<1x16xf32>,
        %get3A_1036 = arith.constant 0 : i32
        %get3A_1037 = arith.constant 0 : i32
        %get3A_1038 = tpu.memref_slice %arg6[%scan3A_270, %get3A_1036, %get3A_1037] : memref<5x128x128xf32, #tpu.memory_space<vmem>> -> memref<1x128x128xf32, #tpu.memory_space<vmem>>
        %get3A_1039 = tpu.memref_squeeze %get3A_1038 : memref<1x128x128xf32, #tpu.memory_space<vmem>> -> memref<128x128xf32, #tpu.memory_space<vmem>>
        %get3A_1040 = arith.index_cast %add3A_915 : i32 to index
        %get3A_1041 = arith.constant 96 : index
        %get3A_1042 = tpu.vector_load %get3A_1039[%get3A_1040, %get3A_1041] {strides = array<i32>} : memref<128x128xf32, #tpu.memory_space<vmem>>, vector<1x16xf32>,
        %get3A_1043 = vector.shape_cast %get3A_1042 : vector<1x16xf32> to vector<16xf32>
        %mul3A_1044 = arith.constant 11.3137083 : f32
        %mul3A_1045 = vector.broadcast %mul3A_1044 : f32 to vector<16xf32>
        %mul3A_1046 = arith.mulf %get3A_1043, %mul3A_1045 : vector<16xf32>
        %swap3A_1047 = arith.constant 0 : i32
        %swap3A_1048 = arith.constant 0 : i32
        %swap3A_1049 = tpu.memref_slice %arg6[%scan3A_270, %swap3A_1047, %swap3A_1048] : memref<5x128x128xf32, #tpu.memory_space<vmem>> -> memref<1x128x128xf32, #tpu.memory_space<vmem>>
        %swap3A_1050 = tpu.memref_squeeze %swap3A_1049 : memref<1x128x128xf32, #tpu.memory_space<vmem>> -> memref<128x128xf32, #tpu.memory_space<vmem>>
        %swap3A_1051 = arith.index_cast %add3A_915 : i32 to index
        %swap3A_1052 = arith.constant 96 : index
        %swap3A_1053 = tpu.vector_load %swap3A_1050[%swap3A_1051, %swap3A_1052] {strides = array<i32>} : memref<128x128xf32, #tpu.memory_space<vmem>>, vector<1x16xf32>,
        %swap3A_1054 = vector.shape_cast %swap3A_1053 : vector<1x16xf32> to vector<16xf32>
        %swap3A_1055 = vector.shape_cast %mul3A_1046 : vector<16xf32> to vector<1x16xf32>
        tpu.vector_store %swap3A_1050[%swap3A_1051, %swap3A_1052], %swap3A_1055 {strides = array<i32>} : memref<128x128xf32, #tpu.memory_space<vmem>>, vector<1x16xf32>,
        %get3A_1056 = arith.constant 0 : i32
        %get3A_1057 = arith.constant 0 : i32
        %get3A_1058 = tpu.memref_slice %arg6[%scan3A_270, %get3A_1056, %get3A_1057] : memref<5x128x128xf32, #tpu.memory_space<vmem>> -> memref<1x128x128xf32, #tpu.memory_space<vmem>>
        %get3A_1059 = tpu.memref_squeeze %get3A_1058 : memref<1x128x128xf32, #tpu.memory_space<vmem>> -> memref<128x128xf32, #tpu.memory_space<vmem>>
        %get3A_1060 = arith.index_cast %add3A_915 : i32 to index
        %get3A_1061 = arith.constant 112 : index
        %get3A_1062 = tpu.vector_load %get3A_1059[%get3A_1060, %get3A_1061] {strides = array<i32>} : memref<128x128xf32, #tpu.memory_space<vmem>>, vector<1x16xf32>,
        %get3A_1063 = vector.shape_cast %get3A_1062 : vector<1x16xf32> to vector<16xf32>
        %mul3A_1064 = arith.constant 11.3137083 : f32
        %mul3A_1065 = vector.broadcast %mul3A_1064 : f32 to vector<16xf32>
        %mul3A_1066 = arith.mulf %get3A_1063, %mul3A_1065 : vector<16xf32>
        %swap3A_1067 = arith.constant 0 : i32
        %swap3A_1068 = arith.constant 0 : i32
        %swap3A_1069 = tpu.memref_slice %arg6[%scan3A_270, %swap3A_1067, %swap3A_1068] : memref<5x128x128xf32, #tpu.memory_space<vmem>> -> memref<1x128x128xf32, #tpu.memory_space<vmem>>
        %swap3A_1070 = tpu.memref_squeeze %swap3A_1069 : memref<1x128x128xf32, #tpu.memory_space<vmem>> -> memref<128x128xf32, #tpu.memory_space<vmem>>
        %swap3A_1071 = arith.index_cast %add3A_915 : i32 to index
        %swap3A_1072 = arith.constant 112 : index
        %swap3A_1073 = tpu.vector_load %swap3A_1070[%swap3A_1071, %swap3A_1072] {strides = array<i32>} : memref<128x128xf32, #tpu.memory_space<vmem>>, vector<1x16xf32>,
        %swap3A_1074 = vector.shape_cast %swap3A_1073 : vector<1x16xf32> to vector<16xf32>
        %swap3A_1075 = vector.shape_cast %mul3A_1066 : vector<16xf32> to vector<1x16xf32>
        tpu.vector_store %swap3A_1070[%swap3A_1071, %swap3A_1072], %swap3A_1075 {strides = array<i32>} : memref<128x128xf32, #tpu.memory_space<vmem>>, vector<1x16xf32>,
      }
      %scan3A_275 = arith.constant 128 : i32
      %mul3A_276 = arith.constant 128 : i32
      %mul3A_277 = arith.muli %add3A_236, %mul3A_276 : i32
      %add3A_278 = arith.addi %mul3A_2, %mul3A_277 : i32
      %dma_start3A_279 = arith.constant 2 : i32
      %dma_start3A_280 = arith.constant 2 : i32
      %dma_start3A_281 = arith.constant 0 : i32
      %dma_start3A_282 = arith.constant 0 : i32
      %dma_start3A_283 = tpu.memref_slice %arg6[%dma_start3A_279, %dma_start3A_281, %dma_start3A_282] : memref<5x128x128xf32, #tpu.memory_space<vmem>> -> memref<1x128x128xf32, #tpu.memory_space<vmem>>
      %dma_start3A_284 = tpu.memref_squeeze %dma_start3A_283 : memref<1x128x128xf32, #tpu.memory_space<vmem>> -> memref<128x128xf32, #tpu.memory_space<vmem>>
      %dma_start3A_285 = arith.constant 0 : i32
      %dma_start3A_286 = tpu.memref_slice %arg4[%add3A_278, %dma_start3A_285] : memref<204800x128xf32, #tpu.memory_space<hbm>> -> memref<128x128xf32, #tpu.memory_space<hbm>>
      %dma_start3A_287 = tpu.memref_slice %arg8[%dma_start3A_280] : memref<5x!tpu.dma_semaphore, #tpu.memory_space<semaphore_mem>> -> memref<1x!tpu.dma_semaphore, #tpu.memory_space<semaphore_mem>>
      %dma_start3A_288 = tpu.memref_squeeze %dma_start3A_287 : memref<1x!tpu.dma_semaphore, #tpu.memory_space<semaphore_mem>> -> memref<!tpu.dma_semaphore, #tpu.memory_space<semaphore_mem>>
      %dma_start3A_289 = arith.constant 0 : i32
      %dma_start3A_290 = tpu.memref_slice %arg4[%add3A_278, %dma_start3A_289] : memref<204800x128xf32, #tpu.memory_space<hbm>> -> memref<128x128xf32, #tpu.memory_space<hbm>>
      %dma_start3A_291 = arith.constant 0 : i32
      %dma_start3A_292 = arith.constant 0 : i32
      %dma_start3A_293 = tpu.memref_slice %arg6[%dma_start3A_279, %dma_start3A_291, %dma_start3A_292] : memref<5x128x128xf32, #tpu.memory_space<vmem>> -> memref<1x128x128xf32, #tpu.memory_space<vmem>>
      %dma_start3A_294 = tpu.memref_squeeze %dma_start3A_293 : memref<1x128x128xf32, #tpu.memory_space<vmem>> -> memref<128x128xf32, #tpu.memory_space<vmem>>
      tpu.enqueue_dma source(%dma_start3A_294 : memref<128x128xf32, #tpu.memory_space<vmem>>) target(%dma_start3A_290 : memref<128x128xf32, #tpu.memory_space<hbm>>) target_semaphore(%dma_start3A_288 : memref<!tpu.dma_semaphore, #tpu.memory_space<semaphore_mem>>)
      %add3A_295 = arith.constant 3 : i32
      %add3A_296 = arith.addi %add3A_119, %add3A_295 : i32
      %add3A_297 = arith.constant 2 : i32
      %add3A_298 = arith.addi %add3A_296, %add3A_297 : i32
      %lt3A_299 = arith.constant 50 : i32
      %lt3A_300 = arith.cmpi slt, %add3A_298, %lt3A_299 : i32
      %add3A_301 = arith.constant 2 : i32
      %add3A_302 = arith.addi %add3A_296, %add3A_301 : i32
      %ge3A_303 = arith.constant 5 : i32
      %ge3A_304 = arith.cmpi sge, %add3A_302, %ge3A_303 : i32
      %and3A_305 = arith.andi %lt3A_300, %ge3A_304 : i1
      %convert_element_type3A_306 = arith.extui %and3A_305 : i1 to i32
      %cond3A_307 = arith.constant 0 : i32
      %cond3A_308 = arith.cmpi ne, %convert_element_type3A_306, %cond3A_307 : i32
      scf.if %cond3A_308 {
        %dma_wait3A_415 = arith.constant 0 : i32
        %dma_wait3A_416 = arith.constant 0 : i32
        %dma_wait3A_417 = arith.constant 0 : i32
        %dma_wait3A_418 = arith.constant 0 : i32
        %dma_wait3A_419 = tpu.memref_slice %arg6[%dma_wait3A_415, %dma_wait3A_417, %dma_wait3A_418] : memref<5x128x128xf32, #tpu.memory_space<vmem>> -> memref<1x128x128xf32, #tpu.memory_space<vmem>>
        %dma_wait3A_420 = tpu.memref_squeeze %dma_wait3A_419 : memref<1x128x128xf32, #tpu.memory_space<vmem>> -> memref<128x128xf32, #tpu.memory_space<vmem>>
        %dma_wait3A_421 = arith.constant 0 : i32
        %dma_wait3A_422 = tpu.memref_slice %arg4[%mul3A_2, %dma_wait3A_421] : memref<204800x128xf32, #tpu.memory_space<hbm>> -> memref<128x128xf32, #tpu.memory_space<hbm>>
        %dma_wait3A_423 = tpu.memref_slice %arg8[%dma_wait3A_416] : memref<5x!tpu.dma_semaphore, #tpu.memory_space<semaphore_mem>> -> memref<1x!tpu.dma_semaphore, #tpu.memory_space<semaphore_mem>>
        %dma_wait3A_424 = tpu.memref_squeeze %dma_wait3A_423 : memref<1x!tpu.dma_semaphore, #tpu.memory_space<semaphore_mem>> -> memref<!tpu.dma_semaphore, #tpu.memory_space<semaphore_mem>>
        %dma_wait3A_425 = arith.constant 0 : i32
        %dma_wait3A_426 = tpu.memref_slice %arg4[%mul3A_2, %dma_wait3A_425] : memref<204800x128xf32, #tpu.memory_space<hbm>> -> memref<128x128xf32, #tpu.memory_space<hbm>>
        %dma_wait3A_427 = arith.constant 0 : i32
        %dma_wait3A_428 = arith.constant 0 : i32
        %dma_wait3A_429 = tpu.memref_slice %arg6[%dma_wait3A_415, %dma_wait3A_427, %dma_wait3A_428] : memref<5x128x128xf32, #tpu.memory_space<vmem>> -> memref<1x128x128xf32, #tpu.memory_space<vmem>>
        %dma_wait3A_430 = tpu.memref_squeeze %dma_wait3A_429 : memref<1x128x128xf32, #tpu.memory_space<vmem>> -> memref<128x128xf32, #tpu.memory_space<vmem>>
        tpu.wait_dma2 semaphore(%dma_wait3A_424 : memref<!tpu.dma_semaphore, #tpu.memory_space<semaphore_mem>>) src(%dma_wait3A_430 : memref<128x128xf32, #tpu.memory_space<vmem>>) dst(%dma_wait3A_426 : memref<128x128xf32, #tpu.memory_space<hbm>>)
      } else {
      }
      %convert_element_type3A_309 = arith.extui %lt3A_300 : i1 to i32
      %cond3A_310 = arith.constant 0 : i32
      %cond3A_311 = arith.cmpi ne, %convert_element_type3A_309, %cond3A_310 : i32
      scf.if %cond3A_311 {
        %add3A_415 = arith.constant 2 : i32
        %add3A_416 = arith.addi %add3A_296, %add3A_415 : i32
        %dma_start3A_417 = arith.constant 0 : i32
        %dma_start3A_418 = arith.constant 0 : i32
        %dma_start3A_419 = arith.constant 0 : i32
        %dma_start3A_420 = arith.constant 0 : i32
        %dma_start3A_421 = tpu.memref_slice %arg6[%dma_start3A_417, %dma_start3A_419, %dma_start3A_420] : memref<5x128x128xf32, #tpu.memory_space<vmem>> -> memref<1x128x128xf32, #tpu.memory_space<vmem>>
        %dma_start3A_422 = tpu.memref_squeeze %dma_start3A_421 : memref<1x128x128xf32, #tpu.memory_space<vmem>> -> memref<128x128xf32, #tpu.memory_space<vmem>>
        %dma_start3A_423 = arith.constant 0 : i32
        %dma_start3A_424 = tpu.memref_slice %arg5[%add3A_416, %dma_start3A_423] : memref<50x128xi32, #tpu.memory_space<vmem>> -> memref<1x128xi32, #tpu.memory_space<vmem>>
        %dma_start3A_425 = tpu.memref_squeeze %dma_start3A_424 : memref<1x128xi32, #tpu.memory_space<vmem>> -> memref<128xi32, #tpu.memory_space<vmem>>
        %dma_start3A_426 = arith.constant 0 : i32
        %dma_start3A_427 = arith.constant 0 : i32
        %dma_start3A_428 = tpu.memref_slice %arg3[%dma_start3A_426, %dma_start3A_427] : memref<100000x128xf32, #tpu.memory_space<hbm>> -> memref<100000x128xf32, #tpu.memory_space<hbm>>
        %dma_start3A_429 = tpu.memref_slice %arg7[%dma_start3A_418] : memref<5x!tpu.dma_semaphore, #tpu.memory_space<semaphore_mem>> -> memref<1x!tpu.dma_semaphore, #tpu.memory_space<semaphore_mem>>
        %dma_start3A_430 = tpu.memref_squeeze %dma_start3A_429 : memref<1x!tpu.dma_semaphore, #tpu.memory_space<semaphore_mem>> -> memref<!tpu.dma_semaphore, #tpu.memory_space<semaphore_mem>>
        tpu.enqueue_indirect_dma source(%dma_start3A_428 : memref<100000x128xf32, #tpu.memory_space<hbm>>) target(%dma_start3A_422 : memref<128x128xf32, #tpu.memory_space<vmem>>) offsets(%dma_start3A_425 : memref<128xi32, #tpu.memory_space<vmem>>) semaphore(%dma_start3A_430 : memref<!tpu.dma_semaphore, #tpu.memory_space<semaphore_mem>>)
      } else {
      }
      %dma_wait3A_312 = arith.constant 3 : i32
      %dma_wait3A_313 = arith.constant 3 : i32
      %dma_wait3A_314 = arith.constant 0 : i32
      %dma_wait3A_315 = arith.constant 0 : i32
      %dma_wait3A_316 = tpu.memref_slice %arg6[%dma_wait3A_312, %dma_wait3A_314, %dma_wait3A_315] : memref<5x128x128xf32, #tpu.memory_space<vmem>> -> memref<1x128x128xf32, #tpu.memory_space<vmem>>
      %dma_wait3A_317 = tpu.memref_squeeze %dma_wait3A_316 : memref<1x128x128xf32, #tpu.memory_space<vmem>> -> memref<128x128xf32, #tpu.memory_space<vmem>>
      %dma_wait3A_318 = arith.constant 0 : i32
      %dma_wait3A_319 = arith.constant 0 : i32
      %dma_wait3A_320 = tpu.memref_slice %arg3[%dma_wait3A_318, %dma_wait3A_319] : memref<100000x128xf32, #tpu.memory_space<hbm>> -> memref<128x128xf32, #tpu.memory_space<hbm>>
      %dma_wait3A_321 = tpu.memref_slice %arg7[%dma_wait3A_313] : memref<5x!tpu.dma_semaphore, #tpu.memory_space<semaphore_mem>> -> memref<1x!tpu.dma_semaphore, #tpu.memory_space<semaphore_mem>>
      %dma_wait3A_322 = tpu.memref_squeeze %dma_wait3A_321 : memref<1x!tpu.dma_semaphore, #tpu.memory_space<semaphore_mem>> -> memref<!tpu.dma_semaphore, #tpu.memory_space<semaphore_mem>>
      %dma_wait3A_323 = arith.constant 0 : i32
      %dma_wait3A_324 = arith.constant 0 : i32
      %dma_wait3A_325 = tpu.memref_slice %arg6[%dma_wait3A_312, %dma_wait3A_323, %dma_wait3A_324] : memref<5x128x128xf32, #tpu.memory_space<vmem>> -> memref<1x128x128xf32, #tpu.memory_space<vmem>>
      %dma_wait3A_326 = tpu.memref_squeeze %dma_wait3A_325 : memref<1x128x128xf32, #tpu.memory_space<vmem>> -> memref<128x128xf32, #tpu.memory_space<vmem>>
      %dma_wait3A_327 = arith.constant 0 : i32
      %dma_wait3A_328 = arith.constant 0 : i32
      %dma_wait3A_329 = tpu.memref_slice %arg3[%dma_wait3A_327, %dma_wait3A_328] : memref<100000x128xf32, #tpu.memory_space<hbm>> -> memref<128x128xf32, #tpu.memory_space<hbm>>
      tpu.wait_dma2 semaphore(%dma_wait3A_322 : memref<!tpu.dma_semaphore, #tpu.memory_space<semaphore_mem>>) src(%dma_wait3A_329 : memref<128x128xf32, #tpu.memory_space<hbm>>) dst(%dma_wait3A_326 : memref<128x128xf32, #tpu.memory_space<vmem>>)
      %scan3A_330 = arith.constant 3 : i32
      %scan3A_331 = arith.constant 0 : i32
      %scan3A_332 = arith.constant 128 : i32
      %scan3A_333 = arith.addi %scan3A_331, %scan3A_332 : i32
      %scan3A_334 = arith.constant 4 : i32
      scf.for %scan3A_415 = %scan3A_331 to %scan3A_333 step %scan3A_334  : i32 {
        %mul3A_416 = arith.constant 1 : i32
        %mul3A_417 = arith.muli %scan3A_415, %mul3A_416 : i32
        %add3A_418 = arith.constant 0 : i32
        %add3A_419 = arith.addi %add3A_418, %mul3A_417 : i32
        %get3A = arith.constant 0 : i32
        %get3A_420 = arith.constant 0 : i32
        %get3A_421 = tpu.memref_slice %arg6[%scan3A_330, %get3A, %get3A_420] : memref<5x128x128xf32, #tpu.memory_space<vmem>> -> memref<1x128x128xf32, #tpu.memory_space<vmem>>
        %get3A_422 = tpu.memref_squeeze %get3A_421 : memref<1x128x128xf32, #tpu.memory_space<vmem>> -> memref<128x128xf32, #tpu.memory_space<vmem>>
        %get3A_423 = arith.index_cast %add3A_419 : i32 to index
        %get3A_424 = arith.constant 0 : index
        %get3A_425 = tpu.vector_load %get3A_422[%get3A_423, %get3A_424] {strides = array<i32>} : memref<128x128xf32, #tpu.memory_space<vmem>>, vector<1x16xf32>,
        %get3A_426 = vector.shape_cast %get3A_425 : vector<1x16xf32> to vector<16xf32>
        %mul3A_427 = arith.constant 11.3137083 : f32
        %mul3A_428 = vector.broadcast %mul3A_427 : f32 to vector<16xf32>
        %mul3A_429 = arith.mulf %get3A_426, %mul3A_428 : vector<16xf32>
        %swap3A = arith.constant 0 : i32
        %swap3A_430 = arith.constant 0 : i32
        %swap3A_431 = tpu.memref_slice %arg6[%scan3A_330, %swap3A, %swap3A_430] : memref<5x128x128xf32, #tpu.memory_space<vmem>> -> memref<1x128x128xf32, #tpu.memory_space<vmem>>
        %swap3A_432 = tpu.memref_squeeze %swap3A_431 : memref<1x128x128xf32, #tpu.memory_space<vmem>> -> memref<128x128xf32, #tpu.memory_space<vmem>>
        %swap3A_433 = arith.index_cast %add3A_419 : i32 to index
        %swap3A_434 = arith.constant 0 : index
        %swap3A_435 = tpu.vector_load %swap3A_432[%swap3A_433, %swap3A_434] {strides = array<i32>} : memref<128x128xf32, #tpu.memory_space<vmem>>, vector<1x16xf32>,
        %swap3A_436 = vector.shape_cast %swap3A_435 : vector<1x16xf32> to vector<16xf32>
        %swap3A_437 = vector.shape_cast %mul3A_429 : vector<16xf32> to vector<1x16xf32>
        tpu.vector_store %swap3A_432[%swap3A_433, %swap3A_434], %swap3A_437 {strides = array<i32>} : memref<128x128xf32, #tpu.memory_space<vmem>>, vector<1x16xf32>,
        %get3A_438 = arith.constant 0 : i32
        %get3A_439 = arith.constant 0 : i32
        %get3A_440 = tpu.memref_slice %arg6[%scan3A_330, %get3A_438, %get3A_439] : memref<5x128x128xf32, #tpu.memory_space<vmem>> -> memref<1x128x128xf32, #tpu.memory_space<vmem>>
        %get3A_441 = tpu.memref_squeeze %get3A_440 : memref<1x128x128xf32, #tpu.memory_space<vmem>> -> memref<128x128xf32, #tpu.memory_space<vmem>>
        %get3A_442 = arith.index_cast %add3A_419 : i32 to index
        %get3A_443 = arith.constant 16 : index
        %get3A_444 = tpu.vector_load %get3A_441[%get3A_442, %get3A_443] {strides = array<i32>} : memref<128x128xf32, #tpu.memory_space<vmem>>, vector<1x16xf32>,
        %get3A_445 = vector.shape_cast %get3A_444 : vector<1x16xf32> to vector<16xf32>
        %mul3A_446 = arith.constant 11.3137083 : f32
        %mul3A_447 = vector.broadcast %mul3A_446 : f32 to vector<16xf32>
        %mul3A_448 = arith.mulf %get3A_445, %mul3A_447 : vector<16xf32>
        %swap3A_449 = arith.constant 0 : i32
        %swap3A_450 = arith.constant 0 : i32
        %swap3A_451 = tpu.memref_slice %arg6[%scan3A_330, %swap3A_449, %swap3A_450] : memref<5x128x128xf32, #tpu.memory_space<vmem>> -> memref<1x128x128xf32, #tpu.memory_space<vmem>>
        %swap3A_452 = tpu.memref_squeeze %swap3A_451 : memref<1x128x128xf32, #tpu.memory_space<vmem>> -> memref<128x128xf32, #tpu.memory_space<vmem>>
        %swap3A_453 = arith.index_cast %add3A_419 : i32 to index
        %swap3A_454 = arith.constant 16 : index
        %swap3A_455 = tpu.vector_load %swap3A_452[%swap3A_453, %swap3A_454] {strides = array<i32>} : memref<128x128xf32, #tpu.memory_space<vmem>>, vector<1x16xf32>,
        %swap3A_456 = vector.shape_cast %swap3A_455 : vector<1x16xf32> to vector<16xf32>
        %swap3A_457 = vector.shape_cast %mul3A_448 : vector<16xf32> to vector<1x16xf32>
        tpu.vector_store %swap3A_452[%swap3A_453, %swap3A_454], %swap3A_457 {strides = array<i32>} : memref<128x128xf32, #tpu.memory_space<vmem>>, vector<1x16xf32>,
        %get3A_458 = arith.constant 0 : i32
        %get3A_459 = arith.constant 0 : i32
        %get3A_460 = tpu.memref_slice %arg6[%scan3A_330, %get3A_458, %get3A_459] : memref<5x128x128xf32, #tpu.memory_space<vmem>> -> memref<1x128x128xf32, #tpu.memory_space<vmem>>
        %get3A_461 = tpu.memref_squeeze %get3A_460 : memref<1x128x128xf32, #tpu.memory_space<vmem>> -> memref<128x128xf32, #tpu.memory_space<vmem>>
        %get3A_462 = arith.index_cast %add3A_419 : i32 to index
        %get3A_463 = arith.constant 32 : index
        %get3A_464 = tpu.vector_load %get3A_461[%get3A_462, %get3A_463] {strides = array<i32>} : memref<128x128xf32, #tpu.memory_space<vmem>>, vector<1x16xf32>,
        %get3A_465 = vector.shape_cast %get3A_464 : vector<1x16xf32> to vector<16xf32>
        %mul3A_466 = arith.constant 11.3137083 : f32
        %mul3A_467 = vector.broadcast %mul3A_466 : f32 to vector<16xf32>
        %mul3A_468 = arith.mulf %get3A_465, %mul3A_467 : vector<16xf32>
        %swap3A_469 = arith.constant 0 : i32
        %swap3A_470 = arith.constant 0 : i32
        %swap3A_471 = tpu.memref_slice %arg6[%scan3A_330, %swap3A_469, %swap3A_470] : memref<5x128x128xf32, #tpu.memory_space<vmem>> -> memref<1x128x128xf32, #tpu.memory_space<vmem>>
        %swap3A_472 = tpu.memref_squeeze %swap3A_471 : memref<1x128x128xf32, #tpu.memory_space<vmem>> -> memref<128x128xf32, #tpu.memory_space<vmem>>
        %swap3A_473 = arith.index_cast %add3A_419 : i32 to index
        %swap3A_474 = arith.constant 32 : index
        %swap3A_475 = tpu.vector_load %swap3A_472[%swap3A_473, %swap3A_474] {strides = array<i32>} : memref<128x128xf32, #tpu.memory_space<vmem>>, vector<1x16xf32>,
        %swap3A_476 = vector.shape_cast %swap3A_475 : vector<1x16xf32> to vector<16xf32>
        %swap3A_477 = vector.shape_cast %mul3A_468 : vector<16xf32> to vector<1x16xf32>
        tpu.vector_store %swap3A_472[%swap3A_473, %swap3A_474], %swap3A_477 {strides = array<i32>} : memref<128x128xf32, #tpu.memory_space<vmem>>, vector<1x16xf32>,
        %get3A_478 = arith.constant 0 : i32
        %get3A_479 = arith.constant 0 : i32
        %get3A_480 = tpu.memref_slice %arg6[%scan3A_330, %get3A_478, %get3A_479] : memref<5x128x128xf32, #tpu.memory_space<vmem>> -> memref<1x128x128xf32, #tpu.memory_space<vmem>>
        %get3A_481 = tpu.memref_squeeze %get3A_480 : memref<1x128x128xf32, #tpu.memory_space<vmem>> -> memref<128x128xf32, #tpu.memory_space<vmem>>
        %get3A_482 = arith.index_cast %add3A_419 : i32 to index
        %get3A_483 = arith.constant 48 : index
        %get3A_484 = tpu.vector_load %get3A_481[%get3A_482, %get3A_483] {strides = array<i32>} : memref<128x128xf32, #tpu.memory_space<vmem>>, vector<1x16xf32>,
        %get3A_485 = vector.shape_cast %get3A_484 : vector<1x16xf32> to vector<16xf32>
        %mul3A_486 = arith.constant 11.3137083 : f32
        %mul3A_487 = vector.broadcast %mul3A_486 : f32 to vector<16xf32>
        %mul3A_488 = arith.mulf %get3A_485, %mul3A_487 : vector<16xf32>
        %swap3A_489 = arith.constant 0 : i32
        %swap3A_490 = arith.constant 0 : i32
        %swap3A_491 = tpu.memref_slice %arg6[%scan3A_330, %swap3A_489, %swap3A_490] : memref<5x128x128xf32, #tpu.memory_space<vmem>> -> memref<1x128x128xf32, #tpu.memory_space<vmem>>
        %swap3A_492 = tpu.memref_squeeze %swap3A_491 : memref<1x128x128xf32, #tpu.memory_space<vmem>> -> memref<128x128xf32, #tpu.memory_space<vmem>>
        %swap3A_493 = arith.index_cast %add3A_419 : i32 to index
        %swap3A_494 = arith.constant 48 : index
        %swap3A_495 = tpu.vector_load %swap3A_492[%swap3A_493, %swap3A_494] {strides = array<i32>} : memref<128x128xf32, #tpu.memory_space<vmem>>, vector<1x16xf32>,
        %swap3A_496 = vector.shape_cast %swap3A_495 : vector<1x16xf32> to vector<16xf32>
        %swap3A_497 = vector.shape_cast %mul3A_488 : vector<16xf32> to vector<1x16xf32>
        tpu.vector_store %swap3A_492[%swap3A_493, %swap3A_494], %swap3A_497 {strides = array<i32>} : memref<128x128xf32, #tpu.memory_space<vmem>>, vector<1x16xf32>,
        %get3A_498 = arith.constant 0 : i32
        %get3A_499 = arith.constant 0 : i32
        %get3A_500 = tpu.memref_slice %arg6[%scan3A_330, %get3A_498, %get3A_499] : memref<5x128x128xf32, #tpu.memory_space<vmem>> -> memref<1x128x128xf32, #tpu.memory_space<vmem>>
        %get3A_501 = tpu.memref_squeeze %get3A_500 : memref<1x128x128xf32, #tpu.memory_space<vmem>> -> memref<128x128xf32, #tpu.memory_space<vmem>>
        %get3A_502 = arith.index_cast %add3A_419 : i32 to index
        %get3A_503 = arith.constant 64 : index
        %get3A_504 = tpu.vector_load %get3A_501[%get3A_502, %get3A_503] {strides = array<i32>} : memref<128x128xf32, #tpu.memory_space<vmem>>, vector<1x16xf32>,
        %get3A_505 = vector.shape_cast %get3A_504 : vector<1x16xf32> to vector<16xf32>
        %mul3A_506 = arith.constant 11.3137083 : f32
        %mul3A_507 = vector.broadcast %mul3A_506 : f32 to vector<16xf32>
        %mul3A_508 = arith.mulf %get3A_505, %mul3A_507 : vector<16xf32>
        %swap3A_509 = arith.constant 0 : i32
        %swap3A_510 = arith.constant 0 : i32
        %swap3A_511 = tpu.memref_slice %arg6[%scan3A_330, %swap3A_509, %swap3A_510] : memref<5x128x128xf32, #tpu.memory_space<vmem>> -> memref<1x128x128xf32, #tpu.memory_space<vmem>>
        %swap3A_512 = tpu.memref_squeeze %swap3A_511 : memref<1x128x128xf32, #tpu.memory_space<vmem>> -> memref<128x128xf32, #tpu.memory_space<vmem>>
        %swap3A_513 = arith.index_cast %add3A_419 : i32 to index
        %swap3A_514 = arith.constant 64 : index
        %swap3A_515 = tpu.vector_load %swap3A_512[%swap3A_513, %swap3A_514] {strides = array<i32>} : memref<128x128xf32, #tpu.memory_space<vmem>>, vector<1x16xf32>,
        %swap3A_516 = vector.shape_cast %swap3A_515 : vector<1x16xf32> to vector<16xf32>
        %swap3A_517 = vector.shape_cast %mul3A_508 : vector<16xf32> to vector<1x16xf32>
        tpu.vector_store %swap3A_512[%swap3A_513, %swap3A_514], %swap3A_517 {strides = array<i32>} : memref<128x128xf32, #tpu.memory_space<vmem>>, vector<1x16xf32>,
        %get3A_518 = arith.constant 0 : i32
        %get3A_519 = arith.constant 0 : i32
        %get3A_520 = tpu.memref_slice %arg6[%scan3A_330, %get3A_518, %get3A_519] : memref<5x128x128xf32, #tpu.memory_space<vmem>> -> memref<1x128x128xf32, #tpu.memory_space<vmem>>
        %get3A_521 = tpu.memref_squeeze %get3A_520 : memref<1x128x128xf32, #tpu.memory_space<vmem>> -> memref<128x128xf32, #tpu.memory_space<vmem>>
        %get3A_522 = arith.index_cast %add3A_419 : i32 to index
        %get3A_523 = arith.constant 80 : index
        %get3A_524 = tpu.vector_load %get3A_521[%get3A_522, %get3A_523] {strides = array<i32>} : memref<128x128xf32, #tpu.memory_space<vmem>>, vector<1x16xf32>,
        %get3A_525 = vector.shape_cast %get3A_524 : vector<1x16xf32> to vector<16xf32>
        %mul3A_526 = arith.constant 11.3137083 : f32
        %mul3A_527 = vector.broadcast %mul3A_526 : f32 to vector<16xf32>
        %mul3A_528 = arith.mulf %get3A_525, %mul3A_527 : vector<16xf32>
        %swap3A_529 = arith.constant 0 : i32
        %swap3A_530 = arith.constant 0 : i32
        %swap3A_531 = tpu.memref_slice %arg6[%scan3A_330, %swap3A_529, %swap3A_530] : memref<5x128x128xf32, #tpu.memory_space<vmem>> -> memref<1x128x128xf32, #tpu.memory_space<vmem>>
        %swap3A_532 = tpu.memref_squeeze %swap3A_531 : memref<1x128x128xf32, #tpu.memory_space<vmem>> -> memref<128x128xf32, #tpu.memory_space<vmem>>
        %swap3A_533 = arith.index_cast %add3A_419 : i32 to index
        %swap3A_534 = arith.constant 80 : index
        %swap3A_535 = tpu.vector_load %swap3A_532[%swap3A_533, %swap3A_534] {strides = array<i32>} : memref<128x128xf32, #tpu.memory_space<vmem>>, vector<1x16xf32>,
        %swap3A_536 = vector.shape_cast %swap3A_535 : vector<1x16xf32> to vector<16xf32>
        %swap3A_537 = vector.shape_cast %mul3A_528 : vector<16xf32> to vector<1x16xf32>
        tpu.vector_store %swap3A_532[%swap3A_533, %swap3A_534], %swap3A_537 {strides = array<i32>} : memref<128x128xf32, #tpu.memory_space<vmem>>, vector<1x16xf32>,
        %get3A_538 = arith.constant 0 : i32
        %get3A_539 = arith.constant 0 : i32
        %get3A_540 = tpu.memref_slice %arg6[%scan3A_330, %get3A_538, %get3A_539] : memref<5x128x128xf32, #tpu.memory_space<vmem>> -> memref<1x128x128xf32, #tpu.memory_space<vmem>>
        %get3A_541 = tpu.memref_squeeze %get3A_540 : memref<1x128x128xf32, #tpu.memory_space<vmem>> -> memref<128x128xf32, #tpu.memory_space<vmem>>
        %get3A_542 = arith.index_cast %add3A_419 : i32 to index
        %get3A_543 = arith.constant 96 : index
        %get3A_544 = tpu.vector_load %get3A_541[%get3A_542, %get3A_543] {strides = array<i32>} : memref<128x128xf32, #tpu.memory_space<vmem>>, vector<1x16xf32>,
        %get3A_545 = vector.shape_cast %get3A_544 : vector<1x16xf32> to vector<16xf32>
        %mul3A_546 = arith.constant 11.3137083 : f32
        %mul3A_547 = vector.broadcast %mul3A_546 : f32 to vector<16xf32>
        %mul3A_548 = arith.mulf %get3A_545, %mul3A_547 : vector<16xf32>
        %swap3A_549 = arith.constant 0 : i32
        %swap3A_550 = arith.constant 0 : i32
        %swap3A_551 = tpu.memref_slice %arg6[%scan3A_330, %swap3A_549, %swap3A_550] : memref<5x128x128xf32, #tpu.memory_space<vmem>> -> memref<1x128x128xf32, #tpu.memory_space<vmem>>
        %swap3A_552 = tpu.memref_squeeze %swap3A_551 : memref<1x128x128xf32, #tpu.memory_space<vmem>> -> memref<128x128xf32, #tpu.memory_space<vmem>>
        %swap3A_553 = arith.index_cast %add3A_419 : i32 to index
        %swap3A_554 = arith.constant 96 : index
        %swap3A_555 = tpu.vector_load %swap3A_552[%swap3A_553, %swap3A_554] {strides = array<i32>} : memref<128x128xf32, #tpu.memory_space<vmem>>, vector<1x16xf32>,
        %swap3A_556 = vector.shape_cast %swap3A_555 : vector<1x16xf32> to vector<16xf32>
        %swap3A_557 = vector.shape_cast %mul3A_548 : vector<16xf32> to vector<1x16xf32>
        tpu.vector_store %swap3A_552[%swap3A_553, %swap3A_554], %swap3A_557 {strides = array<i32>} : memref<128x128xf32, #tpu.memory_space<vmem>>, vector<1x16xf32>,
        %get3A_558 = arith.constant 0 : i32
        %get3A_559 = arith.constant 0 : i32
        %get3A_560 = tpu.memref_slice %arg6[%scan3A_330, %get3A_558, %get3A_559] : memref<5x128x128xf32, #tpu.memory_space<vmem>> -> memref<1x128x128xf32, #tpu.memory_space<vmem>>
        %get3A_561 = tpu.memref_squeeze %get3A_560 : memref<1x128x128xf32, #tpu.memory_space<vmem>> -> memref<128x128xf32, #tpu.memory_space<vmem>>
        %get3A_562 = arith.index_cast %add3A_419 : i32 to index
        %get3A_563 = arith.constant 112 : index
        %get3A_564 = tpu.vector_load %get3A_561[%get3A_562, %get3A_563] {strides = array<i32>} : memref<128x128xf32, #tpu.memory_space<vmem>>, vector<1x16xf32>,
        %get3A_565 = vector.shape_cast %get3A_564 : vector<1x16xf32> to vector<16xf32>
        %mul3A_566 = arith.constant 11.3137083 : f32
        %mul3A_567 = vector.broadcast %mul3A_566 : f32 to vector<16xf32>
        %mul3A_568 = arith.mulf %get3A_565, %mul3A_567 : vector<16xf32>
        %swap3A_569 = arith.constant 0 : i32
        %swap3A_570 = arith.constant 0 : i32
        %swap3A_571 = tpu.memref_slice %arg6[%scan3A_330, %swap3A_569, %swap3A_570] : memref<5x128x128xf32, #tpu.memory_space<vmem>> -> memref<1x128x128xf32, #tpu.memory_space<vmem>>
        %swap3A_572 = tpu.memref_squeeze %swap3A_571 : memref<1x128x128xf32, #tpu.memory_space<vmem>> -> memref<128x128xf32, #tpu.memory_space<vmem>>
        %swap3A_573 = arith.index_cast %add3A_419 : i32 to index
        %swap3A_574 = arith.constant 112 : index
        %swap3A_575 = tpu.vector_load %swap3A_572[%swap3A_573, %swap3A_574] {strides = array<i32>} : memref<128x128xf32, #tpu.memory_space<vmem>>, vector<1x16xf32>,
        %swap3A_576 = vector.shape_cast %swap3A_575 : vector<1x16xf32> to vector<16xf32>
        %swap3A_577 = vector.shape_cast %mul3A_568 : vector<16xf32> to vector<1x16xf32>
        tpu.vector_store %swap3A_572[%swap3A_573, %swap3A_574], %swap3A_577 {strides = array<i32>} : memref<128x128xf32, #tpu.memory_space<vmem>>, vector<1x16xf32>,
        %scan3A_578 = arith.constant 1 : i32
        %scan3A_579 = arith.addi %scan3A_415, %scan3A_578 : i32
        %mul3A_580 = arith.constant 1 : i32
        %mul3A_581 = arith.muli %scan3A_579, %mul3A_580 : i32
        %add3A_582 = arith.constant 0 : i32
        %add3A_583 = arith.addi %add3A_582, %mul3A_581 : i32
        %get3A_584 = arith.constant 0 : i32
        %get3A_585 = arith.constant 0 : i32
        %get3A_586 = tpu.memref_slice %arg6[%scan3A_330, %get3A_584, %get3A_585] : memref<5x128x128xf32, #tpu.memory_space<vmem>> -> memref<1x128x128xf32, #tpu.memory_space<vmem>>
        %get3A_587 = tpu.memref_squeeze %get3A_586 : memref<1x128x128xf32, #tpu.memory_space<vmem>> -> memref<128x128xf32, #tpu.memory_space<vmem>>
        %get3A_588 = arith.index_cast %add3A_583 : i32 to index
        %get3A_589 = arith.constant 0 : index
        %get3A_590 = tpu.vector_load %get3A_587[%get3A_588, %get3A_589] {strides = array<i32>} : memref<128x128xf32, #tpu.memory_space<vmem>>, vector<1x16xf32>,
        %get3A_591 = vector.shape_cast %get3A_590 : vector<1x16xf32> to vector<16xf32>
        %mul3A_592 = arith.constant 11.3137083 : f32
        %mul3A_593 = vector.broadcast %mul3A_592 : f32 to vector<16xf32>
        %mul3A_594 = arith.mulf %get3A_591, %mul3A_593 : vector<16xf32>
        %swap3A_595 = arith.constant 0 : i32
        %swap3A_596 = arith.constant 0 : i32
        %swap3A_597 = tpu.memref_slice %arg6[%scan3A_330, %swap3A_595, %swap3A_596] : memref<5x128x128xf32, #tpu.memory_space<vmem>> -> memref<1x128x128xf32, #tpu.memory_space<vmem>>
        %swap3A_598 = tpu.memref_squeeze %swap3A_597 : memref<1x128x128xf32, #tpu.memory_space<vmem>> -> memref<128x128xf32, #tpu.memory_space<vmem>>
        %swap3A_599 = arith.index_cast %add3A_583 : i32 to index
        %swap3A_600 = arith.constant 0 : index
        %swap3A_601 = tpu.vector_load %swap3A_598[%swap3A_599, %swap3A_600] {strides = array<i32>} : memref<128x128xf32, #tpu.memory_space<vmem>>, vector<1x16xf32>,
        %swap3A_602 = vector.shape_cast %swap3A_601 : vector<1x16xf32> to vector<16xf32>
        %swap3A_603 = vector.shape_cast %mul3A_594 : vector<16xf32> to vector<1x16xf32>
        tpu.vector_store %swap3A_598[%swap3A_599, %swap3A_600], %swap3A_603 {strides = array<i32>} : memref<128x128xf32, #tpu.memory_space<vmem>>, vector<1x16xf32>,
        %get3A_604 = arith.constant 0 : i32
        %get3A_605 = arith.constant 0 : i32
        %get3A_606 = tpu.memref_slice %arg6[%scan3A_330, %get3A_604, %get3A_605] : memref<5x128x128xf32, #tpu.memory_space<vmem>> -> memref<1x128x128xf32, #tpu.memory_space<vmem>>
        %get3A_607 = tpu.memref_squeeze %get3A_606 : memref<1x128x128xf32, #tpu.memory_space<vmem>> -> memref<128x128xf32, #tpu.memory_space<vmem>>
        %get3A_608 = arith.index_cast %add3A_583 : i32 to index
        %get3A_609 = arith.constant 16 : index
        %get3A_610 = tpu.vector_load %get3A_607[%get3A_608, %get3A_609] {strides = array<i32>} : memref<128x128xf32, #tpu.memory_space<vmem>>, vector<1x16xf32>,
        %get3A_611 = vector.shape_cast %get3A_610 : vector<1x16xf32> to vector<16xf32>
        %mul3A_612 = arith.constant 11.3137083 : f32
        %mul3A_613 = vector.broadcast %mul3A_612 : f32 to vector<16xf32>
        %mul3A_614 = arith.mulf %get3A_611, %mul3A_613 : vector<16xf32>
        %swap3A_615 = arith.constant 0 : i32
        %swap3A_616 = arith.constant 0 : i32
        %swap3A_617 = tpu.memref_slice %arg6[%scan3A_330, %swap3A_615, %swap3A_616] : memref<5x128x128xf32, #tpu.memory_space<vmem>> -> memref<1x128x128xf32, #tpu.memory_space<vmem>>
        %swap3A_618 = tpu.memref_squeeze %swap3A_617 : memref<1x128x128xf32, #tpu.memory_space<vmem>> -> memref<128x128xf32, #tpu.memory_space<vmem>>
        %swap3A_619 = arith.index_cast %add3A_583 : i32 to index
        %swap3A_620 = arith.constant 16 : index
        %swap3A_621 = tpu.vector_load %swap3A_618[%swap3A_619, %swap3A_620] {strides = array<i32>} : memref<128x128xf32, #tpu.memory_space<vmem>>, vector<1x16xf32>,
        %swap3A_622 = vector.shape_cast %swap3A_621 : vector<1x16xf32> to vector<16xf32>
        %swap3A_623 = vector.shape_cast %mul3A_614 : vector<16xf32> to vector<1x16xf32>
        tpu.vector_store %swap3A_618[%swap3A_619, %swap3A_620], %swap3A_623 {strides = array<i32>} : memref<128x128xf32, #tpu.memory_space<vmem>>, vector<1x16xf32>,
        %get3A_624 = arith.constant 0 : i32
        %get3A_625 = arith.constant 0 : i32
        %get3A_626 = tpu.memref_slice %arg6[%scan3A_330, %get3A_624, %get3A_625] : memref<5x128x128xf32, #tpu.memory_space<vmem>> -> memref<1x128x128xf32, #tpu.memory_space<vmem>>
        %get3A_627 = tpu.memref_squeeze %get3A_626 : memref<1x128x128xf32, #tpu.memory_space<vmem>> -> memref<128x128xf32, #tpu.memory_space<vmem>>
        %get3A_628 = arith.index_cast %add3A_583 : i32 to index
        %get3A_629 = arith.constant 32 : index
        %get3A_630 = tpu.vector_load %get3A_627[%get3A_628, %get3A_629] {strides = array<i32>} : memref<128x128xf32, #tpu.memory_space<vmem>>, vector<1x16xf32>,
        %get3A_631 = vector.shape_cast %get3A_630 : vector<1x16xf32> to vector<16xf32>
        %mul3A_632 = arith.constant 11.3137083 : f32
        %mul3A_633 = vector.broadcast %mul3A_632 : f32 to vector<16xf32>
        %mul3A_634 = arith.mulf %get3A_631, %mul3A_633 : vector<16xf32>
        %swap3A_635 = arith.constant 0 : i32
        %swap3A_636 = arith.constant 0 : i32
        %swap3A_637 = tpu.memref_slice %arg6[%scan3A_330, %swap3A_635, %swap3A_636] : memref<5x128x128xf32, #tpu.memory_space<vmem>> -> memref<1x128x128xf32, #tpu.memory_space<vmem>>
        %swap3A_638 = tpu.memref_squeeze %swap3A_637 : memref<1x128x128xf32, #tpu.memory_space<vmem>> -> memref<128x128xf32, #tpu.memory_space<vmem>>
        %swap3A_639 = arith.index_cast %add3A_583 : i32 to index
        %swap3A_640 = arith.constant 32 : index
        %swap3A_641 = tpu.vector_load %swap3A_638[%swap3A_639, %swap3A_640] {strides = array<i32>} : memref<128x128xf32, #tpu.memory_space<vmem>>, vector<1x16xf32>,
        %swap3A_642 = vector.shape_cast %swap3A_641 : vector<1x16xf32> to vector<16xf32>
        %swap3A_643 = vector.shape_cast %mul3A_634 : vector<16xf32> to vector<1x16xf32>
        tpu.vector_store %swap3A_638[%swap3A_639, %swap3A_640], %swap3A_643 {strides = array<i32>} : memref<128x128xf32, #tpu.memory_space<vmem>>, vector<1x16xf32>,
        %get3A_644 = arith.constant 0 : i32
        %get3A_645 = arith.constant 0 : i32
        %get3A_646 = tpu.memref_slice %arg6[%scan3A_330, %get3A_644, %get3A_645] : memref<5x128x128xf32, #tpu.memory_space<vmem>> -> memref<1x128x128xf32, #tpu.memory_space<vmem>>
        %get3A_647 = tpu.memref_squeeze %get3A_646 : memref<1x128x128xf32, #tpu.memory_space<vmem>> -> memref<128x128xf32, #tpu.memory_space<vmem>>
        %get3A_648 = arith.index_cast %add3A_583 : i32 to index
        %get3A_649 = arith.constant 48 : index
        %get3A_650 = tpu.vector_load %get3A_647[%get3A_648, %get3A_649] {strides = array<i32>} : memref<128x128xf32, #tpu.memory_space<vmem>>, vector<1x16xf32>,
        %get3A_651 = vector.shape_cast %get3A_650 : vector<1x16xf32> to vector<16xf32>
        %mul3A_652 = arith.constant 11.3137083 : f32
        %mul3A_653 = vector.broadcast %mul3A_652 : f32 to vector<16xf32>
        %mul3A_654 = arith.mulf %get3A_651, %mul3A_653 : vector<16xf32>
        %swap3A_655 = arith.constant 0 : i32
        %swap3A_656 = arith.constant 0 : i32
        %swap3A_657 = tpu.memref_slice %arg6[%scan3A_330, %swap3A_655, %swap3A_656] : memref<5x128x128xf32, #tpu.memory_space<vmem>> -> memref<1x128x128xf32, #tpu.memory_space<vmem>>
        %swap3A_658 = tpu.memref_squeeze %swap3A_657 : memref<1x128x128xf32, #tpu.memory_space<vmem>> -> memref<128x128xf32, #tpu.memory_space<vmem>>
        %swap3A_659 = arith.index_cast %add3A_583 : i32 to index
        %swap3A_660 = arith.constant 48 : index
        %swap3A_661 = tpu.vector_load %swap3A_658[%swap3A_659, %swap3A_660] {strides = array<i32>} : memref<128x128xf32, #tpu.memory_space<vmem>>, vector<1x16xf32>,
        %swap3A_662 = vector.shape_cast %swap3A_661 : vector<1x16xf32> to vector<16xf32>
        %swap3A_663 = vector.shape_cast %mul3A_654 : vector<16xf32> to vector<1x16xf32>
        tpu.vector_store %swap3A_658[%swap3A_659, %swap3A_660], %swap3A_663 {strides = array<i32>} : memref<128x128xf32, #tpu.memory_space<vmem>>, vector<1x16xf32>,
        %get3A_664 = arith.constant 0 : i32
        %get3A_665 = arith.constant 0 : i32
        %get3A_666 = tpu.memref_slice %arg6[%scan3A_330, %get3A_664, %get3A_665] : memref<5x128x128xf32, #tpu.memory_space<vmem>> -> memref<1x128x128xf32, #tpu.memory_space<vmem>>
        %get3A_667 = tpu.memref_squeeze %get3A_666 : memref<1x128x128xf32, #tpu.memory_space<vmem>> -> memref<128x128xf32, #tpu.memory_space<vmem>>
        %get3A_668 = arith.index_cast %add3A_583 : i32 to index
        %get3A_669 = arith.constant 64 : index
        %get3A_670 = tpu.vector_load %get3A_667[%get3A_668, %get3A_669] {strides = array<i32>} : memref<128x128xf32, #tpu.memory_space<vmem>>, vector<1x16xf32>,
        %get3A_671 = vector.shape_cast %get3A_670 : vector<1x16xf32> to vector<16xf32>
        %mul3A_672 = arith.constant 11.3137083 : f32
        %mul3A_673 = vector.broadcast %mul3A_672 : f32 to vector<16xf32>
        %mul3A_674 = arith.mulf %get3A_671, %mul3A_673 : vector<16xf32>
        %swap3A_675 = arith.constant 0 : i32
        %swap3A_676 = arith.constant 0 : i32
        %swap3A_677 = tpu.memref_slice %arg6[%scan3A_330, %swap3A_675, %swap3A_676] : memref<5x128x128xf32, #tpu.memory_space<vmem>> -> memref<1x128x128xf32, #tpu.memory_space<vmem>>
        %swap3A_678 = tpu.memref_squeeze %swap3A_677 : memref<1x128x128xf32, #tpu.memory_space<vmem>> -> memref<128x128xf32, #tpu.memory_space<vmem>>
        %swap3A_679 = arith.index_cast %add3A_583 : i32 to index
        %swap3A_680 = arith.constant 64 : index
        %swap3A_681 = tpu.vector_load %swap3A_678[%swap3A_679, %swap3A_680] {strides = array<i32>} : memref<128x128xf32, #tpu.memory_space<vmem>>, vector<1x16xf32>,
        %swap3A_682 = vector.shape_cast %swap3A_681 : vector<1x16xf32> to vector<16xf32>
        %swap3A_683 = vector.shape_cast %mul3A_674 : vector<16xf32> to vector<1x16xf32>
        tpu.vector_store %swap3A_678[%swap3A_679, %swap3A_680], %swap3A_683 {strides = array<i32>} : memref<128x128xf32, #tpu.memory_space<vmem>>, vector<1x16xf32>,
        %get3A_684 = arith.constant 0 : i32
        %get3A_685 = arith.constant 0 : i32
        %get3A_686 = tpu.memref_slice %arg6[%scan3A_330, %get3A_684, %get3A_685] : memref<5x128x128xf32, #tpu.memory_space<vmem>> -> memref<1x128x128xf32, #tpu.memory_space<vmem>>
        %get3A_687 = tpu.memref_squeeze %get3A_686 : memref<1x128x128xf32, #tpu.memory_space<vmem>> -> memref<128x128xf32, #tpu.memory_space<vmem>>
        %get3A_688 = arith.index_cast %add3A_583 : i32 to index
        %get3A_689 = arith.constant 80 : index
        %get3A_690 = tpu.vector_load %get3A_687[%get3A_688, %get3A_689] {strides = array<i32>} : memref<128x128xf32, #tpu.memory_space<vmem>>, vector<1x16xf32>,
        %get3A_691 = vector.shape_cast %get3A_690 : vector<1x16xf32> to vector<16xf32>
        %mul3A_692 = arith.constant 11.3137083 : f32
        %mul3A_693 = vector.broadcast %mul3A_692 : f32 to vector<16xf32>
        %mul3A_694 = arith.mulf %get3A_691, %mul3A_693 : vector<16xf32>
        %swap3A_695 = arith.constant 0 : i32
        %swap3A_696 = arith.constant 0 : i32
        %swap3A_697 = tpu.memref_slice %arg6[%scan3A_330, %swap3A_695, %swap3A_696] : memref<5x128x128xf32, #tpu.memory_space<vmem>> -> memref<1x128x128xf32, #tpu.memory_space<vmem>>
        %swap3A_698 = tpu.memref_squeeze %swap3A_697 : memref<1x128x128xf32, #tpu.memory_space<vmem>> -> memref<128x128xf32, #tpu.memory_space<vmem>>
        %swap3A_699 = arith.index_cast %add3A_583 : i32 to index
        %swap3A_700 = arith.constant 80 : index
        %swap3A_701 = tpu.vector_load %swap3A_698[%swap3A_699, %swap3A_700] {strides = array<i32>} : memref<128x128xf32, #tpu.memory_space<vmem>>, vector<1x16xf32>,
        %swap3A_702 = vector.shape_cast %swap3A_701 : vector<1x16xf32> to vector<16xf32>
        %swap3A_703 = vector.shape_cast %mul3A_694 : vector<16xf32> to vector<1x16xf32>
        tpu.vector_store %swap3A_698[%swap3A_699, %swap3A_700], %swap3A_703 {strides = array<i32>} : memref<128x128xf32, #tpu.memory_space<vmem>>, vector<1x16xf32>,
        %get3A_704 = arith.constant 0 : i32
        %get3A_705 = arith.constant 0 : i32
        %get3A_706 = tpu.memref_slice %arg6[%scan3A_330, %get3A_704, %get3A_705] : memref<5x128x128xf32, #tpu.memory_space<vmem>> -> memref<1x128x128xf32, #tpu.memory_space<vmem>>
        %get3A_707 = tpu.memref_squeeze %get3A_706 : memref<1x128x128xf32, #tpu.memory_space<vmem>> -> memref<128x128xf32, #tpu.memory_space<vmem>>
        %get3A_708 = arith.index_cast %add3A_583 : i32 to index
        %get3A_709 = arith.constant 96 : index
        %get3A_710 = tpu.vector_load %get3A_707[%get3A_708, %get3A_709] {strides = array<i32>} : memref<128x128xf32, #tpu.memory_space<vmem>>, vector<1x16xf32>,
        %get3A_711 = vector.shape_cast %get3A_710 : vector<1x16xf32> to vector<16xf32>
        %mul3A_712 = arith.constant 11.3137083 : f32
        %mul3A_713 = vector.broadcast %mul3A_712 : f32 to vector<16xf32>
        %mul3A_714 = arith.mulf %get3A_711, %mul3A_713 : vector<16xf32>
        %swap3A_715 = arith.constant 0 : i32
        %swap3A_716 = arith.constant 0 : i32
        %swap3A_717 = tpu.memref_slice %arg6[%scan3A_330, %swap3A_715, %swap3A_716] : memref<5x128x128xf32, #tpu.memory_space<vmem>> -> memref<1x128x128xf32, #tpu.memory_space<vmem>>
        %swap3A_718 = tpu.memref_squeeze %swap3A_717 : memref<1x128x128xf32, #tpu.memory_space<vmem>> -> memref<128x128xf32, #tpu.memory_space<vmem>>
        %swap3A_719 = arith.index_cast %add3A_583 : i32 to index
        %swap3A_720 = arith.constant 96 : index
        %swap3A_721 = tpu.vector_load %swap3A_718[%swap3A_719, %swap3A_720] {strides = array<i32>} : memref<128x128xf32, #tpu.memory_space<vmem>>, vector<1x16xf32>,
        %swap3A_722 = vector.shape_cast %swap3A_721 : vector<1x16xf32> to vector<16xf32>
        %swap3A_723 = vector.shape_cast %mul3A_714 : vector<16xf32> to vector<1x16xf32>
        tpu.vector_store %swap3A_718[%swap3A_719, %swap3A_720], %swap3A_723 {strides = array<i32>} : memref<128x128xf32, #tpu.memory_space<vmem>>, vector<1x16xf32>,
        %get3A_724 = arith.constant 0 : i32
        %get3A_725 = arith.constant 0 : i32
        %get3A_726 = tpu.memref_slice %arg6[%scan3A_330, %get3A_724, %get3A_725] : memref<5x128x128xf32, #tpu.memory_space<vmem>> -> memref<1x128x128xf32, #tpu.memory_space<vmem>>
        %get3A_727 = tpu.memref_squeeze %get3A_726 : memref<1x128x128xf32, #tpu.memory_space<vmem>> -> memref<128x128xf32, #tpu.memory_space<vmem>>
        %get3A_728 = arith.index_cast %add3A_583 : i32 to index
        %get3A_729 = arith.constant 112 : index
        %get3A_730 = tpu.vector_load %get3A_727[%get3A_728, %get3A_729] {strides = array<i32>} : memref<128x128xf32, #tpu.memory_space<vmem>>, vector<1x16xf32>,
        %get3A_731 = vector.shape_cast %get3A_730 : vector<1x16xf32> to vector<16xf32>
        %mul3A_732 = arith.constant 11.3137083 : f32
        %mul3A_733 = vector.broadcast %mul3A_732 : f32 to vector<16xf32>
        %mul3A_734 = arith.mulf %get3A_731, %mul3A_733 : vector<16xf32>
        %swap3A_735 = arith.constant 0 : i32
        %swap3A_736 = arith.constant 0 : i32
        %swap3A_737 = tpu.memref_slice %arg6[%scan3A_330, %swap3A_735, %swap3A_736] : memref<5x128x128xf32, #tpu.memory_space<vmem>> -> memref<1x128x128xf32, #tpu.memory_space<vmem>>
        %swap3A_738 = tpu.memref_squeeze %swap3A_737 : memref<1x128x128xf32, #tpu.memory_space<vmem>> -> memref<128x128xf32, #tpu.memory_space<vmem>>
        %swap3A_739 = arith.index_cast %add3A_583 : i32 to index
        %swap3A_740 = arith.constant 112 : index
        %swap3A_741 = tpu.vector_load %swap3A_738[%swap3A_739, %swap3A_740] {strides = array<i32>} : memref<128x128xf32, #tpu.memory_space<vmem>>, vector<1x16xf32>,
        %swap3A_742 = vector.shape_cast %swap3A_741 : vector<1x16xf32> to vector<16xf32>
        %swap3A_743 = vector.shape_cast %mul3A_734 : vector<16xf32> to vector<1x16xf32>
        tpu.vector_store %swap3A_738[%swap3A_739, %swap3A_740], %swap3A_743 {strides = array<i32>} : memref<128x128xf32, #tpu.memory_space<vmem>>, vector<1x16xf32>,
        %scan3A_744 = arith.constant 2 : i32
        %scan3A_745 = arith.addi %scan3A_415, %scan3A_744 : i32
        %mul3A_746 = arith.constant 1 : i32
        %mul3A_747 = arith.muli %scan3A_745, %mul3A_746 : i32
        %add3A_748 = arith.constant 0 : i32
        %add3A_749 = arith.addi %add3A_748, %mul3A_747 : i32
        %get3A_750 = arith.constant 0 : i32
        %get3A_751 = arith.constant 0 : i32
        %get3A_752 = tpu.memref_slice %arg6[%scan3A_330, %get3A_750, %get3A_751] : memref<5x128x128xf32, #tpu.memory_space<vmem>> -> memref<1x128x128xf32, #tpu.memory_space<vmem>>
        %get3A_753 = tpu.memref_squeeze %get3A_752 : memref<1x128x128xf32, #tpu.memory_space<vmem>> -> memref<128x128xf32, #tpu.memory_space<vmem>>
        %get3A_754 = arith.index_cast %add3A_749 : i32 to index
        %get3A_755 = arith.constant 0 : index
        %get3A_756 = tpu.vector_load %get3A_753[%get3A_754, %get3A_755] {strides = array<i32>} : memref<128x128xf32, #tpu.memory_space<vmem>>, vector<1x16xf32>,
        %get3A_757 = vector.shape_cast %get3A_756 : vector<1x16xf32> to vector<16xf32>
        %mul3A_758 = arith.constant 11.3137083 : f32
        %mul3A_759 = vector.broadcast %mul3A_758 : f32 to vector<16xf32>
        %mul3A_760 = arith.mulf %get3A_757, %mul3A_759 : vector<16xf32>
        %swap3A_761 = arith.constant 0 : i32
        %swap3A_762 = arith.constant 0 : i32
        %swap3A_763 = tpu.memref_slice %arg6[%scan3A_330, %swap3A_761, %swap3A_762] : memref<5x128x128xf32, #tpu.memory_space<vmem>> -> memref<1x128x128xf32, #tpu.memory_space<vmem>>
        %swap3A_764 = tpu.memref_squeeze %swap3A_763 : memref<1x128x128xf32, #tpu.memory_space<vmem>> -> memref<128x128xf32, #tpu.memory_space<vmem>>
        %swap3A_765 = arith.index_cast %add3A_749 : i32 to index
        %swap3A_766 = arith.constant 0 : index
        %swap3A_767 = tpu.vector_load %swap3A_764[%swap3A_765, %swap3A_766] {strides = array<i32>} : memref<128x128xf32, #tpu.memory_space<vmem>>, vector<1x16xf32>,
        %swap3A_768 = vector.shape_cast %swap3A_767 : vector<1x16xf32> to vector<16xf32>
        %swap3A_769 = vector.shape_cast %mul3A_760 : vector<16xf32> to vector<1x16xf32>
        tpu.vector_store %swap3A_764[%swap3A_765, %swap3A_766], %swap3A_769 {strides = array<i32>} : memref<128x128xf32, #tpu.memory_space<vmem>>, vector<1x16xf32>,
        %get3A_770 = arith.constant 0 : i32
        %get3A_771 = arith.constant 0 : i32
        %get3A_772 = tpu.memref_slice %arg6[%scan3A_330, %get3A_770, %get3A_771] : memref<5x128x128xf32, #tpu.memory_space<vmem>> -> memref<1x128x128xf32, #tpu.memory_space<vmem>>
        %get3A_773 = tpu.memref_squeeze %get3A_772 : memref<1x128x128xf32, #tpu.memory_space<vmem>> -> memref<128x128xf32, #tpu.memory_space<vmem>>
        %get3A_774 = arith.index_cast %add3A_749 : i32 to index
        %get3A_775 = arith.constant 16 : index
        %get3A_776 = tpu.vector_load %get3A_773[%get3A_774, %get3A_775] {strides = array<i32>} : memref<128x128xf32, #tpu.memory_space<vmem>>, vector<1x16xf32>,
        %get3A_777 = vector.shape_cast %get3A_776 : vector<1x16xf32> to vector<16xf32>
        %mul3A_778 = arith.constant 11.3137083 : f32
        %mul3A_779 = vector.broadcast %mul3A_778 : f32 to vector<16xf32>
        %mul3A_780 = arith.mulf %get3A_777, %mul3A_779 : vector<16xf32>
        %swap3A_781 = arith.constant 0 : i32
        %swap3A_782 = arith.constant 0 : i32
        %swap3A_783 = tpu.memref_slice %arg6[%scan3A_330, %swap3A_781, %swap3A_782] : memref<5x128x128xf32, #tpu.memory_space<vmem>> -> memref<1x128x128xf32, #tpu.memory_space<vmem>>
        %swap3A_784 = tpu.memref_squeeze %swap3A_783 : memref<1x128x128xf32, #tpu.memory_space<vmem>> -> memref<128x128xf32, #tpu.memory_space<vmem>>
        %swap3A_785 = arith.index_cast %add3A_749 : i32 to index
        %swap3A_786 = arith.constant 16 : index
        %swap3A_787 = tpu.vector_load %swap3A_784[%swap3A_785, %swap3A_786] {strides = array<i32>} : memref<128x128xf32, #tpu.memory_space<vmem>>, vector<1x16xf32>,
        %swap3A_788 = vector.shape_cast %swap3A_787 : vector<1x16xf32> to vector<16xf32>
        %swap3A_789 = vector.shape_cast %mul3A_780 : vector<16xf32> to vector<1x16xf32>
        tpu.vector_store %swap3A_784[%swap3A_785, %swap3A_786], %swap3A_789 {strides = array<i32>} : memref<128x128xf32, #tpu.memory_space<vmem>>, vector<1x16xf32>,
        %get3A_790 = arith.constant 0 : i32
        %get3A_791 = arith.constant 0 : i32
        %get3A_792 = tpu.memref_slice %arg6[%scan3A_330, %get3A_790, %get3A_791] : memref<5x128x128xf32, #tpu.memory_space<vmem>> -> memref<1x128x128xf32, #tpu.memory_space<vmem>>
        %get3A_793 = tpu.memref_squeeze %get3A_792 : memref<1x128x128xf32, #tpu.memory_space<vmem>> -> memref<128x128xf32, #tpu.memory_space<vmem>>
        %get3A_794 = arith.index_cast %add3A_749 : i32 to index
        %get3A_795 = arith.constant 32 : index
        %get3A_796 = tpu.vector_load %get3A_793[%get3A_794, %get3A_795] {strides = array<i32>} : memref<128x128xf32, #tpu.memory_space<vmem>>, vector<1x16xf32>,
        %get3A_797 = vector.shape_cast %get3A_796 : vector<1x16xf32> to vector<16xf32>
        %mul3A_798 = arith.constant 11.3137083 : f32
        %mul3A_799 = vector.broadcast %mul3A_798 : f32 to vector<16xf32>
        %mul3A_800 = arith.mulf %get3A_797, %mul3A_799 : vector<16xf32>
        %swap3A_801 = arith.constant 0 : i32
        %swap3A_802 = arith.constant 0 : i32
        %swap3A_803 = tpu.memref_slice %arg6[%scan3A_330, %swap3A_801, %swap3A_802] : memref<5x128x128xf32, #tpu.memory_space<vmem>> -> memref<1x128x128xf32, #tpu.memory_space<vmem>>
        %swap3A_804 = tpu.memref_squeeze %swap3A_803 : memref<1x128x128xf32, #tpu.memory_space<vmem>> -> memref<128x128xf32, #tpu.memory_space<vmem>>
        %swap3A_805 = arith.index_cast %add3A_749 : i32 to index
        %swap3A_806 = arith.constant 32 : index
        %swap3A_807 = tpu.vector_load %swap3A_804[%swap3A_805, %swap3A_806] {strides = array<i32>} : memref<128x128xf32, #tpu.memory_space<vmem>>, vector<1x16xf32>,
        %swap3A_808 = vector.shape_cast %swap3A_807 : vector<1x16xf32> to vector<16xf32>
        %swap3A_809 = vector.shape_cast %mul3A_800 : vector<16xf32> to vector<1x16xf32>
        tpu.vector_store %swap3A_804[%swap3A_805, %swap3A_806], %swap3A_809 {strides = array<i32>} : memref<128x128xf32, #tpu.memory_space<vmem>>, vector<1x16xf32>,
        %get3A_810 = arith.constant 0 : i32
        %get3A_811 = arith.constant 0 : i32
        %get3A_812 = tpu.memref_slice %arg6[%scan3A_330, %get3A_810, %get3A_811] : memref<5x128x128xf32, #tpu.memory_space<vmem>> -> memref<1x128x128xf32, #tpu.memory_space<vmem>>
        %get3A_813 = tpu.memref_squeeze %get3A_812 : memref<1x128x128xf32, #tpu.memory_space<vmem>> -> memref<128x128xf32, #tpu.memory_space<vmem>>
        %get3A_814 = arith.index_cast %add3A_749 : i32 to index
        %get3A_815 = arith.constant 48 : index
        %get3A_816 = tpu.vector_load %get3A_813[%get3A_814, %get3A_815] {strides = array<i32>} : memref<128x128xf32, #tpu.memory_space<vmem>>, vector<1x16xf32>,
        %get3A_817 = vector.shape_cast %get3A_816 : vector<1x16xf32> to vector<16xf32>
        %mul3A_818 = arith.constant 11.3137083 : f32
        %mul3A_819 = vector.broadcast %mul3A_818 : f32 to vector<16xf32>
        %mul3A_820 = arith.mulf %get3A_817, %mul3A_819 : vector<16xf32>
        %swap3A_821 = arith.constant 0 : i32
        %swap3A_822 = arith.constant 0 : i32
        %swap3A_823 = tpu.memref_slice %arg6[%scan3A_330, %swap3A_821, %swap3A_822] : memref<5x128x128xf32, #tpu.memory_space<vmem>> -> memref<1x128x128xf32, #tpu.memory_space<vmem>>
        %swap3A_824 = tpu.memref_squeeze %swap3A_823 : memref<1x128x128xf32, #tpu.memory_space<vmem>> -> memref<128x128xf32, #tpu.memory_space<vmem>>
        %swap3A_825 = arith.index_cast %add3A_749 : i32 to index
        %swap3A_826 = arith.constant 48 : index
        %swap3A_827 = tpu.vector_load %swap3A_824[%swap3A_825, %swap3A_826] {strides = array<i32>} : memref<128x128xf32, #tpu.memory_space<vmem>>, vector<1x16xf32>,
        %swap3A_828 = vector.shape_cast %swap3A_827 : vector<1x16xf32> to vector<16xf32>
        %swap3A_829 = vector.shape_cast %mul3A_820 : vector<16xf32> to vector<1x16xf32>
        tpu.vector_store %swap3A_824[%swap3A_825, %swap3A_826], %swap3A_829 {strides = array<i32>} : memref<128x128xf32, #tpu.memory_space<vmem>>, vector<1x16xf32>,
        %get3A_830 = arith.constant 0 : i32
        %get3A_831 = arith.constant 0 : i32
        %get3A_832 = tpu.memref_slice %arg6[%scan3A_330, %get3A_830, %get3A_831] : memref<5x128x128xf32, #tpu.memory_space<vmem>> -> memref<1x128x128xf32, #tpu.memory_space<vmem>>
        %get3A_833 = tpu.memref_squeeze %get3A_832 : memref<1x128x128xf32, #tpu.memory_space<vmem>> -> memref<128x128xf32, #tpu.memory_space<vmem>>
        %get3A_834 = arith.index_cast %add3A_749 : i32 to index
        %get3A_835 = arith.constant 64 : index
        %get3A_836 = tpu.vector_load %get3A_833[%get3A_834, %get3A_835] {strides = array<i32>} : memref<128x128xf32, #tpu.memory_space<vmem>>, vector<1x16xf32>,
        %get3A_837 = vector.shape_cast %get3A_836 : vector<1x16xf32> to vector<16xf32>
        %mul3A_838 = arith.constant 11.3137083 : f32
        %mul3A_839 = vector.broadcast %mul3A_838 : f32 to vector<16xf32>
        %mul3A_840 = arith.mulf %get3A_837, %mul3A_839 : vector<16xf32>
        %swap3A_841 = arith.constant 0 : i32
        %swap3A_842 = arith.constant 0 : i32
        %swap3A_843 = tpu.memref_slice %arg6[%scan3A_330, %swap3A_841, %swap3A_842] : memref<5x128x128xf32, #tpu.memory_space<vmem>> -> memref<1x128x128xf32, #tpu.memory_space<vmem>>
        %swap3A_844 = tpu.memref_squeeze %swap3A_843 : memref<1x128x128xf32, #tpu.memory_space<vmem>> -> memref<128x128xf32, #tpu.memory_space<vmem>>
        %swap3A_845 = arith.index_cast %add3A_749 : i32 to index
        %swap3A_846 = arith.constant 64 : index
        %swap3A_847 = tpu.vector_load %swap3A_844[%swap3A_845, %swap3A_846] {strides = array<i32>} : memref<128x128xf32, #tpu.memory_space<vmem>>, vector<1x16xf32>,
        %swap3A_848 = vector.shape_cast %swap3A_847 : vector<1x16xf32> to vector<16xf32>
        %swap3A_849 = vector.shape_cast %mul3A_840 : vector<16xf32> to vector<1x16xf32>
        tpu.vector_store %swap3A_844[%swap3A_845, %swap3A_846], %swap3A_849 {strides = array<i32>} : memref<128x128xf32, #tpu.memory_space<vmem>>, vector<1x16xf32>,
        %get3A_850 = arith.constant 0 : i32
        %get3A_851 = arith.constant 0 : i32
        %get3A_852 = tpu.memref_slice %arg6[%scan3A_330, %get3A_850, %get3A_851] : memref<5x128x128xf32, #tpu.memory_space<vmem>> -> memref<1x128x128xf32, #tpu.memory_space<vmem>>
        %get3A_853 = tpu.memref_squeeze %get3A_852 : memref<1x128x128xf32, #tpu.memory_space<vmem>> -> memref<128x128xf32, #tpu.memory_space<vmem>>
        %get3A_854 = arith.index_cast %add3A_749 : i32 to index
        %get3A_855 = arith.constant 80 : index
        %get3A_856 = tpu.vector_load %get3A_853[%get3A_854, %get3A_855] {strides = array<i32>} : memref<128x128xf32, #tpu.memory_space<vmem>>, vector<1x16xf32>,
        %get3A_857 = vector.shape_cast %get3A_856 : vector<1x16xf32> to vector<16xf32>
        %mul3A_858 = arith.constant 11.3137083 : f32
        %mul3A_859 = vector.broadcast %mul3A_858 : f32 to vector<16xf32>
        %mul3A_860 = arith.mulf %get3A_857, %mul3A_859 : vector<16xf32>
        %swap3A_861 = arith.constant 0 : i32
        %swap3A_862 = arith.constant 0 : i32
        %swap3A_863 = tpu.memref_slice %arg6[%scan3A_330, %swap3A_861, %swap3A_862] : memref<5x128x128xf32, #tpu.memory_space<vmem>> -> memref<1x128x128xf32, #tpu.memory_space<vmem>>
        %swap3A_864 = tpu.memref_squeeze %swap3A_863 : memref<1x128x128xf32, #tpu.memory_space<vmem>> -> memref<128x128xf32, #tpu.memory_space<vmem>>
        %swap3A_865 = arith.index_cast %add3A_749 : i32 to index
        %swap3A_866 = arith.constant 80 : index
        %swap3A_867 = tpu.vector_load %swap3A_864[%swap3A_865, %swap3A_866] {strides = array<i32>} : memref<128x128xf32, #tpu.memory_space<vmem>>, vector<1x16xf32>,
        %swap3A_868 = vector.shape_cast %swap3A_867 : vector<1x16xf32> to vector<16xf32>
        %swap3A_869 = vector.shape_cast %mul3A_860 : vector<16xf32> to vector<1x16xf32>
        tpu.vector_store %swap3A_864[%swap3A_865, %swap3A_866], %swap3A_869 {strides = array<i32>} : memref<128x128xf32, #tpu.memory_space<vmem>>, vector<1x16xf32>,
        %get3A_870 = arith.constant 0 : i32
        %get3A_871 = arith.constant 0 : i32
        %get3A_872 = tpu.memref_slice %arg6[%scan3A_330, %get3A_870, %get3A_871] : memref<5x128x128xf32, #tpu.memory_space<vmem>> -> memref<1x128x128xf32, #tpu.memory_space<vmem>>
        %get3A_873 = tpu.memref_squeeze %get3A_872 : memref<1x128x128xf32, #tpu.memory_space<vmem>> -> memref<128x128xf32, #tpu.memory_space<vmem>>
        %get3A_874 = arith.index_cast %add3A_749 : i32 to index
        %get3A_875 = arith.constant 96 : index
        %get3A_876 = tpu.vector_load %get3A_873[%get3A_874, %get3A_875] {strides = array<i32>} : memref<128x128xf32, #tpu.memory_space<vmem>>, vector<1x16xf32>,
        %get3A_877 = vector.shape_cast %get3A_876 : vector<1x16xf32> to vector<16xf32>
        %mul3A_878 = arith.constant 11.3137083 : f32
        %mul3A_879 = vector.broadcast %mul3A_878 : f32 to vector<16xf32>
        %mul3A_880 = arith.mulf %get3A_877, %mul3A_879 : vector<16xf32>
        %swap3A_881 = arith.constant 0 : i32
        %swap3A_882 = arith.constant 0 : i32
        %swap3A_883 = tpu.memref_slice %arg6[%scan3A_330, %swap3A_881, %swap3A_882] : memref<5x128x128xf32, #tpu.memory_space<vmem>> -> memref<1x128x128xf32, #tpu.memory_space<vmem>>
        %swap3A_884 = tpu.memref_squeeze %swap3A_883 : memref<1x128x128xf32, #tpu.memory_space<vmem>> -> memref<128x128xf32, #tpu.memory_space<vmem>>
        %swap3A_885 = arith.index_cast %add3A_749 : i32 to index
        %swap3A_886 = arith.constant 96 : index
        %swap3A_887 = tpu.vector_load %swap3A_884[%swap3A_885, %swap3A_886] {strides = array<i32>} : memref<128x128xf32, #tpu.memory_space<vmem>>, vector<1x16xf32>,
        %swap3A_888 = vector.shape_cast %swap3A_887 : vector<1x16xf32> to vector<16xf32>
        %swap3A_889 = vector.shape_cast %mul3A_880 : vector<16xf32> to vector<1x16xf32>
        tpu.vector_store %swap3A_884[%swap3A_885, %swap3A_886], %swap3A_889 {strides = array<i32>} : memref<128x128xf32, #tpu.memory_space<vmem>>, vector<1x16xf32>,
        %get3A_890 = arith.constant 0 : i32
        %get3A_891 = arith.constant 0 : i32
        %get3A_892 = tpu.memref_slice %arg6[%scan3A_330, %get3A_890, %get3A_891] : memref<5x128x128xf32, #tpu.memory_space<vmem>> -> memref<1x128x128xf32, #tpu.memory_space<vmem>>
        %get3A_893 = tpu.memref_squeeze %get3A_892 : memref<1x128x128xf32, #tpu.memory_space<vmem>> -> memref<128x128xf32, #tpu.memory_space<vmem>>
        %get3A_894 = arith.index_cast %add3A_749 : i32 to index
        %get3A_895 = arith.constant 112 : index
        %get3A_896 = tpu.vector_load %get3A_893[%get3A_894, %get3A_895] {strides = array<i32>} : memref<128x128xf32, #tpu.memory_space<vmem>>, vector<1x16xf32>,
        %get3A_897 = vector.shape_cast %get3A_896 : vector<1x16xf32> to vector<16xf32>
        %mul3A_898 = arith.constant 11.3137083 : f32
        %mul3A_899 = vector.broadcast %mul3A_898 : f32 to vector<16xf32>
        %mul3A_900 = arith.mulf %get3A_897, %mul3A_899 : vector<16xf32>
        %swap3A_901 = arith.constant 0 : i32
        %swap3A_902 = arith.constant 0 : i32
        %swap3A_903 = tpu.memref_slice %arg6[%scan3A_330, %swap3A_901, %swap3A_902] : memref<5x128x128xf32, #tpu.memory_space<vmem>> -> memref<1x128x128xf32, #tpu.memory_space<vmem>>
        %swap3A_904 = tpu.memref_squeeze %swap3A_903 : memref<1x128x128xf32, #tpu.memory_space<vmem>> -> memref<128x128xf32, #tpu.memory_space<vmem>>
        %swap3A_905 = arith.index_cast %add3A_749 : i32 to index
        %swap3A_906 = arith.constant 112 : index
        %swap3A_907 = tpu.vector_load %swap3A_904[%swap3A_905, %swap3A_906] {strides = array<i32>} : memref<128x128xf32, #tpu.memory_space<vmem>>, vector<1x16xf32>,
        %swap3A_908 = vector.shape_cast %swap3A_907 : vector<1x16xf32> to vector<16xf32>
        %swap3A_909 = vector.shape_cast %mul3A_900 : vector<16xf32> to vector<1x16xf32>
        tpu.vector_store %swap3A_904[%swap3A_905, %swap3A_906], %swap3A_909 {strides = array<i32>} : memref<128x128xf32, #tpu.memory_space<vmem>>, vector<1x16xf32>,
        %scan3A_910 = arith.constant 3 : i32
        %scan3A_911 = arith.addi %scan3A_415, %scan3A_910 : i32
        %mul3A_912 = arith.constant 1 : i32
        %mul3A_913 = arith.muli %scan3A_911, %mul3A_912 : i32
        %add3A_914 = arith.constant 0 : i32
        %add3A_915 = arith.addi %add3A_914, %mul3A_913 : i32
        %get3A_916 = arith.constant 0 : i32
        %get3A_917 = arith.constant 0 : i32
        %get3A_918 = tpu.memref_slice %arg6[%scan3A_330, %get3A_916, %get3A_917] : memref<5x128x128xf32, #tpu.memory_space<vmem>> -> memref<1x128x128xf32, #tpu.memory_space<vmem>>
        %get3A_919 = tpu.memref_squeeze %get3A_918 : memref<1x128x128xf32, #tpu.memory_space<vmem>> -> memref<128x128xf32, #tpu.memory_space<vmem>>
        %get3A_920 = arith.index_cast %add3A_915 : i32 to index
        %get3A_921 = arith.constant 0 : index
        %get3A_922 = tpu.vector_load %get3A_919[%get3A_920, %get3A_921] {strides = array<i32>} : memref<128x128xf32, #tpu.memory_space<vmem>>, vector<1x16xf32>,
        %get3A_923 = vector.shape_cast %get3A_922 : vector<1x16xf32> to vector<16xf32>
        %mul3A_924 = arith.constant 11.3137083 : f32
        %mul3A_925 = vector.broadcast %mul3A_924 : f32 to vector<16xf32>
        %mul3A_926 = arith.mulf %get3A_923, %mul3A_925 : vector<16xf32>
        %swap3A_927 = arith.constant 0 : i32
        %swap3A_928 = arith.constant 0 : i32
        %swap3A_929 = tpu.memref_slice %arg6[%scan3A_330, %swap3A_927, %swap3A_928] : memref<5x128x128xf32, #tpu.memory_space<vmem>> -> memref<1x128x128xf32, #tpu.memory_space<vmem>>
        %swap3A_930 = tpu.memref_squeeze %swap3A_929 : memref<1x128x128xf32, #tpu.memory_space<vmem>> -> memref<128x128xf32, #tpu.memory_space<vmem>>
        %swap3A_931 = arith.index_cast %add3A_915 : i32 to index
        %swap3A_932 = arith.constant 0 : index
        %swap3A_933 = tpu.vector_load %swap3A_930[%swap3A_931, %swap3A_932] {strides = array<i32>} : memref<128x128xf32, #tpu.memory_space<vmem>>, vector<1x16xf32>,
        %swap3A_934 = vector.shape_cast %swap3A_933 : vector<1x16xf32> to vector<16xf32>
        %swap3A_935 = vector.shape_cast %mul3A_926 : vector<16xf32> to vector<1x16xf32>
        tpu.vector_store %swap3A_930[%swap3A_931, %swap3A_932], %swap3A_935 {strides = array<i32>} : memref<128x128xf32, #tpu.memory_space<vmem>>, vector<1x16xf32>,
        %get3A_936 = arith.constant 0 : i32
        %get3A_937 = arith.constant 0 : i32
        %get3A_938 = tpu.memref_slice %arg6[%scan3A_330, %get3A_936, %get3A_937] : memref<5x128x128xf32, #tpu.memory_space<vmem>> -> memref<1x128x128xf32, #tpu.memory_space<vmem>>
        %get3A_939 = tpu.memref_squeeze %get3A_938 : memref<1x128x128xf32, #tpu.memory_space<vmem>> -> memref<128x128xf32, #tpu.memory_space<vmem>>
        %get3A_940 = arith.index_cast %add3A_915 : i32 to index
        %get3A_941 = arith.constant 16 : index
        %get3A_942 = tpu.vector_load %get3A_939[%get3A_940, %get3A_941] {strides = array<i32>} : memref<128x128xf32, #tpu.memory_space<vmem>>, vector<1x16xf32>,
        %get3A_943 = vector.shape_cast %get3A_942 : vector<1x16xf32> to vector<16xf32>
        %mul3A_944 = arith.constant 11.3137083 : f32
        %mul3A_945 = vector.broadcast %mul3A_944 : f32 to vector<16xf32>
        %mul3A_946 = arith.mulf %get3A_943, %mul3A_945 : vector<16xf32>
        %swap3A_947 = arith.constant 0 : i32
        %swap3A_948 = arith.constant 0 : i32
        %swap3A_949 = tpu.memref_slice %arg6[%scan3A_330, %swap3A_947, %swap3A_948] : memref<5x128x128xf32, #tpu.memory_space<vmem>> -> memref<1x128x128xf32, #tpu.memory_space<vmem>>
        %swap3A_950 = tpu.memref_squeeze %swap3A_949 : memref<1x128x128xf32, #tpu.memory_space<vmem>> -> memref<128x128xf32, #tpu.memory_space<vmem>>
        %swap3A_951 = arith.index_cast %add3A_915 : i32 to index
        %swap3A_952 = arith.constant 16 : index
        %swap3A_953 = tpu.vector_load %swap3A_950[%swap3A_951, %swap3A_952] {strides = array<i32>} : memref<128x128xf32, #tpu.memory_space<vmem>>, vector<1x16xf32>,
        %swap3A_954 = vector.shape_cast %swap3A_953 : vector<1x16xf32> to vector<16xf32>
        %swap3A_955 = vector.shape_cast %mul3A_946 : vector<16xf32> to vector<1x16xf32>
        tpu.vector_store %swap3A_950[%swap3A_951, %swap3A_952], %swap3A_955 {strides = array<i32>} : memref<128x128xf32, #tpu.memory_space<vmem>>, vector<1x16xf32>,
        %get3A_956 = arith.constant 0 : i32
        %get3A_957 = arith.constant 0 : i32
        %get3A_958 = tpu.memref_slice %arg6[%scan3A_330, %get3A_956, %get3A_957] : memref<5x128x128xf32, #tpu.memory_space<vmem>> -> memref<1x128x128xf32, #tpu.memory_space<vmem>>
        %get3A_959 = tpu.memref_squeeze %get3A_958 : memref<1x128x128xf32, #tpu.memory_space<vmem>> -> memref<128x128xf32, #tpu.memory_space<vmem>>
        %get3A_960 = arith.index_cast %add3A_915 : i32 to index
        %get3A_961 = arith.constant 32 : index
        %get3A_962 = tpu.vector_load %get3A_959[%get3A_960, %get3A_961] {strides = array<i32>} : memref<128x128xf32, #tpu.memory_space<vmem>>, vector<1x16xf32>,
        %get3A_963 = vector.shape_cast %get3A_962 : vector<1x16xf32> to vector<16xf32>
        %mul3A_964 = arith.constant 11.3137083 : f32
        %mul3A_965 = vector.broadcast %mul3A_964 : f32 to vector<16xf32>
        %mul3A_966 = arith.mulf %get3A_963, %mul3A_965 : vector<16xf32>
        %swap3A_967 = arith.constant 0 : i32
        %swap3A_968 = arith.constant 0 : i32
        %swap3A_969 = tpu.memref_slice %arg6[%scan3A_330, %swap3A_967, %swap3A_968] : memref<5x128x128xf32, #tpu.memory_space<vmem>> -> memref<1x128x128xf32, #tpu.memory_space<vmem>>
        %swap3A_970 = tpu.memref_squeeze %swap3A_969 : memref<1x128x128xf32, #tpu.memory_space<vmem>> -> memref<128x128xf32, #tpu.memory_space<vmem>>
        %swap3A_971 = arith.index_cast %add3A_915 : i32 to index
        %swap3A_972 = arith.constant 32 : index
        %swap3A_973 = tpu.vector_load %swap3A_970[%swap3A_971, %swap3A_972] {strides = array<i32>} : memref<128x128xf32, #tpu.memory_space<vmem>>, vector<1x16xf32>,
        %swap3A_974 = vector.shape_cast %swap3A_973 : vector<1x16xf32> to vector<16xf32>
        %swap3A_975 = vector.shape_cast %mul3A_966 : vector<16xf32> to vector<1x16xf32>
        tpu.vector_store %swap3A_970[%swap3A_971, %swap3A_972], %swap3A_975 {strides = array<i32>} : memref<128x128xf32, #tpu.memory_space<vmem>>, vector<1x16xf32>,
        %get3A_976 = arith.constant 0 : i32
        %get3A_977 = arith.constant 0 : i32
        %get3A_978 = tpu.memref_slice %arg6[%scan3A_330, %get3A_976, %get3A_977] : memref<5x128x128xf32, #tpu.memory_space<vmem>> -> memref<1x128x128xf32, #tpu.memory_space<vmem>>
        %get3A_979 = tpu.memref_squeeze %get3A_978 : memref<1x128x128xf32, #tpu.memory_space<vmem>> -> memref<128x128xf32, #tpu.memory_space<vmem>>
        %get3A_980 = arith.index_cast %add3A_915 : i32 to index
        %get3A_981 = arith.constant 48 : index
        %get3A_982 = tpu.vector_load %get3A_979[%get3A_980, %get3A_981] {strides = array<i32>} : memref<128x128xf32, #tpu.memory_space<vmem>>, vector<1x16xf32>,
        %get3A_983 = vector.shape_cast %get3A_982 : vector<1x16xf32> to vector<16xf32>
        %mul3A_984 = arith.constant 11.3137083 : f32
        %mul3A_985 = vector.broadcast %mul3A_984 : f32 to vector<16xf32>
        %mul3A_986 = arith.mulf %get3A_983, %mul3A_985 : vector<16xf32>
        %swap3A_987 = arith.constant 0 : i32
        %swap3A_988 = arith.constant 0 : i32
        %swap3A_989 = tpu.memref_slice %arg6[%scan3A_330, %swap3A_987, %swap3A_988] : memref<5x128x128xf32, #tpu.memory_space<vmem>> -> memref<1x128x128xf32, #tpu.memory_space<vmem>>
        %swap3A_990 = tpu.memref_squeeze %swap3A_989 : memref<1x128x128xf32, #tpu.memory_space<vmem>> -> memref<128x128xf32, #tpu.memory_space<vmem>>
        %swap3A_991 = arith.index_cast %add3A_915 : i32 to index
        %swap3A_992 = arith.constant 48 : index
        %swap3A_993 = tpu.vector_load %swap3A_990[%swap3A_991, %swap3A_992] {strides = array<i32>} : memref<128x128xf32, #tpu.memory_space<vmem>>, vector<1x16xf32>,
        %swap3A_994 = vector.shape_cast %swap3A_993 : vector<1x16xf32> to vector<16xf32>
        %swap3A_995 = vector.shape_cast %mul3A_986 : vector<16xf32> to vector<1x16xf32>
        tpu.vector_store %swap3A_990[%swap3A_991, %swap3A_992], %swap3A_995 {strides = array<i32>} : memref<128x128xf32, #tpu.memory_space<vmem>>, vector<1x16xf32>,
        %get3A_996 = arith.constant 0 : i32
        %get3A_997 = arith.constant 0 : i32
        %get3A_998 = tpu.memref_slice %arg6[%scan3A_330, %get3A_996, %get3A_997] : memref<5x128x128xf32, #tpu.memory_space<vmem>> -> memref<1x128x128xf32, #tpu.memory_space<vmem>>
        %get3A_999 = tpu.memref_squeeze %get3A_998 : memref<1x128x128xf32, #tpu.memory_space<vmem>> -> memref<128x128xf32, #tpu.memory_space<vmem>>
        %get3A_1000 = arith.index_cast %add3A_915 : i32 to index
        %get3A_1001 = arith.constant 64 : index
        %get3A_1002 = tpu.vector_load %get3A_999[%get3A_1000, %get3A_1001] {strides = array<i32>} : memref<128x128xf32, #tpu.memory_space<vmem>>, vector<1x16xf32>,
        %get3A_1003 = vector.shape_cast %get3A_1002 : vector<1x16xf32> to vector<16xf32>
        %mul3A_1004 = arith.constant 11.3137083 : f32
        %mul3A_1005 = vector.broadcast %mul3A_1004 : f32 to vector<16xf32>
        %mul3A_1006 = arith.mulf %get3A_1003, %mul3A_1005 : vector<16xf32>
        %swap3A_1007 = arith.constant 0 : i32
        %swap3A_1008 = arith.constant 0 : i32
        %swap3A_1009 = tpu.memref_slice %arg6[%scan3A_330, %swap3A_1007, %swap3A_1008] : memref<5x128x128xf32, #tpu.memory_space<vmem>> -> memref<1x128x128xf32, #tpu.memory_space<vmem>>
        %swap3A_1010 = tpu.memref_squeeze %swap3A_1009 : memref<1x128x128xf32, #tpu.memory_space<vmem>> -> memref<128x128xf32, #tpu.memory_space<vmem>>
        %swap3A_1011 = arith.index_cast %add3A_915 : i32 to index
        %swap3A_1012 = arith.constant 64 : index
        %swap3A_1013 = tpu.vector_load %swap3A_1010[%swap3A_1011, %swap3A_1012] {strides = array<i32>} : memref<128x128xf32, #tpu.memory_space<vmem>>, vector<1x16xf32>,
        %swap3A_1014 = vector.shape_cast %swap3A_1013 : vector<1x16xf32> to vector<16xf32>
        %swap3A_1015 = vector.shape_cast %mul3A_1006 : vector<16xf32> to vector<1x16xf32>
        tpu.vector_store %swap3A_1010[%swap3A_1011, %swap3A_1012], %swap3A_1015 {strides = array<i32>} : memref<128x128xf32, #tpu.memory_space<vmem>>, vector<1x16xf32>,
        %get3A_1016 = arith.constant 0 : i32
        %get3A_1017 = arith.constant 0 : i32
        %get3A_1018 = tpu.memref_slice %arg6[%scan3A_330, %get3A_1016, %get3A_1017] : memref<5x128x128xf32, #tpu.memory_space<vmem>> -> memref<1x128x128xf32, #tpu.memory_space<vmem>>
        %get3A_1019 = tpu.memref_squeeze %get3A_1018 : memref<1x128x128xf32, #tpu.memory_space<vmem>> -> memref<128x128xf32, #tpu.memory_space<vmem>>
        %get3A_1020 = arith.index_cast %add3A_915 : i32 to index
        %get3A_1021 = arith.constant 80 : index
        %get3A_1022 = tpu.vector_load %get3A_1019[%get3A_1020, %get3A_1021] {strides = array<i32>} : memref<128x128xf32, #tpu.memory_space<vmem>>, vector<1x16xf32>,
        %get3A_1023 = vector.shape_cast %get3A_1022 : vector<1x16xf32> to vector<16xf32>
        %mul3A_1024 = arith.constant 11.3137083 : f32
        %mul3A_1025 = vector.broadcast %mul3A_1024 : f32 to vector<16xf32>
        %mul3A_1026 = arith.mulf %get3A_1023, %mul3A_1025 : vector<16xf32>
        %swap3A_1027 = arith.constant 0 : i32
        %swap3A_1028 = arith.constant 0 : i32
        %swap3A_1029 = tpu.memref_slice %arg6[%scan3A_330, %swap3A_1027, %swap3A_1028] : memref<5x128x128xf32, #tpu.memory_space<vmem>> -> memref<1x128x128xf32, #tpu.memory_space<vmem>>
        %swap3A_1030 = tpu.memref_squeeze %swap3A_1029 : memref<1x128x128xf32, #tpu.memory_space<vmem>> -> memref<128x128xf32, #tpu.memory_space<vmem>>
        %swap3A_1031 = arith.index_cast %add3A_915 : i32 to index
        %swap3A_1032 = arith.constant 80 : index
        %swap3A_1033 = tpu.vector_load %swap3A_1030[%swap3A_1031, %swap3A_1032] {strides = array<i32>} : memref<128x128xf32, #tpu.memory_space<vmem>>, vector<1x16xf32>,
        %swap3A_1034 = vector.shape_cast %swap3A_1033 : vector<1x16xf32> to vector<16xf32>
        %swap3A_1035 = vector.shape_cast %mul3A_1026 : vector<16xf32> to vector<1x16xf32>
        tpu.vector_store %swap3A_1030[%swap3A_1031, %swap3A_1032], %swap3A_1035 {strides = array<i32>} : memref<128x128xf32, #tpu.memory_space<vmem>>, vector<1x16xf32>,
        %get3A_1036 = arith.constant 0 : i32
        %get3A_1037 = arith.constant 0 : i32
        %get3A_1038 = tpu.memref_slice %arg6[%scan3A_330, %get3A_1036, %get3A_1037] : memref<5x128x128xf32, #tpu.memory_space<vmem>> -> memref<1x128x128xf32, #tpu.memory_space<vmem>>
        %get3A_1039 = tpu.memref_squeeze %get3A_1038 : memref<1x128x128xf32, #tpu.memory_space<vmem>> -> memref<128x128xf32, #tpu.memory_space<vmem>>
        %get3A_1040 = arith.index_cast %add3A_915 : i32 to index
        %get3A_1041 = arith.constant 96 : index
        %get3A_1042 = tpu.vector_load %get3A_1039[%get3A_1040, %get3A_1041] {strides = array<i32>} : memref<128x128xf32, #tpu.memory_space<vmem>>, vector<1x16xf32>,
        %get3A_1043 = vector.shape_cast %get3A_1042 : vector<1x16xf32> to vector<16xf32>
        %mul3A_1044 = arith.constant 11.3137083 : f32
        %mul3A_1045 = vector.broadcast %mul3A_1044 : f32 to vector<16xf32>
        %mul3A_1046 = arith.mulf %get3A_1043, %mul3A_1045 : vector<16xf32>
        %swap3A_1047 = arith.constant 0 : i32
        %swap3A_1048 = arith.constant 0 : i32
        %swap3A_1049 = tpu.memref_slice %arg6[%scan3A_330, %swap3A_1047, %swap3A_1048] : memref<5x128x128xf32, #tpu.memory_space<vmem>> -> memref<1x128x128xf32, #tpu.memory_space<vmem>>
        %swap3A_1050 = tpu.memref_squeeze %swap3A_1049 : memref<1x128x128xf32, #tpu.memory_space<vmem>> -> memref<128x128xf32, #tpu.memory_space<vmem>>
        %swap3A_1051 = arith.index_cast %add3A_915 : i32 to index
        %swap3A_1052 = arith.constant 96 : index
        %swap3A_1053 = tpu.vector_load %swap3A_1050[%swap3A_1051, %swap3A_1052] {strides = array<i32>} : memref<128x128xf32, #tpu.memory_space<vmem>>, vector<1x16xf32>,
        %swap3A_1054 = vector.shape_cast %swap3A_1053 : vector<1x16xf32> to vector<16xf32>
        %swap3A_1055 = vector.shape_cast %mul3A_1046 : vector<16xf32> to vector<1x16xf32>
        tpu.vector_store %swap3A_1050[%swap3A_1051, %swap3A_1052], %swap3A_1055 {strides = array<i32>} : memref<128x128xf32, #tpu.memory_space<vmem>>, vector<1x16xf32>,
        %get3A_1056 = arith.constant 0 : i32
        %get3A_1057 = arith.constant 0 : i32
        %get3A_1058 = tpu.memref_slice %arg6[%scan3A_330, %get3A_1056, %get3A_1057] : memref<5x128x128xf32, #tpu.memory_space<vmem>> -> memref<1x128x128xf32, #tpu.memory_space<vmem>>
        %get3A_1059 = tpu.memref_squeeze %get3A_1058 : memref<1x128x128xf32, #tpu.memory_space<vmem>> -> memref<128x128xf32, #tpu.memory_space<vmem>>
        %get3A_1060 = arith.index_cast %add3A_915 : i32 to index
        %get3A_1061 = arith.constant 112 : index
        %get3A_1062 = tpu.vector_load %get3A_1059[%get3A_1060, %get3A_1061] {strides = array<i32>} : memref<128x128xf32, #tpu.memory_space<vmem>>, vector<1x16xf32>,
        %get3A_1063 = vector.shape_cast %get3A_1062 : vector<1x16xf32> to vector<16xf32>
        %mul3A_1064 = arith.constant 11.3137083 : f32
        %mul3A_1065 = vector.broadcast %mul3A_1064 : f32 to vector<16xf32>
        %mul3A_1066 = arith.mulf %get3A_1063, %mul3A_1065 : vector<16xf32>
        %swap3A_1067 = arith.constant 0 : i32
        %swap3A_1068 = arith.constant 0 : i32
        %swap3A_1069 = tpu.memref_slice %arg6[%scan3A_330, %swap3A_1067, %swap3A_1068] : memref<5x128x128xf32, #tpu.memory_space<vmem>> -> memref<1x128x128xf32, #tpu.memory_space<vmem>>
        %swap3A_1070 = tpu.memref_squeeze %swap3A_1069 : memref<1x128x128xf32, #tpu.memory_space<vmem>> -> memref<128x128xf32, #tpu.memory_space<vmem>>
        %swap3A_1071 = arith.index_cast %add3A_915 : i32 to index
        %swap3A_1072 = arith.constant 112 : index
        %swap3A_1073 = tpu.vector_load %swap3A_1070[%swap3A_1071, %swap3A_1072] {strides = array<i32>} : memref<128x128xf32, #tpu.memory_space<vmem>>, vector<1x16xf32>,
        %swap3A_1074 = vector.shape_cast %swap3A_1073 : vector<1x16xf32> to vector<16xf32>
        %swap3A_1075 = vector.shape_cast %mul3A_1066 : vector<16xf32> to vector<1x16xf32>
        tpu.vector_store %swap3A_1070[%swap3A_1071, %swap3A_1072], %swap3A_1075 {strides = array<i32>} : memref<128x128xf32, #tpu.memory_space<vmem>>, vector<1x16xf32>,
      }
      %scan3A_335 = arith.constant 128 : i32
      %mul3A_336 = arith.constant 128 : i32
      %mul3A_337 = arith.muli %add3A_296, %mul3A_336 : i32
      %add3A_338 = arith.addi %mul3A_2, %mul3A_337 : i32
      %dma_start3A_339 = arith.constant 3 : i32
      %dma_start3A_340 = arith.constant 3 : i32
      %dma_start3A_341 = arith.constant 0 : i32
      %dma_start3A_342 = arith.constant 0 : i32
      %dma_start3A_343 = tpu.memref_slice %arg6[%dma_start3A_339, %dma_start3A_341, %dma_start3A_342] : memref<5x128x128xf32, #tpu.memory_space<vmem>> -> memref<1x128x128xf32, #tpu.memory_space<vmem>>
      %dma_start3A_344 = tpu.memref_squeeze %dma_start3A_343 : memref<1x128x128xf32, #tpu.memory_space<vmem>> -> memref<128x128xf32, #tpu.memory_space<vmem>>
      %dma_start3A_345 = arith.constant 0 : i32
      %dma_start3A_346 = tpu.memref_slice %arg4[%add3A_338, %dma_start3A_345] : memref<204800x128xf32, #tpu.memory_space<hbm>> -> memref<128x128xf32, #tpu.memory_space<hbm>>
      %dma_start3A_347 = tpu.memref_slice %arg8[%dma_start3A_340] : memref<5x!tpu.dma_semaphore, #tpu.memory_space<semaphore_mem>> -> memref<1x!tpu.dma_semaphore, #tpu.memory_space<semaphore_mem>>
      %dma_start3A_348 = tpu.memref_squeeze %dma_start3A_347 : memref<1x!tpu.dma_semaphore, #tpu.memory_space<semaphore_mem>> -> memref<!tpu.dma_semaphore, #tpu.memory_space<semaphore_mem>>
      %dma_start3A_349 = arith.constant 0 : i32
      %dma_start3A_350 = tpu.memref_slice %arg4[%add3A_338, %dma_start3A_349] : memref<204800x128xf32, #tpu.memory_space<hbm>> -> memref<128x128xf32, #tpu.memory_space<hbm>>
      %dma_start3A_351 = arith.constant 0 : i32
      %dma_start3A_352 = arith.constant 0 : i32
      %dma_start3A_353 = tpu.memref_slice %arg6[%dma_start3A_339, %dma_start3A_351, %dma_start3A_352] : memref<5x128x128xf32, #tpu.memory_space<vmem>> -> memref<1x128x128xf32, #tpu.memory_space<vmem>>
      %dma_start3A_354 = tpu.memref_squeeze %dma_start3A_353 : memref<1x128x128xf32, #tpu.memory_space<vmem>> -> memref<128x128xf32, #tpu.memory_space<vmem>>
      tpu.enqueue_dma source(%dma_start3A_354 : memref<128x128xf32, #tpu.memory_space<vmem>>) target(%dma_start3A_350 : memref<128x128xf32, #tpu.memory_space<hbm>>) target_semaphore(%dma_start3A_348 : memref<!tpu.dma_semaphore, #tpu.memory_space<semaphore_mem>>)
      %add3A_355 = arith.constant 4 : i32
      %add3A_356 = arith.addi %add3A_119, %add3A_355 : i32
      %add3A_357 = arith.constant 2 : i32
      %add3A_358 = arith.addi %add3A_356, %add3A_357 : i32
      %lt3A_359 = arith.constant 50 : i32
      %lt3A_360 = arith.cmpi slt, %add3A_358, %lt3A_359 : i32
      %add3A_361 = arith.constant 2 : i32
      %add3A_362 = arith.addi %add3A_356, %add3A_361 : i32
      %ge3A_363 = arith.constant 5 : i32
      %ge3A_364 = arith.cmpi sge, %add3A_362, %ge3A_363 : i32
      %and3A_365 = arith.andi %lt3A_360, %ge3A_364 : i1
      %convert_element_type3A_366 = arith.extui %and3A_365 : i1 to i32
      %cond3A_367 = arith.constant 0 : i32
      %cond3A_368 = arith.cmpi ne, %convert_element_type3A_366, %cond3A_367 : i32
      scf.if %cond3A_368 {
        %dma_wait3A_415 = arith.constant 1 : i32
        %dma_wait3A_416 = arith.constant 1 : i32
        %dma_wait3A_417 = arith.constant 0 : i32
        %dma_wait3A_418 = arith.constant 0 : i32
        %dma_wait3A_419 = tpu.memref_slice %arg6[%dma_wait3A_415, %dma_wait3A_417, %dma_wait3A_418] : memref<5x128x128xf32, #tpu.memory_space<vmem>> -> memref<1x128x128xf32, #tpu.memory_space<vmem>>
        %dma_wait3A_420 = tpu.memref_squeeze %dma_wait3A_419 : memref<1x128x128xf32, #tpu.memory_space<vmem>> -> memref<128x128xf32, #tpu.memory_space<vmem>>
        %dma_wait3A_421 = arith.constant 0 : i32
        %dma_wait3A_422 = tpu.memref_slice %arg4[%mul3A_2, %dma_wait3A_421] : memref<204800x128xf32, #tpu.memory_space<hbm>> -> memref<128x128xf32, #tpu.memory_space<hbm>>
        %dma_wait3A_423 = tpu.memref_slice %arg8[%dma_wait3A_416] : memref<5x!tpu.dma_semaphore, #tpu.memory_space<semaphore_mem>> -> memref<1x!tpu.dma_semaphore, #tpu.memory_space<semaphore_mem>>
        %dma_wait3A_424 = tpu.memref_squeeze %dma_wait3A_423 : memref<1x!tpu.dma_semaphore, #tpu.memory_space<semaphore_mem>> -> memref<!tpu.dma_semaphore, #tpu.memory_space<semaphore_mem>>
        %dma_wait3A_425 = arith.constant 0 : i32
        %dma_wait3A_426 = tpu.memref_slice %arg4[%mul3A_2, %dma_wait3A_425] : memref<204800x128xf32, #tpu.memory_space<hbm>> -> memref<128x128xf32, #tpu.memory_space<hbm>>
        %dma_wait3A_427 = arith.constant 0 : i32
        %dma_wait3A_428 = arith.constant 0 : i32
        %dma_wait3A_429 = tpu.memref_slice %arg6[%dma_wait3A_415, %dma_wait3A_427, %dma_wait3A_428] : memref<5x128x128xf32, #tpu.memory_space<vmem>> -> memref<1x128x128xf32, #tpu.memory_space<vmem>>
        %dma_wait3A_430 = tpu.memref_squeeze %dma_wait3A_429 : memref<1x128x128xf32, #tpu.memory_space<vmem>> -> memref<128x128xf32, #tpu.memory_space<vmem>>
        tpu.wait_dma2 semaphore(%dma_wait3A_424 : memref<!tpu.dma_semaphore, #tpu.memory_space<semaphore_mem>>) src(%dma_wait3A_430 : memref<128x128xf32, #tpu.memory_space<vmem>>) dst(%dma_wait3A_426 : memref<128x128xf32, #tpu.memory_space<hbm>>)
      } else {
      }
      %convert_element_type3A_369 = arith.extui %lt3A_360 : i1 to i32
      %cond3A_370 = arith.constant 0 : i32
      %cond3A_371 = arith.cmpi ne, %convert_element_type3A_369, %cond3A_370 : i32
      scf.if %cond3A_371 {
        %add3A_415 = arith.constant 2 : i32
        %add3A_416 = arith.addi %add3A_356, %add3A_415 : i32
        %dma_start3A_417 = arith.constant 1 : i32
        %dma_start3A_418 = arith.constant 1 : i32
        %dma_start3A_419 = arith.constant 0 : i32
        %dma_start3A_420 = arith.constant 0 : i32
        %dma_start3A_421 = tpu.memref_slice %arg6[%dma_start3A_417, %dma_start3A_419, %dma_start3A_420] : memref<5x128x128xf32, #tpu.memory_space<vmem>> -> memref<1x128x128xf32, #tpu.memory_space<vmem>>
        %dma_start3A_422 = tpu.memref_squeeze %dma_start3A_421 : memref<1x128x128xf32, #tpu.memory_space<vmem>> -> memref<128x128xf32, #tpu.memory_space<vmem>>
        %dma_start3A_423 = arith.constant 0 : i32
        %dma_start3A_424 = tpu.memref_slice %arg5[%add3A_416, %dma_start3A_423] : memref<50x128xi32, #tpu.memory_space<vmem>> -> memref<1x128xi32, #tpu.memory_space<vmem>>
        %dma_start3A_425 = tpu.memref_squeeze %dma_start3A_424 : memref<1x128xi32, #tpu.memory_space<vmem>> -> memref<128xi32, #tpu.memory_space<vmem>>
        %dma_start3A_426 = arith.constant 0 : i32
        %dma_start3A_427 = arith.constant 0 : i32
        %dma_start3A_428 = tpu.memref_slice %arg3[%dma_start3A_426, %dma_start3A_427] : memref<100000x128xf32, #tpu.memory_space<hbm>> -> memref<100000x128xf32, #tpu.memory_space<hbm>>
        %dma_start3A_429 = tpu.memref_slice %arg7[%dma_start3A_418] : memref<5x!tpu.dma_semaphore, #tpu.memory_space<semaphore_mem>> -> memref<1x!tpu.dma_semaphore, #tpu.memory_space<semaphore_mem>>
        %dma_start3A_430 = tpu.memref_squeeze %dma_start3A_429 : memref<1x!tpu.dma_semaphore, #tpu.memory_space<semaphore_mem>> -> memref<!tpu.dma_semaphore, #tpu.memory_space<semaphore_mem>>
        tpu.enqueue_indirect_dma source(%dma_start3A_428 : memref<100000x128xf32, #tpu.memory_space<hbm>>) target(%dma_start3A_422 : memref<128x128xf32, #tpu.memory_space<vmem>>) offsets(%dma_start3A_425 : memref<128xi32, #tpu.memory_space<vmem>>) semaphore(%dma_start3A_430 : memref<!tpu.dma_semaphore, #tpu.memory_space<semaphore_mem>>)
      } else {
      }
      %dma_wait3A_372 = arith.constant 4 : i32
      %dma_wait3A_373 = arith.constant 4 : i32
      %dma_wait3A_374 = arith.constant 0 : i32
      %dma_wait3A_375 = arith.constant 0 : i32
      %dma_wait3A_376 = tpu.memref_slice %arg6[%dma_wait3A_372, %dma_wait3A_374, %dma_wait3A_375] : memref<5x128x128xf32, #tpu.memory_space<vmem>> -> memref<1x128x128xf32, #tpu.memory_space<vmem>>
      %dma_wait3A_377 = tpu.memref_squeeze %dma_wait3A_376 : memref<1x128x128xf32, #tpu.memory_space<vmem>> -> memref<128x128xf32, #tpu.memory_space<vmem>>
      %dma_wait3A_378 = arith.constant 0 : i32
      %dma_wait3A_379 = arith.constant 0 : i32
      %dma_wait3A_380 = tpu.memref_slice %arg3[%dma_wait3A_378, %dma_wait3A_379] : memref<100000x128xf32, #tpu.memory_space<hbm>> -> memref<128x128xf32, #tpu.memory_space<hbm>>
      %dma_wait3A_381 = tpu.memref_slice %arg7[%dma_wait3A_373] : memref<5x!tpu.dma_semaphore, #tpu.memory_space<semaphore_mem>> -> memref<1x!tpu.dma_semaphore, #tpu.memory_space<semaphore_mem>>
      %dma_wait3A_382 = tpu.memref_squeeze %dma_wait3A_381 : memref<1x!tpu.dma_semaphore, #tpu.memory_space<semaphore_mem>> -> memref<!tpu.dma_semaphore, #tpu.memory_space<semaphore_mem>>
      %dma_wait3A_383 = arith.constant 0 : i32
      %dma_wait3A_384 = arith.constant 0 : i32
      %dma_wait3A_385 = tpu.memref_slice %arg6[%dma_wait3A_372, %dma_wait3A_383, %dma_wait3A_384] : memref<5x128x128xf32, #tpu.memory_space<vmem>> -> memref<1x128x128xf32, #tpu.memory_space<vmem>>
      %dma_wait3A_386 = tpu.memref_squeeze %dma_wait3A_385 : memref<1x128x128xf32, #tpu.memory_space<vmem>> -> memref<128x128xf32, #tpu.memory_space<vmem>>
      %dma_wait3A_387 = arith.constant 0 : i32
      %dma_wait3A_388 = arith.constant 0 : i32
      %dma_wait3A_389 = tpu.memref_slice %arg3[%dma_wait3A_387, %dma_wait3A_388] : memref<100000x128xf32, #tpu.memory_space<hbm>> -> memref<128x128xf32, #tpu.memory_space<hbm>>
      tpu.wait_dma2 semaphore(%dma_wait3A_382 : memref<!tpu.dma_semaphore, #tpu.memory_space<semaphore_mem>>) src(%dma_wait3A_389 : memref<128x128xf32, #tpu.memory_space<hbm>>) dst(%dma_wait3A_386 : memref<128x128xf32, #tpu.memory_space<vmem>>)
      %scan3A_390 = arith.constant 4 : i32
      %scan3A_391 = arith.constant 0 : i32
      %scan3A_392 = arith.constant 128 : i32
      %scan3A_393 = arith.addi %scan3A_391, %scan3A_392 : i32
      %scan3A_394 = arith.constant 4 : i32
      scf.for %scan3A_415 = %scan3A_391 to %scan3A_393 step %scan3A_394  : i32 {
        %mul3A_416 = arith.constant 1 : i32
        %mul3A_417 = arith.muli %scan3A_415, %mul3A_416 : i32
        %add3A_418 = arith.constant 0 : i32
        %add3A_419 = arith.addi %add3A_418, %mul3A_417 : i32
        %get3A = arith.constant 0 : i32
        %get3A_420 = arith.constant 0 : i32
        %get3A_421 = tpu.memref_slice %arg6[%scan3A_390, %get3A, %get3A_420] : memref<5x128x128xf32, #tpu.memory_space<vmem>> -> memref<1x128x128xf32, #tpu.memory_space<vmem>>
        %get3A_422 = tpu.memref_squeeze %get3A_421 : memref<1x128x128xf32, #tpu.memory_space<vmem>> -> memref<128x128xf32, #tpu.memory_space<vmem>>
        %get3A_423 = arith.index_cast %add3A_419 : i32 to index
        %get3A_424 = arith.constant 0 : index
        %get3A_425 = tpu.vector_load %get3A_422[%get3A_423, %get3A_424] {strides = array<i32>} : memref<128x128xf32, #tpu.memory_space<vmem>>, vector<1x16xf32>,
        %get3A_426 = vector.shape_cast %get3A_425 : vector<1x16xf32> to vector<16xf32>
        %mul3A_427 = arith.constant 11.3137083 : f32
        %mul3A_428 = vector.broadcast %mul3A_427 : f32 to vector<16xf32>
        %mul3A_429 = arith.mulf %get3A_426, %mul3A_428 : vector<16xf32>
        %swap3A = arith.constant 0 : i32
        %swap3A_430 = arith.constant 0 : i32
        %swap3A_431 = tpu.memref_slice %arg6[%scan3A_390, %swap3A, %swap3A_430] : memref<5x128x128xf32, #tpu.memory_space<vmem>> -> memref<1x128x128xf32, #tpu.memory_space<vmem>>
        %swap3A_432 = tpu.memref_squeeze %swap3A_431 : memref<1x128x128xf32, #tpu.memory_space<vmem>> -> memref<128x128xf32, #tpu.memory_space<vmem>>
        %swap3A_433 = arith.index_cast %add3A_419 : i32 to index
        %swap3A_434 = arith.constant 0 : index
        %swap3A_435 = tpu.vector_load %swap3A_432[%swap3A_433, %swap3A_434] {strides = array<i32>} : memref<128x128xf32, #tpu.memory_space<vmem>>, vector<1x16xf32>,
        %swap3A_436 = vector.shape_cast %swap3A_435 : vector<1x16xf32> to vector<16xf32>
        %swap3A_437 = vector.shape_cast %mul3A_429 : vector<16xf32> to vector<1x16xf32>
        tpu.vector_store %swap3A_432[%swap3A_433, %swap3A_434], %swap3A_437 {strides = array<i32>} : memref<128x128xf32, #tpu.memory_space<vmem>>, vector<1x16xf32>,
        %get3A_438 = arith.constant 0 : i32
        %get3A_439 = arith.constant 0 : i32
        %get3A_440 = tpu.memref_slice %arg6[%scan3A_390, %get3A_438, %get3A_439] : memref<5x128x128xf32, #tpu.memory_space<vmem>> -> memref<1x128x128xf32, #tpu.memory_space<vmem>>
        %get3A_441 = tpu.memref_squeeze %get3A_440 : memref<1x128x128xf32, #tpu.memory_space<vmem>> -> memref<128x128xf32, #tpu.memory_space<vmem>>
        %get3A_442 = arith.index_cast %add3A_419 : i32 to index
        %get3A_443 = arith.constant 16 : index
        %get3A_444 = tpu.vector_load %get3A_441[%get3A_442, %get3A_443] {strides = array<i32>} : memref<128x128xf32, #tpu.memory_space<vmem>>, vector<1x16xf32>,
        %get3A_445 = vector.shape_cast %get3A_444 : vector<1x16xf32> to vector<16xf32>
        %mul3A_446 = arith.constant 11.3137083 : f32
        %mul3A_447 = vector.broadcast %mul3A_446 : f32 to vector<16xf32>
        %mul3A_448 = arith.mulf %get3A_445, %mul3A_447 : vector<16xf32>
        %swap3A_449 = arith.constant 0 : i32
        %swap3A_450 = arith.constant 0 : i32
        %swap3A_451 = tpu.memref_slice %arg6[%scan3A_390, %swap3A_449, %swap3A_450] : memref<5x128x128xf32, #tpu.memory_space<vmem>> -> memref<1x128x128xf32, #tpu.memory_space<vmem>>
        %swap3A_452 = tpu.memref_squeeze %swap3A_451 : memref<1x128x128xf32, #tpu.memory_space<vmem>> -> memref<128x128xf32, #tpu.memory_space<vmem>>
        %swap3A_453 = arith.index_cast %add3A_419 : i32 to index
        %swap3A_454 = arith.constant 16 : index
        %swap3A_455 = tpu.vector_load %swap3A_452[%swap3A_453, %swap3A_454] {strides = array<i32>} : memref<128x128xf32, #tpu.memory_space<vmem>>, vector<1x16xf32>,
        %swap3A_456 = vector.shape_cast %swap3A_455 : vector<1x16xf32> to vector<16xf32>
        %swap3A_457 = vector.shape_cast %mul3A_448 : vector<16xf32> to vector<1x16xf32>
        tpu.vector_store %swap3A_452[%swap3A_453, %swap3A_454], %swap3A_457 {strides = array<i32>} : memref<128x128xf32, #tpu.memory_space<vmem>>, vector<1x16xf32>,
        %get3A_458 = arith.constant 0 : i32
        %get3A_459 = arith.constant 0 : i32
        %get3A_460 = tpu.memref_slice %arg6[%scan3A_390, %get3A_458, %get3A_459] : memref<5x128x128xf32, #tpu.memory_space<vmem>> -> memref<1x128x128xf32, #tpu.memory_space<vmem>>
        %get3A_461 = tpu.memref_squeeze %get3A_460 : memref<1x128x128xf32, #tpu.memory_space<vmem>> -> memref<128x128xf32, #tpu.memory_space<vmem>>
        %get3A_462 = arith.index_cast %add3A_419 : i32 to index
        %get3A_463 = arith.constant 32 : index
        %get3A_464 = tpu.vector_load %get3A_461[%get3A_462, %get3A_463] {strides = array<i32>} : memref<128x128xf32, #tpu.memory_space<vmem>>, vector<1x16xf32>,
        %get3A_465 = vector.shape_cast %get3A_464 : vector<1x16xf32> to vector<16xf32>
        %mul3A_466 = arith.constant 11.3137083 : f32
        %mul3A_467 = vector.broadcast %mul3A_466 : f32 to vector<16xf32>
        %mul3A_468 = arith.mulf %get3A_465, %mul3A_467 : vector<16xf32>
        %swap3A_469 = arith.constant 0 : i32
        %swap3A_470 = arith.constant 0 : i32
        %swap3A_471 = tpu.memref_slice %arg6[%scan3A_390, %swap3A_469, %swap3A_470] : memref<5x128x128xf32, #tpu.memory_space<vmem>> -> memref<1x128x128xf32, #tpu.memory_space<vmem>>
        %swap3A_472 = tpu.memref_squeeze %swap3A_471 : memref<1x128x128xf32, #tpu.memory_space<vmem>> -> memref<128x128xf32, #tpu.memory_space<vmem>>
        %swap3A_473 = arith.index_cast %add3A_419 : i32 to index
        %swap3A_474 = arith.constant 32 : index
        %swap3A_475 = tpu.vector_load %swap3A_472[%swap3A_473, %swap3A_474] {strides = array<i32>} : memref<128x128xf32, #tpu.memory_space<vmem>>, vector<1x16xf32>,
        %swap3A_476 = vector.shape_cast %swap3A_475 : vector<1x16xf32> to vector<16xf32>
        %swap3A_477 = vector.shape_cast %mul3A_468 : vector<16xf32> to vector<1x16xf32>
        tpu.vector_store %swap3A_472[%swap3A_473, %swap3A_474], %swap3A_477 {strides = array<i32>} : memref<128x128xf32, #tpu.memory_space<vmem>>, vector<1x16xf32>,
        %get3A_478 = arith.constant 0 : i32
        %get3A_479 = arith.constant 0 : i32
        %get3A_480 = tpu.memref_slice %arg6[%scan3A_390, %get3A_478, %get3A_479] : memref<5x128x128xf32, #tpu.memory_space<vmem>> -> memref<1x128x128xf32, #tpu.memory_space<vmem>>
        %get3A_481 = tpu.memref_squeeze %get3A_480 : memref<1x128x128xf32, #tpu.memory_space<vmem>> -> memref<128x128xf32, #tpu.memory_space<vmem>>
        %get3A_482 = arith.index_cast %add3A_419 : i32 to index
        %get3A_483 = arith.constant 48 : index
        %get3A_484 = tpu.vector_load %get3A_481[%get3A_482, %get3A_483] {strides = array<i32>} : memref<128x128xf32, #tpu.memory_space<vmem>>, vector<1x16xf32>,
        %get3A_485 = vector.shape_cast %get3A_484 : vector<1x16xf32> to vector<16xf32>
        %mul3A_486 = arith.constant 11.3137083 : f32
        %mul3A_487 = vector.broadcast %mul3A_486 : f32 to vector<16xf32>
        %mul3A_488 = arith.mulf %get3A_485, %mul3A_487 : vector<16xf32>
        %swap3A_489 = arith.constant 0 : i32
        %swap3A_490 = arith.constant 0 : i32
        %swap3A_491 = tpu.memref_slice %arg6[%scan3A_390, %swap3A_489, %swap3A_490] : memref<5x128x128xf32, #tpu.memory_space<vmem>> -> memref<1x128x128xf32, #tpu.memory_space<vmem>>
        %swap3A_492 = tpu.memref_squeeze %swap3A_491 : memref<1x128x128xf32, #tpu.memory_space<vmem>> -> memref<128x128xf32, #tpu.memory_space<vmem>>
        %swap3A_493 = arith.index_cast %add3A_419 : i32 to index
        %swap3A_494 = arith.constant 48 : index
        %swap3A_495 = tpu.vector_load %swap3A_492[%swap3A_493, %swap3A_494] {strides = array<i32>} : memref<128x128xf32, #tpu.memory_space<vmem>>, vector<1x16xf32>,
        %swap3A_496 = vector.shape_cast %swap3A_495 : vector<1x16xf32> to vector<16xf32>
        %swap3A_497 = vector.shape_cast %mul3A_488 : vector<16xf32> to vector<1x16xf32>
        tpu.vector_store %swap3A_492[%swap3A_493, %swap3A_494], %swap3A_497 {strides = array<i32>} : memref<128x128xf32, #tpu.memory_space<vmem>>, vector<1x16xf32>,
        %get3A_498 = arith.constant 0 : i32
        %get3A_499 = arith.constant 0 : i32
        %get3A_500 = tpu.memref_slice %arg6[%scan3A_390, %get3A_498, %get3A_499] : memref<5x128x128xf32, #tpu.memory_space<vmem>> -> memref<1x128x128xf32, #tpu.memory_space<vmem>>
        %get3A_501 = tpu.memref_squeeze %get3A_500 : memref<1x128x128xf32, #tpu.memory_space<vmem>> -> memref<128x128xf32, #tpu.memory_space<vmem>>
        %get3A_502 = arith.index_cast %add3A_419 : i32 to index
        %get3A_503 = arith.constant 64 : index
        %get3A_504 = tpu.vector_load %get3A_501[%get3A_502, %get3A_503] {strides = array<i32>} : memref<128x128xf32, #tpu.memory_space<vmem>>, vector<1x16xf32>,
        %get3A_505 = vector.shape_cast %get3A_504 : vector<1x16xf32> to vector<16xf32>
        %mul3A_506 = arith.constant 11.3137083 : f32
        %mul3A_507 = vector.broadcast %mul3A_506 : f32 to vector<16xf32>
        %mul3A_508 = arith.mulf %get3A_505, %mul3A_507 : vector<16xf32>
        %swap3A_509 = arith.constant 0 : i32
        %swap3A_510 = arith.constant 0 : i32
        %swap3A_511 = tpu.memref_slice %arg6[%scan3A_390, %swap3A_509, %swap3A_510] : memref<5x128x128xf32, #tpu.memory_space<vmem>> -> memref<1x128x128xf32, #tpu.memory_space<vmem>>
        %swap3A_512 = tpu.memref_squeeze %swap3A_511 : memref<1x128x128xf32, #tpu.memory_space<vmem>> -> memref<128x128xf32, #tpu.memory_space<vmem>>
        %swap3A_513 = arith.index_cast %add3A_419 : i32 to index
        %swap3A_514 = arith.constant 64 : index
        %swap3A_515 = tpu.vector_load %swap3A_512[%swap3A_513, %swap3A_514] {strides = array<i32>} : memref<128x128xf32, #tpu.memory_space<vmem>>, vector<1x16xf32>,
        %swap3A_516 = vector.shape_cast %swap3A_515 : vector<1x16xf32> to vector<16xf32>
        %swap3A_517 = vector.shape_cast %mul3A_508 : vector<16xf32> to vector<1x16xf32>
        tpu.vector_store %swap3A_512[%swap3A_513, %swap3A_514], %swap3A_517 {strides = array<i32>} : memref<128x128xf32, #tpu.memory_space<vmem>>, vector<1x16xf32>,
        %get3A_518 = arith.constant 0 : i32
        %get3A_519 = arith.constant 0 : i32
        %get3A_520 = tpu.memref_slice %arg6[%scan3A_390, %get3A_518, %get3A_519] : memref<5x128x128xf32, #tpu.memory_space<vmem>> -> memref<1x128x128xf32, #tpu.memory_space<vmem>>
        %get3A_521 = tpu.memref_squeeze %get3A_520 : memref<1x128x128xf32, #tpu.memory_space<vmem>> -> memref<128x128xf32, #tpu.memory_space<vmem>>
        %get3A_522 = arith.index_cast %add3A_419 : i32 to index
        %get3A_523 = arith.constant 80 : index
        %get3A_524 = tpu.vector_load %get3A_521[%get3A_522, %get3A_523] {strides = array<i32>} : memref<128x128xf32, #tpu.memory_space<vmem>>, vector<1x16xf32>,
        %get3A_525 = vector.shape_cast %get3A_524 : vector<1x16xf32> to vector<16xf32>
        %mul3A_526 = arith.constant 11.3137083 : f32
        %mul3A_527 = vector.broadcast %mul3A_526 : f32 to vector<16xf32>
        %mul3A_528 = arith.mulf %get3A_525, %mul3A_527 : vector<16xf32>
        %swap3A_529 = arith.constant 0 : i32
        %swap3A_530 = arith.constant 0 : i32
        %swap3A_531 = tpu.memref_slice %arg6[%scan3A_390, %swap3A_529, %swap3A_530] : memref<5x128x128xf32, #tpu.memory_space<vmem>> -> memref<1x128x128xf32, #tpu.memory_space<vmem>>
        %swap3A_532 = tpu.memref_squeeze %swap3A_531 : memref<1x128x128xf32, #tpu.memory_space<vmem>> -> memref<128x128xf32, #tpu.memory_space<vmem>>
        %swap3A_533 = arith.index_cast %add3A_419 : i32 to index
        %swap3A_534 = arith.constant 80 : index
        %swap3A_535 = tpu.vector_load %swap3A_532[%swap3A_533, %swap3A_534] {strides = array<i32>} : memref<128x128xf32, #tpu.memory_space<vmem>>, vector<1x16xf32>,
        %swap3A_536 = vector.shape_cast %swap3A_535 : vector<1x16xf32> to vector<16xf32>
        %swap3A_537 = vector.shape_cast %mul3A_528 : vector<16xf32> to vector<1x16xf32>
        tpu.vector_store %swap3A_532[%swap3A_533, %swap3A_534], %swap3A_537 {strides = array<i32>} : memref<128x128xf32, #tpu.memory_space<vmem>>, vector<1x16xf32>,
        %get3A_538 = arith.constant 0 : i32
        %get3A_539 = arith.constant 0 : i32
        %get3A_540 = tpu.memref_slice %arg6[%scan3A_390, %get3A_538, %get3A_539] : memref<5x128x128xf32, #tpu.memory_space<vmem>> -> memref<1x128x128xf32, #tpu.memory_space<vmem>>
        %get3A_541 = tpu.memref_squeeze %get3A_540 : memref<1x128x128xf32, #tpu.memory_space<vmem>> -> memref<128x128xf32, #tpu.memory_space<vmem>>
        %get3A_542 = arith.index_cast %add3A_419 : i32 to index
        %get3A_543 = arith.constant 96 : index
        %get3A_544 = tpu.vector_load %get3A_541[%get3A_542, %get3A_543] {strides = array<i32>} : memref<128x128xf32, #tpu.memory_space<vmem>>, vector<1x16xf32>,
        %get3A_545 = vector.shape_cast %get3A_544 : vector<1x16xf32> to vector<16xf32>
        %mul3A_546 = arith.constant 11.3137083 : f32
        %mul3A_547 = vector.broadcast %mul3A_546 : f32 to vector<16xf32>
        %mul3A_548 = arith.mulf %get3A_545, %mul3A_547 : vector<16xf32>
        %swap3A_549 = arith.constant 0 : i32
        %swap3A_550 = arith.constant 0 : i32
        %swap3A_551 = tpu.memref_slice %arg6[%scan3A_390, %swap3A_549, %swap3A_550] : memref<5x128x128xf32, #tpu.memory_space<vmem>> -> memref<1x128x128xf32, #tpu.memory_space<vmem>>
        %swap3A_552 = tpu.memref_squeeze %swap3A_551 : memref<1x128x128xf32, #tpu.memory_space<vmem>> -> memref<128x128xf32, #tpu.memory_space<vmem>>
        %swap3A_553 = arith.index_cast %add3A_419 : i32 to index
        %swap3A_554 = arith.constant 96 : index
        %swap3A_555 = tpu.vector_load %swap3A_552[%swap3A_553, %swap3A_554] {strides = array<i32>} : memref<128x128xf32, #tpu.memory_space<vmem>>, vector<1x16xf32>,
        %swap3A_556 = vector.shape_cast %swap3A_555 : vector<1x16xf32> to vector<16xf32>
        %swap3A_557 = vector.shape_cast %mul3A_548 : vector<16xf32> to vector<1x16xf32>
        tpu.vector_store %swap3A_552[%swap3A_553, %swap3A_554], %swap3A_557 {strides = array<i32>} : memref<128x128xf32, #tpu.memory_space<vmem>>, vector<1x16xf32>,
        %get3A_558 = arith.constant 0 : i32
        %get3A_559 = arith.constant 0 : i32
        %get3A_560 = tpu.memref_slice %arg6[%scan3A_390, %get3A_558, %get3A_559] : memref<5x128x128xf32, #tpu.memory_space<vmem>> -> memref<1x128x128xf32, #tpu.memory_space<vmem>>
        %get3A_561 = tpu.memref_squeeze %get3A_560 : memref<1x128x128xf32, #tpu.memory_space<vmem>> -> memref<128x128xf32, #tpu.memory_space<vmem>>
        %get3A_562 = arith.index_cast %add3A_419 : i32 to index
        %get3A_563 = arith.constant 112 : index
        %get3A_564 = tpu.vector_load %get3A_561[%get3A_562, %get3A_563] {strides = array<i32>} : memref<128x128xf32, #tpu.memory_space<vmem>>, vector<1x16xf32>,
        %get3A_565 = vector.shape_cast %get3A_564 : vector<1x16xf32> to vector<16xf32>
        %mul3A_566 = arith.constant 11.3137083 : f32
        %mul3A_567 = vector.broadcast %mul3A_566 : f32 to vector<16xf32>
        %mul3A_568 = arith.mulf %get3A_565, %mul3A_567 : vector<16xf32>
        %swap3A_569 = arith.constant 0 : i32
        %swap3A_570 = arith.constant 0 : i32
        %swap3A_571 = tpu.memref_slice %arg6[%scan3A_390, %swap3A_569, %swap3A_570] : memref<5x128x128xf32, #tpu.memory_space<vmem>> -> memref<1x128x128xf32, #tpu.memory_space<vmem>>
        %swap3A_572 = tpu.memref_squeeze %swap3A_571 : memref<1x128x128xf32, #tpu.memory_space<vmem>> -> memref<128x128xf32, #tpu.memory_space<vmem>>
        %swap3A_573 = arith.index_cast %add3A_419 : i32 to index
        %swap3A_574 = arith.constant 112 : index
        %swap3A_575 = tpu.vector_load %swap3A_572[%swap3A_573, %swap3A_574] {strides = array<i32>} : memref<128x128xf32, #tpu.memory_space<vmem>>, vector<1x16xf32>,
        %swap3A_576 = vector.shape_cast %swap3A_575 : vector<1x16xf32> to vector<16xf32>
        %swap3A_577 = vector.shape_cast %mul3A_568 : vector<16xf32> to vector<1x16xf32>
        tpu.vector_store %swap3A_572[%swap3A_573, %swap3A_574], %swap3A_577 {strides = array<i32>} : memref<128x128xf32, #tpu.memory_space<vmem>>, vector<1x16xf32>,
        %scan3A_578 = arith.constant 1 : i32
        %scan3A_579 = arith.addi %scan3A_415, %scan3A_578 : i32
        %mul3A_580 = arith.constant 1 : i32
        %mul3A_581 = arith.muli %scan3A_579, %mul3A_580 : i32
        %add3A_582 = arith.constant 0 : i32
        %add3A_583 = arith.addi %add3A_582, %mul3A_581 : i32
        %get3A_584 = arith.constant 0 : i32
        %get3A_585 = arith.constant 0 : i32
        %get3A_586 = tpu.memref_slice %arg6[%scan3A_390, %get3A_584, %get3A_585] : memref<5x128x128xf32, #tpu.memory_space<vmem>> -> memref<1x128x128xf32, #tpu.memory_space<vmem>>
        %get3A_587 = tpu.memref_squeeze %get3A_586 : memref<1x128x128xf32, #tpu.memory_space<vmem>> -> memref<128x128xf32, #tpu.memory_space<vmem>>
        %get3A_588 = arith.index_cast %add3A_583 : i32 to index
        %get3A_589 = arith.constant 0 : index
        %get3A_590 = tpu.vector_load %get3A_587[%get3A_588, %get3A_589] {strides = array<i32>} : memref<128x128xf32, #tpu.memory_space<vmem>>, vector<1x16xf32>,
        %get3A_591 = vector.shape_cast %get3A_590 : vector<1x16xf32> to vector<16xf32>
        %mul3A_592 = arith.constant 11.3137083 : f32
        %mul3A_593 = vector.broadcast %mul3A_592 : f32 to vector<16xf32>
        %mul3A_594 = arith.mulf %get3A_591, %mul3A_593 : vector<16xf32>
        %swap3A_595 = arith.constant 0 : i32
        %swap3A_596 = arith.constant 0 : i32
        %swap3A_597 = tpu.memref_slice %arg6[%scan3A_390, %swap3A_595, %swap3A_596] : memref<5x128x128xf32, #tpu.memory_space<vmem>> -> memref<1x128x128xf32, #tpu.memory_space<vmem>>
        %swap3A_598 = tpu.memref_squeeze %swap3A_597 : memref<1x128x128xf32, #tpu.memory_space<vmem>> -> memref<128x128xf32, #tpu.memory_space<vmem>>
        %swap3A_599 = arith.index_cast %add3A_583 : i32 to index
        %swap3A_600 = arith.constant 0 : index
        %swap3A_601 = tpu.vector_load %swap3A_598[%swap3A_599, %swap3A_600] {strides = array<i32>} : memref<128x128xf32, #tpu.memory_space<vmem>>, vector<1x16xf32>,
        %swap3A_602 = vector.shape_cast %swap3A_601 : vector<1x16xf32> to vector<16xf32>
        %swap3A_603 = vector.shape_cast %mul3A_594 : vector<16xf32> to vector<1x16xf32>
        tpu.vector_store %swap3A_598[%swap3A_599, %swap3A_600], %swap3A_603 {strides = array<i32>} : memref<128x128xf32, #tpu.memory_space<vmem>>, vector<1x16xf32>,
        %get3A_604 = arith.constant 0 : i32
        %get3A_605 = arith.constant 0 : i32
        %get3A_606 = tpu.memref_slice %arg6[%scan3A_390, %get3A_604, %get3A_605] : memref<5x128x128xf32, #tpu.memory_space<vmem>> -> memref<1x128x128xf32, #tpu.memory_space<vmem>>
        %get3A_607 = tpu.memref_squeeze %get3A_606 : memref<1x128x128xf32, #tpu.memory_space<vmem>> -> memref<128x128xf32, #tpu.memory_space<vmem>>
        %get3A_608 = arith.index_cast %add3A_583 : i32 to index
        %get3A_609 = arith.constant 16 : index
        %get3A_610 = tpu.vector_load %get3A_607[%get3A_608, %get3A_609] {strides = array<i32>} : memref<128x128xf32, #tpu.memory_space<vmem>>, vector<1x16xf32>,
        %get3A_611 = vector.shape_cast %get3A_610 : vector<1x16xf32> to vector<16xf32>
        %mul3A_612 = arith.constant 11.3137083 : f32
        %mul3A_613 = vector.broadcast %mul3A_612 : f32 to vector<16xf32>
        %mul3A_614 = arith.mulf %get3A_611, %mul3A_613 : vector<16xf32>
        %swap3A_615 = arith.constant 0 : i32
        %swap3A_616 = arith.constant 0 : i32
        %swap3A_617 = tpu.memref_slice %arg6[%scan3A_390, %swap3A_615, %swap3A_616] : memref<5x128x128xf32, #tpu.memory_space<vmem>> -> memref<1x128x128xf32, #tpu.memory_space<vmem>>
        %swap3A_618 = tpu.memref_squeeze %swap3A_617 : memref<1x128x128xf32, #tpu.memory_space<vmem>> -> memref<128x128xf32, #tpu.memory_space<vmem>>
        %swap3A_619 = arith.index_cast %add3A_583 : i32 to index
        %swap3A_620 = arith.constant 16 : index
        %swap3A_621 = tpu.vector_load %swap3A_618[%swap3A_619, %swap3A_620] {strides = array<i32>} : memref<128x128xf32, #tpu.memory_space<vmem>>, vector<1x16xf32>,
        %swap3A_622 = vector.shape_cast %swap3A_621 : vector<1x16xf32> to vector<16xf32>
        %swap3A_623 = vector.shape_cast %mul3A_614 : vector<16xf32> to vector<1x16xf32>
        tpu.vector_store %swap3A_618[%swap3A_619, %swap3A_620], %swap3A_623 {strides = array<i32>} : memref<128x128xf32, #tpu.memory_space<vmem>>, vector<1x16xf32>,
        %get3A_624 = arith.constant 0 : i32
        %get3A_625 = arith.constant 0 : i32
        %get3A_626 = tpu.memref_slice %arg6[%scan3A_390, %get3A_624, %get3A_625] : memref<5x128x128xf32, #tpu.memory_space<vmem>> -> memref<1x128x128xf32, #tpu.memory_space<vmem>>
        %get3A_627 = tpu.memref_squeeze %get3A_626 : memref<1x128x128xf32, #tpu.memory_space<vmem>> -> memref<128x128xf32, #tpu.memory_space<vmem>>
        %get3A_628 = arith.index_cast %add3A_583 : i32 to index
        %get3A_629 = arith.constant 32 : index
        %get3A_630 = tpu.vector_load %get3A_627[%get3A_628, %get3A_629] {strides = array<i32>} : memref<128x128xf32, #tpu.memory_space<vmem>>, vector<1x16xf32>,
        %get3A_631 = vector.shape_cast %get3A_630 : vector<1x16xf32> to vector<16xf32>
        %mul3A_632 = arith.constant 11.3137083 : f32
        %mul3A_633 = vector.broadcast %mul3A_632 : f32 to vector<16xf32>
        %mul3A_634 = arith.mulf %get3A_631, %mul3A_633 : vector<16xf32>
        %swap3A_635 = arith.constant 0 : i32
        %swap3A_636 = arith.constant 0 : i32
        %swap3A_637 = tpu.memref_slice %arg6[%scan3A_390, %swap3A_635, %swap3A_636] : memref<5x128x128xf32, #tpu.memory_space<vmem>> -> memref<1x128x128xf32, #tpu.memory_space<vmem>>
        %swap3A_638 = tpu.memref_squeeze %swap3A_637 : memref<1x128x128xf32, #tpu.memory_space<vmem>> -> memref<128x128xf32, #tpu.memory_space<vmem>>
        %swap3A_639 = arith.index_cast %add3A_583 : i32 to index
        %swap3A_640 = arith.constant 32 : index
        %swap3A_641 = tpu.vector_load %swap3A_638[%swap3A_639, %swap3A_640] {strides = array<i32>} : memref<128x128xf32, #tpu.memory_space<vmem>>, vector<1x16xf32>,
        %swap3A_642 = vector.shape_cast %swap3A_641 : vector<1x16xf32> to vector<16xf32>
        %swap3A_643 = vector.shape_cast %mul3A_634 : vector<16xf32> to vector<1x16xf32>
        tpu.vector_store %swap3A_638[%swap3A_639, %swap3A_640], %swap3A_643 {strides = array<i32>} : memref<128x128xf32, #tpu.memory_space<vmem>>, vector<1x16xf32>,
        %get3A_644 = arith.constant 0 : i32
        %get3A_645 = arith.constant 0 : i32
        %get3A_646 = tpu.memref_slice %arg6[%scan3A_390, %get3A_644, %get3A_645] : memref<5x128x128xf32, #tpu.memory_space<vmem>> -> memref<1x128x128xf32, #tpu.memory_space<vmem>>
        %get3A_647 = tpu.memref_squeeze %get3A_646 : memref<1x128x128xf32, #tpu.memory_space<vmem>> -> memref<128x128xf32, #tpu.memory_space<vmem>>
        %get3A_648 = arith.index_cast %add3A_583 : i32 to index
        %get3A_649 = arith.constant 48 : index
        %get3A_650 = tpu.vector_load %get3A_647[%get3A_648, %get3A_649] {strides = array<i32>} : memref<128x128xf32, #tpu.memory_space<vmem>>, vector<1x16xf32>,
        %get3A_651 = vector.shape_cast %get3A_650 : vector<1x16xf32> to vector<16xf32>
        %mul3A_652 = arith.constant 11.3137083 : f32
        %mul3A_653 = vector.broadcast %mul3A_652 : f32 to vector<16xf32>
        %mul3A_654 = arith.mulf %get3A_651, %mul3A_653 : vector<16xf32>
        %swap3A_655 = arith.constant 0 : i32
        %swap3A_656 = arith.constant 0 : i32
        %swap3A_657 = tpu.memref_slice %arg6[%scan3A_390, %swap3A_655, %swap3A_656] : memref<5x128x128xf32, #tpu.memory_space<vmem>> -> memref<1x128x128xf32, #tpu.memory_space<vmem>>
        %swap3A_658 = tpu.memref_squeeze %swap3A_657 : memref<1x128x128xf32, #tpu.memory_space<vmem>> -> memref<128x128xf32, #tpu.memory_space<vmem>>
        %swap3A_659 = arith.index_cast %add3A_583 : i32 to index
        %swap3A_660 = arith.constant 48 : index
        %swap3A_661 = tpu.vector_load %swap3A_658[%swap3A_659, %swap3A_660] {strides = array<i32>} : memref<128x128xf32, #tpu.memory_space<vmem>>, vector<1x16xf32>,
        %swap3A_662 = vector.shape_cast %swap3A_661 : vector<1x16xf32> to vector<16xf32>
        %swap3A_663 = vector.shape_cast %mul3A_654 : vector<16xf32> to vector<1x16xf32>
        tpu.vector_store %swap3A_658[%swap3A_659, %swap3A_660], %swap3A_663 {strides = array<i32>} : memref<128x128xf32, #tpu.memory_space<vmem>>, vector<1x16xf32>,
        %get3A_664 = arith.constant 0 : i32
        %get3A_665 = arith.constant 0 : i32
        %get3A_666 = tpu.memref_slice %arg6[%scan3A_390, %get3A_664, %get3A_665] : memref<5x128x128xf32, #tpu.memory_space<vmem>> -> memref<1x128x128xf32, #tpu.memory_space<vmem>>
        %get3A_667 = tpu.memref_squeeze %get3A_666 : memref<1x128x128xf32, #tpu.memory_space<vmem>> -> memref<128x128xf32, #tpu.memory_space<vmem>>
        %get3A_668 = arith.index_cast %add3A_583 : i32 to index
        %get3A_669 = arith.constant 64 : index
        %get3A_670 = tpu.vector_load %get3A_667[%get3A_668, %get3A_669] {strides = array<i32>} : memref<128x128xf32, #tpu.memory_space<vmem>>, vector<1x16xf32>,
        %get3A_671 = vector.shape_cast %get3A_670 : vector<1x16xf32> to vector<16xf32>
        %mul3A_672 = arith.constant 11.3137083 : f32
        %mul3A_673 = vector.broadcast %mul3A_672 : f32 to vector<16xf32>
        %mul3A_674 = arith.mulf %get3A_671, %mul3A_673 : vector<16xf32>
        %swap3A_675 = arith.constant 0 : i32
        %swap3A_676 = arith.constant 0 : i32
        %swap3A_677 = tpu.memref_slice %arg6[%scan3A_390, %swap3A_675, %swap3A_676] : memref<5x128x128xf32, #tpu.memory_space<vmem>> -> memref<1x128x128xf32, #tpu.memory_space<vmem>>
        %swap3A_678 = tpu.memref_squeeze %swap3A_677 : memref<1x128x128xf32, #tpu.memory_space<vmem>> -> memref<128x128xf32, #tpu.memory_space<vmem>>
        %swap3A_679 = arith.index_cast %add3A_583 : i32 to index
        %swap3A_680 = arith.constant 64 : index
        %swap3A_681 = tpu.vector_load %swap3A_678[%swap3A_679, %swap3A_680] {strides = array<i32>} : memref<128x128xf32, #tpu.memory_space<vmem>>, vector<1x16xf32>,
        %swap3A_682 = vector.shape_cast %swap3A_681 : vector<1x16xf32> to vector<16xf32>
        %swap3A_683 = vector.shape_cast %mul3A_674 : vector<16xf32> to vector<1x16xf32>
        tpu.vector_store %swap3A_678[%swap3A_679, %swap3A_680], %swap3A_683 {strides = array<i32>} : memref<128x128xf32, #tpu.memory_space<vmem>>, vector<1x16xf32>,
        %get3A_684 = arith.constant 0 : i32
        %get3A_685 = arith.constant 0 : i32
        %get3A_686 = tpu.memref_slice %arg6[%scan3A_390, %get3A_684, %get3A_685] : memref<5x128x128xf32, #tpu.memory_space<vmem>> -> memref<1x128x128xf32, #tpu.memory_space<vmem>>
        %get3A_687 = tpu.memref_squeeze %get3A_686 : memref<1x128x128xf32, #tpu.memory_space<vmem>> -> memref<128x128xf32, #tpu.memory_space<vmem>>
        %get3A_688 = arith.index_cast %add3A_583 : i32 to index
        %get3A_689 = arith.constant 80 : index
        %get3A_690 = tpu.vector_load %get3A_687[%get3A_688, %get3A_689] {strides = array<i32>} : memref<128x128xf32, #tpu.memory_space<vmem>>, vector<1x16xf32>,
        %get3A_691 = vector.shape_cast %get3A_690 : vector<1x16xf32> to vector<16xf32>
        %mul3A_692 = arith.constant 11.3137083 : f32
        %mul3A_693 = vector.broadcast %mul3A_692 : f32 to vector<16xf32>
        %mul3A_694 = arith.mulf %get3A_691, %mul3A_693 : vector<16xf32>
        %swap3A_695 = arith.constant 0 : i32
        %swap3A_696 = arith.constant 0 : i32
        %swap3A_697 = tpu.memref_slice %arg6[%scan3A_390, %swap3A_695, %swap3A_696] : memref<5x128x128xf32, #tpu.memory_space<vmem>> -> memref<1x128x128xf32, #tpu.memory_space<vmem>>
        %swap3A_698 = tpu.memref_squeeze %swap3A_697 : memref<1x128x128xf32, #tpu.memory_space<vmem>> -> memref<128x128xf32, #tpu.memory_space<vmem>>
        %swap3A_699 = arith.index_cast %add3A_583 : i32 to index
        %swap3A_700 = arith.constant 80 : index
        %swap3A_701 = tpu.vector_load %swap3A_698[%swap3A_699, %swap3A_700] {strides = array<i32>} : memref<128x128xf32, #tpu.memory_space<vmem>>, vector<1x16xf32>,
        %swap3A_702 = vector.shape_cast %swap3A_701 : vector<1x16xf32> to vector<16xf32>
        %swap3A_703 = vector.shape_cast %mul3A_694 : vector<16xf32> to vector<1x16xf32>
        tpu.vector_store %swap3A_698[%swap3A_699, %swap3A_700], %swap3A_703 {strides = array<i32>} : memref<128x128xf32, #tpu.memory_space<vmem>>, vector<1x16xf32>,
        %get3A_704 = arith.constant 0 : i32
        %get3A_705 = arith.constant 0 : i32
        %get3A_706 = tpu.memref_slice %arg6[%scan3A_390, %get3A_704, %get3A_705] : memref<5x128x128xf32, #tpu.memory_space<vmem>> -> memref<1x128x128xf32, #tpu.memory_space<vmem>>
        %get3A_707 = tpu.memref_squeeze %get3A_706 : memref<1x128x128xf32, #tpu.memory_space<vmem>> -> memref<128x128xf32, #tpu.memory_space<vmem>>
        %get3A_708 = arith.index_cast %add3A_583 : i32 to index
        %get3A_709 = arith.constant 96 : index
        %get3A_710 = tpu.vector_load %get3A_707[%get3A_708, %get3A_709] {strides = array<i32>} : memref<128x128xf32, #tpu.memory_space<vmem>>, vector<1x16xf32>,
        %get3A_711 = vector.shape_cast %get3A_710 : vector<1x16xf32> to vector<16xf32>
        %mul3A_712 = arith.constant 11.3137083 : f32
        %mul3A_713 = vector.broadcast %mul3A_712 : f32 to vector<16xf32>
        %mul3A_714 = arith.mulf %get3A_711, %mul3A_713 : vector<16xf32>
        %swap3A_715 = arith.constant 0 : i32
        %swap3A_716 = arith.constant 0 : i32
        %swap3A_717 = tpu.memref_slice %arg6[%scan3A_390, %swap3A_715, %swap3A_716] : memref<5x128x128xf32, #tpu.memory_space<vmem>> -> memref<1x128x128xf32, #tpu.memory_space<vmem>>
        %swap3A_718 = tpu.memref_squeeze %swap3A_717 : memref<1x128x128xf32, #tpu.memory_space<vmem>> -> memref<128x128xf32, #tpu.memory_space<vmem>>
        %swap3A_719 = arith.index_cast %add3A_583 : i32 to index
        %swap3A_720 = arith.constant 96 : index
        %swap3A_721 = tpu.vector_load %swap3A_718[%swap3A_719, %swap3A_720] {strides = array<i32>} : memref<128x128xf32, #tpu.memory_space<vmem>>, vector<1x16xf32>,
        %swap3A_722 = vector.shape_cast %swap3A_721 : vector<1x16xf32> to vector<16xf32>
        %swap3A_723 = vector.shape_cast %mul3A_714 : vector<16xf32> to vector<1x16xf32>
        tpu.vector_store %swap3A_718[%swap3A_719, %swap3A_720], %swap3A_723 {strides = array<i32>} : memref<128x128xf32, #tpu.memory_space<vmem>>, vector<1x16xf32>,
        %get3A_724 = arith.constant 0 : i32
        %get3A_725 = arith.constant 0 : i32
        %get3A_726 = tpu.memref_slice %arg6[%scan3A_390, %get3A_724, %get3A_725] : memref<5x128x128xf32, #tpu.memory_space<vmem>> -> memref<1x128x128xf32, #tpu.memory_space<vmem>>
        %get3A_727 = tpu.memref_squeeze %get3A_726 : memref<1x128x128xf32, #tpu.memory_space<vmem>> -> memref<128x128xf32, #tpu.memory_space<vmem>>
        %get3A_728 = arith.index_cast %add3A_583 : i32 to index
        %get3A_729 = arith.constant 112 : index
        %get3A_730 = tpu.vector_load %get3A_727[%get3A_728, %get3A_729] {strides = array<i32>} : memref<128x128xf32, #tpu.memory_space<vmem>>, vector<1x16xf32>,
        %get3A_731 = vector.shape_cast %get3A_730 : vector<1x16xf32> to vector<16xf32>
        %mul3A_732 = arith.constant 11.3137083 : f32
        %mul3A_733 = vector.broadcast %mul3A_732 : f32 to vector<16xf32>
        %mul3A_734 = arith.mulf %get3A_731, %mul3A_733 : vector<16xf32>
        %swap3A_735 = arith.constant 0 : i32
        %swap3A_736 = arith.constant 0 : i32
        %swap3A_737 = tpu.memref_slice %arg6[%scan3A_390, %swap3A_735, %swap3A_736] : memref<5x128x128xf32, #tpu.memory_space<vmem>> -> memref<1x128x128xf32, #tpu.memory_space<vmem>>
        %swap3A_738 = tpu.memref_squeeze %swap3A_737 : memref<1x128x128xf32, #tpu.memory_space<vmem>> -> memref<128x128xf32, #tpu.memory_space<vmem>>
        %swap3A_739 = arith.index_cast %add3A_583 : i32 to index
        %swap3A_740 = arith.constant 112 : index
        %swap3A_741 = tpu.vector_load %swap3A_738[%swap3A_739, %swap3A_740] {strides = array<i32>} : memref<128x128xf32, #tpu.memory_space<vmem>>, vector<1x16xf32>,
        %swap3A_742 = vector.shape_cast %swap3A_741 : vector<1x16xf32> to vector<16xf32>
        %swap3A_743 = vector.shape_cast %mul3A_734 : vector<16xf32> to vector<1x16xf32>
        tpu.vector_store %swap3A_738[%swap3A_739, %swap3A_740], %swap3A_743 {strides = array<i32>} : memref<128x128xf32, #tpu.memory_space<vmem>>, vector<1x16xf32>,
        %scan3A_744 = arith.constant 2 : i32
        %scan3A_745 = arith.addi %scan3A_415, %scan3A_744 : i32
        %mul3A_746 = arith.constant 1 : i32
        %mul3A_747 = arith.muli %scan3A_745, %mul3A_746 : i32
        %add3A_748 = arith.constant 0 : i32
        %add3A_749 = arith.addi %add3A_748, %mul3A_747 : i32
        %get3A_750 = arith.constant 0 : i32
        %get3A_751 = arith.constant 0 : i32
        %get3A_752 = tpu.memref_slice %arg6[%scan3A_390, %get3A_750, %get3A_751] : memref<5x128x128xf32, #tpu.memory_space<vmem>> -> memref<1x128x128xf32, #tpu.memory_space<vmem>>
        %get3A_753 = tpu.memref_squeeze %get3A_752 : memref<1x128x128xf32, #tpu.memory_space<vmem>> -> memref<128x128xf32, #tpu.memory_space<vmem>>
        %get3A_754 = arith.index_cast %add3A_749 : i32 to index
        %get3A_755 = arith.constant 0 : index
        %get3A_756 = tpu.vector_load %get3A_753[%get3A_754, %get3A_755] {strides = array<i32>} : memref<128x128xf32, #tpu.memory_space<vmem>>, vector<1x16xf32>,
        %get3A_757 = vector.shape_cast %get3A_756 : vector<1x16xf32> to vector<16xf32>
        %mul3A_758 = arith.constant 11.3137083 : f32
        %mul3A_759 = vector.broadcast %mul3A_758 : f32 to vector<16xf32>
        %mul3A_760 = arith.mulf %get3A_757, %mul3A_759 : vector<16xf32>
        %swap3A_761 = arith.constant 0 : i32
        %swap3A_762 = arith.constant 0 : i32
        %swap3A_763 = tpu.memref_slice %arg6[%scan3A_390, %swap3A_761, %swap3A_762] : memref<5x128x128xf32, #tpu.memory_space<vmem>> -> memref<1x128x128xf32, #tpu.memory_space<vmem>>
        %swap3A_764 = tpu.memref_squeeze %swap3A_763 : memref<1x128x128xf32, #tpu.memory_space<vmem>> -> memref<128x128xf32, #tpu.memory_space<vmem>>
        %swap3A_765 = arith.index_cast %add3A_749 : i32 to index
        %swap3A_766 = arith.constant 0 : index
        %swap3A_767 = tpu.vector_load %swap3A_764[%swap3A_765, %swap3A_766] {strides = array<i32>} : memref<128x128xf32, #tpu.memory_space<vmem>>, vector<1x16xf32>,
        %swap3A_768 = vector.shape_cast %swap3A_767 : vector<1x16xf32> to vector<16xf32>
        %swap3A_769 = vector.shape_cast %mul3A_760 : vector<16xf32> to vector<1x16xf32>
        tpu.vector_store %swap3A_764[%swap3A_765, %swap3A_766], %swap3A_769 {strides = array<i32>} : memref<128x128xf32, #tpu.memory_space<vmem>>, vector<1x16xf32>,
        %get3A_770 = arith.constant 0 : i32
        %get3A_771 = arith.constant 0 : i32
        %get3A_772 = tpu.memref_slice %arg6[%scan3A_390, %get3A_770, %get3A_771] : memref<5x128x128xf32, #tpu.memory_space<vmem>> -> memref<1x128x128xf32, #tpu.memory_space<vmem>>
        %get3A_773 = tpu.memref_squeeze %get3A_772 : memref<1x128x128xf32, #tpu.memory_space<vmem>> -> memref<128x128xf32, #tpu.memory_space<vmem>>
        %get3A_774 = arith.index_cast %add3A_749 : i32 to index
        %get3A_775 = arith.constant 16 : index
        %get3A_776 = tpu.vector_load %get3A_773[%get3A_774, %get3A_775] {strides = array<i32>} : memref<128x128xf32, #tpu.memory_space<vmem>>, vector<1x16xf32>,
        %get3A_777 = vector.shape_cast %get3A_776 : vector<1x16xf32> to vector<16xf32>
        %mul3A_778 = arith.constant 11.3137083 : f32
        %mul3A_779 = vector.broadcast %mul3A_778 : f32 to vector<16xf32>
        %mul3A_780 = arith.mulf %get3A_777, %mul3A_779 : vector<16xf32>
        %swap3A_781 = arith.constant 0 : i32
        %swap3A_782 = arith.constant 0 : i32
        %swap3A_783 = tpu.memref_slice %arg6[%scan3A_390, %swap3A_781, %swap3A_782] : memref<5x128x128xf32, #tpu.memory_space<vmem>> -> memref<1x128x128xf32, #tpu.memory_space<vmem>>
        %swap3A_784 = tpu.memref_squeeze %swap3A_783 : memref<1x128x128xf32, #tpu.memory_space<vmem>> -> memref<128x128xf32, #tpu.memory_space<vmem>>
        %swap3A_785 = arith.index_cast %add3A_749 : i32 to index
        %swap3A_786 = arith.constant 16 : index
        %swap3A_787 = tpu.vector_load %swap3A_784[%swap3A_785, %swap3A_786] {strides = array<i32>} : memref<128x128xf32, #tpu.memory_space<vmem>>, vector<1x16xf32>,
        %swap3A_788 = vector.shape_cast %swap3A_787 : vector<1x16xf32> to vector<16xf32>
        %swap3A_789 = vector.shape_cast %mul3A_780 : vector<16xf32> to vector<1x16xf32>
        tpu.vector_store %swap3A_784[%swap3A_785, %swap3A_786], %swap3A_789 {strides = array<i32>} : memref<128x128xf32, #tpu.memory_space<vmem>>, vector<1x16xf32>,
        %get3A_790 = arith.constant 0 : i32
        %get3A_791 = arith.constant 0 : i32
        %get3A_792 = tpu.memref_slice %arg6[%scan3A_390, %get3A_790, %get3A_791] : memref<5x128x128xf32, #tpu.memory_space<vmem>> -> memref<1x128x128xf32, #tpu.memory_space<vmem>>
        %get3A_793 = tpu.memref_squeeze %get3A_792 : memref<1x128x128xf32, #tpu.memory_space<vmem>> -> memref<128x128xf32, #tpu.memory_space<vmem>>
        %get3A_794 = arith.index_cast %add3A_749 : i32 to index
        %get3A_795 = arith.constant 32 : index
        %get3A_796 = tpu.vector_load %get3A_793[%get3A_794, %get3A_795] {strides = array<i32>} : memref<128x128xf32, #tpu.memory_space<vmem>>, vector<1x16xf32>,
        %get3A_797 = vector.shape_cast %get3A_796 : vector<1x16xf32> to vector<16xf32>
        %mul3A_798 = arith.constant 11.3137083 : f32
        %mul3A_799 = vector.broadcast %mul3A_798 : f32 to vector<16xf32>
        %mul3A_800 = arith.mulf %get3A_797, %mul3A_799 : vector<16xf32>
        %swap3A_801 = arith.constant 0 : i32
        %swap3A_802 = arith.constant 0 : i32
        %swap3A_803 = tpu.memref_slice %arg6[%scan3A_390, %swap3A_801, %swap3A_802] : memref<5x128x128xf32, #tpu.memory_space<vmem>> -> memref<1x128x128xf32, #tpu.memory_space<vmem>>
        %swap3A_804 = tpu.memref_squeeze %swap3A_803 : memref<1x128x128xf32, #tpu.memory_space<vmem>> -> memref<128x128xf32, #tpu.memory_space<vmem>>
        %swap3A_805 = arith.index_cast %add3A_749 : i32 to index
        %swap3A_806 = arith.constant 32 : index
        %swap3A_807 = tpu.vector_load %swap3A_804[%swap3A_805, %swap3A_806] {strides = array<i32>} : memref<128x128xf32, #tpu.memory_space<vmem>>, vector<1x16xf32>,
        %swap3A_808 = vector.shape_cast %swap3A_807 : vector<1x16xf32> to vector<16xf32>
        %swap3A_809 = vector.shape_cast %mul3A_800 : vector<16xf32> to vector<1x16xf32>
        tpu.vector_store %swap3A_804[%swap3A_805, %swap3A_806], %swap3A_809 {strides = array<i32>} : memref<128x128xf32, #tpu.memory_space<vmem>>, vector<1x16xf32>,
        %get3A_810 = arith.constant 0 : i32
        %get3A_811 = arith.constant 0 : i32
        %get3A_812 = tpu.memref_slice %arg6[%scan3A_390, %get3A_810, %get3A_811] : memref<5x128x128xf32, #tpu.memory_space<vmem>> -> memref<1x128x128xf32, #tpu.memory_space<vmem>>
        %get3A_813 = tpu.memref_squeeze %get3A_812 : memref<1x128x128xf32, #tpu.memory_space<vmem>> -> memref<128x128xf32, #tpu.memory_space<vmem>>
        %get3A_814 = arith.index_cast %add3A_749 : i32 to index
        %get3A_815 = arith.constant 48 : index
        %get3A_816 = tpu.vector_load %get3A_813[%get3A_814, %get3A_815] {strides = array<i32>} : memref<128x128xf32, #tpu.memory_space<vmem>>, vector<1x16xf32>,
        %get3A_817 = vector.shape_cast %get3A_816 : vector<1x16xf32> to vector<16xf32>
        %mul3A_818 = arith.constant 11.3137083 : f32
        %mul3A_819 = vector.broadcast %mul3A_818 : f32 to vector<16xf32>
        %mul3A_820 = arith.mulf %get3A_817, %mul3A_819 : vector<16xf32>
        %swap3A_821 = arith.constant 0 : i32
        %swap3A_822 = arith.constant 0 : i32
        %swap3A_823 = tpu.memref_slice %arg6[%scan3A_390, %swap3A_821, %swap3A_822] : memref<5x128x128xf32, #tpu.memory_space<vmem>> -> memref<1x128x128xf32, #tpu.memory_space<vmem>>
        %swap3A_824 = tpu.memref_squeeze %swap3A_823 : memref<1x128x128xf32, #tpu.memory_space<vmem>> -> memref<128x128xf32, #tpu.memory_space<vmem>>
        %swap3A_825 = arith.index_cast %add3A_749 : i32 to index
        %swap3A_826 = arith.constant 48 : index
        %swap3A_827 = tpu.vector_load %swap3A_824[%swap3A_825, %swap3A_826] {strides = array<i32>} : memref<128x128xf32, #tpu.memory_space<vmem>>, vector<1x16xf32>,
        %swap3A_828 = vector.shape_cast %swap3A_827 : vector<1x16xf32> to vector<16xf32>
        %swap3A_829 = vector.shape_cast %mul3A_820 : vector<16xf32> to vector<1x16xf32>
        tpu.vector_store %swap3A_824[%swap3A_825, %swap3A_826], %swap3A_829 {strides = array<i32>} : memref<128x128xf32, #tpu.memory_space<vmem>>, vector<1x16xf32>,
        %get3A_830 = arith.constant 0 : i32
        %get3A_831 = arith.constant 0 : i32
        %get3A_832 = tpu.memref_slice %arg6[%scan3A_390, %get3A_830, %get3A_831] : memref<5x128x128xf32, #tpu.memory_space<vmem>> -> memref<1x128x128xf32, #tpu.memory_space<vmem>>
        %get3A_833 = tpu.memref_squeeze %get3A_832 : memref<1x128x128xf32, #tpu.memory_space<vmem>> -> memref<128x128xf32, #tpu.memory_space<vmem>>
        %get3A_834 = arith.index_cast %add3A_749 : i32 to index
        %get3A_835 = arith.constant 64 : index
        %get3A_836 = tpu.vector_load %get3A_833[%get3A_834, %get3A_835] {strides = array<i32>} : memref<128x128xf32, #tpu.memory_space<vmem>>, vector<1x16xf32>,
        %get3A_837 = vector.shape_cast %get3A_836 : vector<1x16xf32> to vector<16xf32>
        %mul3A_838 = arith.constant 11.3137083 : f32
        %mul3A_839 = vector.broadcast %mul3A_838 : f32 to vector<16xf32>
        %mul3A_840 = arith.mulf %get3A_837, %mul3A_839 : vector<16xf32>
        %swap3A_841 = arith.constant 0 : i32
        %swap3A_842 = arith.constant 0 : i32
        %swap3A_843 = tpu.memref_slice %arg6[%scan3A_390, %swap3A_841, %swap3A_842] : memref<5x128x128xf32, #tpu.memory_space<vmem>> -> memref<1x128x128xf32, #tpu.memory_space<vmem>>
        %swap3A_844 = tpu.memref_squeeze %swap3A_843 : memref<1x128x128xf32, #tpu.memory_space<vmem>> -> memref<128x128xf32, #tpu.memory_space<vmem>>
        %swap3A_845 = arith.index_cast %add3A_749 : i32 to index
        %swap3A_846 = arith.constant 64 : index
        %swap3A_847 = tpu.vector_load %swap3A_844[%swap3A_845, %swap3A_846] {strides = array<i32>} : memref<128x128xf32, #tpu.memory_space<vmem>>, vector<1x16xf32>,
        %swap3A_848 = vector.shape_cast %swap3A_847 : vector<1x16xf32> to vector<16xf32>
        %swap3A_849 = vector.shape_cast %mul3A_840 : vector<16xf32> to vector<1x16xf32>
        tpu.vector_store %swap3A_844[%swap3A_845, %swap3A_846], %swap3A_849 {strides = array<i32>} : memref<128x128xf32, #tpu.memory_space<vmem>>, vector<1x16xf32>,
        %get3A_850 = arith.constant 0 : i32
        %get3A_851 = arith.constant 0 : i32
        %get3A_852 = tpu.memref_slice %arg6[%scan3A_390, %get3A_850, %get3A_851] : memref<5x128x128xf32, #tpu.memory_space<vmem>> -> memref<1x128x128xf32, #tpu.memory_space<vmem>>
        %get3A_853 = tpu.memref_squeeze %get3A_852 : memref<1x128x128xf32, #tpu.memory_space<vmem>> -> memref<128x128xf32, #tpu.memory_space<vmem>>
        %get3A_854 = arith.index_cast %add3A_749 : i32 to index
        %get3A_855 = arith.constant 80 : index
        %get3A_856 = tpu.vector_load %get3A_853[%get3A_854, %get3A_855] {strides = array<i32>} : memref<128x128xf32, #tpu.memory_space<vmem>>, vector<1x16xf32>,
        %get3A_857 = vector.shape_cast %get3A_856 : vector<1x16xf32> to vector<16xf32>
        %mul3A_858 = arith.constant 11.3137083 : f32
        %mul3A_859 = vector.broadcast %mul3A_858 : f32 to vector<16xf32>
        %mul3A_860 = arith.mulf %get3A_857, %mul3A_859 : vector<16xf32>
        %swap3A_861 = arith.constant 0 : i32
        %swap3A_862 = arith.constant 0 : i32
        %swap3A_863 = tpu.memref_slice %arg6[%scan3A_390, %swap3A_861, %swap3A_862] : memref<5x128x128xf32, #tpu.memory_space<vmem>> -> memref<1x128x128xf32, #tpu.memory_space<vmem>>
        %swap3A_864 = tpu.memref_squeeze %swap3A_863 : memref<1x128x128xf32, #tpu.memory_space<vmem>> -> memref<128x128xf32, #tpu.memory_space<vmem>>
        %swap3A_865 = arith.index_cast %add3A_749 : i32 to index
        %swap3A_866 = arith.constant 80 : index
        %swap3A_867 = tpu.vector_load %swap3A_864[%swap3A_865, %swap3A_866] {strides = array<i32>} : memref<128x128xf32, #tpu.memory_space<vmem>>, vector<1x16xf32>,
        %swap3A_868 = vector.shape_cast %swap3A_867 : vector<1x16xf32> to vector<16xf32>
        %swap3A_869 = vector.shape_cast %mul3A_860 : vector<16xf32> to vector<1x16xf32>
        tpu.vector_store %swap3A_864[%swap3A_865, %swap3A_866], %swap3A_869 {strides = array<i32>} : memref<128x128xf32, #tpu.memory_space<vmem>>, vector<1x16xf32>,
        %get3A_870 = arith.constant 0 : i32
        %get3A_871 = arith.constant 0 : i32
        %get3A_872 = tpu.memref_slice %arg6[%scan3A_390, %get3A_870, %get3A_871] : memref<5x128x128xf32, #tpu.memory_space<vmem>> -> memref<1x128x128xf32, #tpu.memory_space<vmem>>
        %get3A_873 = tpu.memref_squeeze %get3A_872 : memref<1x128x128xf32, #tpu.memory_space<vmem>> -> memref<128x128xf32, #tpu.memory_space<vmem>>
        %get3A_874 = arith.index_cast %add3A_749 : i32 to index
        %get3A_875 = arith.constant 96 : index
        %get3A_876 = tpu.vector_load %get3A_873[%get3A_874, %get3A_875] {strides = array<i32>} : memref<128x128xf32, #tpu.memory_space<vmem>>, vector<1x16xf32>,
        %get3A_877 = vector.shape_cast %get3A_876 : vector<1x16xf32> to vector<16xf32>
        %mul3A_878 = arith.constant 11.3137083 : f32
        %mul3A_879 = vector.broadcast %mul3A_878 : f32 to vector<16xf32>
        %mul3A_880 = arith.mulf %get3A_877, %mul3A_879 : vector<16xf32>
        %swap3A_881 = arith.constant 0 : i32
        %swap3A_882 = arith.constant 0 : i32
        %swap3A_883 = tpu.memref_slice %arg6[%scan3A_390, %swap3A_881, %swap3A_882] : memref<5x128x128xf32, #tpu.memory_space<vmem>> -> memref<1x128x128xf32, #tpu.memory_space<vmem>>
        %swap3A_884 = tpu.memref_squeeze %swap3A_883 : memref<1x128x128xf32, #tpu.memory_space<vmem>> -> memref<128x128xf32, #tpu.memory_space<vmem>>
        %swap3A_885 = arith.index_cast %add3A_749 : i32 to index
        %swap3A_886 = arith.constant 96 : index
        %swap3A_887 = tpu.vector_load %swap3A_884[%swap3A_885, %swap3A_886] {strides = array<i32>} : memref<128x128xf32, #tpu.memory_space<vmem>>, vector<1x16xf32>,
        %swap3A_888 = vector.shape_cast %swap3A_887 : vector<1x16xf32> to vector<16xf32>
        %swap3A_889 = vector.shape_cast %mul3A_880 : vector<16xf32> to vector<1x16xf32>
        tpu.vector_store %swap3A_884[%swap3A_885, %swap3A_886], %swap3A_889 {strides = array<i32>} : memref<128x128xf32, #tpu.memory_space<vmem>>, vector<1x16xf32>,
        %get3A_890 = arith.constant 0 : i32
        %get3A_891 = arith.constant 0 : i32
        %get3A_892 = tpu.memref_slice %arg6[%scan3A_390, %get3A_890, %get3A_891] : memref<5x128x128xf32, #tpu.memory_space<vmem>> -> memref<1x128x128xf32, #tpu.memory_space<vmem>>
        %get3A_893 = tpu.memref_squeeze %get3A_892 : memref<1x128x128xf32, #tpu.memory_space<vmem>> -> memref<128x128xf32, #tpu.memory_space<vmem>>
        %get3A_894 = arith.index_cast %add3A_749 : i32 to index
        %get3A_895 = arith.constant 112 : index
        %get3A_896 = tpu.vector_load %get3A_893[%get3A_894, %get3A_895] {strides = array<i32>} : memref<128x128xf32, #tpu.memory_space<vmem>>, vector<1x16xf32>,
        %get3A_897 = vector.shape_cast %get3A_896 : vector<1x16xf32> to vector<16xf32>
        %mul3A_898 = arith.constant 11.3137083 : f32
        %mul3A_899 = vector.broadcast %mul3A_898 : f32 to vector<16xf32>
        %mul3A_900 = arith.mulf %get3A_897, %mul3A_899 : vector<16xf32>
        %swap3A_901 = arith.constant 0 : i32
        %swap3A_902 = arith.constant 0 : i32
        %swap3A_903 = tpu.memref_slice %arg6[%scan3A_390, %swap3A_901, %swap3A_902] : memref<5x128x128xf32, #tpu.memory_space<vmem>> -> memref<1x128x128xf32, #tpu.memory_space<vmem>>
        %swap3A_904 = tpu.memref_squeeze %swap3A_903 : memref<1x128x128xf32, #tpu.memory_space<vmem>> -> memref<128x128xf32, #tpu.memory_space<vmem>>
        %swap3A_905 = arith.index_cast %add3A_749 : i32 to index
        %swap3A_906 = arith.constant 112 : index
        %swap3A_907 = tpu.vector_load %swap3A_904[%swap3A_905, %swap3A_906] {strides = array<i32>} : memref<128x128xf32, #tpu.memory_space<vmem>>, vector<1x16xf32>,
        %swap3A_908 = vector.shape_cast %swap3A_907 : vector<1x16xf32> to vector<16xf32>
        %swap3A_909 = vector.shape_cast %mul3A_900 : vector<16xf32> to vector<1x16xf32>
        tpu.vector_store %swap3A_904[%swap3A_905, %swap3A_906], %swap3A_909 {strides = array<i32>} : memref<128x128xf32, #tpu.memory_space<vmem>>, vector<1x16xf32>,
        %scan3A_910 = arith.constant 3 : i32
        %scan3A_911 = arith.addi %scan3A_415, %scan3A_910 : i32
        %mul3A_912 = arith.constant 1 : i32
        %mul3A_913 = arith.muli %scan3A_911, %mul3A_912 : i32
        %add3A_914 = arith.constant 0 : i32
        %add3A_915 = arith.addi %add3A_914, %mul3A_913 : i32
        %get3A_916 = arith.constant 0 : i32
        %get3A_917 = arith.constant 0 : i32
        %get3A_918 = tpu.memref_slice %arg6[%scan3A_390, %get3A_916, %get3A_917] : memref<5x128x128xf32, #tpu.memory_space<vmem>> -> memref<1x128x128xf32, #tpu.memory_space<vmem>>
        %get3A_919 = tpu.memref_squeeze %get3A_918 : memref<1x128x128xf32, #tpu.memory_space<vmem>> -> memref<128x128xf32, #tpu.memory_space<vmem>>
        %get3A_920 = arith.index_cast %add3A_915 : i32 to index
        %get3A_921 = arith.constant 0 : index
        %get3A_922 = tpu.vector_load %get3A_919[%get3A_920, %get3A_921] {strides = array<i32>} : memref<128x128xf32, #tpu.memory_space<vmem>>, vector<1x16xf32>,
        %get3A_923 = vector.shape_cast %get3A_922 : vector<1x16xf32> to vector<16xf32>
        %mul3A_924 = arith.constant 11.3137083 : f32
        %mul3A_925 = vector.broadcast %mul3A_924 : f32 to vector<16xf32>
        %mul3A_926 = arith.mulf %get3A_923, %mul3A_925 : vector<16xf32>
        %swap3A_927 = arith.constant 0 : i32
        %swap3A_928 = arith.constant 0 : i32
        %swap3A_929 = tpu.memref_slice %arg6[%scan3A_390, %swap3A_927, %swap3A_928] : memref<5x128x128xf32, #tpu.memory_space<vmem>> -> memref<1x128x128xf32, #tpu.memory_space<vmem>>
        %swap3A_930 = tpu.memref_squeeze %swap3A_929 : memref<1x128x128xf32, #tpu.memory_space<vmem>> -> memref<128x128xf32, #tpu.memory_space<vmem>>
        %swap3A_931 = arith.index_cast %add3A_915 : i32 to index
        %swap3A_932 = arith.constant 0 : index
        %swap3A_933 = tpu.vector_load %swap3A_930[%swap3A_931, %swap3A_932] {strides = array<i32>} : memref<128x128xf32, #tpu.memory_space<vmem>>, vector<1x16xf32>,
        %swap3A_934 = vector.shape_cast %swap3A_933 : vector<1x16xf32> to vector<16xf32>
        %swap3A_935 = vector.shape_cast %mul3A_926 : vector<16xf32> to vector<1x16xf32>
        tpu.vector_store %swap3A_930[%swap3A_931, %swap3A_932], %swap3A_935 {strides = array<i32>} : memref<128x128xf32, #tpu.memory_space<vmem>>, vector<1x16xf32>,
        %get3A_936 = arith.constant 0 : i32
        %get3A_937 = arith.constant 0 : i32
        %get3A_938 = tpu.memref_slice %arg6[%scan3A_390, %get3A_936, %get3A_937] : memref<5x128x128xf32, #tpu.memory_space<vmem>> -> memref<1x128x128xf32, #tpu.memory_space<vmem>>
        %get3A_939 = tpu.memref_squeeze %get3A_938 : memref<1x128x128xf32, #tpu.memory_space<vmem>> -> memref<128x128xf32, #tpu.memory_space<vmem>>
        %get3A_940 = arith.index_cast %add3A_915 : i32 to index
        %get3A_941 = arith.constant 16 : index
        %get3A_942 = tpu.vector_load %get3A_939[%get3A_940, %get3A_941] {strides = array<i32>} : memref<128x128xf32, #tpu.memory_space<vmem>>, vector<1x16xf32>,
        %get3A_943 = vector.shape_cast %get3A_942 : vector<1x16xf32> to vector<16xf32>
        %mul3A_944 = arith.constant 11.3137083 : f32
        %mul3A_945 = vector.broadcast %mul3A_944 : f32 to vector<16xf32>
        %mul3A_946 = arith.mulf %get3A_943, %mul3A_945 : vector<16xf32>
        %swap3A_947 = arith.constant 0 : i32
        %swap3A_948 = arith.constant 0 : i32
        %swap3A_949 = tpu.memref_slice %arg6[%scan3A_390, %swap3A_947, %swap3A_948] : memref<5x128x128xf32, #tpu.memory_space<vmem>> -> memref<1x128x128xf32, #tpu.memory_space<vmem>>
        %swap3A_950 = tpu.memref_squeeze %swap3A_949 : memref<1x128x128xf32, #tpu.memory_space<vmem>> -> memref<128x128xf32, #tpu.memory_space<vmem>>
        %swap3A_951 = arith.index_cast %add3A_915 : i32 to index
        %swap3A_952 = arith.constant 16 : index
        %swap3A_953 = tpu.vector_load %swap3A_950[%swap3A_951, %swap3A_952] {strides = array<i32>} : memref<128x128xf32, #tpu.memory_space<vmem>>, vector<1x16xf32>,
        %swap3A_954 = vector.shape_cast %swap3A_953 : vector<1x16xf32> to vector<16xf32>
        %swap3A_955 = vector.shape_cast %mul3A_946 : vector<16xf32> to vector<1x16xf32>
        tpu.vector_store %swap3A_950[%swap3A_951, %swap3A_952], %swap3A_955 {strides = array<i32>} : memref<128x128xf32, #tpu.memory_space<vmem>>, vector<1x16xf32>,
        %get3A_956 = arith.constant 0 : i32
        %get3A_957 = arith.constant 0 : i32
        %get3A_958 = tpu.memref_slice %arg6[%scan3A_390, %get3A_956, %get3A_957] : memref<5x128x128xf32, #tpu.memory_space<vmem>> -> memref<1x128x128xf32, #tpu.memory_space<vmem>>
        %get3A_959 = tpu.memref_squeeze %get3A_958 : memref<1x128x128xf32, #tpu.memory_space<vmem>> -> memref<128x128xf32, #tpu.memory_space<vmem>>
        %get3A_960 = arith.index_cast %add3A_915 : i32 to index
        %get3A_961 = arith.constant 32 : index
        %get3A_962 = tpu.vector_load %get3A_959[%get3A_960, %get3A_961] {strides = array<i32>} : memref<128x128xf32, #tpu.memory_space<vmem>>, vector<1x16xf32>,
        %get3A_963 = vector.shape_cast %get3A_962 : vector<1x16xf32> to vector<16xf32>
        %mul3A_964 = arith.constant 11.3137083 : f32
        %mul3A_965 = vector.broadcast %mul3A_964 : f32 to vector<16xf32>
        %mul3A_966 = arith.mulf %get3A_963, %mul3A_965 : vector<16xf32>
        %swap3A_967 = arith.constant 0 : i32
        %swap3A_968 = arith.constant 0 : i32
        %swap3A_969 = tpu.memref_slice %arg6[%scan3A_390, %swap3A_967, %swap3A_968] : memref<5x128x128xf32, #tpu.memory_space<vmem>> -> memref<1x128x128xf32, #tpu.memory_space<vmem>>
        %swap3A_970 = tpu.memref_squeeze %swap3A_969 : memref<1x128x128xf32, #tpu.memory_space<vmem>> -> memref<128x128xf32, #tpu.memory_space<vmem>>
        %swap3A_971 = arith.index_cast %add3A_915 : i32 to index
        %swap3A_972 = arith.constant 32 : index
        %swap3A_973 = tpu.vector_load %swap3A_970[%swap3A_971, %swap3A_972] {strides = array<i32>} : memref<128x128xf32, #tpu.memory_space<vmem>>, vector<1x16xf32>,
        %swap3A_974 = vector.shape_cast %swap3A_973 : vector<1x16xf32> to vector<16xf32>
        %swap3A_975 = vector.shape_cast %mul3A_966 : vector<16xf32> to vector<1x16xf32>
        tpu.vector_store %swap3A_970[%swap3A_971, %swap3A_972], %swap3A_975 {strides = array<i32>} : memref<128x128xf32, #tpu.memory_space<vmem>>, vector<1x16xf32>,
        %get3A_976 = arith.constant 0 : i32
        %get3A_977 = arith.constant 0 : i32
        %get3A_978 = tpu.memref_slice %arg6[%scan3A_390, %get3A_976, %get3A_977] : memref<5x128x128xf32, #tpu.memory_space<vmem>> -> memref<1x128x128xf32, #tpu.memory_space<vmem>>
        %get3A_979 = tpu.memref_squeeze %get3A_978 : memref<1x128x128xf32, #tpu.memory_space<vmem>> -> memref<128x128xf32, #tpu.memory_space<vmem>>
        %get3A_980 = arith.index_cast %add3A_915 : i32 to index
        %get3A_981 = arith.constant 48 : index
        %get3A_982 = tpu.vector_load %get3A_979[%get3A_980, %get3A_981] {strides = array<i32>} : memref<128x128xf32, #tpu.memory_space<vmem>>, vector<1x16xf32>,
        %get3A_983 = vector.shape_cast %get3A_982 : vector<1x16xf32> to vector<16xf32>
        %mul3A_984 = arith.constant 11.3137083 : f32
        %mul3A_985 = vector.broadcast %mul3A_984 : f32 to vector<16xf32>
        %mul3A_986 = arith.mulf %get3A_983, %mul3A_985 : vector<16xf32>
        %swap3A_987 = arith.constant 0 : i32
        %swap3A_988 = arith.constant 0 : i32
        %swap3A_989 = tpu.memref_slice %arg6[%scan3A_390, %swap3A_987, %swap3A_988] : memref<5x128x128xf32, #tpu.memory_space<vmem>> -> memref<1x128x128xf32, #tpu.memory_space<vmem>>
        %swap3A_990 = tpu.memref_squeeze %swap3A_989 : memref<1x128x128xf32, #tpu.memory_space<vmem>> -> memref<128x128xf32, #tpu.memory_space<vmem>>
        %swap3A_991 = arith.index_cast %add3A_915 : i32 to index
        %swap3A_992 = arith.constant 48 : index
        %swap3A_993 = tpu.vector_load %swap3A_990[%swap3A_991, %swap3A_992] {strides = array<i32>} : memref<128x128xf32, #tpu.memory_space<vmem>>, vector<1x16xf32>,
        %swap3A_994 = vector.shape_cast %swap3A_993 : vector<1x16xf32> to vector<16xf32>
        %swap3A_995 = vector.shape_cast %mul3A_986 : vector<16xf32> to vector<1x16xf32>
        tpu.vector_store %swap3A_990[%swap3A_991, %swap3A_992], %swap3A_995 {strides = array<i32>} : memref<128x128xf32, #tpu.memory_space<vmem>>, vector<1x16xf32>,
        %get3A_996 = arith.constant 0 : i32
        %get3A_997 = arith.constant 0 : i32
        %get3A_998 = tpu.memref_slice %arg6[%scan3A_390, %get3A_996, %get3A_997] : memref<5x128x128xf32, #tpu.memory_space<vmem>> -> memref<1x128x128xf32, #tpu.memory_space<vmem>>
        %get3A_999 = tpu.memref_squeeze %get3A_998 : memref<1x128x128xf32, #tpu.memory_space<vmem>> -> memref<128x128xf32, #tpu.memory_space<vmem>>
        %get3A_1000 = arith.index_cast %add3A_915 : i32 to index
        %get3A_1001 = arith.constant 64 : index
        %get3A_1002 = tpu.vector_load %get3A_999[%get3A_1000, %get3A_1001] {strides = array<i32>} : memref<128x128xf32, #tpu.memory_space<vmem>>, vector<1x16xf32>,
        %get3A_1003 = vector.shape_cast %get3A_1002 : vector<1x16xf32> to vector<16xf32>
        %mul3A_1004 = arith.constant 11.3137083 : f32
        %mul3A_1005 = vector.broadcast %mul3A_1004 : f32 to vector<16xf32>
        %mul3A_1006 = arith.mulf %get3A_1003, %mul3A_1005 : vector<16xf32>
        %swap3A_1007 = arith.constant 0 : i32
        %swap3A_1008 = arith.constant 0 : i32
        %swap3A_1009 = tpu.memref_slice %arg6[%scan3A_390, %swap3A_1007, %swap3A_1008] : memref<5x128x128xf32, #tpu.memory_space<vmem>> -> memref<1x128x128xf32, #tpu.memory_space<vmem>>
        %swap3A_1010 = tpu.memref_squeeze %swap3A_1009 : memref<1x128x128xf32, #tpu.memory_space<vmem>> -> memref<128x128xf32, #tpu.memory_space<vmem>>
        %swap3A_1011 = arith.index_cast %add3A_915 : i32 to index
        %swap3A_1012 = arith.constant 64 : index
        %swap3A_1013 = tpu.vector_load %swap3A_1010[%swap3A_1011, %swap3A_1012] {strides = array<i32>} : memref<128x128xf32, #tpu.memory_space<vmem>>, vector<1x16xf32>,
        %swap3A_1014 = vector.shape_cast %swap3A_1013 : vector<1x16xf32> to vector<16xf32>
        %swap3A_1015 = vector.shape_cast %mul3A_1006 : vector<16xf32> to vector<1x16xf32>
        tpu.vector_store %swap3A_1010[%swap3A_1011, %swap3A_1012], %swap3A_1015 {strides = array<i32>} : memref<128x128xf32, #tpu.memory_space<vmem>>, vector<1x16xf32>,
        %get3A_1016 = arith.constant 0 : i32
        %get3A_1017 = arith.constant 0 : i32
        %get3A_1018 = tpu.memref_slice %arg6[%scan3A_390, %get3A_1016, %get3A_1017] : memref<5x128x128xf32, #tpu.memory_space<vmem>> -> memref<1x128x128xf32, #tpu.memory_space<vmem>>
        %get3A_1019 = tpu.memref_squeeze %get3A_1018 : memref<1x128x128xf32, #tpu.memory_space<vmem>> -> memref<128x128xf32, #tpu.memory_space<vmem>>
        %get3A_1020 = arith.index_cast %add3A_915 : i32 to index
        %get3A_1021 = arith.constant 80 : index
        %get3A_1022 = tpu.vector_load %get3A_1019[%get3A_1020, %get3A_1021] {strides = array<i32>} : memref<128x128xf32, #tpu.memory_space<vmem>>, vector<1x16xf32>,
        %get3A_1023 = vector.shape_cast %get3A_1022 : vector<1x16xf32> to vector<16xf32>
        %mul3A_1024 = arith.constant 11.3137083 : f32
        %mul3A_1025 = vector.broadcast %mul3A_1024 : f32 to vector<16xf32>
        %mul3A_1026 = arith.mulf %get3A_1023, %mul3A_1025 : vector<16xf32>
        %swap3A_1027 = arith.constant 0 : i32
        %swap3A_1028 = arith.constant 0 : i32
        %swap3A_1029 = tpu.memref_slice %arg6[%scan3A_390, %swap3A_1027, %swap3A_1028] : memref<5x128x128xf32, #tpu.memory_space<vmem>> -> memref<1x128x128xf32, #tpu.memory_space<vmem>>
        %swap3A_1030 = tpu.memref_squeeze %swap3A_1029 : memref<1x128x128xf32, #tpu.memory_space<vmem>> -> memref<128x128xf32, #tpu.memory_space<vmem>>
        %swap3A_1031 = arith.index_cast %add3A_915 : i32 to index
        %swap3A_1032 = arith.constant 80 : index
        %swap3A_1033 = tpu.vector_load %swap3A_1030[%swap3A_1031, %swap3A_1032] {strides = array<i32>} : memref<128x128xf32, #tpu.memory_space<vmem>>, vector<1x16xf32>,
        %swap3A_1034 = vector.shape_cast %swap3A_1033 : vector<1x16xf32> to vector<16xf32>
        %swap3A_1035 = vector.shape_cast %mul3A_1026 : vector<16xf32> to vector<1x16xf32>
        tpu.vector_store %swap3A_1030[%swap3A_1031, %swap3A_1032], %swap3A_1035 {strides = array<i32>} : memref<128x128xf32, #tpu.memory_space<vmem>>, vector<1x16xf32>,
        %get3A_1036 = arith.constant 0 : i32
        %get3A_1037 = arith.constant 0 : i32
        %get3A_1038 = tpu.memref_slice %arg6[%scan3A_390, %get3A_1036, %get3A_1037] : memref<5x128x128xf32, #tpu.memory_space<vmem>> -> memref<1x128x128xf32, #tpu.memory_space<vmem>>
        %get3A_1039 = tpu.memref_squeeze %get3A_1038 : memref<1x128x128xf32, #tpu.memory_space<vmem>> -> memref<128x128xf32, #tpu.memory_space<vmem>>
        %get3A_1040 = arith.index_cast %add3A_915 : i32 to index
        %get3A_1041 = arith.constant 96 : index
        %get3A_1042 = tpu.vector_load %get3A_1039[%get3A_1040, %get3A_1041] {strides = array<i32>} : memref<128x128xf32, #tpu.memory_space<vmem>>, vector<1x16xf32>,
        %get3A_1043 = vector.shape_cast %get3A_1042 : vector<1x16xf32> to vector<16xf32>
        %mul3A_1044 = arith.constant 11.3137083 : f32
        %mul3A_1045 = vector.broadcast %mul3A_1044 : f32 to vector<16xf32>
        %mul3A_1046 = arith.mulf %get3A_1043, %mul3A_1045 : vector<16xf32>
        %swap3A_1047 = arith.constant 0 : i32
        %swap3A_1048 = arith.constant 0 : i32
        %swap3A_1049 = tpu.memref_slice %arg6[%scan3A_390, %swap3A_1047, %swap3A_1048] : memref<5x128x128xf32, #tpu.memory_space<vmem>> -> memref<1x128x128xf32, #tpu.memory_space<vmem>>
        %swap3A_1050 = tpu.memref_squeeze %swap3A_1049 : memref<1x128x128xf32, #tpu.memory_space<vmem>> -> memref<128x128xf32, #tpu.memory_space<vmem>>
        %swap3A_1051 = arith.index_cast %add3A_915 : i32 to index
        %swap3A_1052 = arith.constant 96 : index
        %swap3A_1053 = tpu.vector_load %swap3A_1050[%swap3A_1051, %swap3A_1052] {strides = array<i32>} : memref<128x128xf32, #tpu.memory_space<vmem>>, vector<1x16xf32>,
        %swap3A_1054 = vector.shape_cast %swap3A_1053 : vector<1x16xf32> to vector<16xf32>
        %swap3A_1055 = vector.shape_cast %mul3A_1046 : vector<16xf32> to vector<1x16xf32>
        tpu.vector_store %swap3A_1050[%swap3A_1051, %swap3A_1052], %swap3A_1055 {strides = array<i32>} : memref<128x128xf32, #tpu.memory_space<vmem>>, vector<1x16xf32>,
        %get3A_1056 = arith.constant 0 : i32
        %get3A_1057 = arith.constant 0 : i32
        %get3A_1058 = tpu.memref_slice %arg6[%scan3A_390, %get3A_1056, %get3A_1057] : memref<5x128x128xf32, #tpu.memory_space<vmem>> -> memref<1x128x128xf32, #tpu.memory_space<vmem>>
        %get3A_1059 = tpu.memref_squeeze %get3A_1058 : memref<1x128x128xf32, #tpu.memory_space<vmem>> -> memref<128x128xf32, #tpu.memory_space<vmem>>
        %get3A_1060 = arith.index_cast %add3A_915 : i32 to index
        %get3A_1061 = arith.constant 112 : index
        %get3A_1062 = tpu.vector_load %get3A_1059[%get3A_1060, %get3A_1061] {strides = array<i32>} : memref<128x128xf32, #tpu.memory_space<vmem>>, vector<1x16xf32>,
        %get3A_1063 = vector.shape_cast %get3A_1062 : vector<1x16xf32> to vector<16xf32>
        %mul3A_1064 = arith.constant 11.3137083 : f32
        %mul3A_1065 = vector.broadcast %mul3A_1064 : f32 to vector<16xf32>
        %mul3A_1066 = arith.mulf %get3A_1063, %mul3A_1065 : vector<16xf32>
        %swap3A_1067 = arith.constant 0 : i32
        %swap3A_1068 = arith.constant 0 : i32
        %swap3A_1069 = tpu.memref_slice %arg6[%scan3A_390, %swap3A_1067, %swap3A_1068] : memref<5x128x128xf32, #tpu.memory_space<vmem>> -> memref<1x128x128xf32, #tpu.memory_space<vmem>>
        %swap3A_1070 = tpu.memref_squeeze %swap3A_1069 : memref<1x128x128xf32, #tpu.memory_space<vmem>> -> memref<128x128xf32, #tpu.memory_space<vmem>>
        %swap3A_1071 = arith.index_cast %add3A_915 : i32 to index
        %swap3A_1072 = arith.constant 112 : index
        %swap3A_1073 = tpu.vector_load %swap3A_1070[%swap3A_1071, %swap3A_1072] {strides = array<i32>} : memref<128x128xf32, #tpu.memory_space<vmem>>, vector<1x16xf32>,
        %swap3A_1074 = vector.shape_cast %swap3A_1073 : vector<1x16xf32> to vector<16xf32>
        %swap3A_1075 = vector.shape_cast %mul3A_1066 : vector<16xf32> to vector<1x16xf32>
        tpu.vector_store %swap3A_1070[%swap3A_1071, %swap3A_1072], %swap3A_1075 {strides = array<i32>} : memref<128x128xf32, #tpu.memory_space<vmem>>, vector<1x16xf32>,
      }
      %scan3A_395 = arith.constant 128 : i32
      %mul3A_396 = arith.constant 128 : i32
      %mul3A_397 = arith.muli %add3A_356, %mul3A_396 : i32
      %add3A_398 = arith.addi %mul3A_2, %mul3A_397 : i32
      %dma_start3A_399 = arith.constant 4 : i32
      %dma_start3A_400 = arith.constant 4 : i32
      %dma_start3A_401 = arith.constant 0 : i32
      %dma_start3A_402 = arith.constant 0 : i32
      %dma_start3A_403 = tpu.memref_slice %arg6[%dma_start3A_399, %dma_start3A_401, %dma_start3A_402] : memref<5x128x128xf32, #tpu.memory_space<vmem>> -> memref<1x128x128xf32, #tpu.memory_space<vmem>>
      %dma_start3A_404 = tpu.memref_squeeze %dma_start3A_403 : memref<1x128x128xf32, #tpu.memory_space<vmem>> -> memref<128x128xf32, #tpu.memory_space<vmem>>
      %dma_start3A_405 = arith.constant 0 : i32
      %dma_start3A_406 = tpu.memref_slice %arg4[%add3A_398, %dma_start3A_405] : memref<204800x128xf32, #tpu.memory_space<hbm>> -> memref<128x128xf32, #tpu.memory_space<hbm>>
      %dma_start3A_407 = tpu.memref_slice %arg8[%dma_start3A_400] : memref<5x!tpu.dma_semaphore, #tpu.memory_space<semaphore_mem>> -> memref<1x!tpu.dma_semaphore, #tpu.memory_space<semaphore_mem>>
      %dma_start3A_408 = tpu.memref_squeeze %dma_start3A_407 : memref<1x!tpu.dma_semaphore, #tpu.memory_space<semaphore_mem>> -> memref<!tpu.dma_semaphore, #tpu.memory_space<semaphore_mem>>
      %dma_start3A_409 = arith.constant 0 : i32
      %dma_start3A_410 = tpu.memref_slice %arg4[%add3A_398, %dma_start3A_409] : memref<204800x128xf32, #tpu.memory_space<hbm>> -> memref<128x128xf32, #tpu.memory_space<hbm>>
      %dma_start3A_411 = arith.constant 0 : i32
      %dma_start3A_412 = arith.constant 0 : i32
      %dma_start3A_413 = tpu.memref_slice %arg6[%dma_start3A_399, %dma_start3A_411, %dma_start3A_412] : memref<5x128x128xf32, #tpu.memory_space<vmem>> -> memref<1x128x128xf32, #tpu.memory_space<vmem>>
      %dma_start3A_414 = tpu.memref_squeeze %dma_start3A_413 : memref<1x128x128xf32, #tpu.memory_space<vmem>> -> memref<128x128xf32, #tpu.memory_space<vmem>>
      tpu.enqueue_dma source(%dma_start3A_414 : memref<128x128xf32, #tpu.memory_space<vmem>>) target(%dma_start3A_410 : memref<128x128xf32, #tpu.memory_space<hbm>>) target_semaphore(%dma_start3A_408 : memref<!tpu.dma_semaphore, #tpu.memory_space<semaphore_mem>>)
    }
    %scan3A_35 = arith.constant 10 : i32
    %dma_wait3A = arith.constant 0 : i32
    %dma_wait3A_36 = arith.constant 0 : i32
    %dma_wait3A_37 = arith.constant 0 : i32
    %dma_wait3A_38 = arith.constant 0 : i32
    %dma_wait3A_39 = tpu.memref_slice %arg6[%dma_wait3A, %dma_wait3A_37, %dma_wait3A_38] : memref<5x128x128xf32, #tpu.memory_space<vmem>> -> memref<1x128x128xf32, #tpu.memory_space<vmem>>
    %dma_wait3A_40 = tpu.memref_squeeze %dma_wait3A_39 : memref<1x128x128xf32, #tpu.memory_space<vmem>> -> memref<128x128xf32, #tpu.memory_space<vmem>>
    %dma_wait3A_41 = arith.constant 0 : i32
    %dma_wait3A_42 = tpu.memref_slice %arg4[%mul3A_2, %dma_wait3A_41] : memref<204800x128xf32, #tpu.memory_space<hbm>> -> memref<128x128xf32, #tpu.memory_space<hbm>>
    %dma_wait3A_43 = tpu.memref_slice %arg8[%dma_wait3A_36] : memref<5x!tpu.dma_semaphore, #tpu.memory_space<semaphore_mem>> -> memref<1x!tpu.dma_semaphore, #tpu.memory_space<semaphore_mem>>
    %dma_wait3A_44 = tpu.memref_squeeze %dma_wait3A_43 : memref<1x!tpu.dma_semaphore, #tpu.memory_space<semaphore_mem>> -> memref<!tpu.dma_semaphore, #tpu.memory_space<semaphore_mem>>
    %dma_wait3A_45 = arith.constant 0 : i32
    %dma_wait3A_46 = tpu.memref_slice %arg4[%mul3A_2, %dma_wait3A_45] : memref<204800x128xf32, #tpu.memory_space<hbm>> -> memref<128x128xf32, #tpu.memory_space<hbm>>
    %dma_wait3A_47 = arith.constant 0 : i32
    %dma_wait3A_48 = arith.constant 0 : i32
    %dma_wait3A_49 = tpu.memref_slice %arg6[%dma_wait3A, %dma_wait3A_47, %dma_wait3A_48] : memref<5x128x128xf32, #tpu.memory_space<vmem>> -> memref<1x128x128xf32, #tpu.memory_space<vmem>>
    %dma_wait3A_50 = tpu.memref_squeeze %dma_wait3A_49 : memref<1x128x128xf32, #tpu.memory_space<vmem>> -> memref<128x128xf32, #tpu.memory_space<vmem>>
    tpu.wait_dma2 semaphore(%dma_wait3A_44 : memref<!tpu.dma_semaphore, #tpu.memory_space<semaphore_mem>>) src(%dma_wait3A_50 : memref<128x128xf32, #tpu.memory_space<vmem>>) dst(%dma_wait3A_46 : memref<128x128xf32, #tpu.memory_space<hbm>>)
    %dma_wait3A_51 = arith.constant 1 : i32
    %dma_wait3A_52 = arith.constant 1 : i32
    %dma_wait3A_53 = arith.constant 0 : i32
    %dma_wait3A_54 = arith.constant 0 : i32
    %dma_wait3A_55 = tpu.memref_slice %arg6[%dma_wait3A_51, %dma_wait3A_53, %dma_wait3A_54] : memref<5x128x128xf32, #tpu.memory_space<vmem>> -> memref<1x128x128xf32, #tpu.memory_space<vmem>>
    %dma_wait3A_56 = tpu.memref_squeeze %dma_wait3A_55 : memref<1x128x128xf32, #tpu.memory_space<vmem>> -> memref<128x128xf32, #tpu.memory_space<vmem>>
    %dma_wait3A_57 = arith.constant 0 : i32
    %dma_wait3A_58 = tpu.memref_slice %arg4[%mul3A_2, %dma_wait3A_57] : memref<204800x128xf32, #tpu.memory_space<hbm>> -> memref<128x128xf32, #tpu.memory_space<hbm>>
    %dma_wait3A_59 = tpu.memref_slice %arg8[%dma_wait3A_52] : memref<5x!tpu.dma_semaphore, #tpu.memory_space<semaphore_mem>> -> memref<1x!tpu.dma_semaphore, #tpu.memory_space<semaphore_mem>>
    %dma_wait3A_60 = tpu.memref_squeeze %dma_wait3A_59 : memref<1x!tpu.dma_semaphore, #tpu.memory_space<semaphore_mem>> -> memref<!tpu.dma_semaphore, #tpu.memory_space<semaphore_mem>>
    %dma_wait3A_61 = arith.constant 0 : i32
    %dma_wait3A_62 = tpu.memref_slice %arg4[%mul3A_2, %dma_wait3A_61] : memref<204800x128xf32, #tpu.memory_space<hbm>> -> memref<128x128xf32, #tpu.memory_space<hbm>>
    %dma_wait3A_63 = arith.constant 0 : i32
    %dma_wait3A_64 = arith.constant 0 : i32
    %dma_wait3A_65 = tpu.memref_slice %arg6[%dma_wait3A_51, %dma_wait3A_63, %dma_wait3A_64] : memref<5x128x128xf32, #tpu.memory_space<vmem>> -> memref<1x128x128xf32, #tpu.memory_space<vmem>>
    %dma_wait3A_66 = tpu.memref_squeeze %dma_wait3A_65 : memref<1x128x128xf32, #tpu.memory_space<vmem>> -> memref<128x128xf32, #tpu.memory_space<vmem>>
    tpu.wait_dma2 semaphore(%dma_wait3A_60 : memref<!tpu.dma_semaphore, #tpu.memory_space<semaphore_mem>>) src(%dma_wait3A_66 : memref<128x128xf32, #tpu.memory_space<vmem>>) dst(%dma_wait3A_62 : memref<128x128xf32, #tpu.memory_space<hbm>>)
    %dma_wait3A_67 = arith.constant 2 : i32
    %dma_wait3A_68 = arith.constant 2 : i32
    %dma_wait3A_69 = arith.constant 0 : i32
    %dma_wait3A_70 = arith.constant 0 : i32
    %dma_wait3A_71 = tpu.memref_slice %arg6[%dma_wait3A_67, %dma_wait3A_69, %dma_wait3A_70] : memref<5x128x128xf32, #tpu.memory_space<vmem>> -> memref<1x128x128xf32, #tpu.memory_space<vmem>>
    %dma_wait3A_72 = tpu.memref_squeeze %dma_wait3A_71 : memref<1x128x128xf32, #tpu.memory_space<vmem>> -> memref<128x128xf32, #tpu.memory_space<vmem>>
    %dma_wait3A_73 = arith.constant 0 : i32
    %dma_wait3A_74 = tpu.memref_slice %arg4[%mul3A_2, %dma_wait3A_73] : memref<204800x128xf32, #tpu.memory_space<hbm>> -> memref<128x128xf32, #tpu.memory_space<hbm>>
    %dma_wait3A_75 = tpu.memref_slice %arg8[%dma_wait3A_68] : memref<5x!tpu.dma_semaphore, #tpu.memory_space<semaphore_mem>> -> memref<1x!tpu.dma_semaphore, #tpu.memory_space<semaphore_mem>>
    %dma_wait3A_76 = tpu.memref_squeeze %dma_wait3A_75 : memref<1x!tpu.dma_semaphore, #tpu.memory_space<semaphore_mem>> -> memref<!tpu.dma_semaphore, #tpu.memory_space<semaphore_mem>>
    %dma_wait3A_77 = arith.constant 0 : i32
    %dma_wait3A_78 = tpu.memref_slice %arg4[%mul3A_2, %dma_wait3A_77] : memref<204800x128xf32, #tpu.memory_space<hbm>> -> memref<128x128xf32, #tpu.memory_space<hbm>>
    %dma_wait3A_79 = arith.constant 0 : i32
    %dma_wait3A_80 = arith.constant 0 : i32
    %dma_wait3A_81 = tpu.memref_slice %arg6[%dma_wait3A_67, %dma_wait3A_79, %dma_wait3A_80] : memref<5x128x128xf32, #tpu.memory_space<vmem>> -> memref<1x128x128xf32, #tpu.memory_space<vmem>>
    %dma_wait3A_82 = tpu.memref_squeeze %dma_wait3A_81 : memref<1x128x128xf32, #tpu.memory_space<vmem>> -> memref<128x128xf32, #tpu.memory_space<vmem>>
    tpu.wait_dma2 semaphore(%dma_wait3A_76 : memref<!tpu.dma_semaphore, #tpu.memory_space<semaphore_mem>>) src(%dma_wait3A_82 : memref<128x128xf32, #tpu.memory_space<vmem>>) dst(%dma_wait3A_78 : memref<128x128xf32, #tpu.memory_space<hbm>>)
    %dma_wait3A_83 = arith.constant 3 : i32
    %dma_wait3A_84 = arith.constant 3 : i32
    %dma_wait3A_85 = arith.constant 0 : i32
    %dma_wait3A_86 = arith.constant 0 : i32
    %dma_wait3A_87 = tpu.memref_slice %arg6[%dma_wait3A_83, %dma_wait3A_85, %dma_wait3A_86] : memref<5x128x128xf32, #tpu.memory_space<vmem>> -> memref<1x128x128xf32, #tpu.memory_space<vmem>>
    %dma_wait3A_88 = tpu.memref_squeeze %dma_wait3A_87 : memref<1x128x128xf32, #tpu.memory_space<vmem>> -> memref<128x128xf32, #tpu.memory_space<vmem>>
    %dma_wait3A_89 = arith.constant 0 : i32
    %dma_wait3A_90 = tpu.memref_slice %arg4[%mul3A_2, %dma_wait3A_89] : memref<204800x128xf32, #tpu.memory_space<hbm>> -> memref<128x128xf32, #tpu.memory_space<hbm>>
    %dma_wait3A_91 = tpu.memref_slice %arg8[%dma_wait3A_84] : memref<5x!tpu.dma_semaphore, #tpu.memory_space<semaphore_mem>> -> memref<1x!tpu.dma_semaphore, #tpu.memory_space<semaphore_mem>>
    %dma_wait3A_92 = tpu.memref_squeeze %dma_wait3A_91 : memref<1x!tpu.dma_semaphore, #tpu.memory_space<semaphore_mem>> -> memref<!tpu.dma_semaphore, #tpu.memory_space<semaphore_mem>>
    %dma_wait3A_93 = arith.constant 0 : i32
    %dma_wait3A_94 = tpu.memref_slice %arg4[%mul3A_2, %dma_wait3A_93] : memref<204800x128xf32, #tpu.memory_space<hbm>> -> memref<128x128xf32, #tpu.memory_space<hbm>>
    %dma_wait3A_95 = arith.constant 0 : i32
    %dma_wait3A_96 = arith.constant 0 : i32
    %dma_wait3A_97 = tpu.memref_slice %arg6[%dma_wait3A_83, %dma_wait3A_95, %dma_wait3A_96] : memref<5x128x128xf32, #tpu.memory_space<vmem>> -> memref<1x128x128xf32, #tpu.memory_space<vmem>>
    %dma_wait3A_98 = tpu.memref_squeeze %dma_wait3A_97 : memref<1x128x128xf32, #tpu.memory_space<vmem>> -> memref<128x128xf32, #tpu.memory_space<vmem>>
    tpu.wait_dma2 semaphore(%dma_wait3A_92 : memref<!tpu.dma_semaphore, #tpu.memory_space<semaphore_mem>>) src(%dma_wait3A_98 : memref<128x128xf32, #tpu.memory_space<vmem>>) dst(%dma_wait3A_94 : memref<128x128xf32, #tpu.memory_space<hbm>>)
    %dma_wait3A_99 = arith.constant 4 : i32
    %dma_wait3A_100 = arith.constant 4 : i32
    %dma_wait3A_101 = arith.constant 0 : i32
    %dma_wait3A_102 = arith.constant 0 : i32
    %dma_wait3A_103 = tpu.memref_slice %arg6[%dma_wait3A_99, %dma_wait3A_101, %dma_wait3A_102] : memref<5x128x128xf32, #tpu.memory_space<vmem>> -> memref<1x128x128xf32, #tpu.memory_space<vmem>>
    %dma_wait3A_104 = tpu.memref_squeeze %dma_wait3A_103 : memref<1x128x128xf32, #tpu.memory_space<vmem>> -> memref<128x128xf32, #tpu.memory_space<vmem>>
    %dma_wait3A_105 = arith.constant 0 : i32
    %dma_wait3A_106 = tpu.memref_slice %arg4[%mul3A_2, %dma_wait3A_105] : memref<204800x128xf32, #tpu.memory_space<hbm>> -> memref<128x128xf32, #tpu.memory_space<hbm>>
    %dma_wait3A_107 = tpu.memref_slice %arg8[%dma_wait3A_100] : memref<5x!tpu.dma_semaphore, #tpu.memory_space<semaphore_mem>> -> memref<1x!tpu.dma_semaphore, #tpu.memory_space<semaphore_mem>>
    %dma_wait3A_108 = tpu.memref_squeeze %dma_wait3A_107 : memref<1x!tpu.dma_semaphore, #tpu.memory_space<semaphore_mem>> -> memref<!tpu.dma_semaphore, #tpu.memory_space<semaphore_mem>>
    %dma_wait3A_109 = arith.constant 0 : i32
    %dma_wait3A_110 = tpu.memref_slice %arg4[%mul3A_2, %dma_wait3A_109] : memref<204800x128xf32, #tpu.memory_space<hbm>> -> memref<128x128xf32, #tpu.memory_space<hbm>>
    %dma_wait3A_111 = arith.constant 0 : i32
    %dma_wait3A_112 = arith.constant 0 : i32
    %dma_wait3A_113 = tpu.memref_slice %arg6[%dma_wait3A_99, %dma_wait3A_111, %dma_wait3A_112] : memref<5x128x128xf32, #tpu.memory_space<vmem>> -> memref<1x128x128xf32, #tpu.memory_space<vmem>>
    %dma_wait3A_114 = tpu.memref_squeeze %dma_wait3A_113 : memref<1x128x128xf32, #tpu.memory_space<vmem>> -> memref<128x128xf32, #tpu.memory_space<vmem>>
    tpu.wait_dma2 semaphore(%dma_wait3A_108 : memref<!tpu.dma_semaphore, #tpu.memory_space<semaphore_mem>>) src(%dma_wait3A_114 : memref<128x128xf32, #tpu.memory_space<vmem>>) dst(%dma_wait3A_110 : memref<128x128xf32, #tpu.memory_space<hbm>>)
    return
  }
}

</mosaic_0001>

<sc_bundles>
// kernel: _embed.3.cloned.1.call-start
scs
__scs_entry_jumppad:
0x0: {  	(pc) =	sbr.rel $0x88, $3  }
0x1: {  	(tag) =	ssettag $0x0;
	lr =	simm.s32 $0x1  }
0x2: {  	[smem:$0x3F9F] =	sst lr;
	_ =	strace $0xD0000000  }
0x3: {  	_ = 	snop  }
0x4: {  	_ = 	snop  }
0x5: {  	_ = 	snop  }
0x6: {  	_ = 	snop  }
0x7: {  	_ = 	snop  }
__scs_overlays_trampoline_lowered:
0x8: {  	[smem:$0x3FAE] =	sst s0  }
0x9: {  	[smem:$0x3FAF] =	sst s1  }
0xa: {  	[smem:$0x3FB0] =	sst s2  }
0xb: {  	[smem:$0x3FB1] =	sst s3  }
0xc: {  	[smem:$0x3FB2] =	sst s4  }
0xd: {  	[smem:$0x3FB3] =	sst s5  }
0xe: {  	[smem:$0x3FB4] =	sst s6  }
0xf: {  	[smem:$0x3FB5] =	sst s7  }
0x10: {  	[smem:$0x3FB6] =	sst s8  }
0x11: {  	[smem:$0x3FB7] =	sst s9;
	s0 =	simm.s32 @!p0 $0x0  }
0x12: {  	s1 =	sld [smem:$0x3F9D];
	s0 =	simm.s32 @p0 $0x1  }
0x13: {  	[smem:$0x3FB8] =	sst s0;
	s0 =	simm.s32 @!p1 $0x0  }
0x14: {  	s2 =	sld [smem:$0x3F9C];
	s0 =	simm.s32 @p1 $0x1  }
0x15: {  	[smem:$0x3FB9] =	sst s0;
	s0 =	simm.s32 @!p2 $0x0  }
0x16: {  	s3 =	sld [smem:$0x3FDB];
	s0 =	simm.s32 @p2 $0x1  }
0x17: {  	s4 =	simm.s32 $0x1BF5;
	[smem:$0x3FBB] =	sst s0  }
0x18: {  	s0 =	sld [smem:$0x3F9E];
	_ =	swait.ge [sflag:s4], $0x0  }
0x19: {  	s7 =	sld [smem:$0x3F9F]  }
0x1a: {  	s8 =	sadd.s32 $0xFFFFE003, lr  }
0x1b: {  	s9 =	sadd.s32 $0xFFFFFEF7, lr;
	s5 =	simm.s32 $0xFFFFFFFF;
	p2 =	slt.u32 s8, $0xFFFFF086  }
0x1c: {  	p1 =	slt.u32 s9, $0xF7A;
	s5 =	simm.s32 @!p2 $0x0  }
0x1d: {  	s5 =	simm.s32 @p1 $0x1;
	p0 =	seq.s32 s7, s2  }
0x1e: {  	s7 =	smul.u32 @!p0 $0xF7A, s2;
	p2 =	seq.s32 @!p0 s5, $0x0  }
0x1f: {  	s9 =	smul.u32 $0xF7A, s1;
	s8 =	simm.s32 @!p0 $0x1BF5;
	p2 =	por !p2, p0  }
0x20: {  	[sflag:s8] =	ssyncset.s32 @!p0 $0xFFFFF086;
	s6 =	sadd.s32 @!p0 s3, s7;
	s7 =	simm.s32 @!p0 $0x108  }
0x21: {  	s3 =	sadd.s32 s3, s9;
	s6 =	sadd.s32 @!p0 $0x88, s6;
	s7 =	simm.s32 @p2 $0x1082  }
0x22: {  	[simem:s7], [sflag:s8] =	dma.local @!p0 [hbm:s6], $0xF7A  }
0x23: {  	s9 =	sor.u32 $0xD0000000, s2;
	s6 =	simm.s32 $0x108;
	_ =	swait.ge @!p0 [sflag:s8], $0x0  }
0x24: {  	s3 =	sadd.s32 $0x88, s3;
	s6 =	simm.s32 @!p1 $0x1082;
	[sflag:s4] =	ssyncset.s32 $0xFFFFF086  }
0x25: {  	[simem:s6], [sflag:s4] =	dma.local [hbm:s3], $0xF7A  }
0x26: {  	[smem:$0x3F9F] =	sst s1;
	(tag) =	ssettag s2;
	_ =	strace s9  }
0x27: {  	s1 =	sld [smem:$0x3FAF]  }
0x28: {  	s2 =	sld [smem:$0x3FB0]  }
0x29: {  	s4 =	sld [smem:$0x3FB2]  }
0x2a: {  	p0 =	seq.s32 s5, $0x0;
	s5 =	sld [smem:$0x3FB3]  }
0x2b: {  	s6 =	sld [smem:$0x3FB4]  }
0x2c: {  	s7 =	sld [smem:$0x3FB5]  }
0x2d: {  	s3 =	simm.s32 $0x108;
	s8 =	sld [smem:$0x3FB6]  }
0x2e: {  	s3 =	simm.s32 @!p0 $0x1082;
	s9 =	sld [smem:$0x3FB7]  }
0x2f: {  	lr =	sadd.s32 s0, s3;
	s0 =	sld [smem:$0x3FAE]  }
0x30: {  	s3 =	sld [smem:$0x3FB1]  }
0x31: {  	[smem:$0x3FBA] =	sst s10  }
0x32: {  	s10 =	sld [smem:$0x3FB8];
	_ =	sdelay $0x3  }
0x33: {  	p0 =	seq.s32 s10, $0x1;
	s10 =	sld [smem:$0x3FBA];
	_ =	sdelay $0x3  }
0x34: {  	[smem:$0x3FBA] =	sst s10  }
0x35: {  	s10 =	sld [smem:$0x3FB9];
	_ =	sdelay $0x3  }
0x36: {  	p1 =	seq.s32 s10, $0x1;
	s10 =	sld [smem:$0x3FBA];
	_ =	sdelay $0x3  }
0x37: {  	[smem:$0x3FBA] =	sst s10  }
0x38: {  	s10 =	sld [smem:$0x3FBB]  }
0x39: {  	_ = 	snop;
	(pc) =	sbr.ind lr, $3  }
0x3a: {  	_ = 	snop  }
0x3b: {  	_ = 	snop  }
0x3c: {  	p2 =	seq.s32 s10, $0x1;
	s10 =	sld [smem:$0x3FBA]  }
0x3d: {  	_ =	shalt  }
0x3e: {  	_ =	shalt  }
0x3f: {  	_ =	shalt  }
0x40: {  	_ =	shalt  }
0x41: {  	_ =	shalt  }
0x42: {  	_ =	shalt  }
0x43: {  	_ =	shalt  }
0x44: {  	_ =	shalt  }
0x45: {  	_ =	shalt  }
0x46: {  	_ =	shalt  }
0x47: {  	_ =	shalt  }
0x48: {  	_ =	shalt  }
0x49: {  	_ =	shalt  }
0x4a: {  	_ =	shalt  }
0x4b: {  	_ =	shalt  }
0x4c: {  	_ =	shalt  }
0x4d: {  	_ =	shalt  }
0x4e: {  	_ =	shalt  }
0x4f: {  	_ =	shalt  }
0x50: {  	_ =	shalt  }
0x51: {  	_ =	shalt  }
0x52: {  	_ =	shalt  }
0x53: {  	_ =	shalt  }
0x54: {  	_ =	shalt  }
0x55: {  	_ =	shalt  }
0x56: {  	_ =	shalt  }
0x57: {  	_ =	shalt  }
0x58: {  	_ =	shalt  }
0x59: {  	_ =	shalt  }
0x5a: {  	_ =	shalt  }
0x5b: {  	_ =	shalt  }
0x5c: {  	_ =	shalt  }
0x5d: {  	_ =	shalt  }
0x5e: {  	_ =	shalt  }
0x5f: {  	_ =	shalt  }
0x60: {  	_ =	shalt  }
0x61: {  	_ =	shalt  }
0x62: {  	_ =	shalt  }
0x63: {  	_ =	shalt  }
0x64: {  	_ =	shalt  }
0x65: {  	_ =	shalt  }
0x66: {  	_ =	shalt  }
0x67: {  	_ =	shalt  }
0x68: {  	_ =	shalt  }
0x69: {  	_ =	shalt  }
0x6a: {  	_ =	shalt  }
0x6b: {  	_ =	shalt  }
0x6c: {  	_ =	shalt  }
0x6d: {  	_ =	shalt  }
0x6e: {  	_ =	shalt  }
0x6f: {  	_ =	shalt  }
0x70: {  	_ =	shalt  }
0x71: {  	_ =	shalt  }
0x72: {  	_ =	shalt  }
0x73: {  	_ =	shalt  }
0x74: {  	_ =	shalt  }
0x75: {  	_ =	shalt  }
0x76: {  	_ =	shalt  }
0x77: {  	_ =	shalt  }
0x78: {  	_ =	shalt  }
0x79: {  	_ =	shalt  }
0x7a: {  	_ =	shalt  }
0x7b: {  	_ =	shalt  }
0x7c: {  	_ =	shalt  }
0x7d: {  	_ =	shalt  }
0x7e: {  	_ =	shalt  }
0x7f: {  	_ =	shalt  }
0x80: {  	_ =	shalt  }
0x81: {  	_ =	shalt  }
0x82: {  	_ =	shalt  }
0x83: {  	_ =	shalt  }
0x84: {  	_ =	shalt  }
0x85: {  	_ =	shalt  }
0x86: {  	_ =	shalt  }
0x87: {  	_ =	shalt  }
.Lfunc_end0:
.L_simem_size_0:
called_computation_lowered:
.L_overlay_start_0:
0x88: {  	s2 =	sld [smem:$0x3FD9]  }
0x89: {  	s3 =	sld [smem:$0x3FFE];
	_ =	sdelay $0x1  }
0x8a: {  	s1 =	srdreg.scid  }
0x8b: {  	s0 =	sand.u32 $0x1, s1  }
0x8c: {  	s17 =	sshll.u32 s0, $0xA;
	s2 =	sadd.s32 s3, s2  }
0x8d: {  	s2 =	sadd.s32 s2, s17  }
0x8e: {  	[smem:$0x3FC6] =	sst s2  }
0x8f: {  	_ = 	snop  }
0x90: {  	s2 =	sld [smem:$0x3FC8]  }
0x91: {  	s18 =	sld [smem:$0x3FD0];
	(tm) =	ssettm $0x1  }
0x92: {  	s4 =	sld [smem:$0x3FFB];
	_ =	sdelay $0x3  }
0x93: {  	_ =	strace s4  }
0x94: {  	s4 =	sld [smem:$0x3FFC];
	_ =	sdelay $0x3  }
0x95: {  	_ =	strace s4  }
0x96: {  	s4 =	sld [smem:$0x3FFD];
	_ =	sdelay $0x3  }
0x97: {  	_ =	strace s4  }
0x98: {  	_ =	strace $0x8FFFFFFF  }
0x99: {  	s19 =	sld [smem:$0x3FDB];
	_ =	sdelay $0x1  }
0x9a: {  	s5 =	simm.s32 $_scs_section_size  }
0x9b: {  	s6 =	simm.s32 $_size__tile_overlayer_lowered;
	s7 =	simm.s32 $_tile_overlayer_lowered  }
0x9c: {  	s22 =	simm.s32 $0x1BFF;
	s21 =	sshll.u32 s7, $0x1;
	s4 =	sadd.s32 s5, s19  }
0x9d: {  	s8 =	simm.s32 $0x0;
	s20 =	sshll.u32 s6, $0x1;
	s6 =	sadd.s32 s21, s4  }
0x9e: {  	[timem:s8], [sflag:s22] =	dma.local [hbm:s6], s20  }
0x9f: {  	_ =	swait.ge [sflag:s22], s20  }
0xa0: {  	s5 =	ssub.s32 $0x0, s20;
	[sflag:s22] =	ssyncset.done $0x0  }
0xa1: {  	[sflag:s22] =	ssyncadd.s32 s5;
	_ =	sdelay $0x1  }
0xa2: {  	s23 =	simm.s32 $0x1B8B  }
0xa3: {  	_ =	swait.ge [sflag:s23], $0x1  }
0xa4: {  	[sflag:s23] =	ssyncset.done $0x0  }
0xa5: {  	s25 =	simm.s32 $0x1B8E;
	s24 =	sld [smem:$0x3FFE];
	[sflag:s23] =	ssyncadd.s32 $0xFFFFFFFF  }
0xa6: {  	s26 =	simm.s32 $execute0_lowered;
	[smem:$0x3FD2] =	sst s25  }
0xa7: {  	s6 =	sshll.u32 s26, $0x1;
	_ =	strace $0x80000046;
	[dreg:$0x1] =	wrdreg $0xFFFFFFFF  }
0xa8: {  	s28 =	simm.s32 $_size_execute0_lowered;
	s4 =	sadd.s32 s4, s6;
	[dreg:$0x0] =	wrdreg $0x0  }
0xa9: {  	s6 =	sshll.u32 s28, $0x1;
	[dreg:$0x2] =	wrdreg s4  }
0xaa: {  	[dreg:$0x3] =	wrdreg s6  }
0xab: {  	[dreg:$0x4] =	wrdreg $0xC0  }
0xac: {  	_ =	task [dreg:s8], $0x5FFFF  }
0xad: {  	[dreg:$0x1] =	wrdreg $0xFFFFFFFF  }
0xae: {  	[dreg:$0x0] =	wrdreg $0x60  }
0xaf: {  	[dreg:$0x2] =	wrdreg s24  }
0xb0: {  	[dreg:$0x3] =	wrdreg s2  }
0xb1: {  	[dreg:$0x4] =	wrdreg s18  }
0xb2: {  	[dreg:$0x5] =	wrdreg $0x9  }
0xb3: {  	_ =	task.clear_ibuf [dreg:s8], $0x6FFFF;
	_ =	strace $0x90000046  }
0xb4: {  	s29 =	simm.s32 $0x9;
	_ =	strace $0x80000048  }
0xb5: {  	_ =	swait.ge [sflag:s29], $0x1  }
0xb6: {  	[sflag:s29] =	ssyncadd.s32 $0xFFFFFFFF  }
0xb7: {  	_ =	strace $0x90000048  }
0xb8: {  	_ =	sfence  }
0xb9: {  	s30 =	sld [smem:$0x0];
	_ =	sdelay $0x2  }
0xba: {  	s31 =	sshll.u32 s1, $0xD;
	s1 =	sshrl.u32 s1, $0x2  }
0xbb: {  	s3 =	sand.u32 $0x4000, s31;
	s1 =	sadd.s32 s1, s30  }
0xbc: {  	s0 =	sor.u32 s3, s0;
	s1 =	sshll.u32 s1, $0x11  }
0xbd: {  	s0 =	sor.u32 s1, s0  }
0xbe: {  	s0 =	sadd.s32 $0x8F2B, s0  }
0xbf: {  	[sflag:s0] =	ssyncadd.remote.s32 $0x1  }
0xc0: {  	_ =	sfence.sel $0xFFFF  }
0xc1: {  	[dreg:$0x0] =	wrdreg $0xFFFFFFFF;
	(pc) =	sbr.abs _section_cstart, $3  }
0xc2: {  	[dreg:$0x1] =	wrdreg $0xFFFFFFFF  }
0xc3: {  	_ =	task.clear_ibuf [dreg:s8], $0x2FFFF;
	_ =	strace $0x9FFFFFFF  }
0xc4: {  	(tm) =	ssettm $0x7FFFFFFF  }
0xc5: {  	_ =	shalt  }
tec
execute0_lowered:
.L_overlay_start_1:
0x0: {  	(tag) =	ssettag $0x1  }
0x1: {  	s0 =	rddreg [dreg:$0x0];
	s1 =	srdreg.scid  }
0x2: {  	s3 =	stileid.u32;
	s2 =	rddreg [dreg:$0x1]  }
0x3: {  	s11 =	simm.s32 $0x80;
	s12 =	simm.s32 $0x1C00;
	s13 =	simm.s32 $0x5C00  }
0x4: {  	s14 =	simm.s32 $0x9C00;
	s15 =	simm.s32 $0x1;
	s16 =	simm.s32 $0xDC00  }
0x5: {  	s17 =	simm.s32 $0x2;
	s18 =	simm.s32 $0x11C00;
	s19 =	simm.s32 $0x3  }
0x6: {  	s20 =	simm.s32 $0x4;
	s21 =	simm.s32 $0x5;
	s22 =	simm.s32 $0x6  }
0x7: {  	s23 =	simm.s32 $0x7;
	s24 =	simm.s32 $0x8;
	s25 =	simm.s32 $0x9  }
0x8: {  	s26 =	simm.s32 $0xA;
	s1 =	sand.u32 $0x1, s1;
	s4 =	sshll.u32 s3, $0x1  }
0x9: {  	s3 =	rddreg [dreg:$0x2];
	s6 =	sor.u32 s1, s4;
	s1 =	ssub.s32 $0x2, s1  }
0xa: {  	s4 =	simm.s32 $0x0;
	s5 =	smul.u32 $0x380, s6;
	s7 =	sshrl.u32 s1, $0x1  }
0xb: {  	s28 =	simm.s32 $0x0;
	[smem:$0x7FF] =	sst s4;
	s1 =	ssub.s32 s1, s7  }
0xc: {  	s0 =	sadd.s32 s5, s0;
	s5 =	smul.u32 $0x1900, s6;
	s31 =	smax.u32 s1, $0x1  }
0xd: {  	_ =	strace $0x80000047;
	s0 =	sadd.s32 $0x400, s0;
	[dreg:$0x5] =	wrdreg s31  }
0xe: {  	s8 =	smul.u32 $0xC8000, s6;
	[dreg:$0x4] =	wrdreg s0;
	s7 =	sor.u32 $0x80, s5  }
.LBB2_1:
0xf: {  	s0 =	rddreg [dreg:$0x4];
	s31 =	simm.s32 $0xB  }
0x10: {  	[tilespmem:s4], [sflag:$0xB] =	stream.linear.gather [hbm4b:s0+s4], $0x1900, $0x38;
	[tilespmem:$0x15C00] =	vst v63  }
0x11: {  	_ =	swait.ge [sflag:s31], $0x1900  }
0x12: {  	[sflag:s31] =	ssyncset.done $0x0  }
0x13: {  	[sflag:s31] =	ssyncadd.s32 $0xFFFFE700  }
0x14: {  	[tilespmem:s12], [sflag:$0x1] =	stream.indirect.gather [hbm4b:s2+s11], $0x80, s4, s11, $0xb8;
	[tilespmem:$0x15C00] =	vst v63  }
0x15: {  	s29 =	simm.s32 $0x0  }
0x16: {  	[tilespmem:s13], [sflag:$0x2] =	stream.indirect.gather [hbm4b:s2+s11], $0x80, s11, s11, $0xb8;
	[tilespmem:$0x15C00] =	vst v63  }
.LBB2_2:
0x17: {  	s1 =	smul.u32 $0x5, s29;
	_ =	sdelay $0x1  }
0x18: {  	s0 =	sadd.s32 $0xFFFFFFFD, s1  }
0x19: {  	p0 =	sgt.u32 s0, $0x2C  }
0x1a: {  	s0 =	simm.s32 @!p0 $0x8  }
0x1b: {  	s31 =	sadd.s32 $0x2, s1;
	_ =	swait.ge @!p0 [sflag:s0], $0x4000  }
0x1c: {  	s6 =	sshll.u32 s31, $0x7;
	[sflag:s0] =	ssyncset.done @!p0 $0x0  }
0x1d: {  	s10 =	sand.u32 $0x3FFFFF80, s6;
	[sflag:s0] =	ssyncadd.s32 @!p0 $0xFFFFC000  }
0x1e: {  	[tilespmem:s14], [sflag:$0x3] =	stream.indirect.gather [hbm4b:s2+s11], $0x80, s10, s11, $0xb8;
	[tilespmem:$0x15C00] =	vst v63  }
0x1f: {  	_ =	swait.ge [sflag:s15], $0x4000  }
0x20: {  	[sflag:s15] =	ssyncset.done $0x0  }
0x21: {  	s30 =	simm.s32 $0x1D00;
	[sflag:s15] =	ssyncadd.s32 $0xFFFFC000  }
0x22: {  	v0 =	vld [tilespmem:s30+$0xFFFFFF00]  }
0x23: {  	v1 =	vld [tilespmem:s30+$0xFFFFFF10]  }
0x24: {  	v2 =	vld [tilespmem:s30+$0xFFFFFF20]  }
0x25: {  	v3 =	vld [tilespmem:s30+$0xFFFFFF30]  }
0x26: {  	v4 =	vld [tilespmem:s30+$0xFFFFFF40]  }
0x27: {  	v5 =	vld [tilespmem:s30+$0xFFFFFF50];
	v0 =	vmul.f32 $1.131370830e+01, v0  }
0x28: {  	v6 =	vld [tilespmem:s30+$0xFFFFFF60];
	v1 =	vmul.f32 $1.131370830e+01, v1  }
0x29: {  	[tilespmem:s30+$0xFFFFFF00] =	vst v0;
	v0 =	vmul.f32 $1.131370830e+01, v2;
	v2 =	vld [tilespmem:s30+$0xFFFFFF70]  }
0x2a: {  	[tilespmem:s30+$0xFFFFFF10] =	vst v1;
	v1 =	vmul.f32 $1.131370830e+01, v3;
	v3 =	vld [tilespmem:s30+$0xFFFFFF80]  }
0x2b: {  	[tilespmem:s30+$0xFFFFFF20] =	vst v0;
	v0 =	vmul.f32 $1.131370830e+01, v4;
	v4 =	vld [tilespmem:s30+$0xFFFFFF90]  }
0x2c: {  	[tilespmem:s30+$0xFFFFFF30] =	vst v1;
	v1 =	vmul.f32 $1.131370830e+01, v5;
	v5 =	vld [tilespmem:s30+$0xFFFFFFA0]  }
0x2d: {  	[tilespmem:s30+$0xFFFFFF40] =	vst v0;
	v0 =	vmul.f32 $1.131370830e+01, v6;
	v6 =	vld [tilespmem:s30+$0xFFFFFFB0]  }
0x2e: {  	[tilespmem:s30+$0xFFFFFF50] =	vst v1;
	v1 =	vmul.f32 $1.131370830e+01, v2;
	v2 =	vld [tilespmem:s30+$0xFFFFFFC0]  }
0x2f: {  	[tilespmem:s30+$0xFFFFFF60] =	vst v0;
	v0 =	vmul.f32 $1.131370830e+01, v3;
	v3 =	vld [tilespmem:s30+$0xFFFFFFD0]  }
0x30: {  	[tilespmem:s30+$0xFFFFFF70] =	vst v1;
	v1 =	vmul.f32 $1.131370830e+01, v4;
	v4 =	vld [tilespmem:s30+$0xFFFFFFE0]  }
0x31: {  	[tilespmem:s30+$0xFFFFFF80] =	vst v0;
	v0 =	vmul.f32 $1.131370830e+01, v5;
	v5 =	vld [tilespmem:s30+$0x0]  }
0x32: {  	[tilespmem:s30+$0xFFFFFF90] =	vst v1;
	v1 =	vmul.f32 $1.131370830e+01, v6;
	v6 =	vld [tilespmem:s30+$0x10]  }
0x33: {  	[tilespmem:s30+$0xFFFFFFA0] =	vst v0;
	v0 =	vmul.f32 $1.131370830e+01, v2;
	v2 =	vld [tilespmem:s30+$0x20]  }
0x34: {  	[tilespmem:s30+$0xFFFFFFB0] =	vst v1;
	v1 =	vmul.f32 $1.131370830e+01, v3;
	v3 =	vld [tilespmem:s30+$0x30]  }
0x35: {  	[tilespmem:s30+$0xFFFFFFC0] =	vst v0;
	v0 =	vmul.f32 $1.131370830e+01, v4;
	v4 =	vld [tilespmem:s30+$0x40]  }
0x36: {  	[tilespmem:s30+$0xFFFFFFD0] =	vst v1;
	v1 =	vmul.f32 $1.131370830e+01, v5;
	v5 =	vld [tilespmem:s30+$0x50]  }
0x37: {  	[tilespmem:s30+$0xFFFFFFE0] =	vst v0;
	v0 =	vmul.f32 $1.131370830e+01, v6;
	v6 =	vld [tilespmem:s30+$0x60]  }
0x38: {  	[tilespmem:s30+$0x0] =	vst v1;
	v1 =	vmul.f32 $1.131370830e+01, v2;
	v2 =	vld [tilespmem:s30+$0x70]  }
0x39: {  	[tilespmem:s30+$0x10] =	vst v0;
	v0 =	vmul.f32 $1.131370830e+01, v3;
	v3 =	vld [tilespmem:s30+$0x80]  }
0x3a: {  	[tilespmem:s30+$0x20] =	vst v1;
	v1 =	vmul.f32 $1.131370830e+01, v4;
	v4 =	vld [tilespmem:s30+$0x90]  }
0x3b: {  	[tilespmem:s30+$0x30] =	vst v0;
	v0 =	vmul.f32 $1.131370830e+01, v5;
	v5 =	vld [tilespmem:s30+$0xA0]  }
0x3c: {  	[tilespmem:s30+$0x40] =	vst v1;
	v1 =	vmul.f32 $1.131370830e+01, v6;
	v6 =	vld [tilespmem:s30+$0xB0]  }
0x3d: {  	[tilespmem:s30+$0x50] =	vst v0;
	v2 =	vmul.f32 $1.131370830e+01, v2;
	v0 =	vld [tilespmem:s30+$0xC0]  }
0x3e: {  	[tilespmem:s30+$0x60] =	vst v1;
	v7 =	vmul.f32 $1.131370830e+01, v3;
	v1 =	vld [tilespmem:s30+$0xD0]  }
0x3f: {  	v3 =	vld [tilespmem:s30+$0xE0];
	[tilespmem:s30+$0x70] =	vst v2;
	v8 =	vmul.f32 $1.131370830e+01, v4  }
0x40: {  	v2 =	vld [tilespmem:s30+$0xF0];
	[tilespmem:s30+$0x80] =	vst v7;
	v5 =	vmul.f32 $1.131370830e+01, v5  }
0x41: {  	s6 =	simm.s32 $0x1F00;
	s0 =	simm.s32 $0x0;
	v4 =	vld [tilespmem:s30+$0xFFFFFFF0];
	[tilespmem:s30+$0x90] =	vst v8;
	v6 =	vmul.f32 $1.131370830e+01, v6  }
.LBB2_3:
0x42: {  	v7 =	vld [tilespmem:s6+$0xFFFFFF00];
	[tilespmem:s30+$0xA0] =	vst v5;
	v0 =	vmul.f32 $1.131370830e+01, v0  }
0x43: {  	v5 =	vld [tilespmem:s6+$0xFFFFFF10];
	[tilespmem:s30+$0xB0] =	vst v6;
	v1 =	vmul.f32 $1.131370830e+01, v1  }
0x44: {  	v6 =	vld [tilespmem:s6+$0xFFFFFF20];
	[tilespmem:s30+$0xC0] =	vst v0;
	v0 =	vmul.f32 $1.131370830e+01, v3  }
0x45: {  	v3 =	vld [tilespmem:s6+$0xFFFFFF30];
	[tilespmem:s30+$0xD0] =	vst v1;
	v1 =	vmul.f32 $1.131370830e+01, v2  }
0x46: {  	v2 =	vld [tilespmem:s6+$0xFFFFFF40];
	v4 =	vmul.f32 $1.131370830e+01, v4;
	[tilespmem:s30+$0xE0] =	vst v0  }
0x47: {  	v0 =	vmul.f32 $1.131370830e+01, v7;
	v7 =	vld [tilespmem:s6+$0xFFFFFF50];
	[tilespmem:s30+$0xF0] =	vst v1  }
0x48: {  	v1 =	vmul.f32 $1.131370830e+01, v5;
	v5 =	vld [tilespmem:s6+$0xFFFFFF60];
	[tilespmem:s30+$0xFFFFFFF0] =	vst v4;
	s30 =	smov.u32 s6  }
0x49: {  	[tilespmem:s6+$0xFFFFFF00] =	vst v0;
	v0 =	vmul.f32 $1.131370830e+01, v6;
	v4 =	vld [tilespmem:s6+$0xFFFFFF70]  }
0x4a: {  	[tilespmem:s6+$0xFFFFFF10] =	vst v1;
	v1 =	vmul.f32 $1.131370830e+01, v3;
	v3 =	vld [tilespmem:s6+$0xFFFFFF80]  }
0x4b: {  	[tilespmem:s6+$0xFFFFFF20] =	vst v0;
	v0 =	vmul.f32 $1.131370830e+01, v2;
	v2 =	vld [tilespmem:s6+$0xFFFFFF90]  }
0x4c: {  	[tilespmem:s6+$0xFFFFFF30] =	vst v1;
	v1 =	vmul.f32 $1.131370830e+01, v7;
	v6 =	vld [tilespmem:s6+$0xFFFFFFA0]  }
0x4d: {  	[tilespmem:s6+$0xFFFFFF40] =	vst v0;
	v0 =	vmul.f32 $1.131370830e+01, v5;
	v5 =	vld [tilespmem:s6+$0xFFFFFFB0]  }
0x4e: {  	[tilespmem:s6+$0xFFFFFF50] =	vst v1;
	v1 =	vmul.f32 $1.131370830e+01, v4;
	v4 =	vld [tilespmem:s6+$0xFFFFFFC0]  }
0x4f: {  	[tilespmem:s6+$0xFFFFFF60] =	vst v0;
	v0 =	vmul.f32 $1.131370830e+01, v3;
	v3 =	vld [tilespmem:s6+$0xFFFFFFD0]  }
0x50: {  	[tilespmem:s6+$0xFFFFFF70] =	vst v1;
	v1 =	vmul.f32 $1.131370830e+01, v2;
	v2 =	vld [tilespmem:s6+$0xFFFFFFE0]  }
0x51: {  	[tilespmem:s6+$0xFFFFFF80] =	vst v0;
	v0 =	vmul.f32 $1.131370830e+01, v6;
	v6 =	vld [tilespmem:s6+$0x0]  }
0x52: {  	[tilespmem:s6+$0xFFFFFF90] =	vst v1;
	v1 =	vmul.f32 $1.131370830e+01, v5;
	v5 =	vld [tilespmem:s6+$0x10]  }
0x53: {  	[tilespmem:s6+$0xFFFFFFA0] =	vst v0;
	v0 =	vmul.f32 $1.131370830e+01, v4;
	v4 =	vld [tilespmem:s6+$0x20]  }
0x54: {  	[tilespmem:s6+$0xFFFFFFB0] =	vst v1;
	v1 =	vmul.f32 $1.131370830e+01, v3;
	v3 =	vld [tilespmem:s6+$0x30]  }
0x55: {  	[tilespmem:s6+$0xFFFFFFC0] =	vst v0;
	v0 =	vmul.f32 $1.131370830e+01, v2;
	v2 =	vld [tilespmem:s6+$0x40]  }
0x56: {  	[tilespmem:s6+$0xFFFFFFD0] =	vst v1;
	v1 =	vmul.f32 $1.131370830e+01, v6;
	v6 =	vld [tilespmem:s6+$0x50]  }
0x57: {  	[tilespmem:s6+$0xFFFFFFE0] =	vst v0;
	v0 =	vmul.f32 $1.131370830e+01, v5;
	v5 =	vld [tilespmem:s6+$0x60]  }
0x58: {  	[tilespmem:s6+$0x0] =	vst v1;
	v1 =	vmul.f32 $1.131370830e+01, v4;
	v4 =	vld [tilespmem:s6+$0x70]  }
0x59: {  	[tilespmem:s6+$0x10] =	vst v0;
	v0 =	vmul.f32 $1.131370830e+01, v3;
	v3 =	vld [tilespmem:s6+$0x80]  }
0x5a: {  	[tilespmem:s6+$0x20] =	vst v1;
	v1 =	vmul.f32 $1.131370830e+01, v2;
	v2 =	vld [tilespmem:s6+$0x90]  }
0x5b: {  	s0 =	sadd.s32 $0x4, s0;
	[tilespmem:s6+$0x30] =	vst v0;
	v0 =	vmul.f32 $1.131370830e+01, v6;
	v6 =	vld [tilespmem:s6+$0xA0]  }
0x5c: {  	p0 =	slt.u32 s0, $0x7C;
	[tilespmem:s6+$0x40] =	vst v1;
	v1 =	vmul.f32 $1.131370830e+01, v5;
	v7 =	vld [tilespmem:s6+$0xB0]  }
.Ltmp0:
0x5d: {  	[tilespmem:s6+$0x50] =	vst v0;
	v4 =	vmul.f32 $1.131370830e+01, v4;
	v0 =	vld [tilespmem:s6+$0xC0];
	(pc) =	sbr.rel @p0 .LBB2_3-.Ltmp0, $4  }
0x5e: {  	[tilespmem:s6+$0x60] =	vst v1;
	v5 =	vmul.f32 $1.131370830e+01, v3;
	v1 =	vld [tilespmem:s6+$0xD0]  }
0x5f: {  	[tilespmem:s6+$0x70] =	vst v4;
	v8 =	vmul.f32 $1.131370830e+01, v2;
	v3 =	vld [tilespmem:s6+$0xE0]  }
0x60: {  	[tilespmem:s6+$0x80] =	vst v5;
	v5 =	vmul.f32 $1.131370830e+01, v6;
	v2 =	vld [tilespmem:s6+$0xF0]  }
0x61: {  	s6 =	sadd.s32 $0x200, s6;
	v4 =	vld [tilespmem:s30+$0xFFFFFFF0];
	[tilespmem:s30+$0x90] =	vst v8;
	v6 =	vmul.f32 $1.131370830e+01, v7  }
0x62: {  	[tilespmem:s30+$0xA0] =	vst v5;
	v0 =	vmul.f32 $1.131370830e+01, v0  }
0x63: {  	[tilespmem:s30+$0xB0] =	vst v6;
	v1 =	vmul.f32 $1.131370830e+01, v1  }
0x64: {  	s0 =	smul.u32 $0x280, s29;
	[tilespmem:s30+$0xC0] =	vst v0;
	v0 =	vmul.f32 $1.131370830e+01, v3  }
0x65: {  	[tilespmem:s30+$0xD0] =	vst v1;
	v1 =	vmul.f32 $1.131370830e+01, v2  }
0x66: {  	s6 =	sadd.s32 s5, s0;
	v2 =	vmul.f32 $1.131370830e+01, v4;
	[tilespmem:s30+$0xE0] =	vst v0  }
0x67: {  	s9 =	sadd.s32 $0xFFFFFFFE, s1;
	s6 =	sshll.u32 s6, $0x4;
	[tilespmem:s30+$0xF0] =	vst v1  }
0x68: {  	p0 =	sgt.u32 s9, $0x2C;
	s6 =	sadd.s32 s3, s6;
	[tilespmem:s30+$0xFFFFFFF0] =	vst v2  }
0x69: {  	[hbm4b:s6+s4] =	stream.linear.scatter [tilespmem:s12], [sflag:$0x6], $0x4000, $0x38;
	[tilespmem:$0x15C00] =	vst v63  }
0x6a: {  	s6 =	simm.s32 @!p0 $0x9  }
0x6b: {  	s30 =	sadd.s32 $0x3, s1;
	_ =	swait.ge @!p0 [sflag:s6], $0x4000  }
0x6c: {  	s9 =	sshll.u32 s30, $0x7;
	[sflag:s6] =	ssyncset.done @!p0 $0x0  }
0x6d: {  	s10 =	sand.u32 $0x3FFFFF80, s9;
	[sflag:s6] =	ssyncadd.s32 @!p0 $0xFFFFC000  }
0x6e: {  	[tilespmem:s16], [sflag:$0x4] =	stream.indirect.gather [hbm4b:s2+s11], $0x80, s10, s11, $0xb8;
	[tilespmem:$0x15C00] =	vst v63  }
0x6f: {  	_ =	swait.ge [sflag:s17], $0x4000  }
0x70: {  	[sflag:s17] =	ssyncset.done $0x0  }
0x71: {  	s6 =	simm.s32 $0x5C00;
	[sflag:s17] =	ssyncadd.s32 $0xFFFFC000  }
0x72: {  	v0 =	vld [tilespmem:s6+$0x1A0]  }
0x73: {  	v1 =	vld [tilespmem:s6+$0xA0]  }
0x74: {  	v2 =	vld [tilespmem:s6+$0x90]  }
0x75: {  	v3 =	vld [tilespmem:s6+$0x80]  }
0x76: {  	v4 =	vld [tilespmem:s6+$0xB0]  }
0x77: {  	v5 =	vld [tilespmem:s6+$0x70]  }
0x78: {  	v6 =	vld [tilespmem:s6+$0xC0]  }
0x79: {  	v12 =	vld [tilespmem:s6+$0x60]  }
0x7a: {  	v7 =	vld [tilespmem:s6+$0xD0]  }
0x7b: {  	v8 =	vld [tilespmem:s6+$0xE0]  }
0x7c: {  	v9 =	vld [tilespmem:s6+$0x1D0]  }
0x7d: {  	v10 =	vld [tilespmem:s6+$0x1E0]  }
0x7e: {  	v11 =	vld [tilespmem:s6+$0x0]  }
0x7f: {  	v13 =	vld [tilespmem:s6+$0xF0]  }
0x80: {  	v14 =	vld [tilespmem:s6+$0x100];
	v0 =	vmul.f32 $1.131370830e+01, v0  }
0x81: {  	v15 =	vld [tilespmem:s6+$0x110];
	v9 =	vmul.f32 $1.131370830e+01, v9  }
0x82: {  	v16 =	vld [tilespmem:s6+$0x120];
	v17 =	vmul.f32 $1.131370830e+01, v8;
	[tilespmem:s6+$0x1A0] =	vst v0  }
0x83: {  	v18 =	vld [tilespmem:s6+$0x30];
	v6 =	vmul.f32 $1.131370830e+01, v6;
	[tilespmem:s6+$0x1D0] =	vst v9  }
0x84: {  	v21 =	vld [tilespmem:s6+$0x1B0];
	v0 =	vmul.f32 $1.131370830e+01, v10;
	[tilespmem:s6+$0xE0] =	vst v17  }
0x85: {  	v10 =	vmul.f32 $1.131370830e+01, v11;
	v11 =	vld [tilespmem:s6+$0x130];
	[tilespmem:s6+$0xC0] =	vst v6  }
0x86: {  	v9 =	vmul.f32 $1.131370830e+01, v13;
	v13 =	vld [tilespmem:s6+$0x140];
	[tilespmem:s6+$0x1E0] =	vst v0  }
0x87: {  	[tilespmem:s6+$0x0] =	vst v10;
	v0 =	vmul.f32 $1.131370830e+01, v14;
	v10 =	vld [tilespmem:s6+$0x150]  }
0x88: {  	[tilespmem:s6+$0xF0] =	vst v9;
	v9 =	vmul.f32 $1.131370830e+01, v15;
	v14 =	vld [tilespmem:s6+$0x1F0]  }
0x89: {  	v19 =	vld [tilespmem:s6+$0x20];
	v8 =	vmul.f32 $1.131370830e+01, v1;
	[tilespmem:s6+$0x100] =	vst v0;
	v0 =	vmul.f32 $1.131370830e+01, v16  }
0x8a: {  	v20 =	vld [tilespmem:s6+$0x10];
	v1 =	vmul.f32 $1.131370830e+01, v18;
	[tilespmem:s6+$0x110] =	vst v9;
	v9 =	vmul.f32 $1.131370830e+01, v11  }
0x8b: {  	v6 =	vmul.f32 $1.131370830e+01, v21;
	v15 =	vld [tilespmem:s6+$0x50];
	[tilespmem:s6+$0x120] =	vst v0;
	v0 =	vmul.f32 $1.131370830e+01, v13  }
0x8c: {  	v16 =	vld [tilespmem:s6+$0x40];
	v13 =	vmul.f32 $1.131370830e+01, v7;
	[tilespmem:s6+$0x130] =	vst v9;
	v7 =	vmul.f32 $1.131370830e+01, v10  }
0x8d: {  	v11 =	vld [tilespmem:s6+$0x190];
	v9 =	vmul.f32 $1.131370830e+01, v2;
	[tilespmem:s6+$0x140] =	vst v0;
	v0 =	vmul.f32 $1.131370830e+01, v14  }
0x8e: {  	[tilespmem:s6+$0x150] =	vst v7;
	v7 =	vmul.f32 $1.131370830e+01, v5;
	v5 =	vmul.f32 $1.131370830e+01, v12;
	v12 =	vld [tilespmem:s6+$0x1C0]  }
0x8f: {  	v10 =	vmul.f32 $1.131370830e+01, v3;
	v14 =	vmul.f32 $1.131370830e+01, v4;
	[tilespmem:s6+$0xD0] =	vst v13;
	v13 =	vld [tilespmem:s6+$0x180]  }
0x90: {  	v3 =	vmul.f32 $1.131370830e+01, v15;
	v15 =	vld [tilespmem:s6+$0x170];
	v2 =	vmul.f32 $1.131370830e+01, v20;
	[tilespmem:s6+$0x1F0] =	vst v0  }
0x91: {  	s9 =	simm.s32 $0x0;
	s10 =	simm.s32 $0x5E00;
	v4 =	vmul.f32 $1.131370830e+01, v19;
	v0 =	vmul.f32 $1.131370830e+01, v16;
	[tilespmem:s6+$0xB0] =	vst v14;
	v14 =	vld [tilespmem:s6+$0x160]  }
.LBB2_5:
0x92: {  	v16 =	vld [tilespmem:s10+$0x1A0];
	s9 =	sadd.s32 $0x4, s9;
	[tilespmem:s6+$0xA0] =	vst v8;
	v8 =	vmul.f32 $1.131370830e+01, v11  }
0x93: {  	v11 =	vld [tilespmem:s10+$0xA0];
	p0 =	slt.u32 s9, $0x7C;
	[tilespmem:s6+$0x90] =	vst v9;
	v9 =	vmul.f32 $1.131370830e+01, v12  }
0x94: {  	v12 =	vld [tilespmem:s10+$0x90];
	[tilespmem:s6+$0x80] =	vst v10;
	v10 =	vmul.f32 $1.131370830e+01, v13  }
0x95: {  	v13 =	vld [tilespmem:s10+$0x80];
	v15 =	vmul.f32 $1.131370830e+01, v15;
	[tilespmem:s6+$0x1C0] =	vst v9  }
0x96: {  	v9 =	vld [tilespmem:s10+$0xB0];
	[tilespmem:s6+$0x70] =	vst v7;
	v7 =	vmul.f32 $1.131370830e+01, v14  }
0x97: {  	v14 =	vld [tilespmem:s10+$0x70];
	v16 =	vmul.f32 $1.131370830e+01, v16;
	[tilespmem:s6+$0x180] =	vst v10  }
0x98: {  	v10 =	vld [tilespmem:s10+$0xC0];
	[tilespmem:s6+$0x60] =	vst v5  }
0x99: {  	v5 =	vld [tilespmem:s10+$0x60];
	[tilespmem:s6+$0x170] =	vst v15  }
0x9a: {  	v15 =	vld [tilespmem:s10+$0xD0];
	[tilespmem:s6+$0x50] =	vst v3  }
0x9b: {  	v3 =	vld [tilespmem:s10+$0xE0];
	[tilespmem:s6+$0x160] =	vst v7  }
0x9c: {  	v7 =	vld [tilespmem:s10+$0x1D0];
	[tilespmem:s6+$0x40] =	vst v0  }
0x9d: {  	v0 =	vld [tilespmem:s10+$0x1E0];
	[tilespmem:s6+$0x30] =	vst v1  }
0x9e: {  	v1 =	vld [tilespmem:s10+$0x0];
	[tilespmem:s6+$0x20] =	vst v4  }
0x9f: {  	v4 =	vld [tilespmem:s10+$0xF0];
	[tilespmem:s6+$0x190] =	vst v8  }
0xa0: {  	v8 =	vld [tilespmem:s10+$0x100];
	[tilespmem:s6+$0x10] =	vst v2  }
0xa1: {  	v2 =	vld [tilespmem:s10+$0x110];
	v7 =	vmul.f32 $1.131370830e+01, v7;
	[tilespmem:s6+$0x1B0] =	vst v6;
	s6 =	smov.u32 s10  }
0xa2: {  	v6 =	vld [tilespmem:s10+$0x120];
	[tilespmem:s10+$0x1A0] =	vst v16;
	v0 =	vmul.f32 $1.131370830e+01, v0  }
0xa3: {  	v16 =	vmul.f32 $1.131370830e+01, v3;
	v1 =	vmul.f32 $1.131370830e+01, v1;
	v3 =	vld [tilespmem:s10+$0x130];
	[tilespmem:s10+$0x1D0] =	vst v7  }
0xa4: {  	v15 =	vmul.f32 $1.131370830e+01, v15;
	v4 =	vmul.f32 $1.131370830e+01, v4;
	v7 =	vld [tilespmem:s10+$0x140];
	[tilespmem:s10+$0x1E0] =	vst v0  }
0xa5: {  	v17 =	vmul.f32 $1.131370830e+01, v10;
	[tilespmem:s10+$0x0] =	vst v1;
	v0 =	vmul.f32 $1.131370830e+01, v8;
	v1 =	vld [tilespmem:s10+$0x150]  }
0xa6: {  	v18 =	vmul.f32 $1.131370830e+01, v9;
	[tilespmem:s10+$0xF0] =	vst v4;
	v2 =	vmul.f32 $1.131370830e+01, v2;
	v4 =	vld [tilespmem:s10+$0x1F0]  }
0xa7: {  	v8 =	vmul.f32 $1.131370830e+01, v11;
	v19 =	vld [tilespmem:s10+$0x50];
	[tilespmem:s10+$0x100] =	vst v0;
	v0 =	vmul.f32 $1.131370830e+01, v6  }
0xa8: {  	v9 =	vmul.f32 $1.131370830e+01, v12;
	v6 =	vld [tilespmem:s10+$0x40];
	[tilespmem:s10+$0x110] =	vst v2;
	v2 =	vmul.f32 $1.131370830e+01, v3  }
0xa9: {  	v10 =	vmul.f32 $1.131370830e+01, v13;
	v12 =	vld [tilespmem:s10+$0x30];
	[tilespmem:s10+$0x120] =	vst v0;
	v0 =	vmul.f32 $1.131370830e+01, v7  }
0xaa: {  	v7 =	vmul.f32 $1.131370830e+01, v14;
	v13 =	vld [tilespmem:s10+$0x20];
	[tilespmem:s10+$0x130] =	vst v2;
	v1 =	vmul.f32 $1.131370830e+01, v1  }
0xab: {  	v5 =	vmul.f32 $1.131370830e+01, v5;
	v2 =	vld [tilespmem:s10+$0x10];
	[tilespmem:s10+$0x140] =	vst v0;
	v4 =	vmul.f32 $1.131370830e+01, v4  }
0xac: {  	v3 =	vmul.f32 $1.131370830e+01, v19;
	[tilespmem:s10+$0x150] =	vst v1;
	v19 =	vld [tilespmem:s10+$0x1B0]  }
.Ltmp1:
0xad: {  	v0 =	vmul.f32 $1.131370830e+01, v6;
	v11 =	vld [tilespmem:s10+$0x190];
	[tilespmem:s10+$0x1F0] =	vst v4;
	(pc) =	sbr.rel @p0 .LBB2_5-.Ltmp1, $4  }
0xae: {  	v1 =	vmul.f32 $1.131370830e+01, v12;
	[tilespmem:s10+$0xE0] =	vst v16;
	v12 =	vld [tilespmem:s10+$0x1C0]  }
0xaf: {  	v4 =	vmul.f32 $1.131370830e+01, v13;
	[tilespmem:s10+$0xD0] =	vst v15;
	v13 =	vld [tilespmem:s10+$0x180]  }
0xb0: {  	v2 =	vmul.f32 $1.131370830e+01, v2;
	[tilespmem:s10+$0xC0] =	vst v17;
	v15 =	vld [tilespmem:s10+$0x170]  }
0xb1: {  	s10 =	sadd.s32 $0x200, s10;
	[tilespmem:s6+$0xB0] =	vst v18;
	v14 =	vld [tilespmem:s6+$0x160];
	v6 =	vmul.f32 $1.131370830e+01, v19  }
0xb2: {  	[tilespmem:s6+$0xA0] =	vst v8  }
0xb3: {  	[tilespmem:s6+$0x90] =	vst v9  }
0xb4: {  	[tilespmem:s6+$0x80] =	vst v10  }
0xb5: {  	[tilespmem:s6+$0x70] =	vst v7  }
0xb6: {  	[tilespmem:s6+$0x60] =	vst v5  }
0xb7: {  	[tilespmem:s6+$0x50] =	vst v3  }
0xb8: {  	[tilespmem:s6+$0x40] =	vst v0  }
0xb9: {  	[tilespmem:s6+$0x30] =	vst v1  }
0xba: {  	[tilespmem:s6+$0x20] =	vst v4  }
0xbb: {  	v0 =	vmul.f32 $1.131370830e+01, v11;
	[tilespmem:s6+$0x10] =	vst v2  }
0xbc: {  	v8 =	vmul.f32 $1.131370830e+01, v12;
	[tilespmem:s6+$0x1B0] =	vst v6  }
0xbd: {  	v9 =	vmul.f32 $1.131370830e+01, v13;
	[tilespmem:s6+$0x190] =	vst v0  }
0xbe: {  	[tilespmem:s6+$0x1C0] =	vst v8;
	v7 =	vmul.f32 $1.131370830e+01, v15  }
0xbf: {  	s0 =	sadd.s32 s0, s7;
	[tilespmem:s6+$0x180] =	vst v9;
	v5 =	vmul.f32 $1.131370830e+01, v14  }
0xc0: {  	s0 =	sshll.u32 s0, $0x4;
	[tilespmem:s6+$0x170] =	vst v7  }
0xc1: {  	s0 =	sadd.s32 s3, s0;
	[tilespmem:s6+$0x160] =	vst v5;
	s6 =	sadd.s32 $0xFFFFFFFF, s1  }
0xc2: {  	[hbm4b:s0+s4] =	stream.linear.scatter [tilespmem:s13], [sflag:$0x7], $0x4000, $0x38;
	[tilespmem:$0x15C00] =	vst v63  }
0xc3: {  	p0 =	sgt.u32 s6, $0x2C  }
0xc4: {  	s0 =	simm.s32 @!p0 $0xA  }
0xc5: {  	s1 =	sadd.s32 $0x4, s1;
	_ =	swait.ge @!p0 [sflag:s0], $0x4000  }
0xc6: {  	s9 =	sshll.u32 s1, $0x7;
	[sflag:s0] =	ssyncset.done @!p0 $0x0  }
0xc7: {  	s10 =	sand.u32 $0x3FFFFF80, s9;
	[sflag:s0] =	ssyncadd.s32 @!p0 $0xFFFFC000  }
0xc8: {  	[tilespmem:s18], [sflag:$0x5] =	stream.indirect.gather [hbm4b:s2+s11], $0x80, s10, s11, $0xb8;
	[tilespmem:$0x15C00] =	vst v63  }
0xc9: {  	_ =	swait.ge [sflag:s19], $0x4000  }
0xca: {  	[sflag:s19] =	ssyncset.done $0x0  }
0xcb: {  	s0 =	simm.s32 $0x9C00;
	[sflag:s19] =	ssyncadd.s32 $0xFFFFC000  }
0xcc: {  	v0 =	vld [tilespmem:s0+$0x1A0]  }
0xcd: {  	v1 =	vld [tilespmem:s0+$0xA0]  }
0xce: {  	v2 =	vld [tilespmem:s0+$0x90]  }
0xcf: {  	v3 =	vld [tilespmem:s0+$0x80]  }
0xd0: {  	v4 =	vld [tilespmem:s0+$0xB0]  }
0xd1: {  	v5 =	vld [tilespmem:s0+$0x70]  }
0xd2: {  	v6 =	vld [tilespmem:s0+$0xC0]  }
0xd3: {  	v12 =	vld [tilespmem:s0+$0x60]  }
0xd4: {  	v7 =	vld [tilespmem:s0+$0xD0]  }
0xd5: {  	v8 =	vld [tilespmem:s0+$0xE0]  }
0xd6: {  	v9 =	vld [tilespmem:s0+$0x1D0]  }
0xd7: {  	v10 =	vld [tilespmem:s0+$0x1E0]  }
0xd8: {  	v11 =	vld [tilespmem:s0+$0x0]  }
0xd9: {  	v13 =	vld [tilespmem:s0+$0xF0]  }
0xda: {  	v14 =	vld [tilespmem:s0+$0x100];
	v0 =	vmul.f32 $1.131370830e+01, v0  }
0xdb: {  	v15 =	vld [tilespmem:s0+$0x110];
	v9 =	vmul.f32 $1.131370830e+01, v9  }
0xdc: {  	v16 =	vld [tilespmem:s0+$0x120];
	v17 =	vmul.f32 $1.131370830e+01, v8;
	[tilespmem:s0+$0x1A0] =	vst v0  }
0xdd: {  	v18 =	vld [tilespmem:s0+$0x30];
	v20 =	vmul.f32 $1.131370830e+01, v6;
	[tilespmem:s0+$0x1D0] =	vst v9  }
0xde: {  	v21 =	vld [tilespmem:s0+$0x10];
	v0 =	vmul.f32 $1.131370830e+01, v10;
	[tilespmem:s0+$0xE0] =	vst v17  }
0xdf: {  	v10 =	vmul.f32 $1.131370830e+01, v11;
	v11 =	vld [tilespmem:s0+$0x130];
	[tilespmem:s0+$0xC0] =	vst v20  }
0xe0: {  	v9 =	vmul.f32 $1.131370830e+01, v13;
	v13 =	vld [tilespmem:s0+$0x140];
	[tilespmem:s0+$0x1E0] =	vst v0  }
0xe1: {  	[tilespmem:s0+$0x0] =	vst v10;
	v0 =	vmul.f32 $1.131370830e+01, v14;
	v10 =	vld [tilespmem:s0+$0x150]  }
0xe2: {  	[tilespmem:s0+$0xF0] =	vst v9;
	v9 =	vmul.f32 $1.131370830e+01, v15;
	v14 =	vld [tilespmem:s0+$0x1F0]  }
0xe3: {  	v8 =	vmul.f32 $1.131370830e+01, v1;
	v15 =	vld [tilespmem:s0+$0x50];
	[tilespmem:s0+$0x100] =	vst v0;
	v0 =	vmul.f32 $1.131370830e+01, v16  }
0xe4: {  	v19 =	vld [tilespmem:s0+$0x20];
	v6 =	vmul.f32 $1.131370830e+01, v12;
	[tilespmem:s0+$0x110] =	vst v9;
	v9 =	vmul.f32 $1.131370830e+01, v11  }
0xe5: {  	v22 =	vld [tilespmem:s0+$0x1B0];
	v1 =	vmul.f32 $1.131370830e+01, v21;
	[tilespmem:s0+$0x120] =	vst v0;
	v0 =	vmul.f32 $1.131370830e+01, v13  }
0xe6: {  	v16 =	vld [tilespmem:s0+$0x40];
	v13 =	vmul.f32 $1.131370830e+01, v7;
	[tilespmem:s0+$0x130] =	vst v9;
	v7 =	vmul.f32 $1.131370830e+01, v10  }
0xe7: {  	v11 =	vld [tilespmem:s0+$0x190];
	v9 =	vmul.f32 $1.131370830e+01, v2;
	v10 =	vmul.f32 $1.131370830e+01, v3;
	[tilespmem:s0+$0x140] =	vst v0  }
0xe8: {  	v12 =	vld [tilespmem:s0+$0x1C0];
	v3 =	vmul.f32 $1.131370830e+01, v15;
	v0 =	vmul.f32 $1.131370830e+01, v14;
	[tilespmem:s0+$0xD0] =	vst v13  }
0xe9: {  	v2 =	vmul.f32 $1.131370830e+01, v18;
	v14 =	vmul.f32 $1.131370830e+01, v4;
	v13 =	vld [tilespmem:s0+$0x180];
	[tilespmem:s0+$0x150] =	vst v7  }
0xea: {  	v15 =	vld [tilespmem:s0+$0x170];
	v4 =	vmul.f32 $1.131370830e+01, v19;
	v7 =	vmul.f32 $1.131370830e+01, v5;
	[tilespmem:s0+$0x1F0] =	vst v0  }
0xeb: {  	s6 =	simm.s32 $0x0;
	s9 =	simm.s32 $0x9E00;
	v5 =	vmul.f32 $1.131370830e+01, v22;
	v0 =	vmul.f32 $1.131370830e+01, v16;
	[tilespmem:s0+$0xB0] =	vst v14;
	v14 =	vld [tilespmem:s0+$0x160]  }
.LBB2_7:
0xec: {  	v16 =	vld [tilespmem:s9+$0x1A0];
	s6 =	sadd.s32 $0x4, s6;
	[tilespmem:s0+$0xA0] =	vst v8;
	v8 =	vmul.f32 $1.131370830e+01, v11  }
0xed: {  	v11 =	vld [tilespmem:s9+$0xA0];
	p0 =	slt.u32 s6, $0x7C;
	[tilespmem:s0+$0x90] =	vst v9;
	v9 =	vmul.f32 $1.131370830e+01, v12  }
0xee: {  	v12 =	vld [tilespmem:s9+$0x90];
	[tilespmem:s0+$0x80] =	vst v10;
	v10 =	vmul.f32 $1.131370830e+01, v13  }
0xef: {  	v13 =	vld [tilespmem:s9+$0x80];
	v15 =	vmul.f32 $1.131370830e+01, v15;
	[tilespmem:s0+$0x1C0] =	vst v9  }
0xf0: {  	v9 =	vld [tilespmem:s9+$0xB0];
	[tilespmem:s0+$0x70] =	vst v7;
	v7 =	vmul.f32 $1.131370830e+01, v14  }
0xf1: {  	v14 =	vld [tilespmem:s9+$0x70];
	v16 =	vmul.f32 $1.131370830e+01, v16;
	[tilespmem:s0+$0x180] =	vst v10  }
0xf2: {  	v10 =	vld [tilespmem:s9+$0xC0];
	[tilespmem:s0+$0x60] =	vst v6  }
0xf3: {  	v6 =	vld [tilespmem:s9+$0x60];
	[tilespmem:s0+$0x170] =	vst v15  }
0xf4: {  	v15 =	vld [tilespmem:s9+$0xD0];
	[tilespmem:s0+$0x50] =	vst v3  }
0xf5: {  	v3 =	vld [tilespmem:s9+$0xE0];
	[tilespmem:s0+$0x160] =	vst v7  }
0xf6: {  	v7 =	vld [tilespmem:s9+$0x1D0];
	[tilespmem:s0+$0x40] =	vst v0  }
0xf7: {  	v0 =	vld [tilespmem:s9+$0x1E0];
	[tilespmem:s0+$0x30] =	vst v2  }
0xf8: {  	v2 =	vld [tilespmem:s9+$0x0];
	[tilespmem:s0+$0x20] =	vst v4  }
0xf9: {  	v4 =	vld [tilespmem:s9+$0xF0];
	[tilespmem:s0+$0x190] =	vst v8  }
0xfa: {  	v8 =	vld [tilespmem:s9+$0x100];
	[tilespmem:s0+$0x10] =	vst v1  }
0xfb: {  	v1 =	vld [tilespmem:s9+$0x110];
	v7 =	vmul.f32 $1.131370830e+01, v7;
	[tilespmem:s0+$0x1B0] =	vst v5;
	s0 =	smov.u32 s9  }
0xfc: {  	v5 =	vld [tilespmem:s9+$0x120];
	[tilespmem:s9+$0x1A0] =	vst v16;
	v0 =	vmul.f32 $1.131370830e+01, v0  }
0xfd: {  	v16 =	vmul.f32 $1.131370830e+01, v3;
	v2 =	vmul.f32 $1.131370830e+01, v2;
	v3 =	vld [tilespmem:s9+$0x130];
	[tilespmem:s9+$0x1D0] =	vst v7  }
0xfe: {  	v15 =	vmul.f32 $1.131370830e+01, v15;
	v4 =	vmul.f32 $1.131370830e+01, v4;
	v7 =	vld [tilespmem:s9+$0x140];
	[tilespmem:s9+$0x1E0] =	vst v0  }
0xff: {  	v17 =	vmul.f32 $1.131370830e+01, v10;
	[tilespmem:s9+$0x0] =	vst v2;
	v0 =	vmul.f32 $1.131370830e+01, v8;
	v2 =	vld [tilespmem:s9+$0x150]  }
0x100: {  	v18 =	vmul.f32 $1.131370830e+01, v9;
	[tilespmem:s9+$0xF0] =	vst v4;
	v1 =	vmul.f32 $1.131370830e+01, v1;
	v4 =	vld [tilespmem:s9+$0x1F0]  }
0x101: {  	v8 =	vmul.f32 $1.131370830e+01, v11;
	v19 =	vld [tilespmem:s9+$0x50];
	[tilespmem:s9+$0x100] =	vst v0;
	v0 =	vmul.f32 $1.131370830e+01, v5  }
0x102: {  	v9 =	vmul.f32 $1.131370830e+01, v12;
	v5 =	vld [tilespmem:s9+$0x40];
	[tilespmem:s9+$0x110] =	vst v1;
	v1 =	vmul.f32 $1.131370830e+01, v3  }
0x103: {  	v10 =	vmul.f32 $1.131370830e+01, v13;
	v12 =	vld [tilespmem:s9+$0x30];
	[tilespmem:s9+$0x120] =	vst v0;
	v0 =	vmul.f32 $1.131370830e+01, v7  }
0x104: {  	v7 =	vmul.f32 $1.131370830e+01, v14;
	v13 =	vld [tilespmem:s9+$0x20];
	[tilespmem:s9+$0x130] =	vst v1;
	v1 =	vmul.f32 $1.131370830e+01, v2  }
0x105: {  	v6 =	vmul.f32 $1.131370830e+01, v6;
	v14 =	vld [tilespmem:s9+$0x10];
	[tilespmem:s9+$0x140] =	vst v0;
	v2 =	vmul.f32 $1.131370830e+01, v4  }
0x106: {  	v3 =	vmul.f32 $1.131370830e+01, v19;
	[tilespmem:s9+$0x150] =	vst v1;
	v19 =	vld [tilespmem:s9+$0x1B0]  }
.Ltmp2:
0x107: {  	v0 =	vmul.f32 $1.131370830e+01, v5;
	v11 =	vld [tilespmem:s9+$0x190];
	[tilespmem:s9+$0x1F0] =	vst v2;
	(pc) =	sbr.rel @p0 .LBB2_7-.Ltmp2, $4  }
0x108: {  	v2 =	vmul.f32 $1.131370830e+01, v12;
	[tilespmem:s9+$0xE0] =	vst v16;
	v12 =	vld [tilespmem:s9+$0x1C0]  }
0x109: {  	v4 =	vmul.f32 $1.131370830e+01, v13;
	[tilespmem:s9+$0xD0] =	vst v15;
	v13 =	vld [tilespmem:s9+$0x180]  }
0x10a: {  	v1 =	vmul.f32 $1.131370830e+01, v14;
	[tilespmem:s9+$0xC0] =	vst v17;
	v15 =	vld [tilespmem:s9+$0x170]  }
0x10b: {  	s9 =	sadd.s32 $0x200, s9;
	[tilespmem:s0+$0xB0] =	vst v18;
	v14 =	vld [tilespmem:s0+$0x160];
	v5 =	vmul.f32 $1.131370830e+01, v19  }
0x10c: {  	[tilespmem:s0+$0xA0] =	vst v8  }
0x10d: {  	[tilespmem:s0+$0x90] =	vst v9  }
0x10e: {  	[tilespmem:s0+$0x80] =	vst v10  }
0x10f: {  	[tilespmem:s0+$0x70] =	vst v7  }
0x110: {  	[tilespmem:s0+$0x60] =	vst v6  }
0x111: {  	[tilespmem:s0+$0x50] =	vst v3  }
0x112: {  	[tilespmem:s0+$0x40] =	vst v0  }
0x113: {  	[tilespmem:s0+$0x30] =	vst v2  }
0x114: {  	[tilespmem:s0+$0x20] =	vst v4  }
0x115: {  	v0 =	vmul.f32 $1.131370830e+01, v11;
	[tilespmem:s0+$0x10] =	vst v1  }
0x116: {  	v8 =	vmul.f32 $1.131370830e+01, v12;
	[tilespmem:s0+$0x1B0] =	vst v5  }
0x117: {  	v9 =	vmul.f32 $1.131370830e+01, v13;
	[tilespmem:s0+$0x190] =	vst v0  }
0x118: {  	s6 =	sshll.u32 s31, $0xE;
	[tilespmem:s0+$0x1C0] =	vst v8;
	v7 =	vmul.f32 $1.131370830e+01, v15  }
0x119: {  	s6 =	sadd.s32 s8, s6;
	[tilespmem:s0+$0x180] =	vst v9;
	v6 =	vmul.f32 $1.131370830e+01, v14  }
0x11a: {  	p0 =	seq.s32 s29, $0x9;
	s6 =	sshrl.u32 s6, $0x3;
	[tilespmem:s0+$0x170] =	vst v7  }
0x11b: {  	s10 =	sadd.s32 s3, s6;
	[tilespmem:s0+$0x160] =	vst v6;
	s0 =	simm.s32 @!p0 $0x6  }
0x11c: {  	[hbm4b:s10+s4] =	stream.linear.scatter [tilespmem:s14], [sflag:$0x8], $0x4000, $0x38;
	[tilespmem:$0x15C00] =	vst v63  }
0x11d: {  	s6 =	smul.u32 @!p0 $0xA00, s29;
	_ =	swait.ge @!p0 [sflag:s0], $0x4000  }
0x11e: {  	[sflag:s0] =	ssyncset.done @!p0 $0x0  }
0x11f: {  	[sflag:s0] =	ssyncadd.s32 @!p0 $0xFFFFC000;
	s0 =	sshra.s32 @!p0 s6, $0x2  }
0x120: {  	s9 =	simm.s32 @!p0 $0x80;
	s10 =	simm.s32 @!p0 $0x1C00;
	s6 =	sadd.s32 @!p0 $0x280, s0  }
0x121: {  	[tilespmem:s10], [sflag:$0x1] =	stream.indirect.gather @!p0 [hbm4b:s2+s9], $0x80, s6, s9, $0xb8;
	[tilespmem:$0x15C00] =	vst v63  }
0x122: {  	_ =	swait.ge [sflag:s20], $0x4000  }
0x123: {  	[sflag:s20] =	ssyncset.done $0x0  }
0x124: {  	s31 =	simm.s32 $0xDC00;
	[sflag:s20] =	ssyncadd.s32 $0xFFFFC000  }
0x125: {  	v0 =	vld [tilespmem:s31+$0x1A0]  }
0x126: {  	v1 =	vld [tilespmem:s31+$0xA0]  }
0x127: {  	v2 =	vld [tilespmem:s31+$0x90]  }
0x128: {  	v3 =	vld [tilespmem:s31+$0x80]  }
0x129: {  	v4 =	vld [tilespmem:s31+$0xB0]  }
0x12a: {  	v5 =	vld [tilespmem:s31+$0x70]  }
0x12b: {  	v6 =	vld [tilespmem:s31+$0xC0]  }
0x12c: {  	v12 =	vld [tilespmem:s31+$0x60]  }
0x12d: {  	v7 =	vld [tilespmem:s31+$0xD0]  }
0x12e: {  	v8 =	vld [tilespmem:s31+$0xE0]  }
0x12f: {  	v9 =	vld [tilespmem:s31+$0x1D0]  }
0x130: {  	v10 =	vld [tilespmem:s31+$0x1E0]  }
0x131: {  	v11 =	vld [tilespmem:s31+$0x0]  }
0x132: {  	v13 =	vld [tilespmem:s31+$0xF0]  }
0x133: {  	v14 =	vld [tilespmem:s31+$0x100];
	v0 =	vmul.f32 $1.131370830e+01, v0  }
0x134: {  	v15 =	vld [tilespmem:s31+$0x110];
	v9 =	vmul.f32 $1.131370830e+01, v9  }
0x135: {  	v16 =	vld [tilespmem:s31+$0x120];
	v17 =	vmul.f32 $1.131370830e+01, v8;
	[tilespmem:s31+$0x1A0] =	vst v0  }
0x136: {  	v18 =	vld [tilespmem:s31+$0x30];
	v20 =	vmul.f32 $1.131370830e+01, v6;
	[tilespmem:s31+$0x1D0] =	vst v9  }
0x137: {  	v21 =	vld [tilespmem:s31+$0x10];
	v0 =	vmul.f32 $1.131370830e+01, v10;
	[tilespmem:s31+$0xE0] =	vst v17  }
0x138: {  	v10 =	vmul.f32 $1.131370830e+01, v11;
	v11 =	vld [tilespmem:s31+$0x130];
	[tilespmem:s31+$0xC0] =	vst v20  }
0x139: {  	v9 =	vmul.f32 $1.131370830e+01, v13;
	v13 =	vld [tilespmem:s31+$0x140];
	[tilespmem:s31+$0x1E0] =	vst v0  }
0x13a: {  	[tilespmem:s31+$0x0] =	vst v10;
	v0 =	vmul.f32 $1.131370830e+01, v14;
	v10 =	vld [tilespmem:s31+$0x150]  }
0x13b: {  	[tilespmem:s31+$0xF0] =	vst v9;
	v9 =	vmul.f32 $1.131370830e+01, v15;
	v14 =	vld [tilespmem:s31+$0x1F0]  }
0x13c: {  	v8 =	vmul.f32 $1.131370830e+01, v1;
	v15 =	vld [tilespmem:s31+$0x50];
	[tilespmem:s31+$0x100] =	vst v0;
	v0 =	vmul.f32 $1.131370830e+01, v16  }
0x13d: {  	v19 =	vld [tilespmem:s31+$0x20];
	v6 =	vmul.f32 $1.131370830e+01, v12;
	[tilespmem:s31+$0x110] =	vst v9;
	v9 =	vmul.f32 $1.131370830e+01, v11  }
0x13e: {  	v22 =	vld [tilespmem:s31+$0x1B0];
	v1 =	vmul.f32 $1.131370830e+01, v21;
	[tilespmem:s31+$0x120] =	vst v0;
	v0 =	vmul.f32 $1.131370830e+01, v13  }
0x13f: {  	v16 =	vld [tilespmem:s31+$0x40];
	v13 =	vmul.f32 $1.131370830e+01, v7;
	[tilespmem:s31+$0x130] =	vst v9;
	v7 =	vmul.f32 $1.131370830e+01, v10  }
0x140: {  	v11 =	vld [tilespmem:s31+$0x190];
	v9 =	vmul.f32 $1.131370830e+01, v2;
	v10 =	vmul.f32 $1.131370830e+01, v3;
	[tilespmem:s31+$0x140] =	vst v0  }
0x141: {  	v12 =	vld [tilespmem:s31+$0x1C0];
	v3 =	vmul.f32 $1.131370830e+01, v15;
	v0 =	vmul.f32 $1.131370830e+01, v14;
	[tilespmem:s31+$0xD0] =	vst v13  }
0x142: {  	v2 =	vmul.f32 $1.131370830e+01, v18;
	v14 =	vmul.f32 $1.131370830e+01, v4;
	v13 =	vld [tilespmem:s31+$0x180];
	[tilespmem:s31+$0x150] =	vst v7  }
0x143: {  	v15 =	vld [tilespmem:s31+$0x170];
	v4 =	vmul.f32 $1.131370830e+01, v19;
	v7 =	vmul.f32 $1.131370830e+01, v5;
	[tilespmem:s31+$0x1F0] =	vst v0  }
0x144: {  	s6 =	simm.s32 $0x0;
	s9 =	simm.s32 $0xDE00;
	v5 =	vmul.f32 $1.131370830e+01, v22;
	v0 =	vmul.f32 $1.131370830e+01, v16;
	[tilespmem:s31+$0xB0] =	vst v14;
	v14 =	vld [tilespmem:s31+$0x160]  }
.LBB2_9:
0x145: {  	v16 =	vld [tilespmem:s9+$0x1A0];
	s6 =	sadd.s32 $0x4, s6;
	[tilespmem:s31+$0xA0] =	vst v8;
	v8 =	vmul.f32 $1.131370830e+01, v11  }
0x146: {  	v11 =	vld [tilespmem:s9+$0xA0];
	p1 =	slt.u32 s6, $0x7C;
	[tilespmem:s31+$0x90] =	vst v9;
	v9 =	vmul.f32 $1.131370830e+01, v12  }
0x147: {  	v12 =	vld [tilespmem:s9+$0x90];
	[tilespmem:s31+$0x80] =	vst v10;
	v10 =	vmul.f32 $1.131370830e+01, v13  }
0x148: {  	v13 =	vld [tilespmem:s9+$0x80];
	v15 =	vmul.f32 $1.131370830e+01, v15;
	[tilespmem:s31+$0x1C0] =	vst v9  }
0x149: {  	v9 =	vld [tilespmem:s9+$0xB0];
	[tilespmem:s31+$0x70] =	vst v7;
	v7 =	vmul.f32 $1.131370830e+01, v14  }
0x14a: {  	v14 =	vld [tilespmem:s9+$0x70];
	v16 =	vmul.f32 $1.131370830e+01, v16;
	[tilespmem:s31+$0x180] =	vst v10  }
0x14b: {  	v10 =	vld [tilespmem:s9+$0xC0];
	[tilespmem:s31+$0x60] =	vst v6  }
0x14c: {  	v6 =	vld [tilespmem:s9+$0x60];
	[tilespmem:s31+$0x170] =	vst v15  }
0x14d: {  	v15 =	vld [tilespmem:s9+$0xD0];
	[tilespmem:s31+$0x50] =	vst v3  }
0x14e: {  	v3 =	vld [tilespmem:s9+$0xE0];
	[tilespmem:s31+$0x160] =	vst v7  }
0x14f: {  	v7 =	vld [tilespmem:s9+$0x1D0];
	[tilespmem:s31+$0x40] =	vst v0  }
0x150: {  	v0 =	vld [tilespmem:s9+$0x1E0];
	[tilespmem:s31+$0x30] =	vst v2  }
0x151: {  	v2 =	vld [tilespmem:s9+$0x0];
	[tilespmem:s31+$0x20] =	vst v4  }
0x152: {  	v4 =	vld [tilespmem:s9+$0xF0];
	[tilespmem:s31+$0x190] =	vst v8  }
0x153: {  	v8 =	vld [tilespmem:s9+$0x100];
	[tilespmem:s31+$0x10] =	vst v1  }
0x154: {  	v1 =	vld [tilespmem:s9+$0x110];
	v7 =	vmul.f32 $1.131370830e+01, v7;
	[tilespmem:s31+$0x1B0] =	vst v5;
	s31 =	smov.u32 s9  }
0x155: {  	v5 =	vld [tilespmem:s9+$0x120];
	[tilespmem:s9+$0x1A0] =	vst v16;
	v0 =	vmul.f32 $1.131370830e+01, v0  }
0x156: {  	v16 =	vmul.f32 $1.131370830e+01, v3;
	v2 =	vmul.f32 $1.131370830e+01, v2;
	v3 =	vld [tilespmem:s9+$0x130];
	[tilespmem:s9+$0x1D0] =	vst v7  }
0x157: {  	v15 =	vmul.f32 $1.131370830e+01, v15;
	v4 =	vmul.f32 $1.131370830e+01, v4;
	v7 =	vld [tilespmem:s9+$0x140];
	[tilespmem:s9+$0x1E0] =	vst v0  }
0x158: {  	v17 =	vmul.f32 $1.131370830e+01, v10;
	[tilespmem:s9+$0x0] =	vst v2;
	v0 =	vmul.f32 $1.131370830e+01, v8;
	v2 =	vld [tilespmem:s9+$0x150]  }
0x159: {  	v18 =	vmul.f32 $1.131370830e+01, v9;
	[tilespmem:s9+$0xF0] =	vst v4;
	v1 =	vmul.f32 $1.131370830e+01, v1;
	v4 =	vld [tilespmem:s9+$0x1F0]  }
0x15a: {  	v8 =	vmul.f32 $1.131370830e+01, v11;
	v19 =	vld [tilespmem:s9+$0x50];
	[tilespmem:s9+$0x100] =	vst v0;
	v0 =	vmul.f32 $1.131370830e+01, v5  }
0x15b: {  	v9 =	vmul.f32 $1.131370830e+01, v12;
	v5 =	vld [tilespmem:s9+$0x40];
	[tilespmem:s9+$0x110] =	vst v1;
	v1 =	vmul.f32 $1.131370830e+01, v3  }
0x15c: {  	v10 =	vmul.f32 $1.131370830e+01, v13;
	v12 =	vld [tilespmem:s9+$0x30];
	[tilespmem:s9+$0x120] =	vst v0;
	v0 =	vmul.f32 $1.131370830e+01, v7  }
0x15d: {  	v7 =	vmul.f32 $1.131370830e+01, v14;
	v13 =	vld [tilespmem:s9+$0x20];
	[tilespmem:s9+$0x130] =	vst v1;
	v1 =	vmul.f32 $1.131370830e+01, v2  }
0x15e: {  	v6 =	vmul.f32 $1.131370830e+01, v6;
	v14 =	vld [tilespmem:s9+$0x10];
	[tilespmem:s9+$0x140] =	vst v0;
	v2 =	vmul.f32 $1.131370830e+01, v4  }
0x15f: {  	v3 =	vmul.f32 $1.131370830e+01, v19;
	[tilespmem:s9+$0x150] =	vst v1;
	v19 =	vld [tilespmem:s9+$0x1B0]  }
.Ltmp3:
0x160: {  	v0 =	vmul.f32 $1.131370830e+01, v5;
	v11 =	vld [tilespmem:s9+$0x190];
	[tilespmem:s9+$0x1F0] =	vst v2;
	(pc) =	sbr.rel @p1 .LBB2_9-.Ltmp3, $4  }
0x161: {  	v2 =	vmul.f32 $1.131370830e+01, v12;
	[tilespmem:s9+$0xE0] =	vst v16;
	v12 =	vld [tilespmem:s9+$0x1C0]  }
0x162: {  	v4 =	vmul.f32 $1.131370830e+01, v13;
	[tilespmem:s9+$0xD0] =	vst v15;
	v13 =	vld [tilespmem:s9+$0x180]  }
0x163: {  	v1 =	vmul.f32 $1.131370830e+01, v14;
	[tilespmem:s9+$0xC0] =	vst v17;
	v15 =	vld [tilespmem:s9+$0x170]  }
0x164: {  	s9 =	sadd.s32 $0x200, s9;
	[tilespmem:s31+$0xB0] =	vst v18;
	v14 =	vld [tilespmem:s31+$0x160];
	v5 =	vmul.f32 $1.131370830e+01, v19  }
0x165: {  	[tilespmem:s31+$0xA0] =	vst v8  }
0x166: {  	[tilespmem:s31+$0x90] =	vst v9  }
0x167: {  	[tilespmem:s31+$0x80] =	vst v10  }
0x168: {  	[tilespmem:s31+$0x70] =	vst v7  }
0x169: {  	[tilespmem:s31+$0x60] =	vst v6  }
0x16a: {  	[tilespmem:s31+$0x50] =	vst v3  }
0x16b: {  	[tilespmem:s31+$0x40] =	vst v0  }
0x16c: {  	[tilespmem:s31+$0x30] =	vst v2  }
0x16d: {  	[tilespmem:s31+$0x20] =	vst v4  }
0x16e: {  	v0 =	vmul.f32 $1.131370830e+01, v11;
	[tilespmem:s31+$0x10] =	vst v1  }
0x16f: {  	v8 =	vmul.f32 $1.131370830e+01, v12;
	[tilespmem:s31+$0x1B0] =	vst v5  }
0x170: {  	v9 =	vmul.f32 $1.131370830e+01, v13;
	[tilespmem:s31+$0x190] =	vst v0  }
0x171: {  	s6 =	sshll.u32 s30, $0xE;
	[tilespmem:s31+$0x1C0] =	vst v8;
	v7 =	vmul.f32 $1.131370830e+01, v15  }
0x172: {  	s6 =	sadd.s32 s8, s6;
	[tilespmem:s31+$0x180] =	vst v9;
	v6 =	vmul.f32 $1.131370830e+01, v14  }
0x173: {  	s6 =	sshrl.u32 s6, $0x3;
	[tilespmem:s31+$0x170] =	vst v7  }
0x174: {  	s6 =	sadd.s32 s3, s6;
	[tilespmem:s31+$0x160] =	vst v6  }
0x175: {  	[hbm4b:s6+s4] =	stream.linear.scatter [tilespmem:s16], [sflag:$0x9], $0x4000, $0x38;
	[tilespmem:$0x15C00] =	vst v63  }
0x176: {  	s6 =	simm.s32 @!p0 $0x7  }
0x177: {  	_ =	swait.ge @!p0 [sflag:s6], $0x4000  }
0x178: {  	s0 =	sadd.s32 @!p0 $0x300, s0;
	[sflag:s6] =	ssyncset.done @!p0 $0x0  }
0x179: {  	s9 =	simm.s32 @!p0 $0x5C00;
	[sflag:s6] =	ssyncadd.s32 @!p0 $0xFFFFC000;
	s6 =	simm.s32 @!p0 $0x80  }
0x17a: {  	[tilespmem:s9], [sflag:$0x2] =	stream.indirect.gather @!p0 [hbm4b:s2+s6], $0x80, s0, s6, $0xb8;
	[tilespmem:$0x15C00] =	vst v63  }
0x17b: {  	_ =	swait.ge [sflag:s21], $0x4000  }
0x17c: {  	[sflag:s21] =	ssyncset.done $0x0  }
0x17d: {  	s0 =	simm.s32 $0x11C00;
	[sflag:s21] =	ssyncadd.s32 $0xFFFFC000  }
0x17e: {  	v0 =	vld [tilespmem:s0+$0x1A0]  }
0x17f: {  	v1 =	vld [tilespmem:s0+$0xA0]  }
0x180: {  	v2 =	vld [tilespmem:s0+$0x90]  }
0x181: {  	v3 =	vld [tilespmem:s0+$0x80]  }
0x182: {  	v4 =	vld [tilespmem:s0+$0xB0]  }
0x183: {  	v5 =	vld [tilespmem:s0+$0x70]  }
0x184: {  	v6 =	vld [tilespmem:s0+$0xC0]  }
0x185: {  	v12 =	vld [tilespmem:s0+$0x60]  }
0x186: {  	v7 =	vld [tilespmem:s0+$0xD0]  }
0x187: {  	v8 =	vld [tilespmem:s0+$0xE0]  }
0x188: {  	v9 =	vld [tilespmem:s0+$0x1D0]  }
0x189: {  	v10 =	vld [tilespmem:s0+$0x1E0]  }
0x18a: {  	v11 =	vld [tilespmem:s0+$0x0]  }
0x18b: {  	v13 =	vld [tilespmem:s0+$0xF0]  }
0x18c: {  	v14 =	vld [tilespmem:s0+$0x100];
	v0 =	vmul.f32 $1.131370830e+01, v0  }
0x18d: {  	v15 =	vld [tilespmem:s0+$0x110];
	v9 =	vmul.f32 $1.131370830e+01, v9  }
0x18e: {  	v16 =	vld [tilespmem:s0+$0x120];
	v17 =	vmul.f32 $1.131370830e+01, v8;
	[tilespmem:s0+$0x1A0] =	vst v0  }
0x18f: {  	v18 =	vld [tilespmem:s0+$0x30];
	v20 =	vmul.f32 $1.131370830e+01, v6;
	[tilespmem:s0+$0x1D0] =	vst v9  }
0x190: {  	v21 =	vld [tilespmem:s0+$0x10];
	v0 =	vmul.f32 $1.131370830e+01, v10;
	[tilespmem:s0+$0xE0] =	vst v17  }
0x191: {  	v10 =	vmul.f32 $1.131370830e+01, v11;
	v11 =	vld [tilespmem:s0+$0x130];
	[tilespmem:s0+$0xC0] =	vst v20  }
0x192: {  	v9 =	vmul.f32 $1.131370830e+01, v13;
	v13 =	vld [tilespmem:s0+$0x140];
	[tilespmem:s0+$0x1E0] =	vst v0  }
0x193: {  	[tilespmem:s0+$0x0] =	vst v10;
	v0 =	vmul.f32 $1.131370830e+01, v14;
	v10 =	vld [tilespmem:s0+$0x150]  }
0x194: {  	[tilespmem:s0+$0xF0] =	vst v9;
	v9 =	vmul.f32 $1.131370830e+01, v15;
	v14 =	vld [tilespmem:s0+$0x1F0]  }
0x195: {  	v8 =	vmul.f32 $1.131370830e+01, v1;
	v15 =	vld [tilespmem:s0+$0x50];
	[tilespmem:s0+$0x100] =	vst v0;
	v0 =	vmul.f32 $1.131370830e+01, v16  }
0x196: {  	v19 =	vld [tilespmem:s0+$0x20];
	v6 =	vmul.f32 $1.131370830e+01, v12;
	[tilespmem:s0+$0x110] =	vst v9;
	v9 =	vmul.f32 $1.131370830e+01, v11  }
0x197: {  	v22 =	vld [tilespmem:s0+$0x1B0];
	v1 =	vmul.f32 $1.131370830e+01, v21;
	[tilespmem:s0+$0x120] =	vst v0;
	v0 =	vmul.f32 $1.131370830e+01, v13  }
0x198: {  	v16 =	vld [tilespmem:s0+$0x40];
	v13 =	vmul.f32 $1.131370830e+01, v7;
	[tilespmem:s0+$0x130] =	vst v9;
	v7 =	vmul.f32 $1.131370830e+01, v10  }
0x199: {  	v11 =	vld [tilespmem:s0+$0x190];
	v9 =	vmul.f32 $1.131370830e+01, v2;
	v10 =	vmul.f32 $1.131370830e+01, v3;
	[tilespmem:s0+$0x140] =	vst v0  }
0x19a: {  	v12 =	vld [tilespmem:s0+$0x1C0];
	v3 =	vmul.f32 $1.131370830e+01, v15;
	v0 =	vmul.f32 $1.131370830e+01, v14;
	[tilespmem:s0+$0xD0] =	vst v13  }
0x19b: {  	v2 =	vmul.f32 $1.131370830e+01, v18;
	v14 =	vmul.f32 $1.131370830e+01, v4;
	v13 =	vld [tilespmem:s0+$0x180];
	[tilespmem:s0+$0x150] =	vst v7  }
0x19c: {  	v15 =	vld [tilespmem:s0+$0x170];
	v4 =	vmul.f32 $1.131370830e+01, v19;
	v7 =	vmul.f32 $1.131370830e+01, v5;
	[tilespmem:s0+$0x1F0] =	vst v0  }
0x19d: {  	s6 =	simm.s32 $0x0;
	s9 =	simm.s32 $0x11E00;
	v5 =	vmul.f32 $1.131370830e+01, v22;
	v0 =	vmul.f32 $1.131370830e+01, v16;
	[tilespmem:s0+$0xB0] =	vst v14;
	v14 =	vld [tilespmem:s0+$0x160]  }
.LBB2_11:
0x19e: {  	v16 =	vld [tilespmem:s9+$0x1A0];
	s6 =	sadd.s32 $0x4, s6;
	[tilespmem:s0+$0xA0] =	vst v8;
	v8 =	vmul.f32 $1.131370830e+01, v11  }
0x19f: {  	v11 =	vld [tilespmem:s9+$0xA0];
	p0 =	slt.u32 s6, $0x7C;
	[tilespmem:s0+$0x90] =	vst v9;
	v9 =	vmul.f32 $1.131370830e+01, v12  }
0x1a0: {  	v12 =	vld [tilespmem:s9+$0x90];
	[tilespmem:s0+$0x80] =	vst v10;
	v10 =	vmul.f32 $1.131370830e+01, v13  }
0x1a1: {  	v13 =	vld [tilespmem:s9+$0x80];
	v15 =	vmul.f32 $1.131370830e+01, v15;
	[tilespmem:s0+$0x1C0] =	vst v9  }
0x1a2: {  	v9 =	vld [tilespmem:s9+$0xB0];
	[tilespmem:s0+$0x70] =	vst v7;
	v7 =	vmul.f32 $1.131370830e+01, v14  }
0x1a3: {  	v14 =	vld [tilespmem:s9+$0x70];
	v16 =	vmul.f32 $1.131370830e+01, v16;
	[tilespmem:s0+$0x180] =	vst v10  }
0x1a4: {  	v10 =	vld [tilespmem:s9+$0xC0];
	[tilespmem:s0+$0x60] =	vst v6  }
0x1a5: {  	v6 =	vld [tilespmem:s9+$0x60];
	[tilespmem:s0+$0x170] =	vst v15  }
0x1a6: {  	v15 =	vld [tilespmem:s9+$0xD0];
	[tilespmem:s0+$0x50] =	vst v3  }
0x1a7: {  	v3 =	vld [tilespmem:s9+$0xE0];
	[tilespmem:s0+$0x160] =	vst v7  }
0x1a8: {  	v7 =	vld [tilespmem:s9+$0x1D0];
	[tilespmem:s0+$0x40] =	vst v0  }
0x1a9: {  	v0 =	vld [tilespmem:s9+$0x1E0];
	[tilespmem:s0+$0x30] =	vst v2  }
0x1aa: {  	v2 =	vld [tilespmem:s9+$0x0];
	[tilespmem:s0+$0x20] =	vst v4  }
0x1ab: {  	v4 =	vld [tilespmem:s9+$0xF0];
	[tilespmem:s0+$0x190] =	vst v8  }
0x1ac: {  	v8 =	vld [tilespmem:s9+$0x100];
	[tilespmem:s0+$0x10] =	vst v1  }
0x1ad: {  	v1 =	vld [tilespmem:s9+$0x110];
	v7 =	vmul.f32 $1.131370830e+01, v7;
	[tilespmem:s0+$0x1B0] =	vst v5;
	s0 =	smov.u32 s9  }
0x1ae: {  	v5 =	vld [tilespmem:s9+$0x120];
	[tilespmem:s9+$0x1A0] =	vst v16;
	v0 =	vmul.f32 $1.131370830e+01, v0  }
0x1af: {  	v16 =	vmul.f32 $1.131370830e+01, v3;
	v2 =	vmul.f32 $1.131370830e+01, v2;
	v3 =	vld [tilespmem:s9+$0x130];
	[tilespmem:s9+$0x1D0] =	vst v7  }
0x1b0: {  	v15 =	vmul.f32 $1.131370830e+01, v15;
	v4 =	vmul.f32 $1.131370830e+01, v4;
	v7 =	vld [tilespmem:s9+$0x140];
	[tilespmem:s9+$0x1E0] =	vst v0  }
0x1b1: {  	v17 =	vmul.f32 $1.131370830e+01, v10;
	[tilespmem:s9+$0x0] =	vst v2;
	v0 =	vmul.f32 $1.131370830e+01, v8;
	v2 =	vld [tilespmem:s9+$0x150]  }
0x1b2: {  	v18 =	vmul.f32 $1.131370830e+01, v9;
	[tilespmem:s9+$0xF0] =	vst v4;
	v1 =	vmul.f32 $1.131370830e+01, v1;
	v4 =	vld [tilespmem:s9+$0x1F0]  }
0x1b3: {  	v8 =	vmul.f32 $1.131370830e+01, v11;
	v19 =	vld [tilespmem:s9+$0x50];
	[tilespmem:s9+$0x100] =	vst v0;
	v0 =	vmul.f32 $1.131370830e+01, v5  }
0x1b4: {  	v9 =	vmul.f32 $1.131370830e+01, v12;
	v5 =	vld [tilespmem:s9+$0x40];
	[tilespmem:s9+$0x110] =	vst v1;
	v1 =	vmul.f32 $1.131370830e+01, v3  }
0x1b5: {  	v10 =	vmul.f32 $1.131370830e+01, v13;
	v12 =	vld [tilespmem:s9+$0x30];
	[tilespmem:s9+$0x120] =	vst v0;
	v0 =	vmul.f32 $1.131370830e+01, v7  }
0x1b6: {  	v7 =	vmul.f32 $1.131370830e+01, v14;
	v13 =	vld [tilespmem:s9+$0x20];
	[tilespmem:s9+$0x130] =	vst v1;
	v1 =	vmul.f32 $1.131370830e+01, v2  }
0x1b7: {  	v6 =	vmul.f32 $1.131370830e+01, v6;
	v14 =	vld [tilespmem:s9+$0x10];
	[tilespmem:s9+$0x140] =	vst v0;
	v2 =	vmul.f32 $1.131370830e+01, v4  }
0x1b8: {  	v3 =	vmul.f32 $1.131370830e+01, v19;
	[tilespmem:s9+$0x150] =	vst v1;
	v19 =	vld [tilespmem:s9+$0x1B0]  }
.Ltmp4:
0x1b9: {  	v0 =	vmul.f32 $1.131370830e+01, v5;
	v11 =	vld [tilespmem:s9+$0x190];
	[tilespmem:s9+$0x1F0] =	vst v2;
	(pc) =	sbr.rel @p0 .LBB2_11-.Ltmp4, $4  }
0x1ba: {  	v2 =	vmul.f32 $1.131370830e+01, v12;
	[tilespmem:s9+$0xE0] =	vst v16;
	v12 =	vld [tilespmem:s9+$0x1C0]  }
0x1bb: {  	v4 =	vmul.f32 $1.131370830e+01, v13;
	[tilespmem:s9+$0xD0] =	vst v15;
	v13 =	vld [tilespmem:s9+$0x180]  }
0x1bc: {  	v1 =	vmul.f32 $1.131370830e+01, v14;
	[tilespmem:s9+$0xC0] =	vst v17;
	v15 =	vld [tilespmem:s9+$0x170]  }
0x1bd: {  	s9 =	sadd.s32 $0x200, s9;
	[tilespmem:s0+$0xB0] =	vst v18;
	v14 =	vld [tilespmem:s0+$0x160];
	v5 =	vmul.f32 $1.131370830e+01, v19  }
0x1be: {  	[tilespmem:s0+$0xA0] =	vst v8  }
0x1bf: {  	[tilespmem:s0+$0x90] =	vst v9  }
0x1c0: {  	[tilespmem:s0+$0x80] =	vst v10  }
0x1c1: {  	[tilespmem:s0+$0x70] =	vst v7  }
0x1c2: {  	[tilespmem:s0+$0x60] =	vst v6  }
0x1c3: {  	[tilespmem:s0+$0x50] =	vst v3  }
0x1c4: {  	[tilespmem:s0+$0x40] =	vst v0  }
0x1c5: {  	[tilespmem:s0+$0x30] =	vst v2  }
0x1c6: {  	[tilespmem:s0+$0x20] =	vst v4  }
0x1c7: {  	v63 =	vmul.f32 $1.131370830e+01, v11;
	[tilespmem:s0+$0x10] =	vst v1  }
0x1c8: {  	s29 =	sadd.s32 $0x1, s29;
	v59 =	vmul.f32 $1.131370830e+01, v12;
	[tilespmem:s0+$0x1B0] =	vst v5  }
0x1c9: {  	p0 =	sne.s32 s29, $0xA;
	v60 =	vmul.f32 $1.131370830e+01, v13;
	[tilespmem:s0+$0x190] =	vst v63  }
.Ltmp5:
0x1ca: {  	s1 =	sshll.u32 s1, $0xE;
	[tilespmem:s0+$0x1C0] =	vst v59;
	v61 =	vmul.f32 $1.131370830e+01, v15;
	(pc) =	sbr.rel @p0 .LBB2_2-.Ltmp5, $4  }
0x1cb: {  	s1 =	sadd.s32 s8, s1;
	[tilespmem:s0+$0x180] =	vst v60;
	v62 =	vmul.f32 $1.131370830e+01, v14  }
0x1cc: {  	s1 =	sshrl.u32 s1, $0x3;
	[tilespmem:s0+$0x170] =	vst v61  }
0x1cd: {  	s31 =	sadd.s32 s3, s1;
	[tilespmem:s0+$0x160] =	vst v62  }
0x1ce: {  	[hbm4b:s31+s4] =	stream.linear.scatter [tilespmem:s18], [sflag:$0xA], $0x4000, $0x38;
	[tilespmem:$0x15C00] =	vst v63  }
0x1cf: {  	_ =	swait.ge [sflag:s22], $0x4000  }
0x1d0: {  	[sflag:s22] =	ssyncset.done $0x0  }
0x1d1: {  	[sflag:s22] =	ssyncadd.s32 $0xFFFFC000  }
0x1d2: {  	_ =	swait.ge [sflag:s23], $0x4000  }
0x1d3: {  	[sflag:s23] =	ssyncset.done $0x0  }
0x1d4: {  	[sflag:s23] =	ssyncadd.s32 $0xFFFFC000  }
0x1d5: {  	_ =	swait.ge [sflag:s24], $0x4000  }
0x1d6: {  	[sflag:s24] =	ssyncset.done $0x0  }
0x1d7: {  	[sflag:s24] =	ssyncadd.s32 $0xFFFFC000  }
0x1d8: {  	_ =	swait.ge [sflag:s25], $0x4000  }
0x1d9: {  	[sflag:s25] =	ssyncset.done $0x0  }
0x1da: {  	[sflag:s25] =	ssyncadd.s32 $0xFFFFC000  }
0x1db: {  	_ =	swait.ge [sflag:s26], $0x4000  }
0x1dc: {  	s28 =	sadd.s32 $0x1, s28;
	s0 =	rddreg [dreg:$0x5]  }
0x1dd: {  	p0 =	sne.s32 s28, s0  }
.Ltmp6:
0x1de: {  	_ = 	snop;
	(pc) =	sbr.rel @p0 .LBB2_1-.Ltmp6, $3  }
0x1df: {  	_ =	sdelay $0x1  }
0x1e0: {  	[sflag:s26] =	ssyncset.done $0x0  }
0x1e1: {  	[sflag:s26] =	ssyncadd.s32 $0xFFFFC000  }
0x1e2: {  	_ =	sfence.sel $0x180000  }
0x1e3: {  	[bflag:$0x0] =	sbarrier.arrive $0xFFFF  }
0x1e4: {  	_ =	strace $0x90000047  }
0x1e5: {  	s0 =	stileid.u32;
	[bflag:$0x2] =	sbarrier.arrive $0xFFFF  }
0x1e6: {  	p0 =	sne.s32 s0, $0x0;
	s0 =	rddreg [dreg:$0x3]  }
0x1e7: {  	s0 =	sadd.s32 @!p0 $0x100000, s0  }
0x1e8: {  	[sflag:s0] =	ssyncadd.tile.s32 @!p0 $0x1;
	_ =	shalt  }
.Lfunc_end2:
_tile_overlayer_lowered:
.L_overlay_start_2:
0x1e9: {  	(tag) =	ssettag $0x2  }
0x1ea: {  	s0 =	rddreg [dreg:$0x0];
	s2 =	stileid.u32  }
0x1eb: {  	s1 =	rddreg [dreg:$0x1];
	p0 =	sne.s32 s2, $0x0  }
0x1ec: {  	s3 =	rddreg [dreg:$0x2];
	[bflag:$0x3] =	sbarrier.arrive $0xFFFF;
	s2 =	simm.s32 @!p0 $0x1C0B  }
0x1ed: {  	[timem:s3], [sflag:s2] =	dma.local @!p0 [hbm:s0], s1  }
0x1ee: {  	s0 =	simm.s32 @!p0 $0xB  }
0x1ef: {  	_ =	swait.ge @!p0 [sflag:s0], s1  }
0x1f0: {  	s1 =	ssub.s32 @!p0 $0x0, s1;
	[sflag:s0] =	ssyncset.done @!p0 $0x0  }
0x1f1: {  	[sflag:s0] =	ssyncadd.s32 @!p0 s1  }
0x1f2: {  	[bflag:$0x3] =	sbarrier.arrive $0xFFFF  }
0x1f3: {  	_ =	shalt  }

</sc_bundles>
